<compile_context>
chip_gen: v7x
topology: tpu7x:2x2x1
jax: 0.10.2.dev20260603
libtpu: 0.0.44.dev20260713+nightly
codegen_flags: <defaults>
</compile_context>

<pallas_src>
import numpy as np
import jax
import jax.numpy as jnp
from jax import lax
from jax.experimental import pallas as pl
from jax.experimental.pallas import tpu as pltpu
from jax.experimental.pallas import tpu_sc as plsc


_KEYWORDS_LIST = [["grp%d" % (i % 8), "cat%d" % (i // 8)] for i in range(32)]
_BATCH, _SEQ, _HIDDEN = 64, 128, 1024


class _Node:
    def __init__(self, keyword, idf, covered_document_idx, is_end=False):
        self.keyword = keyword
        self.idf = idf
        self.covered_document_idx = covered_document_idx
        self.children = None
        self.is_end = is_end


def _normalize_keywords(keywords):
    return tuple(sorted(set(keywords)))


def _find_most_common_keyword(documents):
    frequency = {}
    for doc in documents:
        if doc is not None:
            for kw in doc:
                if kw not in frequency:
                    frequency[kw] = 0
                frequency[kw] += 1
    items = sorted(list(frequency.items()), key=lambda x: x[1], reverse=True)
    if len(items) > 0:
        return items[0][0], float(np.log(len(documents) / (1 + items[0][1])))
    return None, 0


def _cover_documents(documents):
    covered, not_covered = [], []
    cov_idx = set()
    kw, idf = _find_most_common_keyword(documents)
    if kw is None:
        raise ValueError('No common keyword found')
    for idx, doc in enumerate(documents):
        if doc and kw in doc:
            cov_idx.add(idx)
            covered.append(tuple(k for k in doc if k != kw))
            not_covered.append(None)
        else:
            covered.append(None)
            not_covered.append(doc)
    return kw, idf, covered, cov_idx, not_covered


def _make_tree(root, documents):
    nodes, children, children_cov = [], [], []
    not_covered = documents
    all_cov = set(i for i, d in enumerate(documents) if d is not None and not d)
    while any(not_covered):
        kw, idf, cov_docs, cov_idx, not_covered = _cover_documents(not_covered)
        children.append(_Node(kw, idf, cov_idx))
        children_cov.append(cov_docs)
    nodes += children
    for child, cdocs in zip(children, children_cov):
        _, added = _make_tree(child, cdocs)
        nodes += added
    if all_cov:
        end = [_Node(None, 0, all_cov, is_end=True)]
        children = end + children
        nodes = end + nodes
    root.children = children if len(children) > 0 else None
    return root, nodes


_DOCS = [_normalize_keywords(k) for k in _KEYWORDS_LIST]
_root = _Node(None, 0, set(range(len(_DOCS))))
_ROOT, _nodes = _make_tree(_root, _DOCS)
_NODES = [_ROOT] + _nodes
_NN = len(_NODES)


def _index_of(lst, obj):
    for i, x in enumerate(lst):
        if x is obj:
            return i
    raise ValueError('node not found')


def _doc_path(d):
    node = _ROOT
    path = []
    while node.children is not None:
        nxt = [c for c in node.children if d in c.covered_document_idx][0]
        off = _index_of(_NODES, node.children[0])
        n = len(node.children)
        tgt = _index_of(_NODES, nxt) - off
        path.append((off, n, tgt))
        node = nxt
    return path


_PATHS = [_doc_path(d) for d in range(len(_DOCS))]
_MAX_STEPS = max(len(p) for p in _PATHS)
_NDOC = len(_DOCS)
assert _MAX_STEPS <= 4 and _NDOC <= 64

_NP = 128
assert _NN + 16 <= _NP
_NCH = (_NN - 1 + 15) // 16 + 1

_TABN = np.zeros((_NDOC, 128), dtype=np.int32)
for _d, _p in enumerate(_PATHS):
    for _s in range(_MAX_STEPS):
        if _s < len(_p):
            _o, _n, _t = _p[_s]
        else:
            _o, _n, _t = 0, 1, 0
        _TABN[_d, 3 * _s + 0] = _o
        _TABN[_d, 3 * _s + 1] = _n
        _TABN[_d, 3 * _s + 2] = _t
    _TABN[_d, 3 * _MAX_STEPS] = len(_p)



def _mm_body(h_ref, e_ref, g_ref):
    g = lax.dot_general(
        h_ref[...], e_ref[...], (((1,), (1,)), ((), ())),
        preferred_element_type=jnp.float32)
    g_ref[...] = jnp.concatenate(
        [g, jnp.zeros((_BATCH, _NP - _NN), jnp.float32)], axis=1)


def _logits_tc(hidden, emb):
    return pl.pallas_call(
        _mm_body,
        out_shape=jax.ShapeDtypeStruct((_BATCH, _NP), jnp.float32),
        in_specs=[
            pl.BlockSpec((_BATCH, _HIDDEN), lambda: (0, 0)),
            pl.BlockSpec((_NN, _HIDDEN), lambda: (0, 0)),
        ],
        out_specs=pl.BlockSpec((_BATCH, _NP), lambda: (0, 0)),
    )(hidden, emb)



_NT = 16
_EPT = _BATCH // _NT


def _splat(v, k):
    return v.at[jnp.full((16,), k, jnp.int32)].get(mode='promise_in_bounds')


def _bfly_sum(v, lane):
    for k in (8, 4, 2, 1):
        v = v + v.at[lane ^ k].get(mode='promise_in_bounds')
    return v


def _bfly_max(v, lane):
    for k in (8, 4, 2, 1):
        v = jnp.maximum(v, v.at[lane ^ k].get(mode='promise_in_bounds'))
    return v


def _vlog(x):
    e = jnp.zeros((16,), jnp.float32)
    scale = jnp.ones((16,), jnp.float32)
    for k in range(1, 14):
        gt = x >= (2.0 ** k)
        e = e + jnp.where(gt, 1.0, 0.0)
        scale = scale * jnp.where(gt, 0.5, 1.0)
    m = x * scale
    s = (m - 1.0) / (m + 1.0)
    s2 = s * s
    lnm = 2.0 * s * (1.0 + s2 * (1.0 / 3.0 + s2 * (0.2 + s2 * (1.0 / 7.0))))
    return e * 0.6931471805599453 + lnm


def _sc_body(g_hbm, did_hbm, tab_hbm, out_hbm,
             did_v, tab_v, g_v, lv, shared, red_v, ov, sem, gsem):
    wid = lax.axis_index("s")
    base = wid * _EPT
    lane = lax.broadcasted_iota(jnp.int32, (16,), 0)

    gcp = pltpu.async_copy(g_hbm.at[pl.ds(base * _NP, _EPT * _NP)], g_v, gsem)
    pltpu.sync_copy(did_hbm.at[wid], did_v)
    pltpu.async_copy(tab_hbm.at[did_v], tab_v, sem).wait()
    gcp.wait()

    acc_a = jnp.zeros((16,), jnp.float32)
    acc_p = jnp.ones((16,), jnp.float32)
    acc_w = jnp.zeros((16,), jnp.float32)
    for e in range(_EPT):
        row = tab_v[e, pl.ds(0, 16)]
        chunks = [g_v[pl.ds(e * _NP + 16 * c, 16)] for c in range(_NCH)]
        a = jnp.zeros((16,), jnp.float32)
        p = jnp.ones((16,), jnp.float32)
        for s in range(_MAX_STEPS):
            off = _splat(row, 3 * s + 0)
            n = _splat(row, 3 * s + 1)
            tgt = _splat(row, 3 * s + 2)
            idx = off + lane
            hi = idx >> 4
            lo = idx & 15
            vals = jnp.zeros((16,), jnp.float32)
            for c in range(_NCH):
                g_c = chunks[c].at[lo].get(mode='promise_in_bounds')
                vals = jnp.where(hi == c, g_c, vals)
            msk = lane < n
            mx = _bfly_max(jnp.where(msk, vals, -3e38), lane)
            sexp = _bfly_sum(jnp.where(msk, jnp.exp(vals - mx), 0.0), lane)
            pick = vals.at[tgt].get(mode='promise_in_bounds')
            a = a + (mx - pick)
            p = p * sexp
        w = 1.0 / _splat(row, 3 * _MAX_STEPS).astype(jnp.float32)
        sel = lane == e
        acc_a = jnp.where(sel, a, acc_a)
        acc_p = jnp.where(sel, p, acc_p)
        acc_w = jnp.where(sel, w, acc_w)

    for c in range(1, _NP // 16):
        lv[pl.ds(16 * c, 16)] = jnp.zeros((16,), jnp.float32)
    lv[pl.ds(0, 16)] = acc_w * (acc_a + _vlog(acc_p)) * (1.0 / _BATCH)

    pltpu.sync_copy(lv, shared.at[wid])
    plsc.subcore_barrier()

    @pl.when(wid == 0)
    def _():
        pltpu.sync_copy(shared, red_v)
        tot = jnp.zeros((16,), jnp.float32)
        for t in range(_NT):
            tot = tot + red_v[t, pl.ds(0, 16)]
        ov[...] = _bfly_sum(tot, lane)
        pltpu.sync_copy(ov, out_hbm)


def _walk_sc(g, did2d, tab):
    mesh = plsc.VectorSubcoreMesh(
        core_axis_name="c", subcore_axis_name="s", num_cores=1)
    f = pl.kernel(
        _sc_body,
        out_type=jax.ShapeDtypeStruct((16,), jnp.float32),
        mesh=mesh,
        scratch_types=[
            pltpu.VMEM((_EPT,), jnp.int32),
            pltpu.VMEM((_EPT, 128), jnp.int32),
            pltpu.VMEM((_EPT * _NP,), jnp.float32),
            pltpu.VMEM((_NP,), jnp.float32),
            pltpu.VMEM_SHARED((_NT, _NP), jnp.float32),
            pltpu.VMEM((_NT, _NP), jnp.float32),
            pltpu.VMEM((16,), jnp.float32),
            pltpu.SemaphoreType.DMA,
            pltpu.SemaphoreType.DMA,
        ],
    )
    return f(g, did2d, tab)


def kernel(outputs, emb, doc_ids):
    g = _logits_tc(outputs[:, 0, :], emb).reshape(_BATCH * _NP)
    did2d = doc_ids.astype(jnp.int32).reshape(_NT, _EPT)
    out = _walk_sc(g, did2d, jnp.asarray(_TABN))
    return out[0]

# --- scband reference (transcript-rebuilt; emitter-appended) ---
"""Pipeline reference for scband-keyword-tree-30837865185559 (READ-ONLY COPY).

The authoritative reference and input builder live on the scoring server;
editing this copy changes nothing except your own understanding.
"""

import jax, jax.numpy as jnp
import numpy as np

KEYWORDS_LIST = [["grp%d" % (i % 8), "cat%d" % (i // 8)] for i in range(32)]
BATCH, SEQ, HIDDEN = 64, 128, 1024

class Node:
    def __init__(self, keyword, idf, covered_document_idx, is_end=False):
        self.keyword = keyword
        self.idf = idf
        self.covered_document_idx = covered_document_idx
        self.children = None
        self.is_end = is_end

def normalize_keywords(keywords):
    return tuple(sorted(set(keywords)))

def find_most_common_keyword(documents):
    frequency = {}
    for doc in documents:
        if doc is not None:
            for kw in doc:
                if kw not in frequency:
                    frequency[kw] = 0
                frequency[kw] += 1
    items = sorted(list(frequency.items()), key=lambda x: x[1], reverse=True)
    if len(items) > 0:
        return items[0][0], float(np.log(len(documents) / (1 + items[0][1])))
    return None, 0

def cover_documents(documents):
    covered, not_covered = [], []
    cov_idx = set()
    kw, idf = find_most_common_keyword(documents)
    if kw is None:
        raise ValueError('No common keyword found')
    for idx, doc in enumerate(documents):
        if doc and kw in doc:
            cov_idx.add(idx)
            covered.append(tuple(k for k in doc if k != kw))
            not_covered.append(None)
        else:
            covered.append(None)
            not_covered.append(doc)
    return kw, idf, covered, cov_idx, not_covered

def make_tree(root, documents):
    nodes, children, children_cov = [], [], []
    not_covered = documents
    all_cov = set(i for i, d in enumerate(documents) if d is not None and not d)
    while any(not_covered):
        kw, idf, cov_docs, cov_idx, not_covered = cover_documents(not_covered)
        children.append(Node(kw, idf, cov_idx))
        children_cov.append(cov_docs)
    nodes += children
    for child, cdocs in zip(children, children_cov):
        _, added = make_tree(child, cdocs)
        nodes += added
    if all_cov:
        end = [Node(None, 0, all_cov, is_end=True)]
        children = end + children
        nodes = end + nodes
    root.children = children if len(children) > 0 else None
    return root, nodes

DOCUMENTS = [normalize_keywords(k) for k in KEYWORDS_LIST]
_root = Node(None, 0, set(range(len(DOCUMENTS))))
ROOT, _nodes = make_tree(_root, DOCUMENTS)
NODES = [ROOT] + _nodes

def _index_of(lst, obj):
    for i, x in enumerate(lst):
        if x is obj:
            return i
    raise ValueError('node not found')

def _doc_path(d):
    node = ROOT
    path = []
    while node.children is not None:
        nxt = [c for c in node.children if d in c.covered_document_idx][0]
        off = _index_of(NODES, node.children[0])
        n = len(node.children)
        tgt = _index_of(NODES, nxt) - off
        path.append((off, n, tgt))
        node = nxt
    return path

_PATHS = [_doc_path(d) for d in range(len(DOCUMENTS))]
_MAX_STEPS = max(len(p) for p in _PATHS)
_MAX_N = max(len(node.children) for node in NODES if node.children is not None)
_off_tab = np.zeros((len(DOCUMENTS), _MAX_STEPS), dtype=np.int32)
_n_tab = np.ones((len(DOCUMENTS), _MAX_STEPS), dtype=np.int32)
_tgt_tab = np.zeros((len(DOCUMENTS), _MAX_STEPS), dtype=np.int32)
_msk_tab = np.zeros((len(DOCUMENTS), _MAX_STEPS), dtype=np.int32)
_steps_tab = np.zeros((len(DOCUMENTS),), dtype=np.int32)
for _d, _p in enumerate(_PATHS):
    _steps_tab[_d] = len(_p)
    for _s, (_o, _nn, _t) in enumerate(_p):
        _off_tab[_d, _s] = _o
        _n_tab[_d, _s] = _nn
        _tgt_tab[_d, _s] = _t
        _msk_tab[_d, _s] = 1
PATH_OFF = jnp.asarray(_off_tab)
PATH_N = jnp.asarray(_n_tab)
PATH_TGT = jnp.asarray(_tgt_tab)
PATH_MSK = jnp.asarray(_msk_tab)
PATH_STEPS = jnp.asarray(_steps_tab)

def setup_inputs(seed: int = 0):
    key = jax.random.key(seed)
    k1, k2, k3 = jax.random.split(key, 3)
    outputs = jax.random.normal(k1, (BATCH, SEQ, HIDDEN), dtype=jnp.float32)
    doc_ids = jax.random.randint(k2, (BATCH,), 0, len(DOCUMENTS))
    emb = jax.random.normal(k3, (len(NODES), HIDDEN), dtype=jnp.float32)
    return {"outputs": outputs, "emb": emb, "doc_ids": doc_ids}

def reference(outputs, emb, doc_ids):
    hidden = outputs[:, 0, :]
    total = jnp.float32(0.0)
    col = jnp.arange(_MAX_N)
    for b in range(hidden.shape[0]):
        d = doc_ids[b]
        h = hidden[b]
        offs = PATH_OFF[d]
        ns = PATH_N[d]
        tgts = PATH_TGT[d]
        msks = PATH_MSK[d]
        loss = jnp.float32(0.0)
        for s in range(_MAX_STEPS):
            idx = jnp.clip(offs[s] + col, 0, emb.shape[0] - 1)
            children_embeddings = jnp.take(emb, idx, axis=0)
            logits = children_embeddings @ h
            masked = jnp.where(col < ns[s], logits, -jnp.inf)
            term = -jax.nn.log_softmax(masked)[tgts[s]]
            loss = loss + jnp.where(msks[s] > 0, term, jnp.float32(0.0))
        steps = PATH_STEPS[d]
        total = total + loss / steps
    return total / hidden.shape[0]

if __name__ == "__main__":
    import jax
    _d = setup_inputs()
    print(jax.jit(kernel)(*tuple(_d.values())))

</pallas_src>

<mosaic_0001>
#map = affine_map<(d0, d1) -> (0)>
#map1 = affine_map<(d0, d1) -> (0, 0)>
module attributes {stable_mosaic.version = 14 : i64} {
  func.func @_sc_body(%arg0: i32, %arg1: i32, %arg2: memref<8192xf32, #tpu.memory_space<hbm>>, %arg3: memref<16x4xi32, #tpu.memory_space<hbm>>, %arg4: memref<32x128xi32, #tpu.memory_space<hbm>>, %arg5: memref<16xf32, #tpu.memory_space<hbm>>, %arg6: memref<4xi32, #tpu.memory_space<vmem>>, %arg7: memref<4x128xi32, #tpu.memory_space<vmem>>, %arg8: memref<512xf32, #tpu.memory_space<vmem>>, %arg9: memref<128xf32, #tpu.memory_space<vmem>>, %arg10: memref<16x128xf32, #tpu.memory_space<vmem_shared>>, %arg11: memref<16x128xf32, #tpu.memory_space<vmem>>, %arg12: memref<16xf32, #tpu.memory_space<vmem>>, %arg13: memref<!tpu.dma_semaphore, #tpu.memory_space<semaphore_mem>>, %arg14: memref<!tpu.dma_semaphore, #tpu.memory_space<semaphore_mem>>) attributes {dimension_semantics = [#tpu.dimension_semantics<core_parallel>, #tpu.dimension_semantics<subcore_parallel>], iteration_bounds = array<i64: 1, 16>, scalar_prefetch = 0 : i64, scratch_operands = 9 : i64, tpu.core_type = #tpu.core_type<sc_vector_subcore>, window_params = [{transform_indices = #map}, {transform_indices = #map1}, {transform_indices = #map1}, {transform_indices = #map}]} {
    %mul3A = arith.constant 4 : i32
    %mul3A_0 = arith.muli %arg1, %mul3A : i32
    %iota3A = tpu.iota {dimensions = array<i32: 0>} : vector<16xi32>
    %mul3A_1 = arith.constant 128 : i32
    %mul3A_2 = arith.muli %mul3A_0, %mul3A_1 : i32
    %dma_start3A = tpu.memref_slice %arg2[%mul3A_2] : memref<8192xf32, #tpu.memory_space<hbm>> -> memref<512xf32, #tpu.memory_space<hbm>>
    %dma_start3A_3 = tpu.memref_slice %arg2[%mul3A_2] : memref<8192xf32, #tpu.memory_space<hbm>> -> memref<512xf32, #tpu.memory_space<hbm>>
    tpu.enqueue_dma source(%dma_start3A_3 : memref<512xf32, #tpu.memory_space<hbm>>) target(%arg8 : memref<512xf32, #tpu.memory_space<vmem>>) target_semaphore(%arg14 : memref<!tpu.dma_semaphore, #tpu.memory_space<semaphore_mem>>)
    "tpu.region"() ({
      %run_scoped3A = tpu.sem_alloc : memref<!tpu.dma_semaphore, #tpu.memory_space<semaphore_mem>>
      %dma_start3A_3636 = arith.constant 0 : i32
      %dma_start3A_3637 = tpu.memref_slice %arg3[%arg1, %dma_start3A_3636] : memref<16x4xi32, #tpu.memory_space<hbm>> -> memref<1x4xi32, #tpu.memory_space<hbm>>
      %dma_start3A_3638 = tpu.memref_squeeze %dma_start3A_3637 : memref<1x4xi32, #tpu.memory_space<hbm>> -> memref<4xi32, #tpu.memory_space<hbm>>
      %dma_start3A_3639 = arith.constant 0 : i32
      %dma_start3A_3640 = tpu.memref_slice %arg3[%arg1, %dma_start3A_3639] : memref<16x4xi32, #tpu.memory_space<hbm>> -> memref<1x4xi32, #tpu.memory_space<hbm>>
      %dma_start3A_3641 = tpu.memref_squeeze %dma_start3A_3640 : memref<1x4xi32, #tpu.memory_space<hbm>> -> memref<4xi32, #tpu.memory_space<hbm>>
      tpu.enqueue_dma source(%dma_start3A_3641 : memref<4xi32, #tpu.memory_space<hbm>>) target(%arg6 : memref<4xi32, #tpu.memory_space<vmem>>) target_semaphore(%run_scoped3A : memref<!tpu.dma_semaphore, #tpu.memory_space<semaphore_mem>>)
      %dma_wait3A_3642 = arith.constant 0 : i32
      %dma_wait3A_3643 = tpu.memref_slice %arg3[%arg1, %dma_wait3A_3642] : memref<16x4xi32, #tpu.memory_space<hbm>> -> memref<1x4xi32, #tpu.memory_space<hbm>>
      %dma_wait3A_3644 = tpu.memref_squeeze %dma_wait3A_3643 : memref<1x4xi32, #tpu.memory_space<hbm>> -> memref<4xi32, #tpu.memory_space<hbm>>
      %dma_wait3A_3645 = arith.constant 0 : i32
      %dma_wait3A_3646 = tpu.memref_slice %arg3[%arg1, %dma_wait3A_3645] : memref<16x4xi32, #tpu.memory_space<hbm>> -> memref<1x4xi32, #tpu.memory_space<hbm>>
      %dma_wait3A_3647 = tpu.memref_squeeze %dma_wait3A_3646 : memref<1x4xi32, #tpu.memory_space<hbm>> -> memref<4xi32, #tpu.memory_space<hbm>>
      tpu.wait_dma2 semaphore(%run_scoped3A : memref<!tpu.dma_semaphore, #tpu.memory_space<semaphore_mem>>) src(%dma_wait3A_3647 : memref<4xi32, #tpu.memory_space<hbm>>) dst(%arg6 : memref<4xi32, #tpu.memory_space<vmem>>)
      tpu.yield
    }) : () -> ()
    %dma_start3A_4 = arith.constant 0 : i32
    %dma_start3A_5 = arith.constant 0 : i32
    %dma_start3A_6 = tpu.memref_slice %arg4[%dma_start3A_4, %dma_start3A_5] : memref<32x128xi32, #tpu.memory_space<hbm>> -> memref<32x128xi32, #tpu.memory_space<hbm>>
    tpu.enqueue_indirect_dma source(%dma_start3A_6 : memref<32x128xi32, #tpu.memory_space<hbm>>) target(%arg7 : memref<4x128xi32, #tpu.memory_space<vmem>>) offsets(%arg6 : memref<4xi32, #tpu.memory_space<vmem>>) semaphore(%arg13 : memref<!tpu.dma_semaphore, #tpu.memory_space<semaphore_mem>>)
    %dma_wait3A = arith.constant 0 : i32
    %dma_wait3A_7 = arith.constant 0 : i32
    %dma_wait3A_8 = tpu.memref_slice %arg4[%dma_wait3A, %dma_wait3A_7] : memref<32x128xi32, #tpu.memory_space<hbm>> -> memref<32x128xi32, #tpu.memory_space<hbm>>
    tpu.wait_indirect_dma semaphore(%arg13 : memref<!tpu.dma_semaphore, #tpu.memory_space<semaphore_mem>>) src(%dma_wait3A_8 : memref<32x128xi32, #tpu.memory_space<hbm>>) dst(%arg7 : memref<4x128xi32, #tpu.memory_space<vmem>>)
    %dma_wait3A_9 = tpu.memref_slice %arg2[%mul3A_2] : memref<8192xf32, #tpu.memory_space<hbm>> -> memref<512xf32, #tpu.memory_space<hbm>>
    %dma_wait3A_10 = tpu.memref_slice %arg2[%mul3A_2] : memref<8192xf32, #tpu.memory_space<hbm>> -> memref<512xf32, #tpu.memory_space<hbm>>
    tpu.wait_dma2 semaphore(%arg14 : memref<!tpu.dma_semaphore, #tpu.memory_space<semaphore_mem>>) src(%dma_wait3A_10 : memref<512xf32, #tpu.memory_space<hbm>>) dst(%arg8 : memref<512xf32, #tpu.memory_space<vmem>>)
    %broadcast_in_dim3A = arith.constant 0.000000e+00 : f32
    %broadcast_in_dim3A_11 = vector.broadcast %broadcast_in_dim3A : f32 to vector<16xf32>
    %broadcast_in_dim3A_12 = arith.constant 1.000000e+00 : f32
    %broadcast_in_dim3A_13 = vector.broadcast %broadcast_in_dim3A_12 : f32 to vector<16xf32>
    %broadcast_in_dim3A_14 = arith.constant 0.000000e+00 : f32
    %broadcast_in_dim3A_15 = vector.broadcast %broadcast_in_dim3A_14 : f32 to vector<16xf32>
    %get3A = arith.constant 0 : i32
    %get3A_16 = arith.index_cast %get3A : i32 to index
    %get3A_17 = arith.constant 0 : index
    %get3A_18 = tpu.vector_load %arg7[%get3A_16, %get3A_17] {strides = array<i32>} : memref<4x128xi32, #tpu.memory_space<vmem>>, vector<1x16xi32>,
    %get3A_19 = vector.shape_cast %get3A_18 : vector<1x16xi32> to vector<16xi32>
    %get3A_20 = arith.constant 0 : index
    %get3A_21 = tpu.vector_load %arg8[%get3A_20] {strides = array<i32>} : memref<512xf32, #tpu.memory_space<vmem>>, vector<16xf32>,
    %get3A_22 = vector.shape_cast %get3A_21 : vector<16xf32> to vector<16xf32>
    %get3A_23 = arith.constant 16 : index
    %get3A_24 = tpu.vector_load %arg8[%get3A_23] {strides = array<i32>} : memref<512xf32, #tpu.memory_space<vmem>>, vector<16xf32>,
    %get3A_25 = vector.shape_cast %get3A_24 : vector<16xf32> to vector<16xf32>
    %get3A_26 = arith.constant 32 : index
    %get3A_27 = tpu.vector_load %arg8[%get3A_26] {strides = array<i32>} : memref<512xf32, #tpu.memory_space<vmem>>, vector<16xf32>,
    %get3A_28 = vector.shape_cast %get3A_27 : vector<16xf32> to vector<16xf32>
    %get3A_29 = arith.constant 48 : index
    %get3A_30 = tpu.vector_load %arg8[%get3A_29] {strides = array<i32>} : memref<512xf32, #tpu.memory_space<vmem>>, vector<16xf32>,
    %get3A_31 = vector.shape_cast %get3A_30 : vector<16xf32> to vector<16xf32>
    %get3A_32 = arith.constant 64 : index
    %get3A_33 = tpu.vector_load %arg8[%get3A_32] {strides = array<i32>} : memref<512xf32, #tpu.memory_space<vmem>>, vector<16xf32>,
    %get3A_34 = vector.shape_cast %get3A_33 : vector<16xf32> to vector<16xf32>
    %get3A_35 = arith.constant 80 : index
    %get3A_36 = tpu.vector_load %arg8[%get3A_35] {strides = array<i32>} : memref<512xf32, #tpu.memory_space<vmem>>, vector<16xf32>,
    %get3A_37 = vector.shape_cast %get3A_36 : vector<16xf32> to vector<16xf32>
    %broadcast_in_dim3A_38 = arith.constant 0.000000e+00 : f32
    %broadcast_in_dim3A_39 = vector.broadcast %broadcast_in_dim3A_38 : f32 to vector<16xf32>
    %broadcast_in_dim3A_40 = arith.constant 1.000000e+00 : f32
    %broadcast_in_dim3A_41 = vector.broadcast %broadcast_in_dim3A_40 : f32 to vector<16xf32>
    %broadcast_in_dim3A_42 = arith.constant 0 : i32
    %broadcast_in_dim3A_43 = vector.broadcast %broadcast_in_dim3A_42 : i32 to vector<16xi32>
    %lt3A = arith.constant 0 : i32
    %lt3A_44 = vector.broadcast %lt3A : i32 to vector<16xi32>
    %lt3A_45 = arith.cmpi slt, %broadcast_in_dim3A_43, %lt3A_44 : vector<16xi32>
    %add3A = arith.constant 16 : i32
    %add3A_46 = vector.broadcast %add3A : i32 to vector<16xi32>
    %add3A_47 = arith.addi %broadcast_in_dim3A_43, %add3A_46 : vector<16xi32>
    %select_n3A = arith.select %lt3A_45, %add3A_47, %broadcast_in_dim3A_43 : vector<16xi1>, vector<16xi32>
    %broadcast_in_dim3A_48 = vector.shape_cast %select_n3A : vector<16xi32> to vector<16x1xi32>
    %gather3A = vector.shape_cast %broadcast_in_dim3A_48 : vector<16x1xi32> to vector<16xi32>
    %gather3A_49 = tpu.dynamic_gather %get3A_19[%gather3A] in [0] : vector<16xi32>, vector<16xi32> -> vector<16xi32>
    %broadcast_in_dim3A_50 = arith.constant 1 : i32
    %broadcast_in_dim3A_51 = vector.broadcast %broadcast_in_dim3A_50 : i32 to vector<16xi32>
    %lt3A_52 = arith.constant 0 : i32
    %lt3A_53 = vector.broadcast %lt3A_52 : i32 to vector<16xi32>
    %lt3A_54 = arith.cmpi slt, %broadcast_in_dim3A_51, %lt3A_53 : vector<16xi32>
    %add3A_55 = arith.constant 16 : i32
    %add3A_56 = vector.broadcast %add3A_55 : i32 to vector<16xi32>
    %add3A_57 = arith.addi %broadcast_in_dim3A_51, %add3A_56 : vector<16xi32>
    %select_n3A_58 = arith.select %lt3A_54, %add3A_57, %broadcast_in_dim3A_51 : vector<16xi1>, vector<16xi32>
    %broadcast_in_dim3A_59 = vector.shape_cast %select_n3A_58 : vector<16xi32> to vector<16x1xi32>
    %gather3A_60 = vector.shape_cast %broadcast_in_dim3A_59 : vector<16x1xi32> to vector<16xi32>
    %gather3A_61 = tpu.dynamic_gather %get3A_19[%gather3A_60] in [0] : vector<16xi32>, vector<16xi32> -> vector<16xi32>
    %broadcast_in_dim3A_62 = arith.constant 2 : i32
    %broadcast_in_dim3A_63 = vector.broadcast %broadcast_in_dim3A_62 : i32 to vector<16xi32>
    %lt3A_64 = arith.constant 0 : i32
    %lt3A_65 = vector.broadcast %lt3A_64 : i32 to vector<16xi32>
    %lt3A_66 = arith.cmpi slt, %broadcast_in_dim3A_63, %lt3A_65 : vector<16xi32>
    %add3A_67 = arith.constant 16 : i32
    %add3A_68 = vector.broadcast %add3A_67 : i32 to vector<16xi32>
    %add3A_69 = arith.addi %broadcast_in_dim3A_63, %add3A_68 : vector<16xi32>
    %select_n3A_70 = arith.select %lt3A_66, %add3A_69, %broadcast_in_dim3A_63 : vector<16xi1>, vector<16xi32>
    %broadcast_in_dim3A_71 = vector.shape_cast %select_n3A_70 : vector<16xi32> to vector<16x1xi32>
    %gather3A_72 = vector.shape_cast %broadcast_in_dim3A_71 : vector<16x1xi32> to vector<16xi32>
    %gather3A_73 = tpu.dynamic_gather %get3A_19[%gather3A_72] in [0] : vector<16xi32>, vector<16xi32> -> vector<16xi32>
    %add3A_74 = arith.addi %gather3A_49, %iota3A : vector<16xi32>
    %shift_right_arithmetic3A = arith.constant 4 : i32
    %shift_right_arithmetic3A_75 = vector.broadcast %shift_right_arithmetic3A : i32 to vector<16xi32>
    %shift_right_arithmetic3A_76 = arith.shrsi %add3A_74, %shift_right_arithmetic3A_75 : vector<16xi32>
    %and3A = arith.constant 15 : i32
    %and3A_77 = vector.broadcast %and3A : i32 to vector<16xi32>
    %and3A_78 = arith.andi %add3A_74, %and3A_77 : vector<16xi32>
    %broadcast_in_dim3A_79 = arith.constant 0.000000e+00 : f32
    %broadcast_in_dim3A_80 = vector.broadcast %broadcast_in_dim3A_79 : f32 to vector<16xf32>
    %lt3A_81 = arith.constant 0 : i32
    %lt3A_82 = vector.broadcast %lt3A_81 : i32 to vector<16xi32>
    %lt3A_83 = arith.cmpi slt, %and3A_78, %lt3A_82 : vector<16xi32>
    %add3A_84 = arith.constant 16 : i32
    %add3A_85 = vector.broadcast %add3A_84 : i32 to vector<16xi32>
    %add3A_86 = arith.addi %and3A_78, %add3A_85 : vector<16xi32>
    %select_n3A_87 = arith.select %lt3A_83, %add3A_86, %and3A_78 : vector<16xi1>, vector<16xi32>
    %broadcast_in_dim3A_88 = vector.shape_cast %select_n3A_87 : vector<16xi32> to vector<16x1xi32>
    %gather3A_89 = vector.shape_cast %broadcast_in_dim3A_88 : vector<16x1xi32> to vector<16xi32>
    %gather3A_90 = tpu.dynamic_gather %get3A_22[%gather3A_89] in [0] : vector<16xf32>, vector<16xi32> -> vector<16xf32>
    %eq3A = arith.constant 0 : i32
    %eq3A_91 = vector.broadcast %eq3A : i32 to vector<16xi32>
    %eq3A_92 = arith.cmpi eq, %shift_right_arithmetic3A_76, %eq3A_91 : vector<16xi32>
    %select_n3A_93 = arith.select %eq3A_92, %gather3A_90, %broadcast_in_dim3A_80 : vector<16xi1>, vector<16xf32>
    %lt3A_94 = arith.constant 0 : i32
    %lt3A_95 = vector.broadcast %lt3A_94 : i32 to vector<16xi32>
    %lt3A_96 = arith.cmpi slt, %and3A_78, %lt3A_95 : vector<16xi32>
    %add3A_97 = arith.constant 16 : i32
    %add3A_98 = vector.broadcast %add3A_97 : i32 to vector<16xi32>
    %add3A_99 = arith.addi %and3A_78, %add3A_98 : vector<16xi32>
    %select_n3A_100 = arith.select %lt3A_96, %add3A_99, %and3A_78 : vector<16xi1>, vector<16xi32>
    %broadcast_in_dim3A_101 = vector.shape_cast %select_n3A_100 : vector<16xi32> to vector<16x1xi32>
    %gather3A_102 = vector.shape_cast %broadcast_in_dim3A_101 : vector<16x1xi32> to vector<16xi32>
    %gather3A_103 = tpu.dynamic_gather %get3A_25[%gather3A_102] in [0] : vector<16xf32>, vector<16xi32> -> vector<16xf32>
    %eq3A_104 = arith.constant 1 : i32
    %eq3A_105 = vector.broadcast %eq3A_104 : i32 to vector<16xi32>
    %eq3A_106 = arith.cmpi eq, %shift_right_arithmetic3A_76, %eq3A_105 : vector<16xi32>
    %select_n3A_107 = arith.select %eq3A_106, %gather3A_103, %select_n3A_93 : vector<16xi1>, vector<16xf32>
    %lt3A_108 = arith.constant 0 : i32
    %lt3A_109 = vector.broadcast %lt3A_108 : i32 to vector<16xi32>
    %lt3A_110 = arith.cmpi slt, %and3A_78, %lt3A_109 : vector<16xi32>
    %add3A_111 = arith.constant 16 : i32
    %add3A_112 = vector.broadcast %add3A_111 : i32 to vector<16xi32>
    %add3A_113 = arith.addi %and3A_78, %add3A_112 : vector<16xi32>
    %select_n3A_114 = arith.select %lt3A_110, %add3A_113, %and3A_78 : vector<16xi1>, vector<16xi32>
    %broadcast_in_dim3A_115 = vector.shape_cast %select_n3A_114 : vector<16xi32> to vector<16x1xi32>
    %gather3A_116 = vector.shape_cast %broadcast_in_dim3A_115 : vector<16x1xi32> to vector<16xi32>
    %gather3A_117 = tpu.dynamic_gather %get3A_28[%gather3A_116] in [0] : vector<16xf32>, vector<16xi32> -> vector<16xf32>
    %eq3A_118 = arith.constant 2 : i32
    %eq3A_119 = vector.broadcast %eq3A_118 : i32 to vector<16xi32>
    %eq3A_120 = arith.cmpi eq, %shift_right_arithmetic3A_76, %eq3A_119 : vector<16xi32>
    %select_n3A_121 = arith.select %eq3A_120, %gather3A_117, %select_n3A_107 : vector<16xi1>, vector<16xf32>
    %lt3A_122 = arith.constant 0 : i32
    %lt3A_123 = vector.broadcast %lt3A_122 : i32 to vector<16xi32>
    %lt3A_124 = arith.cmpi slt, %and3A_78, %lt3A_123 : vector<16xi32>
    %add3A_125 = arith.constant 16 : i32
    %add3A_126 = vector.broadcast %add3A_125 : i32 to vector<16xi32>
    %add3A_127 = arith.addi %and3A_78, %add3A_126 : vector<16xi32>
    %select_n3A_128 = arith.select %lt3A_124, %add3A_127, %and3A_78 : vector<16xi1>, vector<16xi32>
    %broadcast_in_dim3A_129 = vector.shape_cast %select_n3A_128 : vector<16xi32> to vector<16x1xi32>
    %gather3A_130 = vector.shape_cast %broadcast_in_dim3A_129 : vector<16x1xi32> to vector<16xi32>
    %gather3A_131 = tpu.dynamic_gather %get3A_31[%gather3A_130] in [0] : vector<16xf32>, vector<16xi32> -> vector<16xf32>
    %eq3A_132 = arith.constant 3 : i32
    %eq3A_133 = vector.broadcast %eq3A_132 : i32 to vector<16xi32>
    %eq3A_134 = arith.cmpi eq, %shift_right_arithmetic3A_76, %eq3A_133 : vector<16xi32>
    %select_n3A_135 = arith.select %eq3A_134, %gather3A_131, %select_n3A_121 : vector<16xi1>, vector<16xf32>
    %lt3A_136 = arith.constant 0 : i32
    %lt3A_137 = vector.broadcast %lt3A_136 : i32 to vector<16xi32>
    %lt3A_138 = arith.cmpi slt, %and3A_78, %lt3A_137 : vector<16xi32>
    %add3A_139 = arith.constant 16 : i32
    %add3A_140 = vector.broadcast %add3A_139 : i32 to vector<16xi32>
    %add3A_141 = arith.addi %and3A_78, %add3A_140 : vector<16xi32>
    %select_n3A_142 = arith.select %lt3A_138, %add3A_141, %and3A_78 : vector<16xi1>, vector<16xi32>
    %broadcast_in_dim3A_143 = vector.shape_cast %select_n3A_142 : vector<16xi32> to vector<16x1xi32>
    %gather3A_144 = vector.shape_cast %broadcast_in_dim3A_143 : vector<16x1xi32> to vector<16xi32>
    %gather3A_145 = tpu.dynamic_gather %get3A_34[%gather3A_144] in [0] : vector<16xf32>, vector<16xi32> -> vector<16xf32>
    %eq3A_146 = arith.constant 4 : i32
    %eq3A_147 = vector.broadcast %eq3A_146 : i32 to vector<16xi32>
    %eq3A_148 = arith.cmpi eq, %shift_right_arithmetic3A_76, %eq3A_147 : vector<16xi32>
    %select_n3A_149 = arith.select %eq3A_148, %gather3A_145, %select_n3A_135 : vector<16xi1>, vector<16xf32>
    %lt3A_150 = arith.constant 0 : i32
    %lt3A_151 = vector.broadcast %lt3A_150 : i32 to vector<16xi32>
    %lt3A_152 = arith.cmpi slt, %and3A_78, %lt3A_151 : vector<16xi32>
    %add3A_153 = arith.constant 16 : i32
    %add3A_154 = vector.broadcast %add3A_153 : i32 to vector<16xi32>
    %add3A_155 = arith.addi %and3A_78, %add3A_154 : vector<16xi32>
    %select_n3A_156 = arith.select %lt3A_152, %add3A_155, %and3A_78 : vector<16xi1>, vector<16xi32>
    %broadcast_in_dim3A_157 = vector.shape_cast %select_n3A_156 : vector<16xi32> to vector<16x1xi32>
    %gather3A_158 = vector.shape_cast %broadcast_in_dim3A_157 : vector<16x1xi32> to vector<16xi32>
    %gather3A_159 = tpu.dynamic_gather %get3A_37[%gather3A_158] in [0] : vector<16xf32>, vector<16xi32> -> vector<16xf32>
    %eq3A_160 = arith.constant 5 : i32
    %eq3A_161 = vector.broadcast %eq3A_160 : i32 to vector<16xi32>
    %eq3A_162 = arith.cmpi eq, %shift_right_arithmetic3A_76, %eq3A_161 : vector<16xi32>
    %select_n3A_163 = arith.select %eq3A_162, %gather3A_159, %select_n3A_149 : vector<16xi1>, vector<16xf32>
    %lt3A_164 = arith.cmpi slt, %iota3A, %gather3A_61 : vector<16xi32>
    %jit3A = arith.constant -3.000000e+38 : f32
    %broadcast_in_dim3A_165 = vector.broadcast %jit3A : f32 to vector<16xf32>
    %select_n3A_166 = arith.select %lt3A_164, %select_n3A_163, %broadcast_in_dim3A_165 : vector<16xi1>, vector<16xf32>
    %xor3A = arith.constant 8 : i32
    %xor3A_167 = vector.broadcast %xor3A : i32 to vector<16xi32>
    %xor3A_168 = arith.xori %iota3A, %xor3A_167 : vector<16xi32>
    %lt3A_169 = arith.constant 0 : i32
    %lt3A_170 = vector.broadcast %lt3A_169 : i32 to vector<16xi32>
    %lt3A_171 = arith.cmpi slt, %xor3A_168, %lt3A_170 : vector<16xi32>
    %add3A_172 = arith.constant 16 : i32
    %add3A_173 = vector.broadcast %add3A_172 : i32 to vector<16xi32>
    %add3A_174 = arith.addi %xor3A_168, %add3A_173 : vector<16xi32>
    %select_n3A_175 = arith.select %lt3A_171, %add3A_174, %xor3A_168 : vector<16xi1>, vector<16xi32>
    %broadcast_in_dim3A_176 = vector.shape_cast %select_n3A_175 : vector<16xi32> to vector<16x1xi32>
    %gather3A_177 = vector.shape_cast %broadcast_in_dim3A_176 : vector<16x1xi32> to vector<16xi32>
    %gather3A_178 = tpu.dynamic_gather %select_n3A_166[%gather3A_177] in [0] : vector<16xf32>, vector<16xi32> -> vector<16xf32>
    %max3A = arith.maximumf %select_n3A_166, %gather3A_178 : vector<16xf32>
    %xor3A_179 = arith.constant 4 : i32
    %xor3A_180 = vector.broadcast %xor3A_179 : i32 to vector<16xi32>
    %xor3A_181 = arith.xori %iota3A, %xor3A_180 : vector<16xi32>
    %lt3A_182 = arith.constant 0 : i32
    %lt3A_183 = vector.broadcast %lt3A_182 : i32 to vector<16xi32>
    %lt3A_184 = arith.cmpi slt, %xor3A_181, %lt3A_183 : vector<16xi32>
    %add3A_185 = arith.constant 16 : i32
    %add3A_186 = vector.broadcast %add3A_185 : i32 to vector<16xi32>
    %add3A_187 = arith.addi %xor3A_181, %add3A_186 : vector<16xi32>
    %select_n3A_188 = arith.select %lt3A_184, %add3A_187, %xor3A_181 : vector<16xi1>, vector<16xi32>
    %broadcast_in_dim3A_189 = vector.shape_cast %select_n3A_188 : vector<16xi32> to vector<16x1xi32>
    %gather3A_190 = vector.shape_cast %broadcast_in_dim3A_189 : vector<16x1xi32> to vector<16xi32>
    %gather3A_191 = tpu.dynamic_gather %max3A[%gather3A_190] in [0] : vector<16xf32>, vector<16xi32> -> vector<16xf32>
    %max3A_192 = arith.maximumf %max3A, %gather3A_191 : vector<16xf32>
    %xor3A_193 = arith.constant 2 : i32
    %xor3A_194 = vector.broadcast %xor3A_193 : i32 to vector<16xi32>
    %xor3A_195 = arith.xori %iota3A, %xor3A_194 : vector<16xi32>
    %lt3A_196 = arith.constant 0 : i32
    %lt3A_197 = vector.broadcast %lt3A_196 : i32 to vector<16xi32>
    %lt3A_198 = arith.cmpi slt, %xor3A_195, %lt3A_197 : vector<16xi32>
    %add3A_199 = arith.constant 16 : i32
    %add3A_200 = vector.broadcast %add3A_199 : i32 to vector<16xi32>
    %add3A_201 = arith.addi %xor3A_195, %add3A_200 : vector<16xi32>
    %select_n3A_202 = arith.select %lt3A_198, %add3A_201, %xor3A_195 : vector<16xi1>, vector<16xi32>
    %broadcast_in_dim3A_203 = vector.shape_cast %select_n3A_202 : vector<16xi32> to vector<16x1xi32>
    %gather3A_204 = vector.shape_cast %broadcast_in_dim3A_203 : vector<16x1xi32> to vector<16xi32>
    %gather3A_205 = tpu.dynamic_gather %max3A_192[%gather3A_204] in [0] : vector<16xf32>, vector<16xi32> -> vector<16xf32>
    %max3A_206 = arith.maximumf %max3A_192, %gather3A_205 : vector<16xf32>
    %xor3A_207 = arith.constant 1 : i32
    %xor3A_208 = vector.broadcast %xor3A_207 : i32 to vector<16xi32>
    %xor3A_209 = arith.xori %iota3A, %xor3A_208 : vector<16xi32>
    %lt3A_210 = arith.constant 0 : i32
    %lt3A_211 = vector.broadcast %lt3A_210 : i32 to vector<16xi32>
    %lt3A_212 = arith.cmpi slt, %xor3A_209, %lt3A_211 : vector<16xi32>
    %add3A_213 = arith.constant 16 : i32
    %add3A_214 = vector.broadcast %add3A_213 : i32 to vector<16xi32>
    %add3A_215 = arith.addi %xor3A_209, %add3A_214 : vector<16xi32>
    %select_n3A_216 = arith.select %lt3A_212, %add3A_215, %xor3A_209 : vector<16xi1>, vector<16xi32>
    %broadcast_in_dim3A_217 = vector.shape_cast %select_n3A_216 : vector<16xi32> to vector<16x1xi32>
    %gather3A_218 = vector.shape_cast %broadcast_in_dim3A_217 : vector<16x1xi32> to vector<16xi32>
    %gather3A_219 = tpu.dynamic_gather %max3A_206[%gather3A_218] in [0] : vector<16xf32>, vector<16xi32> -> vector<16xf32>
    %max3A_220 = arith.maximumf %max3A_206, %gather3A_219 : vector<16xf32>
    %sub3A = arith.subf %select_n3A_163, %max3A_220 : vector<16xf32>
    %exp3A = math.exp %sub3A : vector<16xf32>
    %jit3A_221 = arith.constant 0.000000e+00 : f32
    %broadcast_in_dim3A_222 = vector.broadcast %jit3A_221 : f32 to vector<16xf32>
    %select_n3A_223 = arith.select %lt3A_164, %exp3A, %broadcast_in_dim3A_222 : vector<16xi1>, vector<16xf32>
    %xor3A_224 = arith.constant 8 : i32
    %xor3A_225 = vector.broadcast %xor3A_224 : i32 to vector<16xi32>
    %xor3A_226 = arith.xori %iota3A, %xor3A_225 : vector<16xi32>
    %lt3A_227 = arith.constant 0 : i32
    %lt3A_228 = vector.broadcast %lt3A_227 : i32 to vector<16xi32>
    %lt3A_229 = arith.cmpi slt, %xor3A_226, %lt3A_228 : vector<16xi32>
    %add3A_230 = arith.constant 16 : i32
    %add3A_231 = vector.broadcast %add3A_230 : i32 to vector<16xi32>
    %add3A_232 = arith.addi %xor3A_226, %add3A_231 : vector<16xi32>
    %select_n3A_233 = arith.select %lt3A_229, %add3A_232, %xor3A_226 : vector<16xi1>, vector<16xi32>
    %broadcast_in_dim3A_234 = vector.shape_cast %select_n3A_233 : vector<16xi32> to vector<16x1xi32>
    %gather3A_235 = vector.shape_cast %broadcast_in_dim3A_234 : vector<16x1xi32> to vector<16xi32>
    %gather3A_236 = tpu.dynamic_gather %select_n3A_223[%gather3A_235] in [0] : vector<16xf32>, vector<16xi32> -> vector<16xf32>
    %add3A_237 = arith.addf %select_n3A_223, %gather3A_236 : vector<16xf32>
    %xor3A_238 = arith.constant 4 : i32
    %xor3A_239 = vector.broadcast %xor3A_238 : i32 to vector<16xi32>
    %xor3A_240 = arith.xori %iota3A, %xor3A_239 : vector<16xi32>
    %lt3A_241 = arith.constant 0 : i32
    %lt3A_242 = vector.broadcast %lt3A_241 : i32 to vector<16xi32>
    %lt3A_243 = arith.cmpi slt, %xor3A_240, %lt3A_242 : vector<16xi32>
    %add3A_244 = arith.constant 16 : i32
    %add3A_245 = vector.broadcast %add3A_244 : i32 to vector<16xi32>
    %add3A_246 = arith.addi %xor3A_240, %add3A_245 : vector<16xi32>
    %select_n3A_247 = arith.select %lt3A_243, %add3A_246, %xor3A_240 : vector<16xi1>, vector<16xi32>
    %broadcast_in_dim3A_248 = vector.shape_cast %select_n3A_247 : vector<16xi32> to vector<16x1xi32>
    %gather3A_249 = vector.shape_cast %broadcast_in_dim3A_248 : vector<16x1xi32> to vector<16xi32>
    %gather3A_250 = tpu.dynamic_gather %add3A_237[%gather3A_249] in [0] : vector<16xf32>, vector<16xi32> -> vector<16xf32>
    %add3A_251 = arith.addf %add3A_237, %gather3A_250 : vector<16xf32>
    %xor3A_252 = arith.constant 2 : i32
    %xor3A_253 = vector.broadcast %xor3A_252 : i32 to vector<16xi32>
    %xor3A_254 = arith.xori %iota3A, %xor3A_253 : vector<16xi32>
    %lt3A_255 = arith.constant 0 : i32
    %lt3A_256 = vector.broadcast %lt3A_255 : i32 to vector<16xi32>
    %lt3A_257 = arith.cmpi slt, %xor3A_254, %lt3A_256 : vector<16xi32>
    %add3A_258 = arith.constant 16 : i32
    %add3A_259 = vector.broadcast %add3A_258 : i32 to vector<16xi32>
    %add3A_260 = arith.addi %xor3A_254, %add3A_259 : vector<16xi32>
    %select_n3A_261 = arith.select %lt3A_257, %add3A_260, %xor3A_254 : vector<16xi1>, vector<16xi32>
    %broadcast_in_dim3A_262 = vector.shape_cast %select_n3A_261 : vector<16xi32> to vector<16x1xi32>
    %gather3A_263 = vector.shape_cast %broadcast_in_dim3A_262 : vector<16x1xi32> to vector<16xi32>
    %gather3A_264 = tpu.dynamic_gather %add3A_251[%gather3A_263] in [0] : vector<16xf32>, vector<16xi32> -> vector<16xf32>
    %add3A_265 = arith.addf %add3A_251, %gather3A_264 : vector<16xf32>
    %xor3A_266 = arith.constant 1 : i32
    %xor3A_267 = vector.broadcast %xor3A_266 : i32 to vector<16xi32>
    %xor3A_268 = arith.xori %iota3A, %xor3A_267 : vector<16xi32>
    %lt3A_269 = arith.constant 0 : i32
    %lt3A_270 = vector.broadcast %lt3A_269 : i32 to vector<16xi32>
    %lt3A_271 = arith.cmpi slt, %xor3A_268, %lt3A_270 : vector<16xi32>
    %add3A_272 = arith.constant 16 : i32
    %add3A_273 = vector.broadcast %add3A_272 : i32 to vector<16xi32>
    %add3A_274 = arith.addi %xor3A_268, %add3A_273 : vector<16xi32>
    %select_n3A_275 = arith.select %lt3A_271, %add3A_274, %xor3A_268 : vector<16xi1>, vector<16xi32>
    %broadcast_in_dim3A_276 = vector.shape_cast %select_n3A_275 : vector<16xi32> to vector<16x1xi32>
    %gather3A_277 = vector.shape_cast %broadcast_in_dim3A_276 : vector<16x1xi32> to vector<16xi32>
    %gather3A_278 = tpu.dynamic_gather %add3A_265[%gather3A_277] in [0] : vector<16xf32>, vector<16xi32> -> vector<16xf32>
    %add3A_279 = arith.addf %add3A_265, %gather3A_278 : vector<16xf32>
    %lt3A_280 = arith.constant 0 : i32
    %lt3A_281 = vector.broadcast %lt3A_280 : i32 to vector<16xi32>
    %lt3A_282 = arith.cmpi slt, %gather3A_73, %lt3A_281 : vector<16xi32>
    %add3A_283 = arith.constant 16 : i32
    %add3A_284 = vector.broadcast %add3A_283 : i32 to vector<16xi32>
    %add3A_285 = arith.addi %gather3A_73, %add3A_284 : vector<16xi32>
    %select_n3A_286 = arith.select %lt3A_282, %add3A_285, %gather3A_73 : vector<16xi1>, vector<16xi32>
    %broadcast_in_dim3A_287 = vector.shape_cast %select_n3A_286 : vector<16xi32> to vector<16x1xi32>
    %gather3A_288 = vector.shape_cast %broadcast_in_dim3A_287 : vector<16x1xi32> to vector<16xi32>
    %gather3A_289 = tpu.dynamic_gather %select_n3A_163[%gather3A_288] in [0] : vector<16xf32>, vector<16xi32> -> vector<16xf32>
    %sub3A_290 = arith.subf %max3A_220, %gather3A_289 : vector<16xf32>
    %add3A_291 = arith.addf %broadcast_in_dim3A_39, %sub3A_290 : vector<16xf32>
    %mul3A_292 = arith.mulf %broadcast_in_dim3A_41, %add3A_279 : vector<16xf32>
    %broadcast_in_dim3A_293 = arith.constant 3 : i32
    %broadcast_in_dim3A_294 = vector.broadcast %broadcast_in_dim3A_293 : i32 to vector<16xi32>
    %lt3A_295 = arith.constant 0 : i32
    %lt3A_296 = vector.broadcast %lt3A_295 : i32 to vector<16xi32>
    %lt3A_297 = arith.cmpi slt, %broadcast_in_dim3A_294, %lt3A_296 : vector<16xi32>
    %add3A_298 = arith.constant 16 : i32
    %add3A_299 = vector.broadcast %add3A_298 : i32 to vector<16xi32>
    %add3A_300 = arith.addi %broadcast_in_dim3A_294, %add3A_299 : vector<16xi32>
    %select_n3A_301 = arith.select %lt3A_297, %add3A_300, %broadcast_in_dim3A_294 : vector<16xi1>, vector<16xi32>
    %broadcast_in_dim3A_302 = vector.shape_cast %select_n3A_301 : vector<16xi32> to vector<16x1xi32>
    %gather3A_303 = vector.shape_cast %broadcast_in_dim3A_302 : vector<16x1xi32> to vector<16xi32>
    %gather3A_304 = tpu.dynamic_gather %get3A_19[%gather3A_303] in [0] : vector<16xi32>, vector<16xi32> -> vector<16xi32>
    %broadcast_in_dim3A_305 = arith.constant 4 : i32
    %broadcast_in_dim3A_306 = vector.broadcast %broadcast_in_dim3A_305 : i32 to vector<16xi32>
    %lt3A_307 = arith.constant 0 : i32
    %lt3A_308 = vector.broadcast %lt3A_307 : i32 to vector<16xi32>
    %lt3A_309 = arith.cmpi slt, %broadcast_in_dim3A_306, %lt3A_308 : vector<16xi32>
    %add3A_310 = arith.constant 16 : i32
    %add3A_311 = vector.broadcast %add3A_310 : i32 to vector<16xi32>
    %add3A_312 = arith.addi %broadcast_in_dim3A_306, %add3A_311 : vector<16xi32>
    %select_n3A_313 = arith.select %lt3A_309, %add3A_312, %broadcast_in_dim3A_306 : vector<16xi1>, vector<16xi32>
    %broadcast_in_dim3A_314 = vector.shape_cast %select_n3A_313 : vector<16xi32> to vector<16x1xi32>
    %gather3A_315 = vector.shape_cast %broadcast_in_dim3A_314 : vector<16x1xi32> to vector<16xi32>
    %gather3A_316 = tpu.dynamic_gather %get3A_19[%gather3A_315] in [0] : vector<16xi32>, vector<16xi32> -> vector<16xi32>
    %broadcast_in_dim3A_317 = arith.constant 5 : i32
    %broadcast_in_dim3A_318 = vector.broadcast %broadcast_in_dim3A_317 : i32 to vector<16xi32>
    %lt3A_319 = arith.constant 0 : i32
    %lt3A_320 = vector.broadcast %lt3A_319 : i32 to vector<16xi32>
    %lt3A_321 = arith.cmpi slt, %broadcast_in_dim3A_318, %lt3A_320 : vector<16xi32>
    %add3A_322 = arith.constant 16 : i32
    %add3A_323 = vector.broadcast %add3A_322 : i32 to vector<16xi32>
    %add3A_324 = arith.addi %broadcast_in_dim3A_318, %add3A_323 : vector<16xi32>
    %select_n3A_325 = arith.select %lt3A_321, %add3A_324, %broadcast_in_dim3A_318 : vector<16xi1>, vector<16xi32>
    %broadcast_in_dim3A_326 = vector.shape_cast %select_n3A_325 : vector<16xi32> to vector<16x1xi32>
    %gather3A_327 = vector.shape_cast %broadcast_in_dim3A_326 : vector<16x1xi32> to vector<16xi32>
    %gather3A_328 = tpu.dynamic_gather %get3A_19[%gather3A_327] in [0] : vector<16xi32>, vector<16xi32> -> vector<16xi32>
    %add3A_329 = arith.addi %gather3A_304, %iota3A : vector<16xi32>
    %shift_right_arithmetic3A_330 = arith.constant 4 : i32
    %shift_right_arithmetic3A_331 = vector.broadcast %shift_right_arithmetic3A_330 : i32 to vector<16xi32>
    %shift_right_arithmetic3A_332 = arith.shrsi %add3A_329, %shift_right_arithmetic3A_331 : vector<16xi32>
    %and3A_333 = arith.constant 15 : i32
    %and3A_334 = vector.broadcast %and3A_333 : i32 to vector<16xi32>
    %and3A_335 = arith.andi %add3A_329, %and3A_334 : vector<16xi32>
    %broadcast_in_dim3A_336 = arith.constant 0.000000e+00 : f32
    %broadcast_in_dim3A_337 = vector.broadcast %broadcast_in_dim3A_336 : f32 to vector<16xf32>
    %lt3A_338 = arith.constant 0 : i32
    %lt3A_339 = vector.broadcast %lt3A_338 : i32 to vector<16xi32>
    %lt3A_340 = arith.cmpi slt, %and3A_335, %lt3A_339 : vector<16xi32>
    %add3A_341 = arith.constant 16 : i32
    %add3A_342 = vector.broadcast %add3A_341 : i32 to vector<16xi32>
    %add3A_343 = arith.addi %and3A_335, %add3A_342 : vector<16xi32>
    %select_n3A_344 = arith.select %lt3A_340, %add3A_343, %and3A_335 : vector<16xi1>, vector<16xi32>
    %broadcast_in_dim3A_345 = vector.shape_cast %select_n3A_344 : vector<16xi32> to vector<16x1xi32>
    %gather3A_346 = vector.shape_cast %broadcast_in_dim3A_345 : vector<16x1xi32> to vector<16xi32>
    %gather3A_347 = tpu.dynamic_gather %get3A_22[%gather3A_346] in [0] : vector<16xf32>, vector<16xi32> -> vector<16xf32>
    %eq3A_348 = arith.constant 0 : i32
    %eq3A_349 = vector.broadcast %eq3A_348 : i32 to vector<16xi32>
    %eq3A_350 = arith.cmpi eq, %shift_right_arithmetic3A_332, %eq3A_349 : vector<16xi32>
    %select_n3A_351 = arith.select %eq3A_350, %gather3A_347, %broadcast_in_dim3A_337 : vector<16xi1>, vector<16xf32>
    %lt3A_352 = arith.constant 0 : i32
    %lt3A_353 = vector.broadcast %lt3A_352 : i32 to vector<16xi32>
    %lt3A_354 = arith.cmpi slt, %and3A_335, %lt3A_353 : vector<16xi32>
    %add3A_355 = arith.constant 16 : i32
    %add3A_356 = vector.broadcast %add3A_355 : i32 to vector<16xi32>
    %add3A_357 = arith.addi %and3A_335, %add3A_356 : vector<16xi32>
    %select_n3A_358 = arith.select %lt3A_354, %add3A_357, %and3A_335 : vector<16xi1>, vector<16xi32>
    %broadcast_in_dim3A_359 = vector.shape_cast %select_n3A_358 : vector<16xi32> to vector<16x1xi32>
    %gather3A_360 = vector.shape_cast %broadcast_in_dim3A_359 : vector<16x1xi32> to vector<16xi32>
    %gather3A_361 = tpu.dynamic_gather %get3A_25[%gather3A_360] in [0] : vector<16xf32>, vector<16xi32> -> vector<16xf32>
    %eq3A_362 = arith.constant 1 : i32
    %eq3A_363 = vector.broadcast %eq3A_362 : i32 to vector<16xi32>
    %eq3A_364 = arith.cmpi eq, %shift_right_arithmetic3A_332, %eq3A_363 : vector<16xi32>
    %select_n3A_365 = arith.select %eq3A_364, %gather3A_361, %select_n3A_351 : vector<16xi1>, vector<16xf32>
    %lt3A_366 = arith.constant 0 : i32
    %lt3A_367 = vector.broadcast %lt3A_366 : i32 to vector<16xi32>
    %lt3A_368 = arith.cmpi slt, %and3A_335, %lt3A_367 : vector<16xi32>
    %add3A_369 = arith.constant 16 : i32
    %add3A_370 = vector.broadcast %add3A_369 : i32 to vector<16xi32>
    %add3A_371 = arith.addi %and3A_335, %add3A_370 : vector<16xi32>
    %select_n3A_372 = arith.select %lt3A_368, %add3A_371, %and3A_335 : vector<16xi1>, vector<16xi32>
    %broadcast_in_dim3A_373 = vector.shape_cast %select_n3A_372 : vector<16xi32> to vector<16x1xi32>
    %gather3A_374 = vector.shape_cast %broadcast_in_dim3A_373 : vector<16x1xi32> to vector<16xi32>
    %gather3A_375 = tpu.dynamic_gather %get3A_28[%gather3A_374] in [0] : vector<16xf32>, vector<16xi32> -> vector<16xf32>
    %eq3A_376 = arith.constant 2 : i32
    %eq3A_377 = vector.broadcast %eq3A_376 : i32 to vector<16xi32>
    %eq3A_378 = arith.cmpi eq, %shift_right_arithmetic3A_332, %eq3A_377 : vector<16xi32>
    %select_n3A_379 = arith.select %eq3A_378, %gather3A_375, %select_n3A_365 : vector<16xi1>, vector<16xf32>
    %lt3A_380 = arith.constant 0 : i32
    %lt3A_381 = vector.broadcast %lt3A_380 : i32 to vector<16xi32>
    %lt3A_382 = arith.cmpi slt, %and3A_335, %lt3A_381 : vector<16xi32>
    %add3A_383 = arith.constant 16 : i32
    %add3A_384 = vector.broadcast %add3A_383 : i32 to vector<16xi32>
    %add3A_385 = arith.addi %and3A_335, %add3A_384 : vector<16xi32>
    %select_n3A_386 = arith.select %lt3A_382, %add3A_385, %and3A_335 : vector<16xi1>, vector<16xi32>
    %broadcast_in_dim3A_387 = vector.shape_cast %select_n3A_386 : vector<16xi32> to vector<16x1xi32>
    %gather3A_388 = vector.shape_cast %broadcast_in_dim3A_387 : vector<16x1xi32> to vector<16xi32>
    %gather3A_389 = tpu.dynamic_gather %get3A_31[%gather3A_388] in [0] : vector<16xf32>, vector<16xi32> -> vector<16xf32>
    %eq3A_390 = arith.constant 3 : i32
    %eq3A_391 = vector.broadcast %eq3A_390 : i32 to vector<16xi32>
    %eq3A_392 = arith.cmpi eq, %shift_right_arithmetic3A_332, %eq3A_391 : vector<16xi32>
    %select_n3A_393 = arith.select %eq3A_392, %gather3A_389, %select_n3A_379 : vector<16xi1>, vector<16xf32>
    %lt3A_394 = arith.constant 0 : i32
    %lt3A_395 = vector.broadcast %lt3A_394 : i32 to vector<16xi32>
    %lt3A_396 = arith.cmpi slt, %and3A_335, %lt3A_395 : vector<16xi32>
    %add3A_397 = arith.constant 16 : i32
    %add3A_398 = vector.broadcast %add3A_397 : i32 to vector<16xi32>
    %add3A_399 = arith.addi %and3A_335, %add3A_398 : vector<16xi32>
    %select_n3A_400 = arith.select %lt3A_396, %add3A_399, %and3A_335 : vector<16xi1>, vector<16xi32>
    %broadcast_in_dim3A_401 = vector.shape_cast %select_n3A_400 : vector<16xi32> to vector<16x1xi32>
    %gather3A_402 = vector.shape_cast %broadcast_in_dim3A_401 : vector<16x1xi32> to vector<16xi32>
    %gather3A_403 = tpu.dynamic_gather %get3A_34[%gather3A_402] in [0] : vector<16xf32>, vector<16xi32> -> vector<16xf32>
    %eq3A_404 = arith.constant 4 : i32
    %eq3A_405 = vector.broadcast %eq3A_404 : i32 to vector<16xi32>
    %eq3A_406 = arith.cmpi eq, %shift_right_arithmetic3A_332, %eq3A_405 : vector<16xi32>
    %select_n3A_407 = arith.select %eq3A_406, %gather3A_403, %select_n3A_393 : vector<16xi1>, vector<16xf32>
    %lt3A_408 = arith.constant 0 : i32
    %lt3A_409 = vector.broadcast %lt3A_408 : i32 to vector<16xi32>
    %lt3A_410 = arith.cmpi slt, %and3A_335, %lt3A_409 : vector<16xi32>
    %add3A_411 = arith.constant 16 : i32
    %add3A_412 = vector.broadcast %add3A_411 : i32 to vector<16xi32>
    %add3A_413 = arith.addi %and3A_335, %add3A_412 : vector<16xi32>
    %select_n3A_414 = arith.select %lt3A_410, %add3A_413, %and3A_335 : vector<16xi1>, vector<16xi32>
    %broadcast_in_dim3A_415 = vector.shape_cast %select_n3A_414 : vector<16xi32> to vector<16x1xi32>
    %gather3A_416 = vector.shape_cast %broadcast_in_dim3A_415 : vector<16x1xi32> to vector<16xi32>
    %gather3A_417 = tpu.dynamic_gather %get3A_37[%gather3A_416] in [0] : vector<16xf32>, vector<16xi32> -> vector<16xf32>
    %eq3A_418 = arith.constant 5 : i32
    %eq3A_419 = vector.broadcast %eq3A_418 : i32 to vector<16xi32>
    %eq3A_420 = arith.cmpi eq, %shift_right_arithmetic3A_332, %eq3A_419 : vector<16xi32>
    %select_n3A_421 = arith.select %eq3A_420, %gather3A_417, %select_n3A_407 : vector<16xi1>, vector<16xf32>
    %lt3A_422 = arith.cmpi slt, %iota3A, %gather3A_316 : vector<16xi32>
    %jit3A_423 = arith.constant -3.000000e+38 : f32
    %broadcast_in_dim3A_424 = vector.broadcast %jit3A_423 : f32 to vector<16xf32>
    %select_n3A_425 = arith.select %lt3A_422, %select_n3A_421, %broadcast_in_dim3A_424 : vector<16xi1>, vector<16xf32>
    %xor3A_426 = arith.constant 8 : i32
    %xor3A_427 = vector.broadcast %xor3A_426 : i32 to vector<16xi32>
    %xor3A_428 = arith.xori %iota3A, %xor3A_427 : vector<16xi32>
    %lt3A_429 = arith.constant 0 : i32
    %lt3A_430 = vector.broadcast %lt3A_429 : i32 to vector<16xi32>
    %lt3A_431 = arith.cmpi slt, %xor3A_428, %lt3A_430 : vector<16xi32>
    %add3A_432 = arith.constant 16 : i32
    %add3A_433 = vector.broadcast %add3A_432 : i32 to vector<16xi32>
    %add3A_434 = arith.addi %xor3A_428, %add3A_433 : vector<16xi32>
    %select_n3A_435 = arith.select %lt3A_431, %add3A_434, %xor3A_428 : vector<16xi1>, vector<16xi32>
    %broadcast_in_dim3A_436 = vector.shape_cast %select_n3A_435 : vector<16xi32> to vector<16x1xi32>
    %gather3A_437 = vector.shape_cast %broadcast_in_dim3A_436 : vector<16x1xi32> to vector<16xi32>
    %gather3A_438 = tpu.dynamic_gather %select_n3A_425[%gather3A_437] in [0] : vector<16xf32>, vector<16xi32> -> vector<16xf32>
    %max3A_439 = arith.maximumf %select_n3A_425, %gather3A_438 : vector<16xf32>
    %xor3A_440 = arith.constant 4 : i32
    %xor3A_441 = vector.broadcast %xor3A_440 : i32 to vector<16xi32>
    %xor3A_442 = arith.xori %iota3A, %xor3A_441 : vector<16xi32>
    %lt3A_443 = arith.constant 0 : i32
    %lt3A_444 = vector.broadcast %lt3A_443 : i32 to vector<16xi32>
    %lt3A_445 = arith.cmpi slt, %xor3A_442, %lt3A_444 : vector<16xi32>
    %add3A_446 = arith.constant 16 : i32
    %add3A_447 = vector.broadcast %add3A_446 : i32 to vector<16xi32>
    %add3A_448 = arith.addi %xor3A_442, %add3A_447 : vector<16xi32>
    %select_n3A_449 = arith.select %lt3A_445, %add3A_448, %xor3A_442 : vector<16xi1>, vector<16xi32>
    %broadcast_in_dim3A_450 = vector.shape_cast %select_n3A_449 : vector<16xi32> to vector<16x1xi32>
    %gather3A_451 = vector.shape_cast %broadcast_in_dim3A_450 : vector<16x1xi32> to vector<16xi32>
    %gather3A_452 = tpu.dynamic_gather %max3A_439[%gather3A_451] in [0] : vector<16xf32>, vector<16xi32> -> vector<16xf32>
    %max3A_453 = arith.maximumf %max3A_439, %gather3A_452 : vector<16xf32>
    %xor3A_454 = arith.constant 2 : i32
    %xor3A_455 = vector.broadcast %xor3A_454 : i32 to vector<16xi32>
    %xor3A_456 = arith.xori %iota3A, %xor3A_455 : vector<16xi32>
    %lt3A_457 = arith.constant 0 : i32
    %lt3A_458 = vector.broadcast %lt3A_457 : i32 to vector<16xi32>
    %lt3A_459 = arith.cmpi slt, %xor3A_456, %lt3A_458 : vector<16xi32>
    %add3A_460 = arith.constant 16 : i32
    %add3A_461 = vector.broadcast %add3A_460 : i32 to vector<16xi32>
    %add3A_462 = arith.addi %xor3A_456, %add3A_461 : vector<16xi32>
    %select_n3A_463 = arith.select %lt3A_459, %add3A_462, %xor3A_456 : vector<16xi1>, vector<16xi32>
    %broadcast_in_dim3A_464 = vector.shape_cast %select_n3A_463 : vector<16xi32> to vector<16x1xi32>
    %gather3A_465 = vector.shape_cast %broadcast_in_dim3A_464 : vector<16x1xi32> to vector<16xi32>
    %gather3A_466 = tpu.dynamic_gather %max3A_453[%gather3A_465] in [0] : vector<16xf32>, vector<16xi32> -> vector<16xf32>
    %max3A_467 = arith.maximumf %max3A_453, %gather3A_466 : vector<16xf32>
    %xor3A_468 = arith.constant 1 : i32
    %xor3A_469 = vector.broadcast %xor3A_468 : i32 to vector<16xi32>
    %xor3A_470 = arith.xori %iota3A, %xor3A_469 : vector<16xi32>
    %lt3A_471 = arith.constant 0 : i32
    %lt3A_472 = vector.broadcast %lt3A_471 : i32 to vector<16xi32>
    %lt3A_473 = arith.cmpi slt, %xor3A_470, %lt3A_472 : vector<16xi32>
    %add3A_474 = arith.constant 16 : i32
    %add3A_475 = vector.broadcast %add3A_474 : i32 to vector<16xi32>
    %add3A_476 = arith.addi %xor3A_470, %add3A_475 : vector<16xi32>
    %select_n3A_477 = arith.select %lt3A_473, %add3A_476, %xor3A_470 : vector<16xi1>, vector<16xi32>
    %broadcast_in_dim3A_478 = vector.shape_cast %select_n3A_477 : vector<16xi32> to vector<16x1xi32>
    %gather3A_479 = vector.shape_cast %broadcast_in_dim3A_478 : vector<16x1xi32> to vector<16xi32>
    %gather3A_480 = tpu.dynamic_gather %max3A_467[%gather3A_479] in [0] : vector<16xf32>, vector<16xi32> -> vector<16xf32>
    %max3A_481 = arith.maximumf %max3A_467, %gather3A_480 : vector<16xf32>
    %sub3A_482 = arith.subf %select_n3A_421, %max3A_481 : vector<16xf32>
    %exp3A_483 = math.exp %sub3A_482 : vector<16xf32>
    %jit3A_484 = arith.constant 0.000000e+00 : f32
    %broadcast_in_dim3A_485 = vector.broadcast %jit3A_484 : f32 to vector<16xf32>
    %select_n3A_486 = arith.select %lt3A_422, %exp3A_483, %broadcast_in_dim3A_485 : vector<16xi1>, vector<16xf32>
    %xor3A_487 = arith.constant 8 : i32
    %xor3A_488 = vector.broadcast %xor3A_487 : i32 to vector<16xi32>
    %xor3A_489 = arith.xori %iota3A, %xor3A_488 : vector<16xi32>
    %lt3A_490 = arith.constant 0 : i32
    %lt3A_491 = vector.broadcast %lt3A_490 : i32 to vector<16xi32>
    %lt3A_492 = arith.cmpi slt, %xor3A_489, %lt3A_491 : vector<16xi32>
    %add3A_493 = arith.constant 16 : i32
    %add3A_494 = vector.broadcast %add3A_493 : i32 to vector<16xi32>
    %add3A_495 = arith.addi %xor3A_489, %add3A_494 : vector<16xi32>
    %select_n3A_496 = arith.select %lt3A_492, %add3A_495, %xor3A_489 : vector<16xi1>, vector<16xi32>
    %broadcast_in_dim3A_497 = vector.shape_cast %select_n3A_496 : vector<16xi32> to vector<16x1xi32>
    %gather3A_498 = vector.shape_cast %broadcast_in_dim3A_497 : vector<16x1xi32> to vector<16xi32>
    %gather3A_499 = tpu.dynamic_gather %select_n3A_486[%gather3A_498] in [0] : vector<16xf32>, vector<16xi32> -> vector<16xf32>
    %add3A_500 = arith.addf %select_n3A_486, %gather3A_499 : vector<16xf32>
    %xor3A_501 = arith.constant 4 : i32
    %xor3A_502 = vector.broadcast %xor3A_501 : i32 to vector<16xi32>
    %xor3A_503 = arith.xori %iota3A, %xor3A_502 : vector<16xi32>
    %lt3A_504 = arith.constant 0 : i32
    %lt3A_505 = vector.broadcast %lt3A_504 : i32 to vector<16xi32>
    %lt3A_506 = arith.cmpi slt, %xor3A_503, %lt3A_505 : vector<16xi32>
    %add3A_507 = arith.constant 16 : i32
    %add3A_508 = vector.broadcast %add3A_507 : i32 to vector<16xi32>
    %add3A_509 = arith.addi %xor3A_503, %add3A_508 : vector<16xi32>
    %select_n3A_510 = arith.select %lt3A_506, %add3A_509, %xor3A_503 : vector<16xi1>, vector<16xi32>
    %broadcast_in_dim3A_511 = vector.shape_cast %select_n3A_510 : vector<16xi32> to vector<16x1xi32>
    %gather3A_512 = vector.shape_cast %broadcast_in_dim3A_511 : vector<16x1xi32> to vector<16xi32>
    %gather3A_513 = tpu.dynamic_gather %add3A_500[%gather3A_512] in [0] : vector<16xf32>, vector<16xi32> -> vector<16xf32>
    %add3A_514 = arith.addf %add3A_500, %gather3A_513 : vector<16xf32>
    %xor3A_515 = arith.constant 2 : i32
    %xor3A_516 = vector.broadcast %xor3A_515 : i32 to vector<16xi32>
    %xor3A_517 = arith.xori %iota3A, %xor3A_516 : vector<16xi32>
    %lt3A_518 = arith.constant 0 : i32
    %lt3A_519 = vector.broadcast %lt3A_518 : i32 to vector<16xi32>
    %lt3A_520 = arith.cmpi slt, %xor3A_517, %lt3A_519 : vector<16xi32>
    %add3A_521 = arith.constant 16 : i32
    %add3A_522 = vector.broadcast %add3A_521 : i32 to vector<16xi32>
    %add3A_523 = arith.addi %xor3A_517, %add3A_522 : vector<16xi32>
    %select_n3A_524 = arith.select %lt3A_520, %add3A_523, %xor3A_517 : vector<16xi1>, vector<16xi32>
    %broadcast_in_dim3A_525 = vector.shape_cast %select_n3A_524 : vector<16xi32> to vector<16x1xi32>
    %gather3A_526 = vector.shape_cast %broadcast_in_dim3A_525 : vector<16x1xi32> to vector<16xi32>
    %gather3A_527 = tpu.dynamic_gather %add3A_514[%gather3A_526] in [0] : vector<16xf32>, vector<16xi32> -> vector<16xf32>
    %add3A_528 = arith.addf %add3A_514, %gather3A_527 : vector<16xf32>
    %xor3A_529 = arith.constant 1 : i32
    %xor3A_530 = vector.broadcast %xor3A_529 : i32 to vector<16xi32>
    %xor3A_531 = arith.xori %iota3A, %xor3A_530 : vector<16xi32>
    %lt3A_532 = arith.constant 0 : i32
    %lt3A_533 = vector.broadcast %lt3A_532 : i32 to vector<16xi32>
    %lt3A_534 = arith.cmpi slt, %xor3A_531, %lt3A_533 : vector<16xi32>
    %add3A_535 = arith.constant 16 : i32
    %add3A_536 = vector.broadcast %add3A_535 : i32 to vector<16xi32>
    %add3A_537 = arith.addi %xor3A_531, %add3A_536 : vector<16xi32>
    %select_n3A_538 = arith.select %lt3A_534, %add3A_537, %xor3A_531 : vector<16xi1>, vector<16xi32>
    %broadcast_in_dim3A_539 = vector.shape_cast %select_n3A_538 : vector<16xi32> to vector<16x1xi32>
    %gather3A_540 = vector.shape_cast %broadcast_in_dim3A_539 : vector<16x1xi32> to vector<16xi32>
    %gather3A_541 = tpu.dynamic_gather %add3A_528[%gather3A_540] in [0] : vector<16xf32>, vector<16xi32> -> vector<16xf32>
    %add3A_542 = arith.addf %add3A_528, %gather3A_541 : vector<16xf32>
    %lt3A_543 = arith.constant 0 : i32
    %lt3A_544 = vector.broadcast %lt3A_543 : i32 to vector<16xi32>
    %lt3A_545 = arith.cmpi slt, %gather3A_328, %lt3A_544 : vector<16xi32>
    %add3A_546 = arith.constant 16 : i32
    %add3A_547 = vector.broadcast %add3A_546 : i32 to vector<16xi32>
    %add3A_548 = arith.addi %gather3A_328, %add3A_547 : vector<16xi32>
    %select_n3A_549 = arith.select %lt3A_545, %add3A_548, %gather3A_328 : vector<16xi1>, vector<16xi32>
    %broadcast_in_dim3A_550 = vector.shape_cast %select_n3A_549 : vector<16xi32> to vector<16x1xi32>
    %gather3A_551 = vector.shape_cast %broadcast_in_dim3A_550 : vector<16x1xi32> to vector<16xi32>
    %gather3A_552 = tpu.dynamic_gather %select_n3A_421[%gather3A_551] in [0] : vector<16xf32>, vector<16xi32> -> vector<16xf32>
    %sub3A_553 = arith.subf %max3A_481, %gather3A_552 : vector<16xf32>
    %add3A_554 = arith.addf %add3A_291, %sub3A_553 : vector<16xf32>
    %mul3A_555 = arith.mulf %mul3A_292, %add3A_542 : vector<16xf32>
    %broadcast_in_dim3A_556 = arith.constant 6 : i32
    %broadcast_in_dim3A_557 = vector.broadcast %broadcast_in_dim3A_556 : i32 to vector<16xi32>
    %lt3A_558 = arith.constant 0 : i32
    %lt3A_559 = vector.broadcast %lt3A_558 : i32 to vector<16xi32>
    %lt3A_560 = arith.cmpi slt, %broadcast_in_dim3A_557, %lt3A_559 : vector<16xi32>
    %add3A_561 = arith.constant 16 : i32
    %add3A_562 = vector.broadcast %add3A_561 : i32 to vector<16xi32>
    %add3A_563 = arith.addi %broadcast_in_dim3A_557, %add3A_562 : vector<16xi32>
    %select_n3A_564 = arith.select %lt3A_560, %add3A_563, %broadcast_in_dim3A_557 : vector<16xi1>, vector<16xi32>
    %broadcast_in_dim3A_565 = vector.shape_cast %select_n3A_564 : vector<16xi32> to vector<16x1xi32>
    %gather3A_566 = vector.shape_cast %broadcast_in_dim3A_565 : vector<16x1xi32> to vector<16xi32>
    %gather3A_567 = tpu.dynamic_gather %get3A_19[%gather3A_566] in [0] : vector<16xi32>, vector<16xi32> -> vector<16xi32>
    %broadcast_in_dim3A_568 = arith.constant 7 : i32
    %broadcast_in_dim3A_569 = vector.broadcast %broadcast_in_dim3A_568 : i32 to vector<16xi32>
    %lt3A_570 = arith.constant 0 : i32
    %lt3A_571 = vector.broadcast %lt3A_570 : i32 to vector<16xi32>
    %lt3A_572 = arith.cmpi slt, %broadcast_in_dim3A_569, %lt3A_571 : vector<16xi32>
    %add3A_573 = arith.constant 16 : i32
    %add3A_574 = vector.broadcast %add3A_573 : i32 to vector<16xi32>
    %add3A_575 = arith.addi %broadcast_in_dim3A_569, %add3A_574 : vector<16xi32>
    %select_n3A_576 = arith.select %lt3A_572, %add3A_575, %broadcast_in_dim3A_569 : vector<16xi1>, vector<16xi32>
    %broadcast_in_dim3A_577 = vector.shape_cast %select_n3A_576 : vector<16xi32> to vector<16x1xi32>
    %gather3A_578 = vector.shape_cast %broadcast_in_dim3A_577 : vector<16x1xi32> to vector<16xi32>
    %gather3A_579 = tpu.dynamic_gather %get3A_19[%gather3A_578] in [0] : vector<16xi32>, vector<16xi32> -> vector<16xi32>
    %broadcast_in_dim3A_580 = arith.constant 8 : i32
    %broadcast_in_dim3A_581 = vector.broadcast %broadcast_in_dim3A_580 : i32 to vector<16xi32>
    %lt3A_582 = arith.constant 0 : i32
    %lt3A_583 = vector.broadcast %lt3A_582 : i32 to vector<16xi32>
    %lt3A_584 = arith.cmpi slt, %broadcast_in_dim3A_581, %lt3A_583 : vector<16xi32>
    %add3A_585 = arith.constant 16 : i32
    %add3A_586 = vector.broadcast %add3A_585 : i32 to vector<16xi32>
    %add3A_587 = arith.addi %broadcast_in_dim3A_581, %add3A_586 : vector<16xi32>
    %select_n3A_588 = arith.select %lt3A_584, %add3A_587, %broadcast_in_dim3A_581 : vector<16xi1>, vector<16xi32>
    %broadcast_in_dim3A_589 = vector.shape_cast %select_n3A_588 : vector<16xi32> to vector<16x1xi32>
    %gather3A_590 = vector.shape_cast %broadcast_in_dim3A_589 : vector<16x1xi32> to vector<16xi32>
    %gather3A_591 = tpu.dynamic_gather %get3A_19[%gather3A_590] in [0] : vector<16xi32>, vector<16xi32> -> vector<16xi32>
    %add3A_592 = arith.addi %gather3A_567, %iota3A : vector<16xi32>
    %shift_right_arithmetic3A_593 = arith.constant 4 : i32
    %shift_right_arithmetic3A_594 = vector.broadcast %shift_right_arithmetic3A_593 : i32 to vector<16xi32>
    %shift_right_arithmetic3A_595 = arith.shrsi %add3A_592, %shift_right_arithmetic3A_594 : vector<16xi32>
    %and3A_596 = arith.constant 15 : i32
    %and3A_597 = vector.broadcast %and3A_596 : i32 to vector<16xi32>
    %and3A_598 = arith.andi %add3A_592, %and3A_597 : vector<16xi32>
    %broadcast_in_dim3A_599 = arith.constant 0.000000e+00 : f32
    %broadcast_in_dim3A_600 = vector.broadcast %broadcast_in_dim3A_599 : f32 to vector<16xf32>
    %lt3A_601 = arith.constant 0 : i32
    %lt3A_602 = vector.broadcast %lt3A_601 : i32 to vector<16xi32>
    %lt3A_603 = arith.cmpi slt, %and3A_598, %lt3A_602 : vector<16xi32>
    %add3A_604 = arith.constant 16 : i32
    %add3A_605 = vector.broadcast %add3A_604 : i32 to vector<16xi32>
    %add3A_606 = arith.addi %and3A_598, %add3A_605 : vector<16xi32>
    %select_n3A_607 = arith.select %lt3A_603, %add3A_606, %and3A_598 : vector<16xi1>, vector<16xi32>
    %broadcast_in_dim3A_608 = vector.shape_cast %select_n3A_607 : vector<16xi32> to vector<16x1xi32>
    %gather3A_609 = vector.shape_cast %broadcast_in_dim3A_608 : vector<16x1xi32> to vector<16xi32>
    %gather3A_610 = tpu.dynamic_gather %get3A_22[%gather3A_609] in [0] : vector<16xf32>, vector<16xi32> -> vector<16xf32>
    %eq3A_611 = arith.constant 0 : i32
    %eq3A_612 = vector.broadcast %eq3A_611 : i32 to vector<16xi32>
    %eq3A_613 = arith.cmpi eq, %shift_right_arithmetic3A_595, %eq3A_612 : vector<16xi32>
    %select_n3A_614 = arith.select %eq3A_613, %gather3A_610, %broadcast_in_dim3A_600 : vector<16xi1>, vector<16xf32>
    %lt3A_615 = arith.constant 0 : i32
    %lt3A_616 = vector.broadcast %lt3A_615 : i32 to vector<16xi32>
    %lt3A_617 = arith.cmpi slt, %and3A_598, %lt3A_616 : vector<16xi32>
    %add3A_618 = arith.constant 16 : i32
    %add3A_619 = vector.broadcast %add3A_618 : i32 to vector<16xi32>
    %add3A_620 = arith.addi %and3A_598, %add3A_619 : vector<16xi32>
    %select_n3A_621 = arith.select %lt3A_617, %add3A_620, %and3A_598 : vector<16xi1>, vector<16xi32>
    %broadcast_in_dim3A_622 = vector.shape_cast %select_n3A_621 : vector<16xi32> to vector<16x1xi32>
    %gather3A_623 = vector.shape_cast %broadcast_in_dim3A_622 : vector<16x1xi32> to vector<16xi32>
    %gather3A_624 = tpu.dynamic_gather %get3A_25[%gather3A_623] in [0] : vector<16xf32>, vector<16xi32> -> vector<16xf32>
    %eq3A_625 = arith.constant 1 : i32
    %eq3A_626 = vector.broadcast %eq3A_625 : i32 to vector<16xi32>
    %eq3A_627 = arith.cmpi eq, %shift_right_arithmetic3A_595, %eq3A_626 : vector<16xi32>
    %select_n3A_628 = arith.select %eq3A_627, %gather3A_624, %select_n3A_614 : vector<16xi1>, vector<16xf32>
    %lt3A_629 = arith.constant 0 : i32
    %lt3A_630 = vector.broadcast %lt3A_629 : i32 to vector<16xi32>
    %lt3A_631 = arith.cmpi slt, %and3A_598, %lt3A_630 : vector<16xi32>
    %add3A_632 = arith.constant 16 : i32
    %add3A_633 = vector.broadcast %add3A_632 : i32 to vector<16xi32>
    %add3A_634 = arith.addi %and3A_598, %add3A_633 : vector<16xi32>
    %select_n3A_635 = arith.select %lt3A_631, %add3A_634, %and3A_598 : vector<16xi1>, vector<16xi32>
    %broadcast_in_dim3A_636 = vector.shape_cast %select_n3A_635 : vector<16xi32> to vector<16x1xi32>
    %gather3A_637 = vector.shape_cast %broadcast_in_dim3A_636 : vector<16x1xi32> to vector<16xi32>
    %gather3A_638 = tpu.dynamic_gather %get3A_28[%gather3A_637] in [0] : vector<16xf32>, vector<16xi32> -> vector<16xf32>
    %eq3A_639 = arith.constant 2 : i32
    %eq3A_640 = vector.broadcast %eq3A_639 : i32 to vector<16xi32>
    %eq3A_641 = arith.cmpi eq, %shift_right_arithmetic3A_595, %eq3A_640 : vector<16xi32>
    %select_n3A_642 = arith.select %eq3A_641, %gather3A_638, %select_n3A_628 : vector<16xi1>, vector<16xf32>
    %lt3A_643 = arith.constant 0 : i32
    %lt3A_644 = vector.broadcast %lt3A_643 : i32 to vector<16xi32>
    %lt3A_645 = arith.cmpi slt, %and3A_598, %lt3A_644 : vector<16xi32>
    %add3A_646 = arith.constant 16 : i32
    %add3A_647 = vector.broadcast %add3A_646 : i32 to vector<16xi32>
    %add3A_648 = arith.addi %and3A_598, %add3A_647 : vector<16xi32>
    %select_n3A_649 = arith.select %lt3A_645, %add3A_648, %and3A_598 : vector<16xi1>, vector<16xi32>
    %broadcast_in_dim3A_650 = vector.shape_cast %select_n3A_649 : vector<16xi32> to vector<16x1xi32>
    %gather3A_651 = vector.shape_cast %broadcast_in_dim3A_650 : vector<16x1xi32> to vector<16xi32>
    %gather3A_652 = tpu.dynamic_gather %get3A_31[%gather3A_651] in [0] : vector<16xf32>, vector<16xi32> -> vector<16xf32>
    %eq3A_653 = arith.constant 3 : i32
    %eq3A_654 = vector.broadcast %eq3A_653 : i32 to vector<16xi32>
    %eq3A_655 = arith.cmpi eq, %shift_right_arithmetic3A_595, %eq3A_654 : vector<16xi32>
    %select_n3A_656 = arith.select %eq3A_655, %gather3A_652, %select_n3A_642 : vector<16xi1>, vector<16xf32>
    %lt3A_657 = arith.constant 0 : i32
    %lt3A_658 = vector.broadcast %lt3A_657 : i32 to vector<16xi32>
    %lt3A_659 = arith.cmpi slt, %and3A_598, %lt3A_658 : vector<16xi32>
    %add3A_660 = arith.constant 16 : i32
    %add3A_661 = vector.broadcast %add3A_660 : i32 to vector<16xi32>
    %add3A_662 = arith.addi %and3A_598, %add3A_661 : vector<16xi32>
    %select_n3A_663 = arith.select %lt3A_659, %add3A_662, %and3A_598 : vector<16xi1>, vector<16xi32>
    %broadcast_in_dim3A_664 = vector.shape_cast %select_n3A_663 : vector<16xi32> to vector<16x1xi32>
    %gather3A_665 = vector.shape_cast %broadcast_in_dim3A_664 : vector<16x1xi32> to vector<16xi32>
    %gather3A_666 = tpu.dynamic_gather %get3A_34[%gather3A_665] in [0] : vector<16xf32>, vector<16xi32> -> vector<16xf32>
    %eq3A_667 = arith.constant 4 : i32
    %eq3A_668 = vector.broadcast %eq3A_667 : i32 to vector<16xi32>
    %eq3A_669 = arith.cmpi eq, %shift_right_arithmetic3A_595, %eq3A_668 : vector<16xi32>
    %select_n3A_670 = arith.select %eq3A_669, %gather3A_666, %select_n3A_656 : vector<16xi1>, vector<16xf32>
    %lt3A_671 = arith.constant 0 : i32
    %lt3A_672 = vector.broadcast %lt3A_671 : i32 to vector<16xi32>
    %lt3A_673 = arith.cmpi slt, %and3A_598, %lt3A_672 : vector<16xi32>
    %add3A_674 = arith.constant 16 : i32
    %add3A_675 = vector.broadcast %add3A_674 : i32 to vector<16xi32>
    %add3A_676 = arith.addi %and3A_598, %add3A_675 : vector<16xi32>
    %select_n3A_677 = arith.select %lt3A_673, %add3A_676, %and3A_598 : vector<16xi1>, vector<16xi32>
    %broadcast_in_dim3A_678 = vector.shape_cast %select_n3A_677 : vector<16xi32> to vector<16x1xi32>
    %gather3A_679 = vector.shape_cast %broadcast_in_dim3A_678 : vector<16x1xi32> to vector<16xi32>
    %gather3A_680 = tpu.dynamic_gather %get3A_37[%gather3A_679] in [0] : vector<16xf32>, vector<16xi32> -> vector<16xf32>
    %eq3A_681 = arith.constant 5 : i32
    %eq3A_682 = vector.broadcast %eq3A_681 : i32 to vector<16xi32>
    %eq3A_683 = arith.cmpi eq, %shift_right_arithmetic3A_595, %eq3A_682 : vector<16xi32>
    %select_n3A_684 = arith.select %eq3A_683, %gather3A_680, %select_n3A_670 : vector<16xi1>, vector<16xf32>
    %lt3A_685 = arith.cmpi slt, %iota3A, %gather3A_579 : vector<16xi32>
    %jit3A_686 = arith.constant -3.000000e+38 : f32
    %broadcast_in_dim3A_687 = vector.broadcast %jit3A_686 : f32 to vector<16xf32>
    %select_n3A_688 = arith.select %lt3A_685, %select_n3A_684, %broadcast_in_dim3A_687 : vector<16xi1>, vector<16xf32>
    %xor3A_689 = arith.constant 8 : i32
    %xor3A_690 = vector.broadcast %xor3A_689 : i32 to vector<16xi32>
    %xor3A_691 = arith.xori %iota3A, %xor3A_690 : vector<16xi32>
    %lt3A_692 = arith.constant 0 : i32
    %lt3A_693 = vector.broadcast %lt3A_692 : i32 to vector<16xi32>
    %lt3A_694 = arith.cmpi slt, %xor3A_691, %lt3A_693 : vector<16xi32>
    %add3A_695 = arith.constant 16 : i32
    %add3A_696 = vector.broadcast %add3A_695 : i32 to vector<16xi32>
    %add3A_697 = arith.addi %xor3A_691, %add3A_696 : vector<16xi32>
    %select_n3A_698 = arith.select %lt3A_694, %add3A_697, %xor3A_691 : vector<16xi1>, vector<16xi32>
    %broadcast_in_dim3A_699 = vector.shape_cast %select_n3A_698 : vector<16xi32> to vector<16x1xi32>
    %gather3A_700 = vector.shape_cast %broadcast_in_dim3A_699 : vector<16x1xi32> to vector<16xi32>
    %gather3A_701 = tpu.dynamic_gather %select_n3A_688[%gather3A_700] in [0] : vector<16xf32>, vector<16xi32> -> vector<16xf32>
    %max3A_702 = arith.maximumf %select_n3A_688, %gather3A_701 : vector<16xf32>
    %xor3A_703 = arith.constant 4 : i32
    %xor3A_704 = vector.broadcast %xor3A_703 : i32 to vector<16xi32>
    %xor3A_705 = arith.xori %iota3A, %xor3A_704 : vector<16xi32>
    %lt3A_706 = arith.constant 0 : i32
    %lt3A_707 = vector.broadcast %lt3A_706 : i32 to vector<16xi32>
    %lt3A_708 = arith.cmpi slt, %xor3A_705, %lt3A_707 : vector<16xi32>
    %add3A_709 = arith.constant 16 : i32
    %add3A_710 = vector.broadcast %add3A_709 : i32 to vector<16xi32>
    %add3A_711 = arith.addi %xor3A_705, %add3A_710 : vector<16xi32>
    %select_n3A_712 = arith.select %lt3A_708, %add3A_711, %xor3A_705 : vector<16xi1>, vector<16xi32>
    %broadcast_in_dim3A_713 = vector.shape_cast %select_n3A_712 : vector<16xi32> to vector<16x1xi32>
    %gather3A_714 = vector.shape_cast %broadcast_in_dim3A_713 : vector<16x1xi32> to vector<16xi32>
    %gather3A_715 = tpu.dynamic_gather %max3A_702[%gather3A_714] in [0] : vector<16xf32>, vector<16xi32> -> vector<16xf32>
    %max3A_716 = arith.maximumf %max3A_702, %gather3A_715 : vector<16xf32>
    %xor3A_717 = arith.constant 2 : i32
    %xor3A_718 = vector.broadcast %xor3A_717 : i32 to vector<16xi32>
    %xor3A_719 = arith.xori %iota3A, %xor3A_718 : vector<16xi32>
    %lt3A_720 = arith.constant 0 : i32
    %lt3A_721 = vector.broadcast %lt3A_720 : i32 to vector<16xi32>
    %lt3A_722 = arith.cmpi slt, %xor3A_719, %lt3A_721 : vector<16xi32>
    %add3A_723 = arith.constant 16 : i32
    %add3A_724 = vector.broadcast %add3A_723 : i32 to vector<16xi32>
    %add3A_725 = arith.addi %xor3A_719, %add3A_724 : vector<16xi32>
    %select_n3A_726 = arith.select %lt3A_722, %add3A_725, %xor3A_719 : vector<16xi1>, vector<16xi32>
    %broadcast_in_dim3A_727 = vector.shape_cast %select_n3A_726 : vector<16xi32> to vector<16x1xi32>
    %gather3A_728 = vector.shape_cast %broadcast_in_dim3A_727 : vector<16x1xi32> to vector<16xi32>
    %gather3A_729 = tpu.dynamic_gather %max3A_716[%gather3A_728] in [0] : vector<16xf32>, vector<16xi32> -> vector<16xf32>
    %max3A_730 = arith.maximumf %max3A_716, %gather3A_729 : vector<16xf32>
    %xor3A_731 = arith.constant 1 : i32
    %xor3A_732 = vector.broadcast %xor3A_731 : i32 to vector<16xi32>
    %xor3A_733 = arith.xori %iota3A, %xor3A_732 : vector<16xi32>
    %lt3A_734 = arith.constant 0 : i32
    %lt3A_735 = vector.broadcast %lt3A_734 : i32 to vector<16xi32>
    %lt3A_736 = arith.cmpi slt, %xor3A_733, %lt3A_735 : vector<16xi32>
    %add3A_737 = arith.constant 16 : i32
    %add3A_738 = vector.broadcast %add3A_737 : i32 to vector<16xi32>
    %add3A_739 = arith.addi %xor3A_733, %add3A_738 : vector<16xi32>
    %select_n3A_740 = arith.select %lt3A_736, %add3A_739, %xor3A_733 : vector<16xi1>, vector<16xi32>
    %broadcast_in_dim3A_741 = vector.shape_cast %select_n3A_740 : vector<16xi32> to vector<16x1xi32>
    %gather3A_742 = vector.shape_cast %broadcast_in_dim3A_741 : vector<16x1xi32> to vector<16xi32>
    %gather3A_743 = tpu.dynamic_gather %max3A_730[%gather3A_742] in [0] : vector<16xf32>, vector<16xi32> -> vector<16xf32>
    %max3A_744 = arith.maximumf %max3A_730, %gather3A_743 : vector<16xf32>
    %sub3A_745 = arith.subf %select_n3A_684, %max3A_744 : vector<16xf32>
    %exp3A_746 = math.exp %sub3A_745 : vector<16xf32>
    %jit3A_747 = arith.constant 0.000000e+00 : f32
    %broadcast_in_dim3A_748 = vector.broadcast %jit3A_747 : f32 to vector<16xf32>
    %select_n3A_749 = arith.select %lt3A_685, %exp3A_746, %broadcast_in_dim3A_748 : vector<16xi1>, vector<16xf32>
    %xor3A_750 = arith.constant 8 : i32
    %xor3A_751 = vector.broadcast %xor3A_750 : i32 to vector<16xi32>
    %xor3A_752 = arith.xori %iota3A, %xor3A_751 : vector<16xi32>
    %lt3A_753 = arith.constant 0 : i32
    %lt3A_754 = vector.broadcast %lt3A_753 : i32 to vector<16xi32>
    %lt3A_755 = arith.cmpi slt, %xor3A_752, %lt3A_754 : vector<16xi32>
    %add3A_756 = arith.constant 16 : i32
    %add3A_757 = vector.broadcast %add3A_756 : i32 to vector<16xi32>
    %add3A_758 = arith.addi %xor3A_752, %add3A_757 : vector<16xi32>
    %select_n3A_759 = arith.select %lt3A_755, %add3A_758, %xor3A_752 : vector<16xi1>, vector<16xi32>
    %broadcast_in_dim3A_760 = vector.shape_cast %select_n3A_759 : vector<16xi32> to vector<16x1xi32>
    %gather3A_761 = vector.shape_cast %broadcast_in_dim3A_760 : vector<16x1xi32> to vector<16xi32>
    %gather3A_762 = tpu.dynamic_gather %select_n3A_749[%gather3A_761] in [0] : vector<16xf32>, vector<16xi32> -> vector<16xf32>
    %add3A_763 = arith.addf %select_n3A_749, %gather3A_762 : vector<16xf32>
    %xor3A_764 = arith.constant 4 : i32
    %xor3A_765 = vector.broadcast %xor3A_764 : i32 to vector<16xi32>
    %xor3A_766 = arith.xori %iota3A, %xor3A_765 : vector<16xi32>
    %lt3A_767 = arith.constant 0 : i32
    %lt3A_768 = vector.broadcast %lt3A_767 : i32 to vector<16xi32>
    %lt3A_769 = arith.cmpi slt, %xor3A_766, %lt3A_768 : vector<16xi32>
    %add3A_770 = arith.constant 16 : i32
    %add3A_771 = vector.broadcast %add3A_770 : i32 to vector<16xi32>
    %add3A_772 = arith.addi %xor3A_766, %add3A_771 : vector<16xi32>
    %select_n3A_773 = arith.select %lt3A_769, %add3A_772, %xor3A_766 : vector<16xi1>, vector<16xi32>
    %broadcast_in_dim3A_774 = vector.shape_cast %select_n3A_773 : vector<16xi32> to vector<16x1xi32>
    %gather3A_775 = vector.shape_cast %broadcast_in_dim3A_774 : vector<16x1xi32> to vector<16xi32>
    %gather3A_776 = tpu.dynamic_gather %add3A_763[%gather3A_775] in [0] : vector<16xf32>, vector<16xi32> -> vector<16xf32>
    %add3A_777 = arith.addf %add3A_763, %gather3A_776 : vector<16xf32>
    %xor3A_778 = arith.constant 2 : i32
    %xor3A_779 = vector.broadcast %xor3A_778 : i32 to vector<16xi32>
    %xor3A_780 = arith.xori %iota3A, %xor3A_779 : vector<16xi32>
    %lt3A_781 = arith.constant 0 : i32
    %lt3A_782 = vector.broadcast %lt3A_781 : i32 to vector<16xi32>
    %lt3A_783 = arith.cmpi slt, %xor3A_780, %lt3A_782 : vector<16xi32>
    %add3A_784 = arith.constant 16 : i32
    %add3A_785 = vector.broadcast %add3A_784 : i32 to vector<16xi32>
    %add3A_786 = arith.addi %xor3A_780, %add3A_785 : vector<16xi32>
    %select_n3A_787 = arith.select %lt3A_783, %add3A_786, %xor3A_780 : vector<16xi1>, vector<16xi32>
    %broadcast_in_dim3A_788 = vector.shape_cast %select_n3A_787 : vector<16xi32> to vector<16x1xi32>
    %gather3A_789 = vector.shape_cast %broadcast_in_dim3A_788 : vector<16x1xi32> to vector<16xi32>
    %gather3A_790 = tpu.dynamic_gather %add3A_777[%gather3A_789] in [0] : vector<16xf32>, vector<16xi32> -> vector<16xf32>
    %add3A_791 = arith.addf %add3A_777, %gather3A_790 : vector<16xf32>
    %xor3A_792 = arith.constant 1 : i32
    %xor3A_793 = vector.broadcast %xor3A_792 : i32 to vector<16xi32>
    %xor3A_794 = arith.xori %iota3A, %xor3A_793 : vector<16xi32>
    %lt3A_795 = arith.constant 0 : i32
    %lt3A_796 = vector.broadcast %lt3A_795 : i32 to vector<16xi32>
    %lt3A_797 = arith.cmpi slt, %xor3A_794, %lt3A_796 : vector<16xi32>
    %add3A_798 = arith.constant 16 : i32
    %add3A_799 = vector.broadcast %add3A_798 : i32 to vector<16xi32>
    %add3A_800 = arith.addi %xor3A_794, %add3A_799 : vector<16xi32>
    %select_n3A_801 = arith.select %lt3A_797, %add3A_800, %xor3A_794 : vector<16xi1>, vector<16xi32>
    %broadcast_in_dim3A_802 = vector.shape_cast %select_n3A_801 : vector<16xi32> to vector<16x1xi32>
    %gather3A_803 = vector.shape_cast %broadcast_in_dim3A_802 : vector<16x1xi32> to vector<16xi32>
    %gather3A_804 = tpu.dynamic_gather %add3A_791[%gather3A_803] in [0] : vector<16xf32>, vector<16xi32> -> vector<16xf32>
    %add3A_805 = arith.addf %add3A_791, %gather3A_804 : vector<16xf32>
    %lt3A_806 = arith.constant 0 : i32
    %lt3A_807 = vector.broadcast %lt3A_806 : i32 to vector<16xi32>
    %lt3A_808 = arith.cmpi slt, %gather3A_591, %lt3A_807 : vector<16xi32>
    %add3A_809 = arith.constant 16 : i32
    %add3A_810 = vector.broadcast %add3A_809 : i32 to vector<16xi32>
    %add3A_811 = arith.addi %gather3A_591, %add3A_810 : vector<16xi32>
    %select_n3A_812 = arith.select %lt3A_808, %add3A_811, %gather3A_591 : vector<16xi1>, vector<16xi32>
    %broadcast_in_dim3A_813 = vector.shape_cast %select_n3A_812 : vector<16xi32> to vector<16x1xi32>
    %gather3A_814 = vector.shape_cast %broadcast_in_dim3A_813 : vector<16x1xi32> to vector<16xi32>
    %gather3A_815 = tpu.dynamic_gather %select_n3A_684[%gather3A_814] in [0] : vector<16xf32>, vector<16xi32> -> vector<16xf32>
    %sub3A_816 = arith.subf %max3A_744, %gather3A_815 : vector<16xf32>
    %add3A_817 = arith.addf %add3A_554, %sub3A_816 : vector<16xf32>
    %mul3A_818 = arith.mulf %mul3A_555, %add3A_805 : vector<16xf32>
    %broadcast_in_dim3A_819 = arith.constant 9 : i32
    %broadcast_in_dim3A_820 = vector.broadcast %broadcast_in_dim3A_819 : i32 to vector<16xi32>
    %lt3A_821 = arith.constant 0 : i32
    %lt3A_822 = vector.broadcast %lt3A_821 : i32 to vector<16xi32>
    %lt3A_823 = arith.cmpi slt, %broadcast_in_dim3A_820, %lt3A_822 : vector<16xi32>
    %add3A_824 = arith.constant 16 : i32
    %add3A_825 = vector.broadcast %add3A_824 : i32 to vector<16xi32>
    %add3A_826 = arith.addi %broadcast_in_dim3A_820, %add3A_825 : vector<16xi32>
    %select_n3A_827 = arith.select %lt3A_823, %add3A_826, %broadcast_in_dim3A_820 : vector<16xi1>, vector<16xi32>
    %broadcast_in_dim3A_828 = vector.shape_cast %select_n3A_827 : vector<16xi32> to vector<16x1xi32>
    %gather3A_829 = vector.shape_cast %broadcast_in_dim3A_828 : vector<16x1xi32> to vector<16xi32>
    %gather3A_830 = tpu.dynamic_gather %get3A_19[%gather3A_829] in [0] : vector<16xi32>, vector<16xi32> -> vector<16xi32>
    %convert_element_type3A = arith.sitofp %gather3A_830 : vector<16xi32> to vector<16xf32>
    %div3A = arith.constant 1.000000e+00 : f32
    %div3A_831 = vector.broadcast %div3A : f32 to vector<16xf32>
    %div3A_832 = arith.divf %div3A_831, %convert_element_type3A : vector<16xf32>
    %eq3A_833 = arith.constant 0 : i32
    %eq3A_834 = vector.broadcast %eq3A_833 : i32 to vector<16xi32>
    %eq3A_835 = arith.cmpi eq, %iota3A, %eq3A_834 : vector<16xi32>
    %select_n3A_836 = arith.select %eq3A_835, %add3A_817, %broadcast_in_dim3A_11 : vector<16xi1>, vector<16xf32>
    %select_n3A_837 = arith.select %eq3A_835, %mul3A_818, %broadcast_in_dim3A_13 : vector<16xi1>, vector<16xf32>
    %select_n3A_838 = arith.select %eq3A_835, %div3A_832, %broadcast_in_dim3A_15 : vector<16xi1>, vector<16xf32>
    %get3A_839 = arith.constant 1 : i32
    %get3A_840 = arith.index_cast %get3A_839 : i32 to index
    %get3A_841 = arith.constant 0 : index
    %get3A_842 = tpu.vector_load %arg7[%get3A_840, %get3A_841] {strides = array<i32>} : memref<4x128xi32, #tpu.memory_space<vmem>>, vector<1x16xi32>,
    %get3A_843 = vector.shape_cast %get3A_842 : vector<1x16xi32> to vector<16xi32>
    %get3A_844 = arith.constant 128 : index
    %get3A_845 = tpu.vector_load %arg8[%get3A_844] {strides = array<i32>} : memref<512xf32, #tpu.memory_space<vmem>>, vector<16xf32>,
    %get3A_846 = vector.shape_cast %get3A_845 : vector<16xf32> to vector<16xf32>
    %get3A_847 = arith.constant 144 : index
    %get3A_848 = tpu.vector_load %arg8[%get3A_847] {strides = array<i32>} : memref<512xf32, #tpu.memory_space<vmem>>, vector<16xf32>,
    %get3A_849 = vector.shape_cast %get3A_848 : vector<16xf32> to vector<16xf32>
    %get3A_850 = arith.constant 160 : index
    %get3A_851 = tpu.vector_load %arg8[%get3A_850] {strides = array<i32>} : memref<512xf32, #tpu.memory_space<vmem>>, vector<16xf32>,
    %get3A_852 = vector.shape_cast %get3A_851 : vector<16xf32> to vector<16xf32>
    %get3A_853 = arith.constant 176 : index
    %get3A_854 = tpu.vector_load %arg8[%get3A_853] {strides = array<i32>} : memref<512xf32, #tpu.memory_space<vmem>>, vector<16xf32>,
    %get3A_855 = vector.shape_cast %get3A_854 : vector<16xf32> to vector<16xf32>
    %get3A_856 = arith.constant 192 : index
    %get3A_857 = tpu.vector_load %arg8[%get3A_856] {strides = array<i32>} : memref<512xf32, #tpu.memory_space<vmem>>, vector<16xf32>,
    %get3A_858 = vector.shape_cast %get3A_857 : vector<16xf32> to vector<16xf32>
    %get3A_859 = arith.constant 208 : index
    %get3A_860 = tpu.vector_load %arg8[%get3A_859] {strides = array<i32>} : memref<512xf32, #tpu.memory_space<vmem>>, vector<16xf32>,
    %get3A_861 = vector.shape_cast %get3A_860 : vector<16xf32> to vector<16xf32>
    %broadcast_in_dim3A_862 = arith.constant 0.000000e+00 : f32
    %broadcast_in_dim3A_863 = vector.broadcast %broadcast_in_dim3A_862 : f32 to vector<16xf32>
    %broadcast_in_dim3A_864 = arith.constant 1.000000e+00 : f32
    %broadcast_in_dim3A_865 = vector.broadcast %broadcast_in_dim3A_864 : f32 to vector<16xf32>
    %broadcast_in_dim3A_866 = arith.constant 0 : i32
    %broadcast_in_dim3A_867 = vector.broadcast %broadcast_in_dim3A_866 : i32 to vector<16xi32>
    %lt3A_868 = arith.constant 0 : i32
    %lt3A_869 = vector.broadcast %lt3A_868 : i32 to vector<16xi32>
    %lt3A_870 = arith.cmpi slt, %broadcast_in_dim3A_867, %lt3A_869 : vector<16xi32>
    %add3A_871 = arith.constant 16 : i32
    %add3A_872 = vector.broadcast %add3A_871 : i32 to vector<16xi32>
    %add3A_873 = arith.addi %broadcast_in_dim3A_867, %add3A_872 : vector<16xi32>
    %select_n3A_874 = arith.select %lt3A_870, %add3A_873, %broadcast_in_dim3A_867 : vector<16xi1>, vector<16xi32>
    %broadcast_in_dim3A_875 = vector.shape_cast %select_n3A_874 : vector<16xi32> to vector<16x1xi32>
    %gather3A_876 = vector.shape_cast %broadcast_in_dim3A_875 : vector<16x1xi32> to vector<16xi32>
    %gather3A_877 = tpu.dynamic_gather %get3A_843[%gather3A_876] in [0] : vector<16xi32>, vector<16xi32> -> vector<16xi32>
    %broadcast_in_dim3A_878 = arith.constant 1 : i32
    %broadcast_in_dim3A_879 = vector.broadcast %broadcast_in_dim3A_878 : i32 to vector<16xi32>
    %lt3A_880 = arith.constant 0 : i32
    %lt3A_881 = vector.broadcast %lt3A_880 : i32 to vector<16xi32>
    %lt3A_882 = arith.cmpi slt, %broadcast_in_dim3A_879, %lt3A_881 : vector<16xi32>
    %add3A_883 = arith.constant 16 : i32
    %add3A_884 = vector.broadcast %add3A_883 : i32 to vector<16xi32>
    %add3A_885 = arith.addi %broadcast_in_dim3A_879, %add3A_884 : vector<16xi32>
    %select_n3A_886 = arith.select %lt3A_882, %add3A_885, %broadcast_in_dim3A_879 : vector<16xi1>, vector<16xi32>
    %broadcast_in_dim3A_887 = vector.shape_cast %select_n3A_886 : vector<16xi32> to vector<16x1xi32>
    %gather3A_888 = vector.shape_cast %broadcast_in_dim3A_887 : vector<16x1xi32> to vector<16xi32>
    %gather3A_889 = tpu.dynamic_gather %get3A_843[%gather3A_888] in [0] : vector<16xi32>, vector<16xi32> -> vector<16xi32>
    %broadcast_in_dim3A_890 = arith.constant 2 : i32
    %broadcast_in_dim3A_891 = vector.broadcast %broadcast_in_dim3A_890 : i32 to vector<16xi32>
    %lt3A_892 = arith.constant 0 : i32
    %lt3A_893 = vector.broadcast %lt3A_892 : i32 to vector<16xi32>
    %lt3A_894 = arith.cmpi slt, %broadcast_in_dim3A_891, %lt3A_893 : vector<16xi32>
    %add3A_895 = arith.constant 16 : i32
    %add3A_896 = vector.broadcast %add3A_895 : i32 to vector<16xi32>
    %add3A_897 = arith.addi %broadcast_in_dim3A_891, %add3A_896 : vector<16xi32>
    %select_n3A_898 = arith.select %lt3A_894, %add3A_897, %broadcast_in_dim3A_891 : vector<16xi1>, vector<16xi32>
    %broadcast_in_dim3A_899 = vector.shape_cast %select_n3A_898 : vector<16xi32> to vector<16x1xi32>
    %gather3A_900 = vector.shape_cast %broadcast_in_dim3A_899 : vector<16x1xi32> to vector<16xi32>
    %gather3A_901 = tpu.dynamic_gather %get3A_843[%gather3A_900] in [0] : vector<16xi32>, vector<16xi32> -> vector<16xi32>
    %add3A_902 = arith.addi %gather3A_877, %iota3A : vector<16xi32>
    %shift_right_arithmetic3A_903 = arith.constant 4 : i32
    %shift_right_arithmetic3A_904 = vector.broadcast %shift_right_arithmetic3A_903 : i32 to vector<16xi32>
    %shift_right_arithmetic3A_905 = arith.shrsi %add3A_902, %shift_right_arithmetic3A_904 : vector<16xi32>
    %and3A_906 = arith.constant 15 : i32
    %and3A_907 = vector.broadcast %and3A_906 : i32 to vector<16xi32>
    %and3A_908 = arith.andi %add3A_902, %and3A_907 : vector<16xi32>
    %broadcast_in_dim3A_909 = arith.constant 0.000000e+00 : f32
    %broadcast_in_dim3A_910 = vector.broadcast %broadcast_in_dim3A_909 : f32 to vector<16xf32>
    %lt3A_911 = arith.constant 0 : i32
    %lt3A_912 = vector.broadcast %lt3A_911 : i32 to vector<16xi32>
    %lt3A_913 = arith.cmpi slt, %and3A_908, %lt3A_912 : vector<16xi32>
    %add3A_914 = arith.constant 16 : i32
    %add3A_915 = vector.broadcast %add3A_914 : i32 to vector<16xi32>
    %add3A_916 = arith.addi %and3A_908, %add3A_915 : vector<16xi32>
    %select_n3A_917 = arith.select %lt3A_913, %add3A_916, %and3A_908 : vector<16xi1>, vector<16xi32>
    %broadcast_in_dim3A_918 = vector.shape_cast %select_n3A_917 : vector<16xi32> to vector<16x1xi32>
    %gather3A_919 = vector.shape_cast %broadcast_in_dim3A_918 : vector<16x1xi32> to vector<16xi32>
    %gather3A_920 = tpu.dynamic_gather %get3A_846[%gather3A_919] in [0] : vector<16xf32>, vector<16xi32> -> vector<16xf32>
    %eq3A_921 = arith.constant 0 : i32
    %eq3A_922 = vector.broadcast %eq3A_921 : i32 to vector<16xi32>
    %eq3A_923 = arith.cmpi eq, %shift_right_arithmetic3A_905, %eq3A_922 : vector<16xi32>
    %select_n3A_924 = arith.select %eq3A_923, %gather3A_920, %broadcast_in_dim3A_910 : vector<16xi1>, vector<16xf32>
    %lt3A_925 = arith.constant 0 : i32
    %lt3A_926 = vector.broadcast %lt3A_925 : i32 to vector<16xi32>
    %lt3A_927 = arith.cmpi slt, %and3A_908, %lt3A_926 : vector<16xi32>
    %add3A_928 = arith.constant 16 : i32
    %add3A_929 = vector.broadcast %add3A_928 : i32 to vector<16xi32>
    %add3A_930 = arith.addi %and3A_908, %add3A_929 : vector<16xi32>
    %select_n3A_931 = arith.select %lt3A_927, %add3A_930, %and3A_908 : vector<16xi1>, vector<16xi32>
    %broadcast_in_dim3A_932 = vector.shape_cast %select_n3A_931 : vector<16xi32> to vector<16x1xi32>
    %gather3A_933 = vector.shape_cast %broadcast_in_dim3A_932 : vector<16x1xi32> to vector<16xi32>
    %gather3A_934 = tpu.dynamic_gather %get3A_849[%gather3A_933] in [0] : vector<16xf32>, vector<16xi32> -> vector<16xf32>
    %eq3A_935 = arith.constant 1 : i32
    %eq3A_936 = vector.broadcast %eq3A_935 : i32 to vector<16xi32>
    %eq3A_937 = arith.cmpi eq, %shift_right_arithmetic3A_905, %eq3A_936 : vector<16xi32>
    %select_n3A_938 = arith.select %eq3A_937, %gather3A_934, %select_n3A_924 : vector<16xi1>, vector<16xf32>
    %lt3A_939 = arith.constant 0 : i32
    %lt3A_940 = vector.broadcast %lt3A_939 : i32 to vector<16xi32>
    %lt3A_941 = arith.cmpi slt, %and3A_908, %lt3A_940 : vector<16xi32>
    %add3A_942 = arith.constant 16 : i32
    %add3A_943 = vector.broadcast %add3A_942 : i32 to vector<16xi32>
    %add3A_944 = arith.addi %and3A_908, %add3A_943 : vector<16xi32>
    %select_n3A_945 = arith.select %lt3A_941, %add3A_944, %and3A_908 : vector<16xi1>, vector<16xi32>
    %broadcast_in_dim3A_946 = vector.shape_cast %select_n3A_945 : vector<16xi32> to vector<16x1xi32>
    %gather3A_947 = vector.shape_cast %broadcast_in_dim3A_946 : vector<16x1xi32> to vector<16xi32>
    %gather3A_948 = tpu.dynamic_gather %get3A_852[%gather3A_947] in [0] : vector<16xf32>, vector<16xi32> -> vector<16xf32>
    %eq3A_949 = arith.constant 2 : i32
    %eq3A_950 = vector.broadcast %eq3A_949 : i32 to vector<16xi32>
    %eq3A_951 = arith.cmpi eq, %shift_right_arithmetic3A_905, %eq3A_950 : vector<16xi32>
    %select_n3A_952 = arith.select %eq3A_951, %gather3A_948, %select_n3A_938 : vector<16xi1>, vector<16xf32>
    %lt3A_953 = arith.constant 0 : i32
    %lt3A_954 = vector.broadcast %lt3A_953 : i32 to vector<16xi32>
    %lt3A_955 = arith.cmpi slt, %and3A_908, %lt3A_954 : vector<16xi32>
    %add3A_956 = arith.constant 16 : i32
    %add3A_957 = vector.broadcast %add3A_956 : i32 to vector<16xi32>
    %add3A_958 = arith.addi %and3A_908, %add3A_957 : vector<16xi32>
    %select_n3A_959 = arith.select %lt3A_955, %add3A_958, %and3A_908 : vector<16xi1>, vector<16xi32>
    %broadcast_in_dim3A_960 = vector.shape_cast %select_n3A_959 : vector<16xi32> to vector<16x1xi32>
    %gather3A_961 = vector.shape_cast %broadcast_in_dim3A_960 : vector<16x1xi32> to vector<16xi32>
    %gather3A_962 = tpu.dynamic_gather %get3A_855[%gather3A_961] in [0] : vector<16xf32>, vector<16xi32> -> vector<16xf32>
    %eq3A_963 = arith.constant 3 : i32
    %eq3A_964 = vector.broadcast %eq3A_963 : i32 to vector<16xi32>
    %eq3A_965 = arith.cmpi eq, %shift_right_arithmetic3A_905, %eq3A_964 : vector<16xi32>
    %select_n3A_966 = arith.select %eq3A_965, %gather3A_962, %select_n3A_952 : vector<16xi1>, vector<16xf32>
    %lt3A_967 = arith.constant 0 : i32
    %lt3A_968 = vector.broadcast %lt3A_967 : i32 to vector<16xi32>
    %lt3A_969 = arith.cmpi slt, %and3A_908, %lt3A_968 : vector<16xi32>
    %add3A_970 = arith.constant 16 : i32
    %add3A_971 = vector.broadcast %add3A_970 : i32 to vector<16xi32>
    %add3A_972 = arith.addi %and3A_908, %add3A_971 : vector<16xi32>
    %select_n3A_973 = arith.select %lt3A_969, %add3A_972, %and3A_908 : vector<16xi1>, vector<16xi32>
    %broadcast_in_dim3A_974 = vector.shape_cast %select_n3A_973 : vector<16xi32> to vector<16x1xi32>
    %gather3A_975 = vector.shape_cast %broadcast_in_dim3A_974 : vector<16x1xi32> to vector<16xi32>
    %gather3A_976 = tpu.dynamic_gather %get3A_858[%gather3A_975] in [0] : vector<16xf32>, vector<16xi32> -> vector<16xf32>
    %eq3A_977 = arith.constant 4 : i32
    %eq3A_978 = vector.broadcast %eq3A_977 : i32 to vector<16xi32>
    %eq3A_979 = arith.cmpi eq, %shift_right_arithmetic3A_905, %eq3A_978 : vector<16xi32>
    %select_n3A_980 = arith.select %eq3A_979, %gather3A_976, %select_n3A_966 : vector<16xi1>, vector<16xf32>
    %lt3A_981 = arith.constant 0 : i32
    %lt3A_982 = vector.broadcast %lt3A_981 : i32 to vector<16xi32>
    %lt3A_983 = arith.cmpi slt, %and3A_908, %lt3A_982 : vector<16xi32>
    %add3A_984 = arith.constant 16 : i32
    %add3A_985 = vector.broadcast %add3A_984 : i32 to vector<16xi32>
    %add3A_986 = arith.addi %and3A_908, %add3A_985 : vector<16xi32>
    %select_n3A_987 = arith.select %lt3A_983, %add3A_986, %and3A_908 : vector<16xi1>, vector<16xi32>
    %broadcast_in_dim3A_988 = vector.shape_cast %select_n3A_987 : vector<16xi32> to vector<16x1xi32>
    %gather3A_989 = vector.shape_cast %broadcast_in_dim3A_988 : vector<16x1xi32> to vector<16xi32>
    %gather3A_990 = tpu.dynamic_gather %get3A_861[%gather3A_989] in [0] : vector<16xf32>, vector<16xi32> -> vector<16xf32>
    %eq3A_991 = arith.constant 5 : i32
    %eq3A_992 = vector.broadcast %eq3A_991 : i32 to vector<16xi32>
    %eq3A_993 = arith.cmpi eq, %shift_right_arithmetic3A_905, %eq3A_992 : vector<16xi32>
    %select_n3A_994 = arith.select %eq3A_993, %gather3A_990, %select_n3A_980 : vector<16xi1>, vector<16xf32>
    %lt3A_995 = arith.cmpi slt, %iota3A, %gather3A_889 : vector<16xi32>
    %jit3A_996 = arith.constant -3.000000e+38 : f32
    %broadcast_in_dim3A_997 = vector.broadcast %jit3A_996 : f32 to vector<16xf32>
    %select_n3A_998 = arith.select %lt3A_995, %select_n3A_994, %broadcast_in_dim3A_997 : vector<16xi1>, vector<16xf32>
    %xor3A_999 = arith.constant 8 : i32
    %xor3A_1000 = vector.broadcast %xor3A_999 : i32 to vector<16xi32>
    %xor3A_1001 = arith.xori %iota3A, %xor3A_1000 : vector<16xi32>
    %lt3A_1002 = arith.constant 0 : i32
    %lt3A_1003 = vector.broadcast %lt3A_1002 : i32 to vector<16xi32>
    %lt3A_1004 = arith.cmpi slt, %xor3A_1001, %lt3A_1003 : vector<16xi32>
    %add3A_1005 = arith.constant 16 : i32
    %add3A_1006 = vector.broadcast %add3A_1005 : i32 to vector<16xi32>
    %add3A_1007 = arith.addi %xor3A_1001, %add3A_1006 : vector<16xi32>
    %select_n3A_1008 = arith.select %lt3A_1004, %add3A_1007, %xor3A_1001 : vector<16xi1>, vector<16xi32>
    %broadcast_in_dim3A_1009 = vector.shape_cast %select_n3A_1008 : vector<16xi32> to vector<16x1xi32>
    %gather3A_1010 = vector.shape_cast %broadcast_in_dim3A_1009 : vector<16x1xi32> to vector<16xi32>
    %gather3A_1011 = tpu.dynamic_gather %select_n3A_998[%gather3A_1010] in [0] : vector<16xf32>, vector<16xi32> -> vector<16xf32>
    %max3A_1012 = arith.maximumf %select_n3A_998, %gather3A_1011 : vector<16xf32>
    %xor3A_1013 = arith.constant 4 : i32
    %xor3A_1014 = vector.broadcast %xor3A_1013 : i32 to vector<16xi32>
    %xor3A_1015 = arith.xori %iota3A, %xor3A_1014 : vector<16xi32>
    %lt3A_1016 = arith.constant 0 : i32
    %lt3A_1017 = vector.broadcast %lt3A_1016 : i32 to vector<16xi32>
    %lt3A_1018 = arith.cmpi slt, %xor3A_1015, %lt3A_1017 : vector<16xi32>
    %add3A_1019 = arith.constant 16 : i32
    %add3A_1020 = vector.broadcast %add3A_1019 : i32 to vector<16xi32>
    %add3A_1021 = arith.addi %xor3A_1015, %add3A_1020 : vector<16xi32>
    %select_n3A_1022 = arith.select %lt3A_1018, %add3A_1021, %xor3A_1015 : vector<16xi1>, vector<16xi32>
    %broadcast_in_dim3A_1023 = vector.shape_cast %select_n3A_1022 : vector<16xi32> to vector<16x1xi32>
    %gather3A_1024 = vector.shape_cast %broadcast_in_dim3A_1023 : vector<16x1xi32> to vector<16xi32>
    %gather3A_1025 = tpu.dynamic_gather %max3A_1012[%gather3A_1024] in [0] : vector<16xf32>, vector<16xi32> -> vector<16xf32>
    %max3A_1026 = arith.maximumf %max3A_1012, %gather3A_1025 : vector<16xf32>
    %xor3A_1027 = arith.constant 2 : i32
    %xor3A_1028 = vector.broadcast %xor3A_1027 : i32 to vector<16xi32>
    %xor3A_1029 = arith.xori %iota3A, %xor3A_1028 : vector<16xi32>
    %lt3A_1030 = arith.constant 0 : i32
    %lt3A_1031 = vector.broadcast %lt3A_1030 : i32 to vector<16xi32>
    %lt3A_1032 = arith.cmpi slt, %xor3A_1029, %lt3A_1031 : vector<16xi32>
    %add3A_1033 = arith.constant 16 : i32
    %add3A_1034 = vector.broadcast %add3A_1033 : i32 to vector<16xi32>
    %add3A_1035 = arith.addi %xor3A_1029, %add3A_1034 : vector<16xi32>
    %select_n3A_1036 = arith.select %lt3A_1032, %add3A_1035, %xor3A_1029 : vector<16xi1>, vector<16xi32>
    %broadcast_in_dim3A_1037 = vector.shape_cast %select_n3A_1036 : vector<16xi32> to vector<16x1xi32>
    %gather3A_1038 = vector.shape_cast %broadcast_in_dim3A_1037 : vector<16x1xi32> to vector<16xi32>
    %gather3A_1039 = tpu.dynamic_gather %max3A_1026[%gather3A_1038] in [0] : vector<16xf32>, vector<16xi32> -> vector<16xf32>
    %max3A_1040 = arith.maximumf %max3A_1026, %gather3A_1039 : vector<16xf32>
    %xor3A_1041 = arith.constant 1 : i32
    %xor3A_1042 = vector.broadcast %xor3A_1041 : i32 to vector<16xi32>
    %xor3A_1043 = arith.xori %iota3A, %xor3A_1042 : vector<16xi32>
    %lt3A_1044 = arith.constant 0 : i32
    %lt3A_1045 = vector.broadcast %lt3A_1044 : i32 to vector<16xi32>
    %lt3A_1046 = arith.cmpi slt, %xor3A_1043, %lt3A_1045 : vector<16xi32>
    %add3A_1047 = arith.constant 16 : i32
    %add3A_1048 = vector.broadcast %add3A_1047 : i32 to vector<16xi32>
    %add3A_1049 = arith.addi %xor3A_1043, %add3A_1048 : vector<16xi32>
    %select_n3A_1050 = arith.select %lt3A_1046, %add3A_1049, %xor3A_1043 : vector<16xi1>, vector<16xi32>
    %broadcast_in_dim3A_1051 = vector.shape_cast %select_n3A_1050 : vector<16xi32> to vector<16x1xi32>
    %gather3A_1052 = vector.shape_cast %broadcast_in_dim3A_1051 : vector<16x1xi32> to vector<16xi32>
    %gather3A_1053 = tpu.dynamic_gather %max3A_1040[%gather3A_1052] in [0] : vector<16xf32>, vector<16xi32> -> vector<16xf32>
    %max3A_1054 = arith.maximumf %max3A_1040, %gather3A_1053 : vector<16xf32>
    %sub3A_1055 = arith.subf %select_n3A_994, %max3A_1054 : vector<16xf32>
    %exp3A_1056 = math.exp %sub3A_1055 : vector<16xf32>
    %jit3A_1057 = arith.constant 0.000000e+00 : f32
    %broadcast_in_dim3A_1058 = vector.broadcast %jit3A_1057 : f32 to vector<16xf32>
    %select_n3A_1059 = arith.select %lt3A_995, %exp3A_1056, %broadcast_in_dim3A_1058 : vector<16xi1>, vector<16xf32>
    %xor3A_1060 = arith.constant 8 : i32
    %xor3A_1061 = vector.broadcast %xor3A_1060 : i32 to vector<16xi32>
    %xor3A_1062 = arith.xori %iota3A, %xor3A_1061 : vector<16xi32>
    %lt3A_1063 = arith.constant 0 : i32
    %lt3A_1064 = vector.broadcast %lt3A_1063 : i32 to vector<16xi32>
    %lt3A_1065 = arith.cmpi slt, %xor3A_1062, %lt3A_1064 : vector<16xi32>
    %add3A_1066 = arith.constant 16 : i32
    %add3A_1067 = vector.broadcast %add3A_1066 : i32 to vector<16xi32>
    %add3A_1068 = arith.addi %xor3A_1062, %add3A_1067 : vector<16xi32>
    %select_n3A_1069 = arith.select %lt3A_1065, %add3A_1068, %xor3A_1062 : vector<16xi1>, vector<16xi32>
    %broadcast_in_dim3A_1070 = vector.shape_cast %select_n3A_1069 : vector<16xi32> to vector<16x1xi32>
    %gather3A_1071 = vector.shape_cast %broadcast_in_dim3A_1070 : vector<16x1xi32> to vector<16xi32>
    %gather3A_1072 = tpu.dynamic_gather %select_n3A_1059[%gather3A_1071] in [0] : vector<16xf32>, vector<16xi32> -> vector<16xf32>
    %add3A_1073 = arith.addf %select_n3A_1059, %gather3A_1072 : vector<16xf32>
    %xor3A_1074 = arith.constant 4 : i32
    %xor3A_1075 = vector.broadcast %xor3A_1074 : i32 to vector<16xi32>
    %xor3A_1076 = arith.xori %iota3A, %xor3A_1075 : vector<16xi32>
    %lt3A_1077 = arith.constant 0 : i32
    %lt3A_1078 = vector.broadcast %lt3A_1077 : i32 to vector<16xi32>
    %lt3A_1079 = arith.cmpi slt, %xor3A_1076, %lt3A_1078 : vector<16xi32>
    %add3A_1080 = arith.constant 16 : i32
    %add3A_1081 = vector.broadcast %add3A_1080 : i32 to vector<16xi32>
    %add3A_1082 = arith.addi %xor3A_1076, %add3A_1081 : vector<16xi32>
    %select_n3A_1083 = arith.select %lt3A_1079, %add3A_1082, %xor3A_1076 : vector<16xi1>, vector<16xi32>
    %broadcast_in_dim3A_1084 = vector.shape_cast %select_n3A_1083 : vector<16xi32> to vector<16x1xi32>
    %gather3A_1085 = vector.shape_cast %broadcast_in_dim3A_1084 : vector<16x1xi32> to vector<16xi32>
    %gather3A_1086 = tpu.dynamic_gather %add3A_1073[%gather3A_1085] in [0] : vector<16xf32>, vector<16xi32> -> vector<16xf32>
    %add3A_1087 = arith.addf %add3A_1073, %gather3A_1086 : vector<16xf32>
    %xor3A_1088 = arith.constant 2 : i32
    %xor3A_1089 = vector.broadcast %xor3A_1088 : i32 to vector<16xi32>
    %xor3A_1090 = arith.xori %iota3A, %xor3A_1089 : vector<16xi32>
    %lt3A_1091 = arith.constant 0 : i32
    %lt3A_1092 = vector.broadcast %lt3A_1091 : i32 to vector<16xi32>
    %lt3A_1093 = arith.cmpi slt, %xor3A_1090, %lt3A_1092 : vector<16xi32>
    %add3A_1094 = arith.constant 16 : i32
    %add3A_1095 = vector.broadcast %add3A_1094 : i32 to vector<16xi32>
    %add3A_1096 = arith.addi %xor3A_1090, %add3A_1095 : vector<16xi32>
    %select_n3A_1097 = arith.select %lt3A_1093, %add3A_1096, %xor3A_1090 : vector<16xi1>, vector<16xi32>
    %broadcast_in_dim3A_1098 = vector.shape_cast %select_n3A_1097 : vector<16xi32> to vector<16x1xi32>
    %gather3A_1099 = vector.shape_cast %broadcast_in_dim3A_1098 : vector<16x1xi32> to vector<16xi32>
    %gather3A_1100 = tpu.dynamic_gather %add3A_1087[%gather3A_1099] in [0] : vector<16xf32>, vector<16xi32> -> vector<16xf32>
    %add3A_1101 = arith.addf %add3A_1087, %gather3A_1100 : vector<16xf32>
    %xor3A_1102 = arith.constant 1 : i32
    %xor3A_1103 = vector.broadcast %xor3A_1102 : i32 to vector<16xi32>
    %xor3A_1104 = arith.xori %iota3A, %xor3A_1103 : vector<16xi32>
    %lt3A_1105 = arith.constant 0 : i32
    %lt3A_1106 = vector.broadcast %lt3A_1105 : i32 to vector<16xi32>
    %lt3A_1107 = arith.cmpi slt, %xor3A_1104, %lt3A_1106 : vector<16xi32>
    %add3A_1108 = arith.constant 16 : i32
    %add3A_1109 = vector.broadcast %add3A_1108 : i32 to vector<16xi32>
    %add3A_1110 = arith.addi %xor3A_1104, %add3A_1109 : vector<16xi32>
    %select_n3A_1111 = arith.select %lt3A_1107, %add3A_1110, %xor3A_1104 : vector<16xi1>, vector<16xi32>
    %broadcast_in_dim3A_1112 = vector.shape_cast %select_n3A_1111 : vector<16xi32> to vector<16x1xi32>
    %gather3A_1113 = vector.shape_cast %broadcast_in_dim3A_1112 : vector<16x1xi32> to vector<16xi32>
    %gather3A_1114 = tpu.dynamic_gather %add3A_1101[%gather3A_1113] in [0] : vector<16xf32>, vector<16xi32> -> vector<16xf32>
    %add3A_1115 = arith.addf %add3A_1101, %gather3A_1114 : vector<16xf32>
    %lt3A_1116 = arith.constant 0 : i32
    %lt3A_1117 = vector.broadcast %lt3A_1116 : i32 to vector<16xi32>
    %lt3A_1118 = arith.cmpi slt, %gather3A_901, %lt3A_1117 : vector<16xi32>
    %add3A_1119 = arith.constant 16 : i32
    %add3A_1120 = vector.broadcast %add3A_1119 : i32 to vector<16xi32>
    %add3A_1121 = arith.addi %gather3A_901, %add3A_1120 : vector<16xi32>
    %select_n3A_1122 = arith.select %lt3A_1118, %add3A_1121, %gather3A_901 : vector<16xi1>, vector<16xi32>
    %broadcast_in_dim3A_1123 = vector.shape_cast %select_n3A_1122 : vector<16xi32> to vector<16x1xi32>
    %gather3A_1124 = vector.shape_cast %broadcast_in_dim3A_1123 : vector<16x1xi32> to vector<16xi32>
    %gather3A_1125 = tpu.dynamic_gather %select_n3A_994[%gather3A_1124] in [0] : vector<16xf32>, vector<16xi32> -> vector<16xf32>
    %sub3A_1126 = arith.subf %max3A_1054, %gather3A_1125 : vector<16xf32>
    %add3A_1127 = arith.addf %broadcast_in_dim3A_863, %sub3A_1126 : vector<16xf32>
    %mul3A_1128 = arith.mulf %broadcast_in_dim3A_865, %add3A_1115 : vector<16xf32>
    %broadcast_in_dim3A_1129 = arith.constant 3 : i32
    %broadcast_in_dim3A_1130 = vector.broadcast %broadcast_in_dim3A_1129 : i32 to vector<16xi32>
    %lt3A_1131 = arith.constant 0 : i32
    %lt3A_1132 = vector.broadcast %lt3A_1131 : i32 to vector<16xi32>
    %lt3A_1133 = arith.cmpi slt, %broadcast_in_dim3A_1130, %lt3A_1132 : vector<16xi32>
    %add3A_1134 = arith.constant 16 : i32
    %add3A_1135 = vector.broadcast %add3A_1134 : i32 to vector<16xi32>
    %add3A_1136 = arith.addi %broadcast_in_dim3A_1130, %add3A_1135 : vector<16xi32>
    %select_n3A_1137 = arith.select %lt3A_1133, %add3A_1136, %broadcast_in_dim3A_1130 : vector<16xi1>, vector<16xi32>
    %broadcast_in_dim3A_1138 = vector.shape_cast %select_n3A_1137 : vector<16xi32> to vector<16x1xi32>
    %gather3A_1139 = vector.shape_cast %broadcast_in_dim3A_1138 : vector<16x1xi32> to vector<16xi32>
    %gather3A_1140 = tpu.dynamic_gather %get3A_843[%gather3A_1139] in [0] : vector<16xi32>, vector<16xi32> -> vector<16xi32>
    %broadcast_in_dim3A_1141 = arith.constant 4 : i32
    %broadcast_in_dim3A_1142 = vector.broadcast %broadcast_in_dim3A_1141 : i32 to vector<16xi32>
    %lt3A_1143 = arith.constant 0 : i32
    %lt3A_1144 = vector.broadcast %lt3A_1143 : i32 to vector<16xi32>
    %lt3A_1145 = arith.cmpi slt, %broadcast_in_dim3A_1142, %lt3A_1144 : vector<16xi32>
    %add3A_1146 = arith.constant 16 : i32
    %add3A_1147 = vector.broadcast %add3A_1146 : i32 to vector<16xi32>
    %add3A_1148 = arith.addi %broadcast_in_dim3A_1142, %add3A_1147 : vector<16xi32>
    %select_n3A_1149 = arith.select %lt3A_1145, %add3A_1148, %broadcast_in_dim3A_1142 : vector<16xi1>, vector<16xi32>
    %broadcast_in_dim3A_1150 = vector.shape_cast %select_n3A_1149 : vector<16xi32> to vector<16x1xi32>
    %gather3A_1151 = vector.shape_cast %broadcast_in_dim3A_1150 : vector<16x1xi32> to vector<16xi32>
    %gather3A_1152 = tpu.dynamic_gather %get3A_843[%gather3A_1151] in [0] : vector<16xi32>, vector<16xi32> -> vector<16xi32>
    %broadcast_in_dim3A_1153 = arith.constant 5 : i32
    %broadcast_in_dim3A_1154 = vector.broadcast %broadcast_in_dim3A_1153 : i32 to vector<16xi32>
    %lt3A_1155 = arith.constant 0 : i32
    %lt3A_1156 = vector.broadcast %lt3A_1155 : i32 to vector<16xi32>
    %lt3A_1157 = arith.cmpi slt, %broadcast_in_dim3A_1154, %lt3A_1156 : vector<16xi32>
    %add3A_1158 = arith.constant 16 : i32
    %add3A_1159 = vector.broadcast %add3A_1158 : i32 to vector<16xi32>
    %add3A_1160 = arith.addi %broadcast_in_dim3A_1154, %add3A_1159 : vector<16xi32>
    %select_n3A_1161 = arith.select %lt3A_1157, %add3A_1160, %broadcast_in_dim3A_1154 : vector<16xi1>, vector<16xi32>
    %broadcast_in_dim3A_1162 = vector.shape_cast %select_n3A_1161 : vector<16xi32> to vector<16x1xi32>
    %gather3A_1163 = vector.shape_cast %broadcast_in_dim3A_1162 : vector<16x1xi32> to vector<16xi32>
    %gather3A_1164 = tpu.dynamic_gather %get3A_843[%gather3A_1163] in [0] : vector<16xi32>, vector<16xi32> -> vector<16xi32>
    %add3A_1165 = arith.addi %gather3A_1140, %iota3A : vector<16xi32>
    %shift_right_arithmetic3A_1166 = arith.constant 4 : i32
    %shift_right_arithmetic3A_1167 = vector.broadcast %shift_right_arithmetic3A_1166 : i32 to vector<16xi32>
    %shift_right_arithmetic3A_1168 = arith.shrsi %add3A_1165, %shift_right_arithmetic3A_1167 : vector<16xi32>
    %and3A_1169 = arith.constant 15 : i32
    %and3A_1170 = vector.broadcast %and3A_1169 : i32 to vector<16xi32>
    %and3A_1171 = arith.andi %add3A_1165, %and3A_1170 : vector<16xi32>
    %broadcast_in_dim3A_1172 = arith.constant 0.000000e+00 : f32
    %broadcast_in_dim3A_1173 = vector.broadcast %broadcast_in_dim3A_1172 : f32 to vector<16xf32>
    %lt3A_1174 = arith.constant 0 : i32
    %lt3A_1175 = vector.broadcast %lt3A_1174 : i32 to vector<16xi32>
    %lt3A_1176 = arith.cmpi slt, %and3A_1171, %lt3A_1175 : vector<16xi32>
    %add3A_1177 = arith.constant 16 : i32
    %add3A_1178 = vector.broadcast %add3A_1177 : i32 to vector<16xi32>
    %add3A_1179 = arith.addi %and3A_1171, %add3A_1178 : vector<16xi32>
    %select_n3A_1180 = arith.select %lt3A_1176, %add3A_1179, %and3A_1171 : vector<16xi1>, vector<16xi32>
    %broadcast_in_dim3A_1181 = vector.shape_cast %select_n3A_1180 : vector<16xi32> to vector<16x1xi32>
    %gather3A_1182 = vector.shape_cast %broadcast_in_dim3A_1181 : vector<16x1xi32> to vector<16xi32>
    %gather3A_1183 = tpu.dynamic_gather %get3A_846[%gather3A_1182] in [0] : vector<16xf32>, vector<16xi32> -> vector<16xf32>
    %eq3A_1184 = arith.constant 0 : i32
    %eq3A_1185 = vector.broadcast %eq3A_1184 : i32 to vector<16xi32>
    %eq3A_1186 = arith.cmpi eq, %shift_right_arithmetic3A_1168, %eq3A_1185 : vector<16xi32>
    %select_n3A_1187 = arith.select %eq3A_1186, %gather3A_1183, %broadcast_in_dim3A_1173 : vector<16xi1>, vector<16xf32>
    %lt3A_1188 = arith.constant 0 : i32
    %lt3A_1189 = vector.broadcast %lt3A_1188 : i32 to vector<16xi32>
    %lt3A_1190 = arith.cmpi slt, %and3A_1171, %lt3A_1189 : vector<16xi32>
    %add3A_1191 = arith.constant 16 : i32
    %add3A_1192 = vector.broadcast %add3A_1191 : i32 to vector<16xi32>
    %add3A_1193 = arith.addi %and3A_1171, %add3A_1192 : vector<16xi32>
    %select_n3A_1194 = arith.select %lt3A_1190, %add3A_1193, %and3A_1171 : vector<16xi1>, vector<16xi32>
    %broadcast_in_dim3A_1195 = vector.shape_cast %select_n3A_1194 : vector<16xi32> to vector<16x1xi32>
    %gather3A_1196 = vector.shape_cast %broadcast_in_dim3A_1195 : vector<16x1xi32> to vector<16xi32>
    %gather3A_1197 = tpu.dynamic_gather %get3A_849[%gather3A_1196] in [0] : vector<16xf32>, vector<16xi32> -> vector<16xf32>
    %eq3A_1198 = arith.constant 1 : i32
    %eq3A_1199 = vector.broadcast %eq3A_1198 : i32 to vector<16xi32>
    %eq3A_1200 = arith.cmpi eq, %shift_right_arithmetic3A_1168, %eq3A_1199 : vector<16xi32>
    %select_n3A_1201 = arith.select %eq3A_1200, %gather3A_1197, %select_n3A_1187 : vector<16xi1>, vector<16xf32>
    %lt3A_1202 = arith.constant 0 : i32
    %lt3A_1203 = vector.broadcast %lt3A_1202 : i32 to vector<16xi32>
    %lt3A_1204 = arith.cmpi slt, %and3A_1171, %lt3A_1203 : vector<16xi32>
    %add3A_1205 = arith.constant 16 : i32
    %add3A_1206 = vector.broadcast %add3A_1205 : i32 to vector<16xi32>
    %add3A_1207 = arith.addi %and3A_1171, %add3A_1206 : vector<16xi32>
    %select_n3A_1208 = arith.select %lt3A_1204, %add3A_1207, %and3A_1171 : vector<16xi1>, vector<16xi32>
    %broadcast_in_dim3A_1209 = vector.shape_cast %select_n3A_1208 : vector<16xi32> to vector<16x1xi32>
    %gather3A_1210 = vector.shape_cast %broadcast_in_dim3A_1209 : vector<16x1xi32> to vector<16xi32>
    %gather3A_1211 = tpu.dynamic_gather %get3A_852[%gather3A_1210] in [0] : vector<16xf32>, vector<16xi32> -> vector<16xf32>
    %eq3A_1212 = arith.constant 2 : i32
    %eq3A_1213 = vector.broadcast %eq3A_1212 : i32 to vector<16xi32>
    %eq3A_1214 = arith.cmpi eq, %shift_right_arithmetic3A_1168, %eq3A_1213 : vector<16xi32>
    %select_n3A_1215 = arith.select %eq3A_1214, %gather3A_1211, %select_n3A_1201 : vector<16xi1>, vector<16xf32>
    %lt3A_1216 = arith.constant 0 : i32
    %lt3A_1217 = vector.broadcast %lt3A_1216 : i32 to vector<16xi32>
    %lt3A_1218 = arith.cmpi slt, %and3A_1171, %lt3A_1217 : vector<16xi32>
    %add3A_1219 = arith.constant 16 : i32
    %add3A_1220 = vector.broadcast %add3A_1219 : i32 to vector<16xi32>
    %add3A_1221 = arith.addi %and3A_1171, %add3A_1220 : vector<16xi32>
    %select_n3A_1222 = arith.select %lt3A_1218, %add3A_1221, %and3A_1171 : vector<16xi1>, vector<16xi32>
    %broadcast_in_dim3A_1223 = vector.shape_cast %select_n3A_1222 : vector<16xi32> to vector<16x1xi32>
    %gather3A_1224 = vector.shape_cast %broadcast_in_dim3A_1223 : vector<16x1xi32> to vector<16xi32>
    %gather3A_1225 = tpu.dynamic_gather %get3A_855[%gather3A_1224] in [0] : vector<16xf32>, vector<16xi32> -> vector<16xf32>
    %eq3A_1226 = arith.constant 3 : i32
    %eq3A_1227 = vector.broadcast %eq3A_1226 : i32 to vector<16xi32>
    %eq3A_1228 = arith.cmpi eq, %shift_right_arithmetic3A_1168, %eq3A_1227 : vector<16xi32>
    %select_n3A_1229 = arith.select %eq3A_1228, %gather3A_1225, %select_n3A_1215 : vector<16xi1>, vector<16xf32>
    %lt3A_1230 = arith.constant 0 : i32
    %lt3A_1231 = vector.broadcast %lt3A_1230 : i32 to vector<16xi32>
    %lt3A_1232 = arith.cmpi slt, %and3A_1171, %lt3A_1231 : vector<16xi32>
    %add3A_1233 = arith.constant 16 : i32
    %add3A_1234 = vector.broadcast %add3A_1233 : i32 to vector<16xi32>
    %add3A_1235 = arith.addi %and3A_1171, %add3A_1234 : vector<16xi32>
    %select_n3A_1236 = arith.select %lt3A_1232, %add3A_1235, %and3A_1171 : vector<16xi1>, vector<16xi32>
    %broadcast_in_dim3A_1237 = vector.shape_cast %select_n3A_1236 : vector<16xi32> to vector<16x1xi32>
    %gather3A_1238 = vector.shape_cast %broadcast_in_dim3A_1237 : vector<16x1xi32> to vector<16xi32>
    %gather3A_1239 = tpu.dynamic_gather %get3A_858[%gather3A_1238] in [0] : vector<16xf32>, vector<16xi32> -> vector<16xf32>
    %eq3A_1240 = arith.constant 4 : i32
    %eq3A_1241 = vector.broadcast %eq3A_1240 : i32 to vector<16xi32>
    %eq3A_1242 = arith.cmpi eq, %shift_right_arithmetic3A_1168, %eq3A_1241 : vector<16xi32>
    %select_n3A_1243 = arith.select %eq3A_1242, %gather3A_1239, %select_n3A_1229 : vector<16xi1>, vector<16xf32>
    %lt3A_1244 = arith.constant 0 : i32
    %lt3A_1245 = vector.broadcast %lt3A_1244 : i32 to vector<16xi32>
    %lt3A_1246 = arith.cmpi slt, %and3A_1171, %lt3A_1245 : vector<16xi32>
    %add3A_1247 = arith.constant 16 : i32
    %add3A_1248 = vector.broadcast %add3A_1247 : i32 to vector<16xi32>
    %add3A_1249 = arith.addi %and3A_1171, %add3A_1248 : vector<16xi32>
    %select_n3A_1250 = arith.select %lt3A_1246, %add3A_1249, %and3A_1171 : vector<16xi1>, vector<16xi32>
    %broadcast_in_dim3A_1251 = vector.shape_cast %select_n3A_1250 : vector<16xi32> to vector<16x1xi32>
    %gather3A_1252 = vector.shape_cast %broadcast_in_dim3A_1251 : vector<16x1xi32> to vector<16xi32>
    %gather3A_1253 = tpu.dynamic_gather %get3A_861[%gather3A_1252] in [0] : vector<16xf32>, vector<16xi32> -> vector<16xf32>
    %eq3A_1254 = arith.constant 5 : i32
    %eq3A_1255 = vector.broadcast %eq3A_1254 : i32 to vector<16xi32>
    %eq3A_1256 = arith.cmpi eq, %shift_right_arithmetic3A_1168, %eq3A_1255 : vector<16xi32>
    %select_n3A_1257 = arith.select %eq3A_1256, %gather3A_1253, %select_n3A_1243 : vector<16xi1>, vector<16xf32>
    %lt3A_1258 = arith.cmpi slt, %iota3A, %gather3A_1152 : vector<16xi32>
    %jit3A_1259 = arith.constant -3.000000e+38 : f32
    %broadcast_in_dim3A_1260 = vector.broadcast %jit3A_1259 : f32 to vector<16xf32>
    %select_n3A_1261 = arith.select %lt3A_1258, %select_n3A_1257, %broadcast_in_dim3A_1260 : vector<16xi1>, vector<16xf32>
    %xor3A_1262 = arith.constant 8 : i32
    %xor3A_1263 = vector.broadcast %xor3A_1262 : i32 to vector<16xi32>
    %xor3A_1264 = arith.xori %iota3A, %xor3A_1263 : vector<16xi32>
    %lt3A_1265 = arith.constant 0 : i32
    %lt3A_1266 = vector.broadcast %lt3A_1265 : i32 to vector<16xi32>
    %lt3A_1267 = arith.cmpi slt, %xor3A_1264, %lt3A_1266 : vector<16xi32>
    %add3A_1268 = arith.constant 16 : i32
    %add3A_1269 = vector.broadcast %add3A_1268 : i32 to vector<16xi32>
    %add3A_1270 = arith.addi %xor3A_1264, %add3A_1269 : vector<16xi32>
    %select_n3A_1271 = arith.select %lt3A_1267, %add3A_1270, %xor3A_1264 : vector<16xi1>, vector<16xi32>
    %broadcast_in_dim3A_1272 = vector.shape_cast %select_n3A_1271 : vector<16xi32> to vector<16x1xi32>
    %gather3A_1273 = vector.shape_cast %broadcast_in_dim3A_1272 : vector<16x1xi32> to vector<16xi32>
    %gather3A_1274 = tpu.dynamic_gather %select_n3A_1261[%gather3A_1273] in [0] : vector<16xf32>, vector<16xi32> -> vector<16xf32>
    %max3A_1275 = arith.maximumf %select_n3A_1261, %gather3A_1274 : vector<16xf32>
    %xor3A_1276 = arith.constant 4 : i32
    %xor3A_1277 = vector.broadcast %xor3A_1276 : i32 to vector<16xi32>
    %xor3A_1278 = arith.xori %iota3A, %xor3A_1277 : vector<16xi32>
    %lt3A_1279 = arith.constant 0 : i32
    %lt3A_1280 = vector.broadcast %lt3A_1279 : i32 to vector<16xi32>
    %lt3A_1281 = arith.cmpi slt, %xor3A_1278, %lt3A_1280 : vector<16xi32>
    %add3A_1282 = arith.constant 16 : i32
    %add3A_1283 = vector.broadcast %add3A_1282 : i32 to vector<16xi32>
    %add3A_1284 = arith.addi %xor3A_1278, %add3A_1283 : vector<16xi32>
    %select_n3A_1285 = arith.select %lt3A_1281, %add3A_1284, %xor3A_1278 : vector<16xi1>, vector<16xi32>
    %broadcast_in_dim3A_1286 = vector.shape_cast %select_n3A_1285 : vector<16xi32> to vector<16x1xi32>
    %gather3A_1287 = vector.shape_cast %broadcast_in_dim3A_1286 : vector<16x1xi32> to vector<16xi32>
    %gather3A_1288 = tpu.dynamic_gather %max3A_1275[%gather3A_1287] in [0] : vector<16xf32>, vector<16xi32> -> vector<16xf32>
    %max3A_1289 = arith.maximumf %max3A_1275, %gather3A_1288 : vector<16xf32>
    %xor3A_1290 = arith.constant 2 : i32
    %xor3A_1291 = vector.broadcast %xor3A_1290 : i32 to vector<16xi32>
    %xor3A_1292 = arith.xori %iota3A, %xor3A_1291 : vector<16xi32>
    %lt3A_1293 = arith.constant 0 : i32
    %lt3A_1294 = vector.broadcast %lt3A_1293 : i32 to vector<16xi32>
    %lt3A_1295 = arith.cmpi slt, %xor3A_1292, %lt3A_1294 : vector<16xi32>
    %add3A_1296 = arith.constant 16 : i32
    %add3A_1297 = vector.broadcast %add3A_1296 : i32 to vector<16xi32>
    %add3A_1298 = arith.addi %xor3A_1292, %add3A_1297 : vector<16xi32>
    %select_n3A_1299 = arith.select %lt3A_1295, %add3A_1298, %xor3A_1292 : vector<16xi1>, vector<16xi32>
    %broadcast_in_dim3A_1300 = vector.shape_cast %select_n3A_1299 : vector<16xi32> to vector<16x1xi32>
    %gather3A_1301 = vector.shape_cast %broadcast_in_dim3A_1300 : vector<16x1xi32> to vector<16xi32>
    %gather3A_1302 = tpu.dynamic_gather %max3A_1289[%gather3A_1301] in [0] : vector<16xf32>, vector<16xi32> -> vector<16xf32>
    %max3A_1303 = arith.maximumf %max3A_1289, %gather3A_1302 : vector<16xf32>
    %xor3A_1304 = arith.constant 1 : i32
    %xor3A_1305 = vector.broadcast %xor3A_1304 : i32 to vector<16xi32>
    %xor3A_1306 = arith.xori %iota3A, %xor3A_1305 : vector<16xi32>
    %lt3A_1307 = arith.constant 0 : i32
    %lt3A_1308 = vector.broadcast %lt3A_1307 : i32 to vector<16xi32>
    %lt3A_1309 = arith.cmpi slt, %xor3A_1306, %lt3A_1308 : vector<16xi32>
    %add3A_1310 = arith.constant 16 : i32
    %add3A_1311 = vector.broadcast %add3A_1310 : i32 to vector<16xi32>
    %add3A_1312 = arith.addi %xor3A_1306, %add3A_1311 : vector<16xi32>
    %select_n3A_1313 = arith.select %lt3A_1309, %add3A_1312, %xor3A_1306 : vector<16xi1>, vector<16xi32>
    %broadcast_in_dim3A_1314 = vector.shape_cast %select_n3A_1313 : vector<16xi32> to vector<16x1xi32>
    %gather3A_1315 = vector.shape_cast %broadcast_in_dim3A_1314 : vector<16x1xi32> to vector<16xi32>
    %gather3A_1316 = tpu.dynamic_gather %max3A_1303[%gather3A_1315] in [0] : vector<16xf32>, vector<16xi32> -> vector<16xf32>
    %max3A_1317 = arith.maximumf %max3A_1303, %gather3A_1316 : vector<16xf32>
    %sub3A_1318 = arith.subf %select_n3A_1257, %max3A_1317 : vector<16xf32>
    %exp3A_1319 = math.exp %sub3A_1318 : vector<16xf32>
    %jit3A_1320 = arith.constant 0.000000e+00 : f32
    %broadcast_in_dim3A_1321 = vector.broadcast %jit3A_1320 : f32 to vector<16xf32>
    %select_n3A_1322 = arith.select %lt3A_1258, %exp3A_1319, %broadcast_in_dim3A_1321 : vector<16xi1>, vector<16xf32>
    %xor3A_1323 = arith.constant 8 : i32
    %xor3A_1324 = vector.broadcast %xor3A_1323 : i32 to vector<16xi32>
    %xor3A_1325 = arith.xori %iota3A, %xor3A_1324 : vector<16xi32>
    %lt3A_1326 = arith.constant 0 : i32
    %lt3A_1327 = vector.broadcast %lt3A_1326 : i32 to vector<16xi32>
    %lt3A_1328 = arith.cmpi slt, %xor3A_1325, %lt3A_1327 : vector<16xi32>
    %add3A_1329 = arith.constant 16 : i32
    %add3A_1330 = vector.broadcast %add3A_1329 : i32 to vector<16xi32>
    %add3A_1331 = arith.addi %xor3A_1325, %add3A_1330 : vector<16xi32>
    %select_n3A_1332 = arith.select %lt3A_1328, %add3A_1331, %xor3A_1325 : vector<16xi1>, vector<16xi32>
    %broadcast_in_dim3A_1333 = vector.shape_cast %select_n3A_1332 : vector<16xi32> to vector<16x1xi32>
    %gather3A_1334 = vector.shape_cast %broadcast_in_dim3A_1333 : vector<16x1xi32> to vector<16xi32>
    %gather3A_1335 = tpu.dynamic_gather %select_n3A_1322[%gather3A_1334] in [0] : vector<16xf32>, vector<16xi32> -> vector<16xf32>
    %add3A_1336 = arith.addf %select_n3A_1322, %gather3A_1335 : vector<16xf32>
    %xor3A_1337 = arith.constant 4 : i32
    %xor3A_1338 = vector.broadcast %xor3A_1337 : i32 to vector<16xi32>
    %xor3A_1339 = arith.xori %iota3A, %xor3A_1338 : vector<16xi32>
    %lt3A_1340 = arith.constant 0 : i32
    %lt3A_1341 = vector.broadcast %lt3A_1340 : i32 to vector<16xi32>
    %lt3A_1342 = arith.cmpi slt, %xor3A_1339, %lt3A_1341 : vector<16xi32>
    %add3A_1343 = arith.constant 16 : i32
    %add3A_1344 = vector.broadcast %add3A_1343 : i32 to vector<16xi32>
    %add3A_1345 = arith.addi %xor3A_1339, %add3A_1344 : vector<16xi32>
    %select_n3A_1346 = arith.select %lt3A_1342, %add3A_1345, %xor3A_1339 : vector<16xi1>, vector<16xi32>
    %broadcast_in_dim3A_1347 = vector.shape_cast %select_n3A_1346 : vector<16xi32> to vector<16x1xi32>
    %gather3A_1348 = vector.shape_cast %broadcast_in_dim3A_1347 : vector<16x1xi32> to vector<16xi32>
    %gather3A_1349 = tpu.dynamic_gather %add3A_1336[%gather3A_1348] in [0] : vector<16xf32>, vector<16xi32> -> vector<16xf32>
    %add3A_1350 = arith.addf %add3A_1336, %gather3A_1349 : vector<16xf32>
    %xor3A_1351 = arith.constant 2 : i32
    %xor3A_1352 = vector.broadcast %xor3A_1351 : i32 to vector<16xi32>
    %xor3A_1353 = arith.xori %iota3A, %xor3A_1352 : vector<16xi32>
    %lt3A_1354 = arith.constant 0 : i32
    %lt3A_1355 = vector.broadcast %lt3A_1354 : i32 to vector<16xi32>
    %lt3A_1356 = arith.cmpi slt, %xor3A_1353, %lt3A_1355 : vector<16xi32>
    %add3A_1357 = arith.constant 16 : i32
    %add3A_1358 = vector.broadcast %add3A_1357 : i32 to vector<16xi32>
    %add3A_1359 = arith.addi %xor3A_1353, %add3A_1358 : vector<16xi32>
    %select_n3A_1360 = arith.select %lt3A_1356, %add3A_1359, %xor3A_1353 : vector<16xi1>, vector<16xi32>
    %broadcast_in_dim3A_1361 = vector.shape_cast %select_n3A_1360 : vector<16xi32> to vector<16x1xi32>
    %gather3A_1362 = vector.shape_cast %broadcast_in_dim3A_1361 : vector<16x1xi32> to vector<16xi32>
    %gather3A_1363 = tpu.dynamic_gather %add3A_1350[%gather3A_1362] in [0] : vector<16xf32>, vector<16xi32> -> vector<16xf32>
    %add3A_1364 = arith.addf %add3A_1350, %gather3A_1363 : vector<16xf32>
    %xor3A_1365 = arith.constant 1 : i32
    %xor3A_1366 = vector.broadcast %xor3A_1365 : i32 to vector<16xi32>
    %xor3A_1367 = arith.xori %iota3A, %xor3A_1366 : vector<16xi32>
    %lt3A_1368 = arith.constant 0 : i32
    %lt3A_1369 = vector.broadcast %lt3A_1368 : i32 to vector<16xi32>
    %lt3A_1370 = arith.cmpi slt, %xor3A_1367, %lt3A_1369 : vector<16xi32>
    %add3A_1371 = arith.constant 16 : i32
    %add3A_1372 = vector.broadcast %add3A_1371 : i32 to vector<16xi32>
    %add3A_1373 = arith.addi %xor3A_1367, %add3A_1372 : vector<16xi32>
    %select_n3A_1374 = arith.select %lt3A_1370, %add3A_1373, %xor3A_1367 : vector<16xi1>, vector<16xi32>
    %broadcast_in_dim3A_1375 = vector.shape_cast %select_n3A_1374 : vector<16xi32> to vector<16x1xi32>
    %gather3A_1376 = vector.shape_cast %broadcast_in_dim3A_1375 : vector<16x1xi32> to vector<16xi32>
    %gather3A_1377 = tpu.dynamic_gather %add3A_1364[%gather3A_1376] in [0] : vector<16xf32>, vector<16xi32> -> vector<16xf32>
    %add3A_1378 = arith.addf %add3A_1364, %gather3A_1377 : vector<16xf32>
    %lt3A_1379 = arith.constant 0 : i32
    %lt3A_1380 = vector.broadcast %lt3A_1379 : i32 to vector<16xi32>
    %lt3A_1381 = arith.cmpi slt, %gather3A_1164, %lt3A_1380 : vector<16xi32>
    %add3A_1382 = arith.constant 16 : i32
    %add3A_1383 = vector.broadcast %add3A_1382 : i32 to vector<16xi32>
    %add3A_1384 = arith.addi %gather3A_1164, %add3A_1383 : vector<16xi32>
    %select_n3A_1385 = arith.select %lt3A_1381, %add3A_1384, %gather3A_1164 : vector<16xi1>, vector<16xi32>
    %broadcast_in_dim3A_1386 = vector.shape_cast %select_n3A_1385 : vector<16xi32> to vector<16x1xi32>
    %gather3A_1387 = vector.shape_cast %broadcast_in_dim3A_1386 : vector<16x1xi32> to vector<16xi32>
    %gather3A_1388 = tpu.dynamic_gather %select_n3A_1257[%gather3A_1387] in [0] : vector<16xf32>, vector<16xi32> -> vector<16xf32>
    %sub3A_1389 = arith.subf %max3A_1317, %gather3A_1388 : vector<16xf32>
    %add3A_1390 = arith.addf %add3A_1127, %sub3A_1389 : vector<16xf32>
    %mul3A_1391 = arith.mulf %mul3A_1128, %add3A_1378 : vector<16xf32>
    %broadcast_in_dim3A_1392 = arith.constant 6 : i32
    %broadcast_in_dim3A_1393 = vector.broadcast %broadcast_in_dim3A_1392 : i32 to vector<16xi32>
    %lt3A_1394 = arith.constant 0 : i32
    %lt3A_1395 = vector.broadcast %lt3A_1394 : i32 to vector<16xi32>
    %lt3A_1396 = arith.cmpi slt, %broadcast_in_dim3A_1393, %lt3A_1395 : vector<16xi32>
    %add3A_1397 = arith.constant 16 : i32
    %add3A_1398 = vector.broadcast %add3A_1397 : i32 to vector<16xi32>
    %add3A_1399 = arith.addi %broadcast_in_dim3A_1393, %add3A_1398 : vector<16xi32>
    %select_n3A_1400 = arith.select %lt3A_1396, %add3A_1399, %broadcast_in_dim3A_1393 : vector<16xi1>, vector<16xi32>
    %broadcast_in_dim3A_1401 = vector.shape_cast %select_n3A_1400 : vector<16xi32> to vector<16x1xi32>
    %gather3A_1402 = vector.shape_cast %broadcast_in_dim3A_1401 : vector<16x1xi32> to vector<16xi32>
    %gather3A_1403 = tpu.dynamic_gather %get3A_843[%gather3A_1402] in [0] : vector<16xi32>, vector<16xi32> -> vector<16xi32>
    %broadcast_in_dim3A_1404 = arith.constant 7 : i32
    %broadcast_in_dim3A_1405 = vector.broadcast %broadcast_in_dim3A_1404 : i32 to vector<16xi32>
    %lt3A_1406 = arith.constant 0 : i32
    %lt3A_1407 = vector.broadcast %lt3A_1406 : i32 to vector<16xi32>
    %lt3A_1408 = arith.cmpi slt, %broadcast_in_dim3A_1405, %lt3A_1407 : vector<16xi32>
    %add3A_1409 = arith.constant 16 : i32
    %add3A_1410 = vector.broadcast %add3A_1409 : i32 to vector<16xi32>
    %add3A_1411 = arith.addi %broadcast_in_dim3A_1405, %add3A_1410 : vector<16xi32>
    %select_n3A_1412 = arith.select %lt3A_1408, %add3A_1411, %broadcast_in_dim3A_1405 : vector<16xi1>, vector<16xi32>
    %broadcast_in_dim3A_1413 = vector.shape_cast %select_n3A_1412 : vector<16xi32> to vector<16x1xi32>
    %gather3A_1414 = vector.shape_cast %broadcast_in_dim3A_1413 : vector<16x1xi32> to vector<16xi32>
    %gather3A_1415 = tpu.dynamic_gather %get3A_843[%gather3A_1414] in [0] : vector<16xi32>, vector<16xi32> -> vector<16xi32>
    %broadcast_in_dim3A_1416 = arith.constant 8 : i32
    %broadcast_in_dim3A_1417 = vector.broadcast %broadcast_in_dim3A_1416 : i32 to vector<16xi32>
    %lt3A_1418 = arith.constant 0 : i32
    %lt3A_1419 = vector.broadcast %lt3A_1418 : i32 to vector<16xi32>
    %lt3A_1420 = arith.cmpi slt, %broadcast_in_dim3A_1417, %lt3A_1419 : vector<16xi32>
    %add3A_1421 = arith.constant 16 : i32
    %add3A_1422 = vector.broadcast %add3A_1421 : i32 to vector<16xi32>
    %add3A_1423 = arith.addi %broadcast_in_dim3A_1417, %add3A_1422 : vector<16xi32>
    %select_n3A_1424 = arith.select %lt3A_1420, %add3A_1423, %broadcast_in_dim3A_1417 : vector<16xi1>, vector<16xi32>
    %broadcast_in_dim3A_1425 = vector.shape_cast %select_n3A_1424 : vector<16xi32> to vector<16x1xi32>
    %gather3A_1426 = vector.shape_cast %broadcast_in_dim3A_1425 : vector<16x1xi32> to vector<16xi32>
    %gather3A_1427 = tpu.dynamic_gather %get3A_843[%gather3A_1426] in [0] : vector<16xi32>, vector<16xi32> -> vector<16xi32>
    %add3A_1428 = arith.addi %gather3A_1403, %iota3A : vector<16xi32>
    %shift_right_arithmetic3A_1429 = arith.constant 4 : i32
    %shift_right_arithmetic3A_1430 = vector.broadcast %shift_right_arithmetic3A_1429 : i32 to vector<16xi32>
    %shift_right_arithmetic3A_1431 = arith.shrsi %add3A_1428, %shift_right_arithmetic3A_1430 : vector<16xi32>
    %and3A_1432 = arith.constant 15 : i32
    %and3A_1433 = vector.broadcast %and3A_1432 : i32 to vector<16xi32>
    %and3A_1434 = arith.andi %add3A_1428, %and3A_1433 : vector<16xi32>
    %broadcast_in_dim3A_1435 = arith.constant 0.000000e+00 : f32
    %broadcast_in_dim3A_1436 = vector.broadcast %broadcast_in_dim3A_1435 : f32 to vector<16xf32>
    %lt3A_1437 = arith.constant 0 : i32
    %lt3A_1438 = vector.broadcast %lt3A_1437 : i32 to vector<16xi32>
    %lt3A_1439 = arith.cmpi slt, %and3A_1434, %lt3A_1438 : vector<16xi32>
    %add3A_1440 = arith.constant 16 : i32
    %add3A_1441 = vector.broadcast %add3A_1440 : i32 to vector<16xi32>
    %add3A_1442 = arith.addi %and3A_1434, %add3A_1441 : vector<16xi32>
    %select_n3A_1443 = arith.select %lt3A_1439, %add3A_1442, %and3A_1434 : vector<16xi1>, vector<16xi32>
    %broadcast_in_dim3A_1444 = vector.shape_cast %select_n3A_1443 : vector<16xi32> to vector<16x1xi32>
    %gather3A_1445 = vector.shape_cast %broadcast_in_dim3A_1444 : vector<16x1xi32> to vector<16xi32>
    %gather3A_1446 = tpu.dynamic_gather %get3A_846[%gather3A_1445] in [0] : vector<16xf32>, vector<16xi32> -> vector<16xf32>
    %eq3A_1447 = arith.constant 0 : i32
    %eq3A_1448 = vector.broadcast %eq3A_1447 : i32 to vector<16xi32>
    %eq3A_1449 = arith.cmpi eq, %shift_right_arithmetic3A_1431, %eq3A_1448 : vector<16xi32>
    %select_n3A_1450 = arith.select %eq3A_1449, %gather3A_1446, %broadcast_in_dim3A_1436 : vector<16xi1>, vector<16xf32>
    %lt3A_1451 = arith.constant 0 : i32
    %lt3A_1452 = vector.broadcast %lt3A_1451 : i32 to vector<16xi32>
    %lt3A_1453 = arith.cmpi slt, %and3A_1434, %lt3A_1452 : vector<16xi32>
    %add3A_1454 = arith.constant 16 : i32
    %add3A_1455 = vector.broadcast %add3A_1454 : i32 to vector<16xi32>
    %add3A_1456 = arith.addi %and3A_1434, %add3A_1455 : vector<16xi32>
    %select_n3A_1457 = arith.select %lt3A_1453, %add3A_1456, %and3A_1434 : vector<16xi1>, vector<16xi32>
    %broadcast_in_dim3A_1458 = vector.shape_cast %select_n3A_1457 : vector<16xi32> to vector<16x1xi32>
    %gather3A_1459 = vector.shape_cast %broadcast_in_dim3A_1458 : vector<16x1xi32> to vector<16xi32>
    %gather3A_1460 = tpu.dynamic_gather %get3A_849[%gather3A_1459] in [0] : vector<16xf32>, vector<16xi32> -> vector<16xf32>
    %eq3A_1461 = arith.constant 1 : i32
    %eq3A_1462 = vector.broadcast %eq3A_1461 : i32 to vector<16xi32>
    %eq3A_1463 = arith.cmpi eq, %shift_right_arithmetic3A_1431, %eq3A_1462 : vector<16xi32>
    %select_n3A_1464 = arith.select %eq3A_1463, %gather3A_1460, %select_n3A_1450 : vector<16xi1>, vector<16xf32>
    %lt3A_1465 = arith.constant 0 : i32
    %lt3A_1466 = vector.broadcast %lt3A_1465 : i32 to vector<16xi32>
    %lt3A_1467 = arith.cmpi slt, %and3A_1434, %lt3A_1466 : vector<16xi32>
    %add3A_1468 = arith.constant 16 : i32
    %add3A_1469 = vector.broadcast %add3A_1468 : i32 to vector<16xi32>
    %add3A_1470 = arith.addi %and3A_1434, %add3A_1469 : vector<16xi32>
    %select_n3A_1471 = arith.select %lt3A_1467, %add3A_1470, %and3A_1434 : vector<16xi1>, vector<16xi32>
    %broadcast_in_dim3A_1472 = vector.shape_cast %select_n3A_1471 : vector<16xi32> to vector<16x1xi32>
    %gather3A_1473 = vector.shape_cast %broadcast_in_dim3A_1472 : vector<16x1xi32> to vector<16xi32>
    %gather3A_1474 = tpu.dynamic_gather %get3A_852[%gather3A_1473] in [0] : vector<16xf32>, vector<16xi32> -> vector<16xf32>
    %eq3A_1475 = arith.constant 2 : i32
    %eq3A_1476 = vector.broadcast %eq3A_1475 : i32 to vector<16xi32>
    %eq3A_1477 = arith.cmpi eq, %shift_right_arithmetic3A_1431, %eq3A_1476 : vector<16xi32>
    %select_n3A_1478 = arith.select %eq3A_1477, %gather3A_1474, %select_n3A_1464 : vector<16xi1>, vector<16xf32>
    %lt3A_1479 = arith.constant 0 : i32
    %lt3A_1480 = vector.broadcast %lt3A_1479 : i32 to vector<16xi32>
    %lt3A_1481 = arith.cmpi slt, %and3A_1434, %lt3A_1480 : vector<16xi32>
    %add3A_1482 = arith.constant 16 : i32
    %add3A_1483 = vector.broadcast %add3A_1482 : i32 to vector<16xi32>
    %add3A_1484 = arith.addi %and3A_1434, %add3A_1483 : vector<16xi32>
    %select_n3A_1485 = arith.select %lt3A_1481, %add3A_1484, %and3A_1434 : vector<16xi1>, vector<16xi32>
    %broadcast_in_dim3A_1486 = vector.shape_cast %select_n3A_1485 : vector<16xi32> to vector<16x1xi32>
    %gather3A_1487 = vector.shape_cast %broadcast_in_dim3A_1486 : vector<16x1xi32> to vector<16xi32>
    %gather3A_1488 = tpu.dynamic_gather %get3A_855[%gather3A_1487] in [0] : vector<16xf32>, vector<16xi32> -> vector<16xf32>
    %eq3A_1489 = arith.constant 3 : i32
    %eq3A_1490 = vector.broadcast %eq3A_1489 : i32 to vector<16xi32>
    %eq3A_1491 = arith.cmpi eq, %shift_right_arithmetic3A_1431, %eq3A_1490 : vector<16xi32>
    %select_n3A_1492 = arith.select %eq3A_1491, %gather3A_1488, %select_n3A_1478 : vector<16xi1>, vector<16xf32>
    %lt3A_1493 = arith.constant 0 : i32
    %lt3A_1494 = vector.broadcast %lt3A_1493 : i32 to vector<16xi32>
    %lt3A_1495 = arith.cmpi slt, %and3A_1434, %lt3A_1494 : vector<16xi32>
    %add3A_1496 = arith.constant 16 : i32
    %add3A_1497 = vector.broadcast %add3A_1496 : i32 to vector<16xi32>
    %add3A_1498 = arith.addi %and3A_1434, %add3A_1497 : vector<16xi32>
    %select_n3A_1499 = arith.select %lt3A_1495, %add3A_1498, %and3A_1434 : vector<16xi1>, vector<16xi32>
    %broadcast_in_dim3A_1500 = vector.shape_cast %select_n3A_1499 : vector<16xi32> to vector<16x1xi32>
    %gather3A_1501 = vector.shape_cast %broadcast_in_dim3A_1500 : vector<16x1xi32> to vector<16xi32>
    %gather3A_1502 = tpu.dynamic_gather %get3A_858[%gather3A_1501] in [0] : vector<16xf32>, vector<16xi32> -> vector<16xf32>
    %eq3A_1503 = arith.constant 4 : i32
    %eq3A_1504 = vector.broadcast %eq3A_1503 : i32 to vector<16xi32>
    %eq3A_1505 = arith.cmpi eq, %shift_right_arithmetic3A_1431, %eq3A_1504 : vector<16xi32>
    %select_n3A_1506 = arith.select %eq3A_1505, %gather3A_1502, %select_n3A_1492 : vector<16xi1>, vector<16xf32>
    %lt3A_1507 = arith.constant 0 : i32
    %lt3A_1508 = vector.broadcast %lt3A_1507 : i32 to vector<16xi32>
    %lt3A_1509 = arith.cmpi slt, %and3A_1434, %lt3A_1508 : vector<16xi32>
    %add3A_1510 = arith.constant 16 : i32
    %add3A_1511 = vector.broadcast %add3A_1510 : i32 to vector<16xi32>
    %add3A_1512 = arith.addi %and3A_1434, %add3A_1511 : vector<16xi32>
    %select_n3A_1513 = arith.select %lt3A_1509, %add3A_1512, %and3A_1434 : vector<16xi1>, vector<16xi32>
    %broadcast_in_dim3A_1514 = vector.shape_cast %select_n3A_1513 : vector<16xi32> to vector<16x1xi32>
    %gather3A_1515 = vector.shape_cast %broadcast_in_dim3A_1514 : vector<16x1xi32> to vector<16xi32>
    %gather3A_1516 = tpu.dynamic_gather %get3A_861[%gather3A_1515] in [0] : vector<16xf32>, vector<16xi32> -> vector<16xf32>
    %eq3A_1517 = arith.constant 5 : i32
    %eq3A_1518 = vector.broadcast %eq3A_1517 : i32 to vector<16xi32>
    %eq3A_1519 = arith.cmpi eq, %shift_right_arithmetic3A_1431, %eq3A_1518 : vector<16xi32>
    %select_n3A_1520 = arith.select %eq3A_1519, %gather3A_1516, %select_n3A_1506 : vector<16xi1>, vector<16xf32>
    %lt3A_1521 = arith.cmpi slt, %iota3A, %gather3A_1415 : vector<16xi32>
    %jit3A_1522 = arith.constant -3.000000e+38 : f32
    %broadcast_in_dim3A_1523 = vector.broadcast %jit3A_1522 : f32 to vector<16xf32>
    %select_n3A_1524 = arith.select %lt3A_1521, %select_n3A_1520, %broadcast_in_dim3A_1523 : vector<16xi1>, vector<16xf32>
    %xor3A_1525 = arith.constant 8 : i32
    %xor3A_1526 = vector.broadcast %xor3A_1525 : i32 to vector<16xi32>
    %xor3A_1527 = arith.xori %iota3A, %xor3A_1526 : vector<16xi32>
    %lt3A_1528 = arith.constant 0 : i32
    %lt3A_1529 = vector.broadcast %lt3A_1528 : i32 to vector<16xi32>
    %lt3A_1530 = arith.cmpi slt, %xor3A_1527, %lt3A_1529 : vector<16xi32>
    %add3A_1531 = arith.constant 16 : i32
    %add3A_1532 = vector.broadcast %add3A_1531 : i32 to vector<16xi32>
    %add3A_1533 = arith.addi %xor3A_1527, %add3A_1532 : vector<16xi32>
    %select_n3A_1534 = arith.select %lt3A_1530, %add3A_1533, %xor3A_1527 : vector<16xi1>, vector<16xi32>
    %broadcast_in_dim3A_1535 = vector.shape_cast %select_n3A_1534 : vector<16xi32> to vector<16x1xi32>
    %gather3A_1536 = vector.shape_cast %broadcast_in_dim3A_1535 : vector<16x1xi32> to vector<16xi32>
    %gather3A_1537 = tpu.dynamic_gather %select_n3A_1524[%gather3A_1536] in [0] : vector<16xf32>, vector<16xi32> -> vector<16xf32>
    %max3A_1538 = arith.maximumf %select_n3A_1524, %gather3A_1537 : vector<16xf32>
    %xor3A_1539 = arith.constant 4 : i32
    %xor3A_1540 = vector.broadcast %xor3A_1539 : i32 to vector<16xi32>
    %xor3A_1541 = arith.xori %iota3A, %xor3A_1540 : vector<16xi32>
    %lt3A_1542 = arith.constant 0 : i32
    %lt3A_1543 = vector.broadcast %lt3A_1542 : i32 to vector<16xi32>
    %lt3A_1544 = arith.cmpi slt, %xor3A_1541, %lt3A_1543 : vector<16xi32>
    %add3A_1545 = arith.constant 16 : i32
    %add3A_1546 = vector.broadcast %add3A_1545 : i32 to vector<16xi32>
    %add3A_1547 = arith.addi %xor3A_1541, %add3A_1546 : vector<16xi32>
    %select_n3A_1548 = arith.select %lt3A_1544, %add3A_1547, %xor3A_1541 : vector<16xi1>, vector<16xi32>
    %broadcast_in_dim3A_1549 = vector.shape_cast %select_n3A_1548 : vector<16xi32> to vector<16x1xi32>
    %gather3A_1550 = vector.shape_cast %broadcast_in_dim3A_1549 : vector<16x1xi32> to vector<16xi32>
    %gather3A_1551 = tpu.dynamic_gather %max3A_1538[%gather3A_1550] in [0] : vector<16xf32>, vector<16xi32> -> vector<16xf32>
    %max3A_1552 = arith.maximumf %max3A_1538, %gather3A_1551 : vector<16xf32>
    %xor3A_1553 = arith.constant 2 : i32
    %xor3A_1554 = vector.broadcast %xor3A_1553 : i32 to vector<16xi32>
    %xor3A_1555 = arith.xori %iota3A, %xor3A_1554 : vector<16xi32>
    %lt3A_1556 = arith.constant 0 : i32
    %lt3A_1557 = vector.broadcast %lt3A_1556 : i32 to vector<16xi32>
    %lt3A_1558 = arith.cmpi slt, %xor3A_1555, %lt3A_1557 : vector<16xi32>
    %add3A_1559 = arith.constant 16 : i32
    %add3A_1560 = vector.broadcast %add3A_1559 : i32 to vector<16xi32>
    %add3A_1561 = arith.addi %xor3A_1555, %add3A_1560 : vector<16xi32>
    %select_n3A_1562 = arith.select %lt3A_1558, %add3A_1561, %xor3A_1555 : vector<16xi1>, vector<16xi32>
    %broadcast_in_dim3A_1563 = vector.shape_cast %select_n3A_1562 : vector<16xi32> to vector<16x1xi32>
    %gather3A_1564 = vector.shape_cast %broadcast_in_dim3A_1563 : vector<16x1xi32> to vector<16xi32>
    %gather3A_1565 = tpu.dynamic_gather %max3A_1552[%gather3A_1564] in [0] : vector<16xf32>, vector<16xi32> -> vector<16xf32>
    %max3A_1566 = arith.maximumf %max3A_1552, %gather3A_1565 : vector<16xf32>
    %xor3A_1567 = arith.constant 1 : i32
    %xor3A_1568 = vector.broadcast %xor3A_1567 : i32 to vector<16xi32>
    %xor3A_1569 = arith.xori %iota3A, %xor3A_1568 : vector<16xi32>
    %lt3A_1570 = arith.constant 0 : i32
    %lt3A_1571 = vector.broadcast %lt3A_1570 : i32 to vector<16xi32>
    %lt3A_1572 = arith.cmpi slt, %xor3A_1569, %lt3A_1571 : vector<16xi32>
    %add3A_1573 = arith.constant 16 : i32
    %add3A_1574 = vector.broadcast %add3A_1573 : i32 to vector<16xi32>
    %add3A_1575 = arith.addi %xor3A_1569, %add3A_1574 : vector<16xi32>
    %select_n3A_1576 = arith.select %lt3A_1572, %add3A_1575, %xor3A_1569 : vector<16xi1>, vector<16xi32>
    %broadcast_in_dim3A_1577 = vector.shape_cast %select_n3A_1576 : vector<16xi32> to vector<16x1xi32>
    %gather3A_1578 = vector.shape_cast %broadcast_in_dim3A_1577 : vector<16x1xi32> to vector<16xi32>
    %gather3A_1579 = tpu.dynamic_gather %max3A_1566[%gather3A_1578] in [0] : vector<16xf32>, vector<16xi32> -> vector<16xf32>
    %max3A_1580 = arith.maximumf %max3A_1566, %gather3A_1579 : vector<16xf32>
    %sub3A_1581 = arith.subf %select_n3A_1520, %max3A_1580 : vector<16xf32>
    %exp3A_1582 = math.exp %sub3A_1581 : vector<16xf32>
    %jit3A_1583 = arith.constant 0.000000e+00 : f32
    %broadcast_in_dim3A_1584 = vector.broadcast %jit3A_1583 : f32 to vector<16xf32>
    %select_n3A_1585 = arith.select %lt3A_1521, %exp3A_1582, %broadcast_in_dim3A_1584 : vector<16xi1>, vector<16xf32>
    %xor3A_1586 = arith.constant 8 : i32
    %xor3A_1587 = vector.broadcast %xor3A_1586 : i32 to vector<16xi32>
    %xor3A_1588 = arith.xori %iota3A, %xor3A_1587 : vector<16xi32>
    %lt3A_1589 = arith.constant 0 : i32
    %lt3A_1590 = vector.broadcast %lt3A_1589 : i32 to vector<16xi32>
    %lt3A_1591 = arith.cmpi slt, %xor3A_1588, %lt3A_1590 : vector<16xi32>
    %add3A_1592 = arith.constant 16 : i32
    %add3A_1593 = vector.broadcast %add3A_1592 : i32 to vector<16xi32>
    %add3A_1594 = arith.addi %xor3A_1588, %add3A_1593 : vector<16xi32>
    %select_n3A_1595 = arith.select %lt3A_1591, %add3A_1594, %xor3A_1588 : vector<16xi1>, vector<16xi32>
    %broadcast_in_dim3A_1596 = vector.shape_cast %select_n3A_1595 : vector<16xi32> to vector<16x1xi32>
    %gather3A_1597 = vector.shape_cast %broadcast_in_dim3A_1596 : vector<16x1xi32> to vector<16xi32>
    %gather3A_1598 = tpu.dynamic_gather %select_n3A_1585[%gather3A_1597] in [0] : vector<16xf32>, vector<16xi32> -> vector<16xf32>
    %add3A_1599 = arith.addf %select_n3A_1585, %gather3A_1598 : vector<16xf32>
    %xor3A_1600 = arith.constant 4 : i32
    %xor3A_1601 = vector.broadcast %xor3A_1600 : i32 to vector<16xi32>
    %xor3A_1602 = arith.xori %iota3A, %xor3A_1601 : vector<16xi32>
    %lt3A_1603 = arith.constant 0 : i32
    %lt3A_1604 = vector.broadcast %lt3A_1603 : i32 to vector<16xi32>
    %lt3A_1605 = arith.cmpi slt, %xor3A_1602, %lt3A_1604 : vector<16xi32>
    %add3A_1606 = arith.constant 16 : i32
    %add3A_1607 = vector.broadcast %add3A_1606 : i32 to vector<16xi32>
    %add3A_1608 = arith.addi %xor3A_1602, %add3A_1607 : vector<16xi32>
    %select_n3A_1609 = arith.select %lt3A_1605, %add3A_1608, %xor3A_1602 : vector<16xi1>, vector<16xi32>
    %broadcast_in_dim3A_1610 = vector.shape_cast %select_n3A_1609 : vector<16xi32> to vector<16x1xi32>
    %gather3A_1611 = vector.shape_cast %broadcast_in_dim3A_1610 : vector<16x1xi32> to vector<16xi32>
    %gather3A_1612 = tpu.dynamic_gather %add3A_1599[%gather3A_1611] in [0] : vector<16xf32>, vector<16xi32> -> vector<16xf32>
    %add3A_1613 = arith.addf %add3A_1599, %gather3A_1612 : vector<16xf32>
    %xor3A_1614 = arith.constant 2 : i32
    %xor3A_1615 = vector.broadcast %xor3A_1614 : i32 to vector<16xi32>
    %xor3A_1616 = arith.xori %iota3A, %xor3A_1615 : vector<16xi32>
    %lt3A_1617 = arith.constant 0 : i32
    %lt3A_1618 = vector.broadcast %lt3A_1617 : i32 to vector<16xi32>
    %lt3A_1619 = arith.cmpi slt, %xor3A_1616, %lt3A_1618 : vector<16xi32>
    %add3A_1620 = arith.constant 16 : i32
    %add3A_1621 = vector.broadcast %add3A_1620 : i32 to vector<16xi32>
    %add3A_1622 = arith.addi %xor3A_1616, %add3A_1621 : vector<16xi32>
    %select_n3A_1623 = arith.select %lt3A_1619, %add3A_1622, %xor3A_1616 : vector<16xi1>, vector<16xi32>
    %broadcast_in_dim3A_1624 = vector.shape_cast %select_n3A_1623 : vector<16xi32> to vector<16x1xi32>
    %gather3A_1625 = vector.shape_cast %broadcast_in_dim3A_1624 : vector<16x1xi32> to vector<16xi32>
    %gather3A_1626 = tpu.dynamic_gather %add3A_1613[%gather3A_1625] in [0] : vector<16xf32>, vector<16xi32> -> vector<16xf32>
    %add3A_1627 = arith.addf %add3A_1613, %gather3A_1626 : vector<16xf32>
    %xor3A_1628 = arith.constant 1 : i32
    %xor3A_1629 = vector.broadcast %xor3A_1628 : i32 to vector<16xi32>
    %xor3A_1630 = arith.xori %iota3A, %xor3A_1629 : vector<16xi32>
    %lt3A_1631 = arith.constant 0 : i32
    %lt3A_1632 = vector.broadcast %lt3A_1631 : i32 to vector<16xi32>
    %lt3A_1633 = arith.cmpi slt, %xor3A_1630, %lt3A_1632 : vector<16xi32>
    %add3A_1634 = arith.constant 16 : i32
    %add3A_1635 = vector.broadcast %add3A_1634 : i32 to vector<16xi32>
    %add3A_1636 = arith.addi %xor3A_1630, %add3A_1635 : vector<16xi32>
    %select_n3A_1637 = arith.select %lt3A_1633, %add3A_1636, %xor3A_1630 : vector<16xi1>, vector<16xi32>
    %broadcast_in_dim3A_1638 = vector.shape_cast %select_n3A_1637 : vector<16xi32> to vector<16x1xi32>
    %gather3A_1639 = vector.shape_cast %broadcast_in_dim3A_1638 : vector<16x1xi32> to vector<16xi32>
    %gather3A_1640 = tpu.dynamic_gather %add3A_1627[%gather3A_1639] in [0] : vector<16xf32>, vector<16xi32> -> vector<16xf32>
    %add3A_1641 = arith.addf %add3A_1627, %gather3A_1640 : vector<16xf32>
    %lt3A_1642 = arith.constant 0 : i32
    %lt3A_1643 = vector.broadcast %lt3A_1642 : i32 to vector<16xi32>
    %lt3A_1644 = arith.cmpi slt, %gather3A_1427, %lt3A_1643 : vector<16xi32>
    %add3A_1645 = arith.constant 16 : i32
    %add3A_1646 = vector.broadcast %add3A_1645 : i32 to vector<16xi32>
    %add3A_1647 = arith.addi %gather3A_1427, %add3A_1646 : vector<16xi32>
    %select_n3A_1648 = arith.select %lt3A_1644, %add3A_1647, %gather3A_1427 : vector<16xi1>, vector<16xi32>
    %broadcast_in_dim3A_1649 = vector.shape_cast %select_n3A_1648 : vector<16xi32> to vector<16x1xi32>
    %gather3A_1650 = vector.shape_cast %broadcast_in_dim3A_1649 : vector<16x1xi32> to vector<16xi32>
    %gather3A_1651 = tpu.dynamic_gather %select_n3A_1520[%gather3A_1650] in [0] : vector<16xf32>, vector<16xi32> -> vector<16xf32>
    %sub3A_1652 = arith.subf %max3A_1580, %gather3A_1651 : vector<16xf32>
    %add3A_1653 = arith.addf %add3A_1390, %sub3A_1652 : vector<16xf32>
    %mul3A_1654 = arith.mulf %mul3A_1391, %add3A_1641 : vector<16xf32>
    %broadcast_in_dim3A_1655 = arith.constant 9 : i32
    %broadcast_in_dim3A_1656 = vector.broadcast %broadcast_in_dim3A_1655 : i32 to vector<16xi32>
    %lt3A_1657 = arith.constant 0 : i32
    %lt3A_1658 = vector.broadcast %lt3A_1657 : i32 to vector<16xi32>
    %lt3A_1659 = arith.cmpi slt, %broadcast_in_dim3A_1656, %lt3A_1658 : vector<16xi32>
    %add3A_1660 = arith.constant 16 : i32
    %add3A_1661 = vector.broadcast %add3A_1660 : i32 to vector<16xi32>
    %add3A_1662 = arith.addi %broadcast_in_dim3A_1656, %add3A_1661 : vector<16xi32>
    %select_n3A_1663 = arith.select %lt3A_1659, %add3A_1662, %broadcast_in_dim3A_1656 : vector<16xi1>, vector<16xi32>
    %broadcast_in_dim3A_1664 = vector.shape_cast %select_n3A_1663 : vector<16xi32> to vector<16x1xi32>
    %gather3A_1665 = vector.shape_cast %broadcast_in_dim3A_1664 : vector<16x1xi32> to vector<16xi32>
    %gather3A_1666 = tpu.dynamic_gather %get3A_843[%gather3A_1665] in [0] : vector<16xi32>, vector<16xi32> -> vector<16xi32>
    %convert_element_type3A_1667 = arith.sitofp %gather3A_1666 : vector<16xi32> to vector<16xf32>
    %div3A_1668 = arith.constant 1.000000e+00 : f32
    %div3A_1669 = vector.broadcast %div3A_1668 : f32 to vector<16xf32>
    %div3A_1670 = arith.divf %div3A_1669, %convert_element_type3A_1667 : vector<16xf32>
    %eq3A_1671 = arith.constant 1 : i32
    %eq3A_1672 = vector.broadcast %eq3A_1671 : i32 to vector<16xi32>
    %eq3A_1673 = arith.cmpi eq, %iota3A, %eq3A_1672 : vector<16xi32>
    %select_n3A_1674 = arith.select %eq3A_1673, %add3A_1653, %select_n3A_836 : vector<16xi1>, vector<16xf32>
    %select_n3A_1675 = arith.select %eq3A_1673, %mul3A_1654, %select_n3A_837 : vector<16xi1>, vector<16xf32>
    %select_n3A_1676 = arith.select %eq3A_1673, %div3A_1670, %select_n3A_838 : vector<16xi1>, vector<16xf32>
    %get3A_1677 = arith.constant 2 : i32
    %get3A_1678 = arith.index_cast %get3A_1677 : i32 to index
    %get3A_1679 = arith.constant 0 : index
    %get3A_1680 = tpu.vector_load %arg7[%get3A_1678, %get3A_1679] {strides = array<i32>} : memref<4x128xi32, #tpu.memory_space<vmem>>, vector<1x16xi32>,
    %get3A_1681 = vector.shape_cast %get3A_1680 : vector<1x16xi32> to vector<16xi32>
    %get3A_1682 = arith.constant 256 : index
    %get3A_1683 = tpu.vector_load %arg8[%get3A_1682] {strides = array<i32>} : memref<512xf32, #tpu.memory_space<vmem>>, vector<16xf32>,
    %get3A_1684 = vector.shape_cast %get3A_1683 : vector<16xf32> to vector<16xf32>
    %get3A_1685 = arith.constant 272 : index
    %get3A_1686 = tpu.vector_load %arg8[%get3A_1685] {strides = array<i32>} : memref<512xf32, #tpu.memory_space<vmem>>, vector<16xf32>,
    %get3A_1687 = vector.shape_cast %get3A_1686 : vector<16xf32> to vector<16xf32>
    %get3A_1688 = arith.constant 288 : index
    %get3A_1689 = tpu.vector_load %arg8[%get3A_1688] {strides = array<i32>} : memref<512xf32, #tpu.memory_space<vmem>>, vector<16xf32>,
    %get3A_1690 = vector.shape_cast %get3A_1689 : vector<16xf32> to vector<16xf32>
    %get3A_1691 = arith.constant 304 : index
    %get3A_1692 = tpu.vector_load %arg8[%get3A_1691] {strides = array<i32>} : memref<512xf32, #tpu.memory_space<vmem>>, vector<16xf32>,
    %get3A_1693 = vector.shape_cast %get3A_1692 : vector<16xf32> to vector<16xf32>
    %get3A_1694 = arith.constant 320 : index
    %get3A_1695 = tpu.vector_load %arg8[%get3A_1694] {strides = array<i32>} : memref<512xf32, #tpu.memory_space<vmem>>, vector<16xf32>,
    %get3A_1696 = vector.shape_cast %get3A_1695 : vector<16xf32> to vector<16xf32>
    %get3A_1697 = arith.constant 336 : index
    %get3A_1698 = tpu.vector_load %arg8[%get3A_1697] {strides = array<i32>} : memref<512xf32, #tpu.memory_space<vmem>>, vector<16xf32>,
    %get3A_1699 = vector.shape_cast %get3A_1698 : vector<16xf32> to vector<16xf32>
    %broadcast_in_dim3A_1700 = arith.constant 0.000000e+00 : f32
    %broadcast_in_dim3A_1701 = vector.broadcast %broadcast_in_dim3A_1700 : f32 to vector<16xf32>
    %broadcast_in_dim3A_1702 = arith.constant 1.000000e+00 : f32
    %broadcast_in_dim3A_1703 = vector.broadcast %broadcast_in_dim3A_1702 : f32 to vector<16xf32>
    %broadcast_in_dim3A_1704 = arith.constant 0 : i32
    %broadcast_in_dim3A_1705 = vector.broadcast %broadcast_in_dim3A_1704 : i32 to vector<16xi32>
    %lt3A_1706 = arith.constant 0 : i32
    %lt3A_1707 = vector.broadcast %lt3A_1706 : i32 to vector<16xi32>
    %lt3A_1708 = arith.cmpi slt, %broadcast_in_dim3A_1705, %lt3A_1707 : vector<16xi32>
    %add3A_1709 = arith.constant 16 : i32
    %add3A_1710 = vector.broadcast %add3A_1709 : i32 to vector<16xi32>
    %add3A_1711 = arith.addi %broadcast_in_dim3A_1705, %add3A_1710 : vector<16xi32>
    %select_n3A_1712 = arith.select %lt3A_1708, %add3A_1711, %broadcast_in_dim3A_1705 : vector<16xi1>, vector<16xi32>
    %broadcast_in_dim3A_1713 = vector.shape_cast %select_n3A_1712 : vector<16xi32> to vector<16x1xi32>
    %gather3A_1714 = vector.shape_cast %broadcast_in_dim3A_1713 : vector<16x1xi32> to vector<16xi32>
    %gather3A_1715 = tpu.dynamic_gather %get3A_1681[%gather3A_1714] in [0] : vector<16xi32>, vector<16xi32> -> vector<16xi32>
    %broadcast_in_dim3A_1716 = arith.constant 1 : i32
    %broadcast_in_dim3A_1717 = vector.broadcast %broadcast_in_dim3A_1716 : i32 to vector<16xi32>
    %lt3A_1718 = arith.constant 0 : i32
    %lt3A_1719 = vector.broadcast %lt3A_1718 : i32 to vector<16xi32>
    %lt3A_1720 = arith.cmpi slt, %broadcast_in_dim3A_1717, %lt3A_1719 : vector<16xi32>
    %add3A_1721 = arith.constant 16 : i32
    %add3A_1722 = vector.broadcast %add3A_1721 : i32 to vector<16xi32>
    %add3A_1723 = arith.addi %broadcast_in_dim3A_1717, %add3A_1722 : vector<16xi32>
    %select_n3A_1724 = arith.select %lt3A_1720, %add3A_1723, %broadcast_in_dim3A_1717 : vector<16xi1>, vector<16xi32>
    %broadcast_in_dim3A_1725 = vector.shape_cast %select_n3A_1724 : vector<16xi32> to vector<16x1xi32>
    %gather3A_1726 = vector.shape_cast %broadcast_in_dim3A_1725 : vector<16x1xi32> to vector<16xi32>
    %gather3A_1727 = tpu.dynamic_gather %get3A_1681[%gather3A_1726] in [0] : vector<16xi32>, vector<16xi32> -> vector<16xi32>
    %broadcast_in_dim3A_1728 = arith.constant 2 : i32
    %broadcast_in_dim3A_1729 = vector.broadcast %broadcast_in_dim3A_1728 : i32 to vector<16xi32>
    %lt3A_1730 = arith.constant 0 : i32
    %lt3A_1731 = vector.broadcast %lt3A_1730 : i32 to vector<16xi32>
    %lt3A_1732 = arith.cmpi slt, %broadcast_in_dim3A_1729, %lt3A_1731 : vector<16xi32>
    %add3A_1733 = arith.constant 16 : i32
    %add3A_1734 = vector.broadcast %add3A_1733 : i32 to vector<16xi32>
    %add3A_1735 = arith.addi %broadcast_in_dim3A_1729, %add3A_1734 : vector<16xi32>
    %select_n3A_1736 = arith.select %lt3A_1732, %add3A_1735, %broadcast_in_dim3A_1729 : vector<16xi1>, vector<16xi32>
    %broadcast_in_dim3A_1737 = vector.shape_cast %select_n3A_1736 : vector<16xi32> to vector<16x1xi32>
    %gather3A_1738 = vector.shape_cast %broadcast_in_dim3A_1737 : vector<16x1xi32> to vector<16xi32>
    %gather3A_1739 = tpu.dynamic_gather %get3A_1681[%gather3A_1738] in [0] : vector<16xi32>, vector<16xi32> -> vector<16xi32>
    %add3A_1740 = arith.addi %gather3A_1715, %iota3A : vector<16xi32>
    %shift_right_arithmetic3A_1741 = arith.constant 4 : i32
    %shift_right_arithmetic3A_1742 = vector.broadcast %shift_right_arithmetic3A_1741 : i32 to vector<16xi32>
    %shift_right_arithmetic3A_1743 = arith.shrsi %add3A_1740, %shift_right_arithmetic3A_1742 : vector<16xi32>
    %and3A_1744 = arith.constant 15 : i32
    %and3A_1745 = vector.broadcast %and3A_1744 : i32 to vector<16xi32>
    %and3A_1746 = arith.andi %add3A_1740, %and3A_1745 : vector<16xi32>
    %broadcast_in_dim3A_1747 = arith.constant 0.000000e+00 : f32
    %broadcast_in_dim3A_1748 = vector.broadcast %broadcast_in_dim3A_1747 : f32 to vector<16xf32>
    %lt3A_1749 = arith.constant 0 : i32
    %lt3A_1750 = vector.broadcast %lt3A_1749 : i32 to vector<16xi32>
    %lt3A_1751 = arith.cmpi slt, %and3A_1746, %lt3A_1750 : vector<16xi32>
    %add3A_1752 = arith.constant 16 : i32
    %add3A_1753 = vector.broadcast %add3A_1752 : i32 to vector<16xi32>
    %add3A_1754 = arith.addi %and3A_1746, %add3A_1753 : vector<16xi32>
    %select_n3A_1755 = arith.select %lt3A_1751, %add3A_1754, %and3A_1746 : vector<16xi1>, vector<16xi32>
    %broadcast_in_dim3A_1756 = vector.shape_cast %select_n3A_1755 : vector<16xi32> to vector<16x1xi32>
    %gather3A_1757 = vector.shape_cast %broadcast_in_dim3A_1756 : vector<16x1xi32> to vector<16xi32>
    %gather3A_1758 = tpu.dynamic_gather %get3A_1684[%gather3A_1757] in [0] : vector<16xf32>, vector<16xi32> -> vector<16xf32>
    %eq3A_1759 = arith.constant 0 : i32
    %eq3A_1760 = vector.broadcast %eq3A_1759 : i32 to vector<16xi32>
    %eq3A_1761 = arith.cmpi eq, %shift_right_arithmetic3A_1743, %eq3A_1760 : vector<16xi32>
    %select_n3A_1762 = arith.select %eq3A_1761, %gather3A_1758, %broadcast_in_dim3A_1748 : vector<16xi1>, vector<16xf32>
    %lt3A_1763 = arith.constant 0 : i32
    %lt3A_1764 = vector.broadcast %lt3A_1763 : i32 to vector<16xi32>
    %lt3A_1765 = arith.cmpi slt, %and3A_1746, %lt3A_1764 : vector<16xi32>
    %add3A_1766 = arith.constant 16 : i32
    %add3A_1767 = vector.broadcast %add3A_1766 : i32 to vector<16xi32>
    %add3A_1768 = arith.addi %and3A_1746, %add3A_1767 : vector<16xi32>
    %select_n3A_1769 = arith.select %lt3A_1765, %add3A_1768, %and3A_1746 : vector<16xi1>, vector<16xi32>
    %broadcast_in_dim3A_1770 = vector.shape_cast %select_n3A_1769 : vector<16xi32> to vector<16x1xi32>
    %gather3A_1771 = vector.shape_cast %broadcast_in_dim3A_1770 : vector<16x1xi32> to vector<16xi32>
    %gather3A_1772 = tpu.dynamic_gather %get3A_1687[%gather3A_1771] in [0] : vector<16xf32>, vector<16xi32> -> vector<16xf32>
    %eq3A_1773 = arith.constant 1 : i32
    %eq3A_1774 = vector.broadcast %eq3A_1773 : i32 to vector<16xi32>
    %eq3A_1775 = arith.cmpi eq, %shift_right_arithmetic3A_1743, %eq3A_1774 : vector<16xi32>
    %select_n3A_1776 = arith.select %eq3A_1775, %gather3A_1772, %select_n3A_1762 : vector<16xi1>, vector<16xf32>
    %lt3A_1777 = arith.constant 0 : i32
    %lt3A_1778 = vector.broadcast %lt3A_1777 : i32 to vector<16xi32>
    %lt3A_1779 = arith.cmpi slt, %and3A_1746, %lt3A_1778 : vector<16xi32>
    %add3A_1780 = arith.constant 16 : i32
    %add3A_1781 = vector.broadcast %add3A_1780 : i32 to vector<16xi32>
    %add3A_1782 = arith.addi %and3A_1746, %add3A_1781 : vector<16xi32>
    %select_n3A_1783 = arith.select %lt3A_1779, %add3A_1782, %and3A_1746 : vector<16xi1>, vector<16xi32>
    %broadcast_in_dim3A_1784 = vector.shape_cast %select_n3A_1783 : vector<16xi32> to vector<16x1xi32>
    %gather3A_1785 = vector.shape_cast %broadcast_in_dim3A_1784 : vector<16x1xi32> to vector<16xi32>
    %gather3A_1786 = tpu.dynamic_gather %get3A_1690[%gather3A_1785] in [0] : vector<16xf32>, vector<16xi32> -> vector<16xf32>
    %eq3A_1787 = arith.constant 2 : i32
    %eq3A_1788 = vector.broadcast %eq3A_1787 : i32 to vector<16xi32>
    %eq3A_1789 = arith.cmpi eq, %shift_right_arithmetic3A_1743, %eq3A_1788 : vector<16xi32>
    %select_n3A_1790 = arith.select %eq3A_1789, %gather3A_1786, %select_n3A_1776 : vector<16xi1>, vector<16xf32>
    %lt3A_1791 = arith.constant 0 : i32
    %lt3A_1792 = vector.broadcast %lt3A_1791 : i32 to vector<16xi32>
    %lt3A_1793 = arith.cmpi slt, %and3A_1746, %lt3A_1792 : vector<16xi32>
    %add3A_1794 = arith.constant 16 : i32
    %add3A_1795 = vector.broadcast %add3A_1794 : i32 to vector<16xi32>
    %add3A_1796 = arith.addi %and3A_1746, %add3A_1795 : vector<16xi32>
    %select_n3A_1797 = arith.select %lt3A_1793, %add3A_1796, %and3A_1746 : vector<16xi1>, vector<16xi32>
    %broadcast_in_dim3A_1798 = vector.shape_cast %select_n3A_1797 : vector<16xi32> to vector<16x1xi32>
    %gather3A_1799 = vector.shape_cast %broadcast_in_dim3A_1798 : vector<16x1xi32> to vector<16xi32>
    %gather3A_1800 = tpu.dynamic_gather %get3A_1693[%gather3A_1799] in [0] : vector<16xf32>, vector<16xi32> -> vector<16xf32>
    %eq3A_1801 = arith.constant 3 : i32
    %eq3A_1802 = vector.broadcast %eq3A_1801 : i32 to vector<16xi32>
    %eq3A_1803 = arith.cmpi eq, %shift_right_arithmetic3A_1743, %eq3A_1802 : vector<16xi32>
    %select_n3A_1804 = arith.select %eq3A_1803, %gather3A_1800, %select_n3A_1790 : vector<16xi1>, vector<16xf32>
    %lt3A_1805 = arith.constant 0 : i32
    %lt3A_1806 = vector.broadcast %lt3A_1805 : i32 to vector<16xi32>
    %lt3A_1807 = arith.cmpi slt, %and3A_1746, %lt3A_1806 : vector<16xi32>
    %add3A_1808 = arith.constant 16 : i32
    %add3A_1809 = vector.broadcast %add3A_1808 : i32 to vector<16xi32>
    %add3A_1810 = arith.addi %and3A_1746, %add3A_1809 : vector<16xi32>
    %select_n3A_1811 = arith.select %lt3A_1807, %add3A_1810, %and3A_1746 : vector<16xi1>, vector<16xi32>
    %broadcast_in_dim3A_1812 = vector.shape_cast %select_n3A_1811 : vector<16xi32> to vector<16x1xi32>
    %gather3A_1813 = vector.shape_cast %broadcast_in_dim3A_1812 : vector<16x1xi32> to vector<16xi32>
    %gather3A_1814 = tpu.dynamic_gather %get3A_1696[%gather3A_1813] in [0] : vector<16xf32>, vector<16xi32> -> vector<16xf32>
    %eq3A_1815 = arith.constant 4 : i32
    %eq3A_1816 = vector.broadcast %eq3A_1815 : i32 to vector<16xi32>
    %eq3A_1817 = arith.cmpi eq, %shift_right_arithmetic3A_1743, %eq3A_1816 : vector<16xi32>
    %select_n3A_1818 = arith.select %eq3A_1817, %gather3A_1814, %select_n3A_1804 : vector<16xi1>, vector<16xf32>
    %lt3A_1819 = arith.constant 0 : i32
    %lt3A_1820 = vector.broadcast %lt3A_1819 : i32 to vector<16xi32>
    %lt3A_1821 = arith.cmpi slt, %and3A_1746, %lt3A_1820 : vector<16xi32>
    %add3A_1822 = arith.constant 16 : i32
    %add3A_1823 = vector.broadcast %add3A_1822 : i32 to vector<16xi32>
    %add3A_1824 = arith.addi %and3A_1746, %add3A_1823 : vector<16xi32>
    %select_n3A_1825 = arith.select %lt3A_1821, %add3A_1824, %and3A_1746 : vector<16xi1>, vector<16xi32>
    %broadcast_in_dim3A_1826 = vector.shape_cast %select_n3A_1825 : vector<16xi32> to vector<16x1xi32>
    %gather3A_1827 = vector.shape_cast %broadcast_in_dim3A_1826 : vector<16x1xi32> to vector<16xi32>
    %gather3A_1828 = tpu.dynamic_gather %get3A_1699[%gather3A_1827] in [0] : vector<16xf32>, vector<16xi32> -> vector<16xf32>
    %eq3A_1829 = arith.constant 5 : i32
    %eq3A_1830 = vector.broadcast %eq3A_1829 : i32 to vector<16xi32>
    %eq3A_1831 = arith.cmpi eq, %shift_right_arithmetic3A_1743, %eq3A_1830 : vector<16xi32>
    %select_n3A_1832 = arith.select %eq3A_1831, %gather3A_1828, %select_n3A_1818 : vector<16xi1>, vector<16xf32>
    %lt3A_1833 = arith.cmpi slt, %iota3A, %gather3A_1727 : vector<16xi32>
    %jit3A_1834 = arith.constant -3.000000e+38 : f32
    %broadcast_in_dim3A_1835 = vector.broadcast %jit3A_1834 : f32 to vector<16xf32>
    %select_n3A_1836 = arith.select %lt3A_1833, %select_n3A_1832, %broadcast_in_dim3A_1835 : vector<16xi1>, vector<16xf32>
    %xor3A_1837 = arith.constant 8 : i32
    %xor3A_1838 = vector.broadcast %xor3A_1837 : i32 to vector<16xi32>
    %xor3A_1839 = arith.xori %iota3A, %xor3A_1838 : vector<16xi32>
    %lt3A_1840 = arith.constant 0 : i32
    %lt3A_1841 = vector.broadcast %lt3A_1840 : i32 to vector<16xi32>
    %lt3A_1842 = arith.cmpi slt, %xor3A_1839, %lt3A_1841 : vector<16xi32>
    %add3A_1843 = arith.constant 16 : i32
    %add3A_1844 = vector.broadcast %add3A_1843 : i32 to vector<16xi32>
    %add3A_1845 = arith.addi %xor3A_1839, %add3A_1844 : vector<16xi32>
    %select_n3A_1846 = arith.select %lt3A_1842, %add3A_1845, %xor3A_1839 : vector<16xi1>, vector<16xi32>
    %broadcast_in_dim3A_1847 = vector.shape_cast %select_n3A_1846 : vector<16xi32> to vector<16x1xi32>
    %gather3A_1848 = vector.shape_cast %broadcast_in_dim3A_1847 : vector<16x1xi32> to vector<16xi32>
    %gather3A_1849 = tpu.dynamic_gather %select_n3A_1836[%gather3A_1848] in [0] : vector<16xf32>, vector<16xi32> -> vector<16xf32>
    %max3A_1850 = arith.maximumf %select_n3A_1836, %gather3A_1849 : vector<16xf32>
    %xor3A_1851 = arith.constant 4 : i32
    %xor3A_1852 = vector.broadcast %xor3A_1851 : i32 to vector<16xi32>
    %xor3A_1853 = arith.xori %iota3A, %xor3A_1852 : vector<16xi32>
    %lt3A_1854 = arith.constant 0 : i32
    %lt3A_1855 = vector.broadcast %lt3A_1854 : i32 to vector<16xi32>
    %lt3A_1856 = arith.cmpi slt, %xor3A_1853, %lt3A_1855 : vector<16xi32>
    %add3A_1857 = arith.constant 16 : i32
    %add3A_1858 = vector.broadcast %add3A_1857 : i32 to vector<16xi32>
    %add3A_1859 = arith.addi %xor3A_1853, %add3A_1858 : vector<16xi32>
    %select_n3A_1860 = arith.select %lt3A_1856, %add3A_1859, %xor3A_1853 : vector<16xi1>, vector<16xi32>
    %broadcast_in_dim3A_1861 = vector.shape_cast %select_n3A_1860 : vector<16xi32> to vector<16x1xi32>
    %gather3A_1862 = vector.shape_cast %broadcast_in_dim3A_1861 : vector<16x1xi32> to vector<16xi32>
    %gather3A_1863 = tpu.dynamic_gather %max3A_1850[%gather3A_1862] in [0] : vector<16xf32>, vector<16xi32> -> vector<16xf32>
    %max3A_1864 = arith.maximumf %max3A_1850, %gather3A_1863 : vector<16xf32>
    %xor3A_1865 = arith.constant 2 : i32
    %xor3A_1866 = vector.broadcast %xor3A_1865 : i32 to vector<16xi32>
    %xor3A_1867 = arith.xori %iota3A, %xor3A_1866 : vector<16xi32>
    %lt3A_1868 = arith.constant 0 : i32
    %lt3A_1869 = vector.broadcast %lt3A_1868 : i32 to vector<16xi32>
    %lt3A_1870 = arith.cmpi slt, %xor3A_1867, %lt3A_1869 : vector<16xi32>
    %add3A_1871 = arith.constant 16 : i32
    %add3A_1872 = vector.broadcast %add3A_1871 : i32 to vector<16xi32>
    %add3A_1873 = arith.addi %xor3A_1867, %add3A_1872 : vector<16xi32>
    %select_n3A_1874 = arith.select %lt3A_1870, %add3A_1873, %xor3A_1867 : vector<16xi1>, vector<16xi32>
    %broadcast_in_dim3A_1875 = vector.shape_cast %select_n3A_1874 : vector<16xi32> to vector<16x1xi32>
    %gather3A_1876 = vector.shape_cast %broadcast_in_dim3A_1875 : vector<16x1xi32> to vector<16xi32>
    %gather3A_1877 = tpu.dynamic_gather %max3A_1864[%gather3A_1876] in [0] : vector<16xf32>, vector<16xi32> -> vector<16xf32>
    %max3A_1878 = arith.maximumf %max3A_1864, %gather3A_1877 : vector<16xf32>
    %xor3A_1879 = arith.constant 1 : i32
    %xor3A_1880 = vector.broadcast %xor3A_1879 : i32 to vector<16xi32>
    %xor3A_1881 = arith.xori %iota3A, %xor3A_1880 : vector<16xi32>
    %lt3A_1882 = arith.constant 0 : i32
    %lt3A_1883 = vector.broadcast %lt3A_1882 : i32 to vector<16xi32>
    %lt3A_1884 = arith.cmpi slt, %xor3A_1881, %lt3A_1883 : vector<16xi32>
    %add3A_1885 = arith.constant 16 : i32
    %add3A_1886 = vector.broadcast %add3A_1885 : i32 to vector<16xi32>
    %add3A_1887 = arith.addi %xor3A_1881, %add3A_1886 : vector<16xi32>
    %select_n3A_1888 = arith.select %lt3A_1884, %add3A_1887, %xor3A_1881 : vector<16xi1>, vector<16xi32>
    %broadcast_in_dim3A_1889 = vector.shape_cast %select_n3A_1888 : vector<16xi32> to vector<16x1xi32>
    %gather3A_1890 = vector.shape_cast %broadcast_in_dim3A_1889 : vector<16x1xi32> to vector<16xi32>
    %gather3A_1891 = tpu.dynamic_gather %max3A_1878[%gather3A_1890] in [0] : vector<16xf32>, vector<16xi32> -> vector<16xf32>
    %max3A_1892 = arith.maximumf %max3A_1878, %gather3A_1891 : vector<16xf32>
    %sub3A_1893 = arith.subf %select_n3A_1832, %max3A_1892 : vector<16xf32>
    %exp3A_1894 = math.exp %sub3A_1893 : vector<16xf32>
    %jit3A_1895 = arith.constant 0.000000e+00 : f32
    %broadcast_in_dim3A_1896 = vector.broadcast %jit3A_1895 : f32 to vector<16xf32>
    %select_n3A_1897 = arith.select %lt3A_1833, %exp3A_1894, %broadcast_in_dim3A_1896 : vector<16xi1>, vector<16xf32>
    %xor3A_1898 = arith.constant 8 : i32
    %xor3A_1899 = vector.broadcast %xor3A_1898 : i32 to vector<16xi32>
    %xor3A_1900 = arith.xori %iota3A, %xor3A_1899 : vector<16xi32>
    %lt3A_1901 = arith.constant 0 : i32
    %lt3A_1902 = vector.broadcast %lt3A_1901 : i32 to vector<16xi32>
    %lt3A_1903 = arith.cmpi slt, %xor3A_1900, %lt3A_1902 : vector<16xi32>
    %add3A_1904 = arith.constant 16 : i32
    %add3A_1905 = vector.broadcast %add3A_1904 : i32 to vector<16xi32>
    %add3A_1906 = arith.addi %xor3A_1900, %add3A_1905 : vector<16xi32>
    %select_n3A_1907 = arith.select %lt3A_1903, %add3A_1906, %xor3A_1900 : vector<16xi1>, vector<16xi32>
    %broadcast_in_dim3A_1908 = vector.shape_cast %select_n3A_1907 : vector<16xi32> to vector<16x1xi32>
    %gather3A_1909 = vector.shape_cast %broadcast_in_dim3A_1908 : vector<16x1xi32> to vector<16xi32>
    %gather3A_1910 = tpu.dynamic_gather %select_n3A_1897[%gather3A_1909] in [0] : vector<16xf32>, vector<16xi32> -> vector<16xf32>
    %add3A_1911 = arith.addf %select_n3A_1897, %gather3A_1910 : vector<16xf32>
    %xor3A_1912 = arith.constant 4 : i32
    %xor3A_1913 = vector.broadcast %xor3A_1912 : i32 to vector<16xi32>
    %xor3A_1914 = arith.xori %iota3A, %xor3A_1913 : vector<16xi32>
    %lt3A_1915 = arith.constant 0 : i32
    %lt3A_1916 = vector.broadcast %lt3A_1915 : i32 to vector<16xi32>
    %lt3A_1917 = arith.cmpi slt, %xor3A_1914, %lt3A_1916 : vector<16xi32>
    %add3A_1918 = arith.constant 16 : i32
    %add3A_1919 = vector.broadcast %add3A_1918 : i32 to vector<16xi32>
    %add3A_1920 = arith.addi %xor3A_1914, %add3A_1919 : vector<16xi32>
    %select_n3A_1921 = arith.select %lt3A_1917, %add3A_1920, %xor3A_1914 : vector<16xi1>, vector<16xi32>
    %broadcast_in_dim3A_1922 = vector.shape_cast %select_n3A_1921 : vector<16xi32> to vector<16x1xi32>
    %gather3A_1923 = vector.shape_cast %broadcast_in_dim3A_1922 : vector<16x1xi32> to vector<16xi32>
    %gather3A_1924 = tpu.dynamic_gather %add3A_1911[%gather3A_1923] in [0] : vector<16xf32>, vector<16xi32> -> vector<16xf32>
    %add3A_1925 = arith.addf %add3A_1911, %gather3A_1924 : vector<16xf32>
    %xor3A_1926 = arith.constant 2 : i32
    %xor3A_1927 = vector.broadcast %xor3A_1926 : i32 to vector<16xi32>
    %xor3A_1928 = arith.xori %iota3A, %xor3A_1927 : vector<16xi32>
    %lt3A_1929 = arith.constant 0 : i32
    %lt3A_1930 = vector.broadcast %lt3A_1929 : i32 to vector<16xi32>
    %lt3A_1931 = arith.cmpi slt, %xor3A_1928, %lt3A_1930 : vector<16xi32>
    %add3A_1932 = arith.constant 16 : i32
    %add3A_1933 = vector.broadcast %add3A_1932 : i32 to vector<16xi32>
    %add3A_1934 = arith.addi %xor3A_1928, %add3A_1933 : vector<16xi32>
    %select_n3A_1935 = arith.select %lt3A_1931, %add3A_1934, %xor3A_1928 : vector<16xi1>, vector<16xi32>
    %broadcast_in_dim3A_1936 = vector.shape_cast %select_n3A_1935 : vector<16xi32> to vector<16x1xi32>
    %gather3A_1937 = vector.shape_cast %broadcast_in_dim3A_1936 : vector<16x1xi32> to vector<16xi32>
    %gather3A_1938 = tpu.dynamic_gather %add3A_1925[%gather3A_1937] in [0] : vector<16xf32>, vector<16xi32> -> vector<16xf32>
    %add3A_1939 = arith.addf %add3A_1925, %gather3A_1938 : vector<16xf32>
    %xor3A_1940 = arith.constant 1 : i32
    %xor3A_1941 = vector.broadcast %xor3A_1940 : i32 to vector<16xi32>
    %xor3A_1942 = arith.xori %iota3A, %xor3A_1941 : vector<16xi32>
    %lt3A_1943 = arith.constant 0 : i32
    %lt3A_1944 = vector.broadcast %lt3A_1943 : i32 to vector<16xi32>
    %lt3A_1945 = arith.cmpi slt, %xor3A_1942, %lt3A_1944 : vector<16xi32>
    %add3A_1946 = arith.constant 16 : i32
    %add3A_1947 = vector.broadcast %add3A_1946 : i32 to vector<16xi32>
    %add3A_1948 = arith.addi %xor3A_1942, %add3A_1947 : vector<16xi32>
    %select_n3A_1949 = arith.select %lt3A_1945, %add3A_1948, %xor3A_1942 : vector<16xi1>, vector<16xi32>
    %broadcast_in_dim3A_1950 = vector.shape_cast %select_n3A_1949 : vector<16xi32> to vector<16x1xi32>
    %gather3A_1951 = vector.shape_cast %broadcast_in_dim3A_1950 : vector<16x1xi32> to vector<16xi32>
    %gather3A_1952 = tpu.dynamic_gather %add3A_1939[%gather3A_1951] in [0] : vector<16xf32>, vector<16xi32> -> vector<16xf32>
    %add3A_1953 = arith.addf %add3A_1939, %gather3A_1952 : vector<16xf32>
    %lt3A_1954 = arith.constant 0 : i32
    %lt3A_1955 = vector.broadcast %lt3A_1954 : i32 to vector<16xi32>
    %lt3A_1956 = arith.cmpi slt, %gather3A_1739, %lt3A_1955 : vector<16xi32>
    %add3A_1957 = arith.constant 16 : i32
    %add3A_1958 = vector.broadcast %add3A_1957 : i32 to vector<16xi32>
    %add3A_1959 = arith.addi %gather3A_1739, %add3A_1958 : vector<16xi32>
    %select_n3A_1960 = arith.select %lt3A_1956, %add3A_1959, %gather3A_1739 : vector<16xi1>, vector<16xi32>
    %broadcast_in_dim3A_1961 = vector.shape_cast %select_n3A_1960 : vector<16xi32> to vector<16x1xi32>
    %gather3A_1962 = vector.shape_cast %broadcast_in_dim3A_1961 : vector<16x1xi32> to vector<16xi32>
    %gather3A_1963 = tpu.dynamic_gather %select_n3A_1832[%gather3A_1962] in [0] : vector<16xf32>, vector<16xi32> -> vector<16xf32>
    %sub3A_1964 = arith.subf %max3A_1892, %gather3A_1963 : vector<16xf32>
    %add3A_1965 = arith.addf %broadcast_in_dim3A_1701, %sub3A_1964 : vector<16xf32>
    %mul3A_1966 = arith.mulf %broadcast_in_dim3A_1703, %add3A_1953 : vector<16xf32>
    %broadcast_in_dim3A_1967 = arith.constant 3 : i32
    %broadcast_in_dim3A_1968 = vector.broadcast %broadcast_in_dim3A_1967 : i32 to vector<16xi32>
    %lt3A_1969 = arith.constant 0 : i32
    %lt3A_1970 = vector.broadcast %lt3A_1969 : i32 to vector<16xi32>
    %lt3A_1971 = arith.cmpi slt, %broadcast_in_dim3A_1968, %lt3A_1970 : vector<16xi32>
    %add3A_1972 = arith.constant 16 : i32
    %add3A_1973 = vector.broadcast %add3A_1972 : i32 to vector<16xi32>
    %add3A_1974 = arith.addi %broadcast_in_dim3A_1968, %add3A_1973 : vector<16xi32>
    %select_n3A_1975 = arith.select %lt3A_1971, %add3A_1974, %broadcast_in_dim3A_1968 : vector<16xi1>, vector<16xi32>
    %broadcast_in_dim3A_1976 = vector.shape_cast %select_n3A_1975 : vector<16xi32> to vector<16x1xi32>
    %gather3A_1977 = vector.shape_cast %broadcast_in_dim3A_1976 : vector<16x1xi32> to vector<16xi32>
    %gather3A_1978 = tpu.dynamic_gather %get3A_1681[%gather3A_1977] in [0] : vector<16xi32>, vector<16xi32> -> vector<16xi32>
    %broadcast_in_dim3A_1979 = arith.constant 4 : i32
    %broadcast_in_dim3A_1980 = vector.broadcast %broadcast_in_dim3A_1979 : i32 to vector<16xi32>
    %lt3A_1981 = arith.constant 0 : i32
    %lt3A_1982 = vector.broadcast %lt3A_1981 : i32 to vector<16xi32>
    %lt3A_1983 = arith.cmpi slt, %broadcast_in_dim3A_1980, %lt3A_1982 : vector<16xi32>
    %add3A_1984 = arith.constant 16 : i32
    %add3A_1985 = vector.broadcast %add3A_1984 : i32 to vector<16xi32>
    %add3A_1986 = arith.addi %broadcast_in_dim3A_1980, %add3A_1985 : vector<16xi32>
    %select_n3A_1987 = arith.select %lt3A_1983, %add3A_1986, %broadcast_in_dim3A_1980 : vector<16xi1>, vector<16xi32>
    %broadcast_in_dim3A_1988 = vector.shape_cast %select_n3A_1987 : vector<16xi32> to vector<16x1xi32>
    %gather3A_1989 = vector.shape_cast %broadcast_in_dim3A_1988 : vector<16x1xi32> to vector<16xi32>
    %gather3A_1990 = tpu.dynamic_gather %get3A_1681[%gather3A_1989] in [0] : vector<16xi32>, vector<16xi32> -> vector<16xi32>
    %broadcast_in_dim3A_1991 = arith.constant 5 : i32
    %broadcast_in_dim3A_1992 = vector.broadcast %broadcast_in_dim3A_1991 : i32 to vector<16xi32>
    %lt3A_1993 = arith.constant 0 : i32
    %lt3A_1994 = vector.broadcast %lt3A_1993 : i32 to vector<16xi32>
    %lt3A_1995 = arith.cmpi slt, %broadcast_in_dim3A_1992, %lt3A_1994 : vector<16xi32>
    %add3A_1996 = arith.constant 16 : i32
    %add3A_1997 = vector.broadcast %add3A_1996 : i32 to vector<16xi32>
    %add3A_1998 = arith.addi %broadcast_in_dim3A_1992, %add3A_1997 : vector<16xi32>
    %select_n3A_1999 = arith.select %lt3A_1995, %add3A_1998, %broadcast_in_dim3A_1992 : vector<16xi1>, vector<16xi32>
    %broadcast_in_dim3A_2000 = vector.shape_cast %select_n3A_1999 : vector<16xi32> to vector<16x1xi32>
    %gather3A_2001 = vector.shape_cast %broadcast_in_dim3A_2000 : vector<16x1xi32> to vector<16xi32>
    %gather3A_2002 = tpu.dynamic_gather %get3A_1681[%gather3A_2001] in [0] : vector<16xi32>, vector<16xi32> -> vector<16xi32>
    %add3A_2003 = arith.addi %gather3A_1978, %iota3A : vector<16xi32>
    %shift_right_arithmetic3A_2004 = arith.constant 4 : i32
    %shift_right_arithmetic3A_2005 = vector.broadcast %shift_right_arithmetic3A_2004 : i32 to vector<16xi32>
    %shift_right_arithmetic3A_2006 = arith.shrsi %add3A_2003, %shift_right_arithmetic3A_2005 : vector<16xi32>
    %and3A_2007 = arith.constant 15 : i32
    %and3A_2008 = vector.broadcast %and3A_2007 : i32 to vector<16xi32>
    %and3A_2009 = arith.andi %add3A_2003, %and3A_2008 : vector<16xi32>
    %broadcast_in_dim3A_2010 = arith.constant 0.000000e+00 : f32
    %broadcast_in_dim3A_2011 = vector.broadcast %broadcast_in_dim3A_2010 : f32 to vector<16xf32>
    %lt3A_2012 = arith.constant 0 : i32
    %lt3A_2013 = vector.broadcast %lt3A_2012 : i32 to vector<16xi32>
    %lt3A_2014 = arith.cmpi slt, %and3A_2009, %lt3A_2013 : vector<16xi32>
    %add3A_2015 = arith.constant 16 : i32
    %add3A_2016 = vector.broadcast %add3A_2015 : i32 to vector<16xi32>
    %add3A_2017 = arith.addi %and3A_2009, %add3A_2016 : vector<16xi32>
    %select_n3A_2018 = arith.select %lt3A_2014, %add3A_2017, %and3A_2009 : vector<16xi1>, vector<16xi32>
    %broadcast_in_dim3A_2019 = vector.shape_cast %select_n3A_2018 : vector<16xi32> to vector<16x1xi32>
    %gather3A_2020 = vector.shape_cast %broadcast_in_dim3A_2019 : vector<16x1xi32> to vector<16xi32>
    %gather3A_2021 = tpu.dynamic_gather %get3A_1684[%gather3A_2020] in [0] : vector<16xf32>, vector<16xi32> -> vector<16xf32>
    %eq3A_2022 = arith.constant 0 : i32
    %eq3A_2023 = vector.broadcast %eq3A_2022 : i32 to vector<16xi32>
    %eq3A_2024 = arith.cmpi eq, %shift_right_arithmetic3A_2006, %eq3A_2023 : vector<16xi32>
    %select_n3A_2025 = arith.select %eq3A_2024, %gather3A_2021, %broadcast_in_dim3A_2011 : vector<16xi1>, vector<16xf32>
    %lt3A_2026 = arith.constant 0 : i32
    %lt3A_2027 = vector.broadcast %lt3A_2026 : i32 to vector<16xi32>
    %lt3A_2028 = arith.cmpi slt, %and3A_2009, %lt3A_2027 : vector<16xi32>
    %add3A_2029 = arith.constant 16 : i32
    %add3A_2030 = vector.broadcast %add3A_2029 : i32 to vector<16xi32>
    %add3A_2031 = arith.addi %and3A_2009, %add3A_2030 : vector<16xi32>
    %select_n3A_2032 = arith.select %lt3A_2028, %add3A_2031, %and3A_2009 : vector<16xi1>, vector<16xi32>
    %broadcast_in_dim3A_2033 = vector.shape_cast %select_n3A_2032 : vector<16xi32> to vector<16x1xi32>
    %gather3A_2034 = vector.shape_cast %broadcast_in_dim3A_2033 : vector<16x1xi32> to vector<16xi32>
    %gather3A_2035 = tpu.dynamic_gather %get3A_1687[%gather3A_2034] in [0] : vector<16xf32>, vector<16xi32> -> vector<16xf32>
    %eq3A_2036 = arith.constant 1 : i32
    %eq3A_2037 = vector.broadcast %eq3A_2036 : i32 to vector<16xi32>
    %eq3A_2038 = arith.cmpi eq, %shift_right_arithmetic3A_2006, %eq3A_2037 : vector<16xi32>
    %select_n3A_2039 = arith.select %eq3A_2038, %gather3A_2035, %select_n3A_2025 : vector<16xi1>, vector<16xf32>
    %lt3A_2040 = arith.constant 0 : i32
    %lt3A_2041 = vector.broadcast %lt3A_2040 : i32 to vector<16xi32>
    %lt3A_2042 = arith.cmpi slt, %and3A_2009, %lt3A_2041 : vector<16xi32>
    %add3A_2043 = arith.constant 16 : i32
    %add3A_2044 = vector.broadcast %add3A_2043 : i32 to vector<16xi32>
    %add3A_2045 = arith.addi %and3A_2009, %add3A_2044 : vector<16xi32>
    %select_n3A_2046 = arith.select %lt3A_2042, %add3A_2045, %and3A_2009 : vector<16xi1>, vector<16xi32>
    %broadcast_in_dim3A_2047 = vector.shape_cast %select_n3A_2046 : vector<16xi32> to vector<16x1xi32>
    %gather3A_2048 = vector.shape_cast %broadcast_in_dim3A_2047 : vector<16x1xi32> to vector<16xi32>
    %gather3A_2049 = tpu.dynamic_gather %get3A_1690[%gather3A_2048] in [0] : vector<16xf32>, vector<16xi32> -> vector<16xf32>
    %eq3A_2050 = arith.constant 2 : i32
    %eq3A_2051 = vector.broadcast %eq3A_2050 : i32 to vector<16xi32>
    %eq3A_2052 = arith.cmpi eq, %shift_right_arithmetic3A_2006, %eq3A_2051 : vector<16xi32>
    %select_n3A_2053 = arith.select %eq3A_2052, %gather3A_2049, %select_n3A_2039 : vector<16xi1>, vector<16xf32>
    %lt3A_2054 = arith.constant 0 : i32
    %lt3A_2055 = vector.broadcast %lt3A_2054 : i32 to vector<16xi32>
    %lt3A_2056 = arith.cmpi slt, %and3A_2009, %lt3A_2055 : vector<16xi32>
    %add3A_2057 = arith.constant 16 : i32
    %add3A_2058 = vector.broadcast %add3A_2057 : i32 to vector<16xi32>
    %add3A_2059 = arith.addi %and3A_2009, %add3A_2058 : vector<16xi32>
    %select_n3A_2060 = arith.select %lt3A_2056, %add3A_2059, %and3A_2009 : vector<16xi1>, vector<16xi32>
    %broadcast_in_dim3A_2061 = vector.shape_cast %select_n3A_2060 : vector<16xi32> to vector<16x1xi32>
    %gather3A_2062 = vector.shape_cast %broadcast_in_dim3A_2061 : vector<16x1xi32> to vector<16xi32>
    %gather3A_2063 = tpu.dynamic_gather %get3A_1693[%gather3A_2062] in [0] : vector<16xf32>, vector<16xi32> -> vector<16xf32>
    %eq3A_2064 = arith.constant 3 : i32
    %eq3A_2065 = vector.broadcast %eq3A_2064 : i32 to vector<16xi32>
    %eq3A_2066 = arith.cmpi eq, %shift_right_arithmetic3A_2006, %eq3A_2065 : vector<16xi32>
    %select_n3A_2067 = arith.select %eq3A_2066, %gather3A_2063, %select_n3A_2053 : vector<16xi1>, vector<16xf32>
    %lt3A_2068 = arith.constant 0 : i32
    %lt3A_2069 = vector.broadcast %lt3A_2068 : i32 to vector<16xi32>
    %lt3A_2070 = arith.cmpi slt, %and3A_2009, %lt3A_2069 : vector<16xi32>
    %add3A_2071 = arith.constant 16 : i32
    %add3A_2072 = vector.broadcast %add3A_2071 : i32 to vector<16xi32>
    %add3A_2073 = arith.addi %and3A_2009, %add3A_2072 : vector<16xi32>
    %select_n3A_2074 = arith.select %lt3A_2070, %add3A_2073, %and3A_2009 : vector<16xi1>, vector<16xi32>
    %broadcast_in_dim3A_2075 = vector.shape_cast %select_n3A_2074 : vector<16xi32> to vector<16x1xi32>
    %gather3A_2076 = vector.shape_cast %broadcast_in_dim3A_2075 : vector<16x1xi32> to vector<16xi32>
    %gather3A_2077 = tpu.dynamic_gather %get3A_1696[%gather3A_2076] in [0] : vector<16xf32>, vector<16xi32> -> vector<16xf32>
    %eq3A_2078 = arith.constant 4 : i32
    %eq3A_2079 = vector.broadcast %eq3A_2078 : i32 to vector<16xi32>
    %eq3A_2080 = arith.cmpi eq, %shift_right_arithmetic3A_2006, %eq3A_2079 : vector<16xi32>
    %select_n3A_2081 = arith.select %eq3A_2080, %gather3A_2077, %select_n3A_2067 : vector<16xi1>, vector<16xf32>
    %lt3A_2082 = arith.constant 0 : i32
    %lt3A_2083 = vector.broadcast %lt3A_2082 : i32 to vector<16xi32>
    %lt3A_2084 = arith.cmpi slt, %and3A_2009, %lt3A_2083 : vector<16xi32>
    %add3A_2085 = arith.constant 16 : i32
    %add3A_2086 = vector.broadcast %add3A_2085 : i32 to vector<16xi32>
    %add3A_2087 = arith.addi %and3A_2009, %add3A_2086 : vector<16xi32>
    %select_n3A_2088 = arith.select %lt3A_2084, %add3A_2087, %and3A_2009 : vector<16xi1>, vector<16xi32>
    %broadcast_in_dim3A_2089 = vector.shape_cast %select_n3A_2088 : vector<16xi32> to vector<16x1xi32>
    %gather3A_2090 = vector.shape_cast %broadcast_in_dim3A_2089 : vector<16x1xi32> to vector<16xi32>
    %gather3A_2091 = tpu.dynamic_gather %get3A_1699[%gather3A_2090] in [0] : vector<16xf32>, vector<16xi32> -> vector<16xf32>
    %eq3A_2092 = arith.constant 5 : i32
    %eq3A_2093 = vector.broadcast %eq3A_2092 : i32 to vector<16xi32>
    %eq3A_2094 = arith.cmpi eq, %shift_right_arithmetic3A_2006, %eq3A_2093 : vector<16xi32>
    %select_n3A_2095 = arith.select %eq3A_2094, %gather3A_2091, %select_n3A_2081 : vector<16xi1>, vector<16xf32>
    %lt3A_2096 = arith.cmpi slt, %iota3A, %gather3A_1990 : vector<16xi32>
    %jit3A_2097 = arith.constant -3.000000e+38 : f32
    %broadcast_in_dim3A_2098 = vector.broadcast %jit3A_2097 : f32 to vector<16xf32>
    %select_n3A_2099 = arith.select %lt3A_2096, %select_n3A_2095, %broadcast_in_dim3A_2098 : vector<16xi1>, vector<16xf32>
    %xor3A_2100 = arith.constant 8 : i32
    %xor3A_2101 = vector.broadcast %xor3A_2100 : i32 to vector<16xi32>
    %xor3A_2102 = arith.xori %iota3A, %xor3A_2101 : vector<16xi32>
    %lt3A_2103 = arith.constant 0 : i32
    %lt3A_2104 = vector.broadcast %lt3A_2103 : i32 to vector<16xi32>
    %lt3A_2105 = arith.cmpi slt, %xor3A_2102, %lt3A_2104 : vector<16xi32>
    %add3A_2106 = arith.constant 16 : i32
    %add3A_2107 = vector.broadcast %add3A_2106 : i32 to vector<16xi32>
    %add3A_2108 = arith.addi %xor3A_2102, %add3A_2107 : vector<16xi32>
    %select_n3A_2109 = arith.select %lt3A_2105, %add3A_2108, %xor3A_2102 : vector<16xi1>, vector<16xi32>
    %broadcast_in_dim3A_2110 = vector.shape_cast %select_n3A_2109 : vector<16xi32> to vector<16x1xi32>
    %gather3A_2111 = vector.shape_cast %broadcast_in_dim3A_2110 : vector<16x1xi32> to vector<16xi32>
    %gather3A_2112 = tpu.dynamic_gather %select_n3A_2099[%gather3A_2111] in [0] : vector<16xf32>, vector<16xi32> -> vector<16xf32>
    %max3A_2113 = arith.maximumf %select_n3A_2099, %gather3A_2112 : vector<16xf32>
    %xor3A_2114 = arith.constant 4 : i32
    %xor3A_2115 = vector.broadcast %xor3A_2114 : i32 to vector<16xi32>
    %xor3A_2116 = arith.xori %iota3A, %xor3A_2115 : vector<16xi32>
    %lt3A_2117 = arith.constant 0 : i32
    %lt3A_2118 = vector.broadcast %lt3A_2117 : i32 to vector<16xi32>
    %lt3A_2119 = arith.cmpi slt, %xor3A_2116, %lt3A_2118 : vector<16xi32>
    %add3A_2120 = arith.constant 16 : i32
    %add3A_2121 = vector.broadcast %add3A_2120 : i32 to vector<16xi32>
    %add3A_2122 = arith.addi %xor3A_2116, %add3A_2121 : vector<16xi32>
    %select_n3A_2123 = arith.select %lt3A_2119, %add3A_2122, %xor3A_2116 : vector<16xi1>, vector<16xi32>
    %broadcast_in_dim3A_2124 = vector.shape_cast %select_n3A_2123 : vector<16xi32> to vector<16x1xi32>
    %gather3A_2125 = vector.shape_cast %broadcast_in_dim3A_2124 : vector<16x1xi32> to vector<16xi32>
    %gather3A_2126 = tpu.dynamic_gather %max3A_2113[%gather3A_2125] in [0] : vector<16xf32>, vector<16xi32> -> vector<16xf32>
    %max3A_2127 = arith.maximumf %max3A_2113, %gather3A_2126 : vector<16xf32>
    %xor3A_2128 = arith.constant 2 : i32
    %xor3A_2129 = vector.broadcast %xor3A_2128 : i32 to vector<16xi32>
    %xor3A_2130 = arith.xori %iota3A, %xor3A_2129 : vector<16xi32>
    %lt3A_2131 = arith.constant 0 : i32
    %lt3A_2132 = vector.broadcast %lt3A_2131 : i32 to vector<16xi32>
    %lt3A_2133 = arith.cmpi slt, %xor3A_2130, %lt3A_2132 : vector<16xi32>
    %add3A_2134 = arith.constant 16 : i32
    %add3A_2135 = vector.broadcast %add3A_2134 : i32 to vector<16xi32>
    %add3A_2136 = arith.addi %xor3A_2130, %add3A_2135 : vector<16xi32>
    %select_n3A_2137 = arith.select %lt3A_2133, %add3A_2136, %xor3A_2130 : vector<16xi1>, vector<16xi32>
    %broadcast_in_dim3A_2138 = vector.shape_cast %select_n3A_2137 : vector<16xi32> to vector<16x1xi32>
    %gather3A_2139 = vector.shape_cast %broadcast_in_dim3A_2138 : vector<16x1xi32> to vector<16xi32>
    %gather3A_2140 = tpu.dynamic_gather %max3A_2127[%gather3A_2139] in [0] : vector<16xf32>, vector<16xi32> -> vector<16xf32>
    %max3A_2141 = arith.maximumf %max3A_2127, %gather3A_2140 : vector<16xf32>
    %xor3A_2142 = arith.constant 1 : i32
    %xor3A_2143 = vector.broadcast %xor3A_2142 : i32 to vector<16xi32>
    %xor3A_2144 = arith.xori %iota3A, %xor3A_2143 : vector<16xi32>
    %lt3A_2145 = arith.constant 0 : i32
    %lt3A_2146 = vector.broadcast %lt3A_2145 : i32 to vector<16xi32>
    %lt3A_2147 = arith.cmpi slt, %xor3A_2144, %lt3A_2146 : vector<16xi32>
    %add3A_2148 = arith.constant 16 : i32
    %add3A_2149 = vector.broadcast %add3A_2148 : i32 to vector<16xi32>
    %add3A_2150 = arith.addi %xor3A_2144, %add3A_2149 : vector<16xi32>
    %select_n3A_2151 = arith.select %lt3A_2147, %add3A_2150, %xor3A_2144 : vector<16xi1>, vector<16xi32>
    %broadcast_in_dim3A_2152 = vector.shape_cast %select_n3A_2151 : vector<16xi32> to vector<16x1xi32>
    %gather3A_2153 = vector.shape_cast %broadcast_in_dim3A_2152 : vector<16x1xi32> to vector<16xi32>
    %gather3A_2154 = tpu.dynamic_gather %max3A_2141[%gather3A_2153] in [0] : vector<16xf32>, vector<16xi32> -> vector<16xf32>
    %max3A_2155 = arith.maximumf %max3A_2141, %gather3A_2154 : vector<16xf32>
    %sub3A_2156 = arith.subf %select_n3A_2095, %max3A_2155 : vector<16xf32>
    %exp3A_2157 = math.exp %sub3A_2156 : vector<16xf32>
    %jit3A_2158 = arith.constant 0.000000e+00 : f32
    %broadcast_in_dim3A_2159 = vector.broadcast %jit3A_2158 : f32 to vector<16xf32>
    %select_n3A_2160 = arith.select %lt3A_2096, %exp3A_2157, %broadcast_in_dim3A_2159 : vector<16xi1>, vector<16xf32>
    %xor3A_2161 = arith.constant 8 : i32
    %xor3A_2162 = vector.broadcast %xor3A_2161 : i32 to vector<16xi32>
    %xor3A_2163 = arith.xori %iota3A, %xor3A_2162 : vector<16xi32>
    %lt3A_2164 = arith.constant 0 : i32
    %lt3A_2165 = vector.broadcast %lt3A_2164 : i32 to vector<16xi32>
    %lt3A_2166 = arith.cmpi slt, %xor3A_2163, %lt3A_2165 : vector<16xi32>
    %add3A_2167 = arith.constant 16 : i32
    %add3A_2168 = vector.broadcast %add3A_2167 : i32 to vector<16xi32>
    %add3A_2169 = arith.addi %xor3A_2163, %add3A_2168 : vector<16xi32>
    %select_n3A_2170 = arith.select %lt3A_2166, %add3A_2169, %xor3A_2163 : vector<16xi1>, vector<16xi32>
    %broadcast_in_dim3A_2171 = vector.shape_cast %select_n3A_2170 : vector<16xi32> to vector<16x1xi32>
    %gather3A_2172 = vector.shape_cast %broadcast_in_dim3A_2171 : vector<16x1xi32> to vector<16xi32>
    %gather3A_2173 = tpu.dynamic_gather %select_n3A_2160[%gather3A_2172] in [0] : vector<16xf32>, vector<16xi32> -> vector<16xf32>
    %add3A_2174 = arith.addf %select_n3A_2160, %gather3A_2173 : vector<16xf32>
    %xor3A_2175 = arith.constant 4 : i32
    %xor3A_2176 = vector.broadcast %xor3A_2175 : i32 to vector<16xi32>
    %xor3A_2177 = arith.xori %iota3A, %xor3A_2176 : vector<16xi32>
    %lt3A_2178 = arith.constant 0 : i32
    %lt3A_2179 = vector.broadcast %lt3A_2178 : i32 to vector<16xi32>
    %lt3A_2180 = arith.cmpi slt, %xor3A_2177, %lt3A_2179 : vector<16xi32>
    %add3A_2181 = arith.constant 16 : i32
    %add3A_2182 = vector.broadcast %add3A_2181 : i32 to vector<16xi32>
    %add3A_2183 = arith.addi %xor3A_2177, %add3A_2182 : vector<16xi32>
    %select_n3A_2184 = arith.select %lt3A_2180, %add3A_2183, %xor3A_2177 : vector<16xi1>, vector<16xi32>
    %broadcast_in_dim3A_2185 = vector.shape_cast %select_n3A_2184 : vector<16xi32> to vector<16x1xi32>
    %gather3A_2186 = vector.shape_cast %broadcast_in_dim3A_2185 : vector<16x1xi32> to vector<16xi32>
    %gather3A_2187 = tpu.dynamic_gather %add3A_2174[%gather3A_2186] in [0] : vector<16xf32>, vector<16xi32> -> vector<16xf32>
    %add3A_2188 = arith.addf %add3A_2174, %gather3A_2187 : vector<16xf32>
    %xor3A_2189 = arith.constant 2 : i32
    %xor3A_2190 = vector.broadcast %xor3A_2189 : i32 to vector<16xi32>
    %xor3A_2191 = arith.xori %iota3A, %xor3A_2190 : vector<16xi32>
    %lt3A_2192 = arith.constant 0 : i32
    %lt3A_2193 = vector.broadcast %lt3A_2192 : i32 to vector<16xi32>
    %lt3A_2194 = arith.cmpi slt, %xor3A_2191, %lt3A_2193 : vector<16xi32>
    %add3A_2195 = arith.constant 16 : i32
    %add3A_2196 = vector.broadcast %add3A_2195 : i32 to vector<16xi32>
    %add3A_2197 = arith.addi %xor3A_2191, %add3A_2196 : vector<16xi32>
    %select_n3A_2198 = arith.select %lt3A_2194, %add3A_2197, %xor3A_2191 : vector<16xi1>, vector<16xi32>
    %broadcast_in_dim3A_2199 = vector.shape_cast %select_n3A_2198 : vector<16xi32> to vector<16x1xi32>
    %gather3A_2200 = vector.shape_cast %broadcast_in_dim3A_2199 : vector<16x1xi32> to vector<16xi32>
    %gather3A_2201 = tpu.dynamic_gather %add3A_2188[%gather3A_2200] in [0] : vector<16xf32>, vector<16xi32> -> vector<16xf32>
    %add3A_2202 = arith.addf %add3A_2188, %gather3A_2201 : vector<16xf32>
    %xor3A_2203 = arith.constant 1 : i32
    %xor3A_2204 = vector.broadcast %xor3A_2203 : i32 to vector<16xi32>
    %xor3A_2205 = arith.xori %iota3A, %xor3A_2204 : vector<16xi32>
    %lt3A_2206 = arith.constant 0 : i32
    %lt3A_2207 = vector.broadcast %lt3A_2206 : i32 to vector<16xi32>
    %lt3A_2208 = arith.cmpi slt, %xor3A_2205, %lt3A_2207 : vector<16xi32>
    %add3A_2209 = arith.constant 16 : i32
    %add3A_2210 = vector.broadcast %add3A_2209 : i32 to vector<16xi32>
    %add3A_2211 = arith.addi %xor3A_2205, %add3A_2210 : vector<16xi32>
    %select_n3A_2212 = arith.select %lt3A_2208, %add3A_2211, %xor3A_2205 : vector<16xi1>, vector<16xi32>
    %broadcast_in_dim3A_2213 = vector.shape_cast %select_n3A_2212 : vector<16xi32> to vector<16x1xi32>
    %gather3A_2214 = vector.shape_cast %broadcast_in_dim3A_2213 : vector<16x1xi32> to vector<16xi32>
    %gather3A_2215 = tpu.dynamic_gather %add3A_2202[%gather3A_2214] in [0] : vector<16xf32>, vector<16xi32> -> vector<16xf32>
    %add3A_2216 = arith.addf %add3A_2202, %gather3A_2215 : vector<16xf32>
    %lt3A_2217 = arith.constant 0 : i32
    %lt3A_2218 = vector.broadcast %lt3A_2217 : i32 to vector<16xi32>
    %lt3A_2219 = arith.cmpi slt, %gather3A_2002, %lt3A_2218 : vector<16xi32>
    %add3A_2220 = arith.constant 16 : i32
    %add3A_2221 = vector.broadcast %add3A_2220 : i32 to vector<16xi32>
    %add3A_2222 = arith.addi %gather3A_2002, %add3A_2221 : vector<16xi32>
    %select_n3A_2223 = arith.select %lt3A_2219, %add3A_2222, %gather3A_2002 : vector<16xi1>, vector<16xi32>
    %broadcast_in_dim3A_2224 = vector.shape_cast %select_n3A_2223 : vector<16xi32> to vector<16x1xi32>
    %gather3A_2225 = vector.shape_cast %broadcast_in_dim3A_2224 : vector<16x1xi32> to vector<16xi32>
    %gather3A_2226 = tpu.dynamic_gather %select_n3A_2095[%gather3A_2225] in [0] : vector<16xf32>, vector<16xi32> -> vector<16xf32>
    %sub3A_2227 = arith.subf %max3A_2155, %gather3A_2226 : vector<16xf32>
    %add3A_2228 = arith.addf %add3A_1965, %sub3A_2227 : vector<16xf32>
    %mul3A_2229 = arith.mulf %mul3A_1966, %add3A_2216 : vector<16xf32>
    %broadcast_in_dim3A_2230 = arith.constant 6 : i32
    %broadcast_in_dim3A_2231 = vector.broadcast %broadcast_in_dim3A_2230 : i32 to vector<16xi32>
    %lt3A_2232 = arith.constant 0 : i32
    %lt3A_2233 = vector.broadcast %lt3A_2232 : i32 to vector<16xi32>
    %lt3A_2234 = arith.cmpi slt, %broadcast_in_dim3A_2231, %lt3A_2233 : vector<16xi32>
    %add3A_2235 = arith.constant 16 : i32
    %add3A_2236 = vector.broadcast %add3A_2235 : i32 to vector<16xi32>
    %add3A_2237 = arith.addi %broadcast_in_dim3A_2231, %add3A_2236 : vector<16xi32>
    %select_n3A_2238 = arith.select %lt3A_2234, %add3A_2237, %broadcast_in_dim3A_2231 : vector<16xi1>, vector<16xi32>
    %broadcast_in_dim3A_2239 = vector.shape_cast %select_n3A_2238 : vector<16xi32> to vector<16x1xi32>
    %gather3A_2240 = vector.shape_cast %broadcast_in_dim3A_2239 : vector<16x1xi32> to vector<16xi32>
    %gather3A_2241 = tpu.dynamic_gather %get3A_1681[%gather3A_2240] in [0] : vector<16xi32>, vector<16xi32> -> vector<16xi32>
    %broadcast_in_dim3A_2242 = arith.constant 7 : i32
    %broadcast_in_dim3A_2243 = vector.broadcast %broadcast_in_dim3A_2242 : i32 to vector<16xi32>
    %lt3A_2244 = arith.constant 0 : i32
    %lt3A_2245 = vector.broadcast %lt3A_2244 : i32 to vector<16xi32>
    %lt3A_2246 = arith.cmpi slt, %broadcast_in_dim3A_2243, %lt3A_2245 : vector<16xi32>
    %add3A_2247 = arith.constant 16 : i32
    %add3A_2248 = vector.broadcast %add3A_2247 : i32 to vector<16xi32>
    %add3A_2249 = arith.addi %broadcast_in_dim3A_2243, %add3A_2248 : vector<16xi32>
    %select_n3A_2250 = arith.select %lt3A_2246, %add3A_2249, %broadcast_in_dim3A_2243 : vector<16xi1>, vector<16xi32>
    %broadcast_in_dim3A_2251 = vector.shape_cast %select_n3A_2250 : vector<16xi32> to vector<16x1xi32>
    %gather3A_2252 = vector.shape_cast %broadcast_in_dim3A_2251 : vector<16x1xi32> to vector<16xi32>
    %gather3A_2253 = tpu.dynamic_gather %get3A_1681[%gather3A_2252] in [0] : vector<16xi32>, vector<16xi32> -> vector<16xi32>
    %broadcast_in_dim3A_2254 = arith.constant 8 : i32
    %broadcast_in_dim3A_2255 = vector.broadcast %broadcast_in_dim3A_2254 : i32 to vector<16xi32>
    %lt3A_2256 = arith.constant 0 : i32
    %lt3A_2257 = vector.broadcast %lt3A_2256 : i32 to vector<16xi32>
    %lt3A_2258 = arith.cmpi slt, %broadcast_in_dim3A_2255, %lt3A_2257 : vector<16xi32>
    %add3A_2259 = arith.constant 16 : i32
    %add3A_2260 = vector.broadcast %add3A_2259 : i32 to vector<16xi32>
    %add3A_2261 = arith.addi %broadcast_in_dim3A_2255, %add3A_2260 : vector<16xi32>
    %select_n3A_2262 = arith.select %lt3A_2258, %add3A_2261, %broadcast_in_dim3A_2255 : vector<16xi1>, vector<16xi32>
    %broadcast_in_dim3A_2263 = vector.shape_cast %select_n3A_2262 : vector<16xi32> to vector<16x1xi32>
    %gather3A_2264 = vector.shape_cast %broadcast_in_dim3A_2263 : vector<16x1xi32> to vector<16xi32>
    %gather3A_2265 = tpu.dynamic_gather %get3A_1681[%gather3A_2264] in [0] : vector<16xi32>, vector<16xi32> -> vector<16xi32>
    %add3A_2266 = arith.addi %gather3A_2241, %iota3A : vector<16xi32>
    %shift_right_arithmetic3A_2267 = arith.constant 4 : i32
    %shift_right_arithmetic3A_2268 = vector.broadcast %shift_right_arithmetic3A_2267 : i32 to vector<16xi32>
    %shift_right_arithmetic3A_2269 = arith.shrsi %add3A_2266, %shift_right_arithmetic3A_2268 : vector<16xi32>
    %and3A_2270 = arith.constant 15 : i32
    %and3A_2271 = vector.broadcast %and3A_2270 : i32 to vector<16xi32>
    %and3A_2272 = arith.andi %add3A_2266, %and3A_2271 : vector<16xi32>
    %broadcast_in_dim3A_2273 = arith.constant 0.000000e+00 : f32
    %broadcast_in_dim3A_2274 = vector.broadcast %broadcast_in_dim3A_2273 : f32 to vector<16xf32>
    %lt3A_2275 = arith.constant 0 : i32
    %lt3A_2276 = vector.broadcast %lt3A_2275 : i32 to vector<16xi32>
    %lt3A_2277 = arith.cmpi slt, %and3A_2272, %lt3A_2276 : vector<16xi32>
    %add3A_2278 = arith.constant 16 : i32
    %add3A_2279 = vector.broadcast %add3A_2278 : i32 to vector<16xi32>
    %add3A_2280 = arith.addi %and3A_2272, %add3A_2279 : vector<16xi32>
    %select_n3A_2281 = arith.select %lt3A_2277, %add3A_2280, %and3A_2272 : vector<16xi1>, vector<16xi32>
    %broadcast_in_dim3A_2282 = vector.shape_cast %select_n3A_2281 : vector<16xi32> to vector<16x1xi32>
    %gather3A_2283 = vector.shape_cast %broadcast_in_dim3A_2282 : vector<16x1xi32> to vector<16xi32>
    %gather3A_2284 = tpu.dynamic_gather %get3A_1684[%gather3A_2283] in [0] : vector<16xf32>, vector<16xi32> -> vector<16xf32>
    %eq3A_2285 = arith.constant 0 : i32
    %eq3A_2286 = vector.broadcast %eq3A_2285 : i32 to vector<16xi32>
    %eq3A_2287 = arith.cmpi eq, %shift_right_arithmetic3A_2269, %eq3A_2286 : vector<16xi32>
    %select_n3A_2288 = arith.select %eq3A_2287, %gather3A_2284, %broadcast_in_dim3A_2274 : vector<16xi1>, vector<16xf32>
    %lt3A_2289 = arith.constant 0 : i32
    %lt3A_2290 = vector.broadcast %lt3A_2289 : i32 to vector<16xi32>
    %lt3A_2291 = arith.cmpi slt, %and3A_2272, %lt3A_2290 : vector<16xi32>
    %add3A_2292 = arith.constant 16 : i32
    %add3A_2293 = vector.broadcast %add3A_2292 : i32 to vector<16xi32>
    %add3A_2294 = arith.addi %and3A_2272, %add3A_2293 : vector<16xi32>
    %select_n3A_2295 = arith.select %lt3A_2291, %add3A_2294, %and3A_2272 : vector<16xi1>, vector<16xi32>
    %broadcast_in_dim3A_2296 = vector.shape_cast %select_n3A_2295 : vector<16xi32> to vector<16x1xi32>
    %gather3A_2297 = vector.shape_cast %broadcast_in_dim3A_2296 : vector<16x1xi32> to vector<16xi32>
    %gather3A_2298 = tpu.dynamic_gather %get3A_1687[%gather3A_2297] in [0] : vector<16xf32>, vector<16xi32> -> vector<16xf32>
    %eq3A_2299 = arith.constant 1 : i32
    %eq3A_2300 = vector.broadcast %eq3A_2299 : i32 to vector<16xi32>
    %eq3A_2301 = arith.cmpi eq, %shift_right_arithmetic3A_2269, %eq3A_2300 : vector<16xi32>
    %select_n3A_2302 = arith.select %eq3A_2301, %gather3A_2298, %select_n3A_2288 : vector<16xi1>, vector<16xf32>
    %lt3A_2303 = arith.constant 0 : i32
    %lt3A_2304 = vector.broadcast %lt3A_2303 : i32 to vector<16xi32>
    %lt3A_2305 = arith.cmpi slt, %and3A_2272, %lt3A_2304 : vector<16xi32>
    %add3A_2306 = arith.constant 16 : i32
    %add3A_2307 = vector.broadcast %add3A_2306 : i32 to vector<16xi32>
    %add3A_2308 = arith.addi %and3A_2272, %add3A_2307 : vector<16xi32>
    %select_n3A_2309 = arith.select %lt3A_2305, %add3A_2308, %and3A_2272 : vector<16xi1>, vector<16xi32>
    %broadcast_in_dim3A_2310 = vector.shape_cast %select_n3A_2309 : vector<16xi32> to vector<16x1xi32>
    %gather3A_2311 = vector.shape_cast %broadcast_in_dim3A_2310 : vector<16x1xi32> to vector<16xi32>
    %gather3A_2312 = tpu.dynamic_gather %get3A_1690[%gather3A_2311] in [0] : vector<16xf32>, vector<16xi32> -> vector<16xf32>
    %eq3A_2313 = arith.constant 2 : i32
    %eq3A_2314 = vector.broadcast %eq3A_2313 : i32 to vector<16xi32>
    %eq3A_2315 = arith.cmpi eq, %shift_right_arithmetic3A_2269, %eq3A_2314 : vector<16xi32>
    %select_n3A_2316 = arith.select %eq3A_2315, %gather3A_2312, %select_n3A_2302 : vector<16xi1>, vector<16xf32>
    %lt3A_2317 = arith.constant 0 : i32
    %lt3A_2318 = vector.broadcast %lt3A_2317 : i32 to vector<16xi32>
    %lt3A_2319 = arith.cmpi slt, %and3A_2272, %lt3A_2318 : vector<16xi32>
    %add3A_2320 = arith.constant 16 : i32
    %add3A_2321 = vector.broadcast %add3A_2320 : i32 to vector<16xi32>
    %add3A_2322 = arith.addi %and3A_2272, %add3A_2321 : vector<16xi32>
    %select_n3A_2323 = arith.select %lt3A_2319, %add3A_2322, %and3A_2272 : vector<16xi1>, vector<16xi32>
    %broadcast_in_dim3A_2324 = vector.shape_cast %select_n3A_2323 : vector<16xi32> to vector<16x1xi32>
    %gather3A_2325 = vector.shape_cast %broadcast_in_dim3A_2324 : vector<16x1xi32> to vector<16xi32>
    %gather3A_2326 = tpu.dynamic_gather %get3A_1693[%gather3A_2325] in [0] : vector<16xf32>, vector<16xi32> -> vector<16xf32>
    %eq3A_2327 = arith.constant 3 : i32
    %eq3A_2328 = vector.broadcast %eq3A_2327 : i32 to vector<16xi32>
    %eq3A_2329 = arith.cmpi eq, %shift_right_arithmetic3A_2269, %eq3A_2328 : vector<16xi32>
    %select_n3A_2330 = arith.select %eq3A_2329, %gather3A_2326, %select_n3A_2316 : vector<16xi1>, vector<16xf32>
    %lt3A_2331 = arith.constant 0 : i32
    %lt3A_2332 = vector.broadcast %lt3A_2331 : i32 to vector<16xi32>
    %lt3A_2333 = arith.cmpi slt, %and3A_2272, %lt3A_2332 : vector<16xi32>
    %add3A_2334 = arith.constant 16 : i32
    %add3A_2335 = vector.broadcast %add3A_2334 : i32 to vector<16xi32>
    %add3A_2336 = arith.addi %and3A_2272, %add3A_2335 : vector<16xi32>
    %select_n3A_2337 = arith.select %lt3A_2333, %add3A_2336, %and3A_2272 : vector<16xi1>, vector<16xi32>
    %broadcast_in_dim3A_2338 = vector.shape_cast %select_n3A_2337 : vector<16xi32> to vector<16x1xi32>
    %gather3A_2339 = vector.shape_cast %broadcast_in_dim3A_2338 : vector<16x1xi32> to vector<16xi32>
    %gather3A_2340 = tpu.dynamic_gather %get3A_1696[%gather3A_2339] in [0] : vector<16xf32>, vector<16xi32> -> vector<16xf32>
    %eq3A_2341 = arith.constant 4 : i32
    %eq3A_2342 = vector.broadcast %eq3A_2341 : i32 to vector<16xi32>
    %eq3A_2343 = arith.cmpi eq, %shift_right_arithmetic3A_2269, %eq3A_2342 : vector<16xi32>
    %select_n3A_2344 = arith.select %eq3A_2343, %gather3A_2340, %select_n3A_2330 : vector<16xi1>, vector<16xf32>
    %lt3A_2345 = arith.constant 0 : i32
    %lt3A_2346 = vector.broadcast %lt3A_2345 : i32 to vector<16xi32>
    %lt3A_2347 = arith.cmpi slt, %and3A_2272, %lt3A_2346 : vector<16xi32>
    %add3A_2348 = arith.constant 16 : i32
    %add3A_2349 = vector.broadcast %add3A_2348 : i32 to vector<16xi32>
    %add3A_2350 = arith.addi %and3A_2272, %add3A_2349 : vector<16xi32>
    %select_n3A_2351 = arith.select %lt3A_2347, %add3A_2350, %and3A_2272 : vector<16xi1>, vector<16xi32>
    %broadcast_in_dim3A_2352 = vector.shape_cast %select_n3A_2351 : vector<16xi32> to vector<16x1xi32>
    %gather3A_2353 = vector.shape_cast %broadcast_in_dim3A_2352 : vector<16x1xi32> to vector<16xi32>
    %gather3A_2354 = tpu.dynamic_gather %get3A_1699[%gather3A_2353] in [0] : vector<16xf32>, vector<16xi32> -> vector<16xf32>
    %eq3A_2355 = arith.constant 5 : i32
    %eq3A_2356 = vector.broadcast %eq3A_2355 : i32 to vector<16xi32>
    %eq3A_2357 = arith.cmpi eq, %shift_right_arithmetic3A_2269, %eq3A_2356 : vector<16xi32>
    %select_n3A_2358 = arith.select %eq3A_2357, %gather3A_2354, %select_n3A_2344 : vector<16xi1>, vector<16xf32>
    %lt3A_2359 = arith.cmpi slt, %iota3A, %gather3A_2253 : vector<16xi32>
    %jit3A_2360 = arith.constant -3.000000e+38 : f32
    %broadcast_in_dim3A_2361 = vector.broadcast %jit3A_2360 : f32 to vector<16xf32>
    %select_n3A_2362 = arith.select %lt3A_2359, %select_n3A_2358, %broadcast_in_dim3A_2361 : vector<16xi1>, vector<16xf32>
    %xor3A_2363 = arith.constant 8 : i32
    %xor3A_2364 = vector.broadcast %xor3A_2363 : i32 to vector<16xi32>
    %xor3A_2365 = arith.xori %iota3A, %xor3A_2364 : vector<16xi32>
    %lt3A_2366 = arith.constant 0 : i32
    %lt3A_2367 = vector.broadcast %lt3A_2366 : i32 to vector<16xi32>
    %lt3A_2368 = arith.cmpi slt, %xor3A_2365, %lt3A_2367 : vector<16xi32>
    %add3A_2369 = arith.constant 16 : i32
    %add3A_2370 = vector.broadcast %add3A_2369 : i32 to vector<16xi32>
    %add3A_2371 = arith.addi %xor3A_2365, %add3A_2370 : vector<16xi32>
    %select_n3A_2372 = arith.select %lt3A_2368, %add3A_2371, %xor3A_2365 : vector<16xi1>, vector<16xi32>
    %broadcast_in_dim3A_2373 = vector.shape_cast %select_n3A_2372 : vector<16xi32> to vector<16x1xi32>
    %gather3A_2374 = vector.shape_cast %broadcast_in_dim3A_2373 : vector<16x1xi32> to vector<16xi32>
    %gather3A_2375 = tpu.dynamic_gather %select_n3A_2362[%gather3A_2374] in [0] : vector<16xf32>, vector<16xi32> -> vector<16xf32>
    %max3A_2376 = arith.maximumf %select_n3A_2362, %gather3A_2375 : vector<16xf32>
    %xor3A_2377 = arith.constant 4 : i32
    %xor3A_2378 = vector.broadcast %xor3A_2377 : i32 to vector<16xi32>
    %xor3A_2379 = arith.xori %iota3A, %xor3A_2378 : vector<16xi32>
    %lt3A_2380 = arith.constant 0 : i32
    %lt3A_2381 = vector.broadcast %lt3A_2380 : i32 to vector<16xi32>
    %lt3A_2382 = arith.cmpi slt, %xor3A_2379, %lt3A_2381 : vector<16xi32>
    %add3A_2383 = arith.constant 16 : i32
    %add3A_2384 = vector.broadcast %add3A_2383 : i32 to vector<16xi32>
    %add3A_2385 = arith.addi %xor3A_2379, %add3A_2384 : vector<16xi32>
    %select_n3A_2386 = arith.select %lt3A_2382, %add3A_2385, %xor3A_2379 : vector<16xi1>, vector<16xi32>
    %broadcast_in_dim3A_2387 = vector.shape_cast %select_n3A_2386 : vector<16xi32> to vector<16x1xi32>
    %gather3A_2388 = vector.shape_cast %broadcast_in_dim3A_2387 : vector<16x1xi32> to vector<16xi32>
    %gather3A_2389 = tpu.dynamic_gather %max3A_2376[%gather3A_2388] in [0] : vector<16xf32>, vector<16xi32> -> vector<16xf32>
    %max3A_2390 = arith.maximumf %max3A_2376, %gather3A_2389 : vector<16xf32>
    %xor3A_2391 = arith.constant 2 : i32
    %xor3A_2392 = vector.broadcast %xor3A_2391 : i32 to vector<16xi32>
    %xor3A_2393 = arith.xori %iota3A, %xor3A_2392 : vector<16xi32>
    %lt3A_2394 = arith.constant 0 : i32
    %lt3A_2395 = vector.broadcast %lt3A_2394 : i32 to vector<16xi32>
    %lt3A_2396 = arith.cmpi slt, %xor3A_2393, %lt3A_2395 : vector<16xi32>
    %add3A_2397 = arith.constant 16 : i32
    %add3A_2398 = vector.broadcast %add3A_2397 : i32 to vector<16xi32>
    %add3A_2399 = arith.addi %xor3A_2393, %add3A_2398 : vector<16xi32>
    %select_n3A_2400 = arith.select %lt3A_2396, %add3A_2399, %xor3A_2393 : vector<16xi1>, vector<16xi32>
    %broadcast_in_dim3A_2401 = vector.shape_cast %select_n3A_2400 : vector<16xi32> to vector<16x1xi32>
    %gather3A_2402 = vector.shape_cast %broadcast_in_dim3A_2401 : vector<16x1xi32> to vector<16xi32>
    %gather3A_2403 = tpu.dynamic_gather %max3A_2390[%gather3A_2402] in [0] : vector<16xf32>, vector<16xi32> -> vector<16xf32>
    %max3A_2404 = arith.maximumf %max3A_2390, %gather3A_2403 : vector<16xf32>
    %xor3A_2405 = arith.constant 1 : i32
    %xor3A_2406 = vector.broadcast %xor3A_2405 : i32 to vector<16xi32>
    %xor3A_2407 = arith.xori %iota3A, %xor3A_2406 : vector<16xi32>
    %lt3A_2408 = arith.constant 0 : i32
    %lt3A_2409 = vector.broadcast %lt3A_2408 : i32 to vector<16xi32>
    %lt3A_2410 = arith.cmpi slt, %xor3A_2407, %lt3A_2409 : vector<16xi32>
    %add3A_2411 = arith.constant 16 : i32
    %add3A_2412 = vector.broadcast %add3A_2411 : i32 to vector<16xi32>
    %add3A_2413 = arith.addi %xor3A_2407, %add3A_2412 : vector<16xi32>
    %select_n3A_2414 = arith.select %lt3A_2410, %add3A_2413, %xor3A_2407 : vector<16xi1>, vector<16xi32>
    %broadcast_in_dim3A_2415 = vector.shape_cast %select_n3A_2414 : vector<16xi32> to vector<16x1xi32>
    %gather3A_2416 = vector.shape_cast %broadcast_in_dim3A_2415 : vector<16x1xi32> to vector<16xi32>
    %gather3A_2417 = tpu.dynamic_gather %max3A_2404[%gather3A_2416] in [0] : vector<16xf32>, vector<16xi32> -> vector<16xf32>
    %max3A_2418 = arith.maximumf %max3A_2404, %gather3A_2417 : vector<16xf32>
    %sub3A_2419 = arith.subf %select_n3A_2358, %max3A_2418 : vector<16xf32>
    %exp3A_2420 = math.exp %sub3A_2419 : vector<16xf32>
    %jit3A_2421 = arith.constant 0.000000e+00 : f32
    %broadcast_in_dim3A_2422 = vector.broadcast %jit3A_2421 : f32 to vector<16xf32>
    %select_n3A_2423 = arith.select %lt3A_2359, %exp3A_2420, %broadcast_in_dim3A_2422 : vector<16xi1>, vector<16xf32>
    %xor3A_2424 = arith.constant 8 : i32
    %xor3A_2425 = vector.broadcast %xor3A_2424 : i32 to vector<16xi32>
    %xor3A_2426 = arith.xori %iota3A, %xor3A_2425 : vector<16xi32>
    %lt3A_2427 = arith.constant 0 : i32
    %lt3A_2428 = vector.broadcast %lt3A_2427 : i32 to vector<16xi32>
    %lt3A_2429 = arith.cmpi slt, %xor3A_2426, %lt3A_2428 : vector<16xi32>
    %add3A_2430 = arith.constant 16 : i32
    %add3A_2431 = vector.broadcast %add3A_2430 : i32 to vector<16xi32>
    %add3A_2432 = arith.addi %xor3A_2426, %add3A_2431 : vector<16xi32>
    %select_n3A_2433 = arith.select %lt3A_2429, %add3A_2432, %xor3A_2426 : vector<16xi1>, vector<16xi32>
    %broadcast_in_dim3A_2434 = vector.shape_cast %select_n3A_2433 : vector<16xi32> to vector<16x1xi32>
    %gather3A_2435 = vector.shape_cast %broadcast_in_dim3A_2434 : vector<16x1xi32> to vector<16xi32>
    %gather3A_2436 = tpu.dynamic_gather %select_n3A_2423[%gather3A_2435] in [0] : vector<16xf32>, vector<16xi32> -> vector<16xf32>
    %add3A_2437 = arith.addf %select_n3A_2423, %gather3A_2436 : vector<16xf32>
    %xor3A_2438 = arith.constant 4 : i32
    %xor3A_2439 = vector.broadcast %xor3A_2438 : i32 to vector<16xi32>
    %xor3A_2440 = arith.xori %iota3A, %xor3A_2439 : vector<16xi32>
    %lt3A_2441 = arith.constant 0 : i32
    %lt3A_2442 = vector.broadcast %lt3A_2441 : i32 to vector<16xi32>
    %lt3A_2443 = arith.cmpi slt, %xor3A_2440, %lt3A_2442 : vector<16xi32>
    %add3A_2444 = arith.constant 16 : i32
    %add3A_2445 = vector.broadcast %add3A_2444 : i32 to vector<16xi32>
    %add3A_2446 = arith.addi %xor3A_2440, %add3A_2445 : vector<16xi32>
    %select_n3A_2447 = arith.select %lt3A_2443, %add3A_2446, %xor3A_2440 : vector<16xi1>, vector<16xi32>
    %broadcast_in_dim3A_2448 = vector.shape_cast %select_n3A_2447 : vector<16xi32> to vector<16x1xi32>
    %gather3A_2449 = vector.shape_cast %broadcast_in_dim3A_2448 : vector<16x1xi32> to vector<16xi32>
    %gather3A_2450 = tpu.dynamic_gather %add3A_2437[%gather3A_2449] in [0] : vector<16xf32>, vector<16xi32> -> vector<16xf32>
    %add3A_2451 = arith.addf %add3A_2437, %gather3A_2450 : vector<16xf32>
    %xor3A_2452 = arith.constant 2 : i32
    %xor3A_2453 = vector.broadcast %xor3A_2452 : i32 to vector<16xi32>
    %xor3A_2454 = arith.xori %iota3A, %xor3A_2453 : vector<16xi32>
    %lt3A_2455 = arith.constant 0 : i32
    %lt3A_2456 = vector.broadcast %lt3A_2455 : i32 to vector<16xi32>
    %lt3A_2457 = arith.cmpi slt, %xor3A_2454, %lt3A_2456 : vector<16xi32>
    %add3A_2458 = arith.constant 16 : i32
    %add3A_2459 = vector.broadcast %add3A_2458 : i32 to vector<16xi32>
    %add3A_2460 = arith.addi %xor3A_2454, %add3A_2459 : vector<16xi32>
    %select_n3A_2461 = arith.select %lt3A_2457, %add3A_2460, %xor3A_2454 : vector<16xi1>, vector<16xi32>
    %broadcast_in_dim3A_2462 = vector.shape_cast %select_n3A_2461 : vector<16xi32> to vector<16x1xi32>
    %gather3A_2463 = vector.shape_cast %broadcast_in_dim3A_2462 : vector<16x1xi32> to vector<16xi32>
    %gather3A_2464 = tpu.dynamic_gather %add3A_2451[%gather3A_2463] in [0] : vector<16xf32>, vector<16xi32> -> vector<16xf32>
    %add3A_2465 = arith.addf %add3A_2451, %gather3A_2464 : vector<16xf32>
    %xor3A_2466 = arith.constant 1 : i32
    %xor3A_2467 = vector.broadcast %xor3A_2466 : i32 to vector<16xi32>
    %xor3A_2468 = arith.xori %iota3A, %xor3A_2467 : vector<16xi32>
    %lt3A_2469 = arith.constant 0 : i32
    %lt3A_2470 = vector.broadcast %lt3A_2469 : i32 to vector<16xi32>
    %lt3A_2471 = arith.cmpi slt, %xor3A_2468, %lt3A_2470 : vector<16xi32>
    %add3A_2472 = arith.constant 16 : i32
    %add3A_2473 = vector.broadcast %add3A_2472 : i32 to vector<16xi32>
    %add3A_2474 = arith.addi %xor3A_2468, %add3A_2473 : vector<16xi32>
    %select_n3A_2475 = arith.select %lt3A_2471, %add3A_2474, %xor3A_2468 : vector<16xi1>, vector<16xi32>
    %broadcast_in_dim3A_2476 = vector.shape_cast %select_n3A_2475 : vector<16xi32> to vector<16x1xi32>
    %gather3A_2477 = vector.shape_cast %broadcast_in_dim3A_2476 : vector<16x1xi32> to vector<16xi32>
    %gather3A_2478 = tpu.dynamic_gather %add3A_2465[%gather3A_2477] in [0] : vector<16xf32>, vector<16xi32> -> vector<16xf32>
    %add3A_2479 = arith.addf %add3A_2465, %gather3A_2478 : vector<16xf32>
    %lt3A_2480 = arith.constant 0 : i32
    %lt3A_2481 = vector.broadcast %lt3A_2480 : i32 to vector<16xi32>
    %lt3A_2482 = arith.cmpi slt, %gather3A_2265, %lt3A_2481 : vector<16xi32>
    %add3A_2483 = arith.constant 16 : i32
    %add3A_2484 = vector.broadcast %add3A_2483 : i32 to vector<16xi32>
    %add3A_2485 = arith.addi %gather3A_2265, %add3A_2484 : vector<16xi32>
    %select_n3A_2486 = arith.select %lt3A_2482, %add3A_2485, %gather3A_2265 : vector<16xi1>, vector<16xi32>
    %broadcast_in_dim3A_2487 = vector.shape_cast %select_n3A_2486 : vector<16xi32> to vector<16x1xi32>
    %gather3A_2488 = vector.shape_cast %broadcast_in_dim3A_2487 : vector<16x1xi32> to vector<16xi32>
    %gather3A_2489 = tpu.dynamic_gather %select_n3A_2358[%gather3A_2488] in [0] : vector<16xf32>, vector<16xi32> -> vector<16xf32>
    %sub3A_2490 = arith.subf %max3A_2418, %gather3A_2489 : vector<16xf32>
    %add3A_2491 = arith.addf %add3A_2228, %sub3A_2490 : vector<16xf32>
    %mul3A_2492 = arith.mulf %mul3A_2229, %add3A_2479 : vector<16xf32>
    %broadcast_in_dim3A_2493 = arith.constant 9 : i32
    %broadcast_in_dim3A_2494 = vector.broadcast %broadcast_in_dim3A_2493 : i32 to vector<16xi32>
    %lt3A_2495 = arith.constant 0 : i32
    %lt3A_2496 = vector.broadcast %lt3A_2495 : i32 to vector<16xi32>
    %lt3A_2497 = arith.cmpi slt, %broadcast_in_dim3A_2494, %lt3A_2496 : vector<16xi32>
    %add3A_2498 = arith.constant 16 : i32
    %add3A_2499 = vector.broadcast %add3A_2498 : i32 to vector<16xi32>
    %add3A_2500 = arith.addi %broadcast_in_dim3A_2494, %add3A_2499 : vector<16xi32>
    %select_n3A_2501 = arith.select %lt3A_2497, %add3A_2500, %broadcast_in_dim3A_2494 : vector<16xi1>, vector<16xi32>
    %broadcast_in_dim3A_2502 = vector.shape_cast %select_n3A_2501 : vector<16xi32> to vector<16x1xi32>
    %gather3A_2503 = vector.shape_cast %broadcast_in_dim3A_2502 : vector<16x1xi32> to vector<16xi32>
    %gather3A_2504 = tpu.dynamic_gather %get3A_1681[%gather3A_2503] in [0] : vector<16xi32>, vector<16xi32> -> vector<16xi32>
    %convert_element_type3A_2505 = arith.sitofp %gather3A_2504 : vector<16xi32> to vector<16xf32>
    %div3A_2506 = arith.constant 1.000000e+00 : f32
    %div3A_2507 = vector.broadcast %div3A_2506 : f32 to vector<16xf32>
    %div3A_2508 = arith.divf %div3A_2507, %convert_element_type3A_2505 : vector<16xf32>
    %eq3A_2509 = arith.constant 2 : i32
    %eq3A_2510 = vector.broadcast %eq3A_2509 : i32 to vector<16xi32>
    %eq3A_2511 = arith.cmpi eq, %iota3A, %eq3A_2510 : vector<16xi32>
    %select_n3A_2512 = arith.select %eq3A_2511, %add3A_2491, %select_n3A_1674 : vector<16xi1>, vector<16xf32>
    %select_n3A_2513 = arith.select %eq3A_2511, %mul3A_2492, %select_n3A_1675 : vector<16xi1>, vector<16xf32>
    %select_n3A_2514 = arith.select %eq3A_2511, %div3A_2508, %select_n3A_1676 : vector<16xi1>, vector<16xf32>
    %get3A_2515 = arith.constant 3 : i32
    %get3A_2516 = arith.index_cast %get3A_2515 : i32 to index
    %get3A_2517 = arith.constant 0 : index
    %get3A_2518 = tpu.vector_load %arg7[%get3A_2516, %get3A_2517] {strides = array<i32>} : memref<4x128xi32, #tpu.memory_space<vmem>>, vector<1x16xi32>,
    %get3A_2519 = vector.shape_cast %get3A_2518 : vector<1x16xi32> to vector<16xi32>
    %get3A_2520 = arith.constant 384 : index
    %get3A_2521 = tpu.vector_load %arg8[%get3A_2520] {strides = array<i32>} : memref<512xf32, #tpu.memory_space<vmem>>, vector<16xf32>,
    %get3A_2522 = vector.shape_cast %get3A_2521 : vector<16xf32> to vector<16xf32>
    %get3A_2523 = arith.constant 400 : index
    %get3A_2524 = tpu.vector_load %arg8[%get3A_2523] {strides = array<i32>} : memref<512xf32, #tpu.memory_space<vmem>>, vector<16xf32>,
    %get3A_2525 = vector.shape_cast %get3A_2524 : vector<16xf32> to vector<16xf32>
    %get3A_2526 = arith.constant 416 : index
    %get3A_2527 = tpu.vector_load %arg8[%get3A_2526] {strides = array<i32>} : memref<512xf32, #tpu.memory_space<vmem>>, vector<16xf32>,
    %get3A_2528 = vector.shape_cast %get3A_2527 : vector<16xf32> to vector<16xf32>
    %get3A_2529 = arith.constant 432 : index
    %get3A_2530 = tpu.vector_load %arg8[%get3A_2529] {strides = array<i32>} : memref<512xf32, #tpu.memory_space<vmem>>, vector<16xf32>,
    %get3A_2531 = vector.shape_cast %get3A_2530 : vector<16xf32> to vector<16xf32>
    %get3A_2532 = arith.constant 448 : index
    %get3A_2533 = tpu.vector_load %arg8[%get3A_2532] {strides = array<i32>} : memref<512xf32, #tpu.memory_space<vmem>>, vector<16xf32>,
    %get3A_2534 = vector.shape_cast %get3A_2533 : vector<16xf32> to vector<16xf32>
    %get3A_2535 = arith.constant 464 : index
    %get3A_2536 = tpu.vector_load %arg8[%get3A_2535] {strides = array<i32>} : memref<512xf32, #tpu.memory_space<vmem>>, vector<16xf32>,
    %get3A_2537 = vector.shape_cast %get3A_2536 : vector<16xf32> to vector<16xf32>
    %broadcast_in_dim3A_2538 = arith.constant 0.000000e+00 : f32
    %broadcast_in_dim3A_2539 = vector.broadcast %broadcast_in_dim3A_2538 : f32 to vector<16xf32>
    %broadcast_in_dim3A_2540 = arith.constant 1.000000e+00 : f32
    %broadcast_in_dim3A_2541 = vector.broadcast %broadcast_in_dim3A_2540 : f32 to vector<16xf32>
    %broadcast_in_dim3A_2542 = arith.constant 0 : i32
    %broadcast_in_dim3A_2543 = vector.broadcast %broadcast_in_dim3A_2542 : i32 to vector<16xi32>
    %lt3A_2544 = arith.constant 0 : i32
    %lt3A_2545 = vector.broadcast %lt3A_2544 : i32 to vector<16xi32>
    %lt3A_2546 = arith.cmpi slt, %broadcast_in_dim3A_2543, %lt3A_2545 : vector<16xi32>
    %add3A_2547 = arith.constant 16 : i32
    %add3A_2548 = vector.broadcast %add3A_2547 : i32 to vector<16xi32>
    %add3A_2549 = arith.addi %broadcast_in_dim3A_2543, %add3A_2548 : vector<16xi32>
    %select_n3A_2550 = arith.select %lt3A_2546, %add3A_2549, %broadcast_in_dim3A_2543 : vector<16xi1>, vector<16xi32>
    %broadcast_in_dim3A_2551 = vector.shape_cast %select_n3A_2550 : vector<16xi32> to vector<16x1xi32>
    %gather3A_2552 = vector.shape_cast %broadcast_in_dim3A_2551 : vector<16x1xi32> to vector<16xi32>
    %gather3A_2553 = tpu.dynamic_gather %get3A_2519[%gather3A_2552] in [0] : vector<16xi32>, vector<16xi32> -> vector<16xi32>
    %broadcast_in_dim3A_2554 = arith.constant 1 : i32
    %broadcast_in_dim3A_2555 = vector.broadcast %broadcast_in_dim3A_2554 : i32 to vector<16xi32>
    %lt3A_2556 = arith.constant 0 : i32
    %lt3A_2557 = vector.broadcast %lt3A_2556 : i32 to vector<16xi32>
    %lt3A_2558 = arith.cmpi slt, %broadcast_in_dim3A_2555, %lt3A_2557 : vector<16xi32>
    %add3A_2559 = arith.constant 16 : i32
    %add3A_2560 = vector.broadcast %add3A_2559 : i32 to vector<16xi32>
    %add3A_2561 = arith.addi %broadcast_in_dim3A_2555, %add3A_2560 : vector<16xi32>
    %select_n3A_2562 = arith.select %lt3A_2558, %add3A_2561, %broadcast_in_dim3A_2555 : vector<16xi1>, vector<16xi32>
    %broadcast_in_dim3A_2563 = vector.shape_cast %select_n3A_2562 : vector<16xi32> to vector<16x1xi32>
    %gather3A_2564 = vector.shape_cast %broadcast_in_dim3A_2563 : vector<16x1xi32> to vector<16xi32>
    %gather3A_2565 = tpu.dynamic_gather %get3A_2519[%gather3A_2564] in [0] : vector<16xi32>, vector<16xi32> -> vector<16xi32>
    %broadcast_in_dim3A_2566 = arith.constant 2 : i32
    %broadcast_in_dim3A_2567 = vector.broadcast %broadcast_in_dim3A_2566 : i32 to vector<16xi32>
    %lt3A_2568 = arith.constant 0 : i32
    %lt3A_2569 = vector.broadcast %lt3A_2568 : i32 to vector<16xi32>
    %lt3A_2570 = arith.cmpi slt, %broadcast_in_dim3A_2567, %lt3A_2569 : vector<16xi32>
    %add3A_2571 = arith.constant 16 : i32
    %add3A_2572 = vector.broadcast %add3A_2571 : i32 to vector<16xi32>
    %add3A_2573 = arith.addi %broadcast_in_dim3A_2567, %add3A_2572 : vector<16xi32>
    %select_n3A_2574 = arith.select %lt3A_2570, %add3A_2573, %broadcast_in_dim3A_2567 : vector<16xi1>, vector<16xi32>
    %broadcast_in_dim3A_2575 = vector.shape_cast %select_n3A_2574 : vector<16xi32> to vector<16x1xi32>
    %gather3A_2576 = vector.shape_cast %broadcast_in_dim3A_2575 : vector<16x1xi32> to vector<16xi32>
    %gather3A_2577 = tpu.dynamic_gather %get3A_2519[%gather3A_2576] in [0] : vector<16xi32>, vector<16xi32> -> vector<16xi32>
    %add3A_2578 = arith.addi %gather3A_2553, %iota3A : vector<16xi32>
    %shift_right_arithmetic3A_2579 = arith.constant 4 : i32
    %shift_right_arithmetic3A_2580 = vector.broadcast %shift_right_arithmetic3A_2579 : i32 to vector<16xi32>
    %shift_right_arithmetic3A_2581 = arith.shrsi %add3A_2578, %shift_right_arithmetic3A_2580 : vector<16xi32>
    %and3A_2582 = arith.constant 15 : i32
    %and3A_2583 = vector.broadcast %and3A_2582 : i32 to vector<16xi32>
    %and3A_2584 = arith.andi %add3A_2578, %and3A_2583 : vector<16xi32>
    %broadcast_in_dim3A_2585 = arith.constant 0.000000e+00 : f32
    %broadcast_in_dim3A_2586 = vector.broadcast %broadcast_in_dim3A_2585 : f32 to vector<16xf32>
    %lt3A_2587 = arith.constant 0 : i32
    %lt3A_2588 = vector.broadcast %lt3A_2587 : i32 to vector<16xi32>
    %lt3A_2589 = arith.cmpi slt, %and3A_2584, %lt3A_2588 : vector<16xi32>
    %add3A_2590 = arith.constant 16 : i32
    %add3A_2591 = vector.broadcast %add3A_2590 : i32 to vector<16xi32>
    %add3A_2592 = arith.addi %and3A_2584, %add3A_2591 : vector<16xi32>
    %select_n3A_2593 = arith.select %lt3A_2589, %add3A_2592, %and3A_2584 : vector<16xi1>, vector<16xi32>
    %broadcast_in_dim3A_2594 = vector.shape_cast %select_n3A_2593 : vector<16xi32> to vector<16x1xi32>
    %gather3A_2595 = vector.shape_cast %broadcast_in_dim3A_2594 : vector<16x1xi32> to vector<16xi32>
    %gather3A_2596 = tpu.dynamic_gather %get3A_2522[%gather3A_2595] in [0] : vector<16xf32>, vector<16xi32> -> vector<16xf32>
    %eq3A_2597 = arith.constant 0 : i32
    %eq3A_2598 = vector.broadcast %eq3A_2597 : i32 to vector<16xi32>
    %eq3A_2599 = arith.cmpi eq, %shift_right_arithmetic3A_2581, %eq3A_2598 : vector<16xi32>
    %select_n3A_2600 = arith.select %eq3A_2599, %gather3A_2596, %broadcast_in_dim3A_2586 : vector<16xi1>, vector<16xf32>
    %lt3A_2601 = arith.constant 0 : i32
    %lt3A_2602 = vector.broadcast %lt3A_2601 : i32 to vector<16xi32>
    %lt3A_2603 = arith.cmpi slt, %and3A_2584, %lt3A_2602 : vector<16xi32>
    %add3A_2604 = arith.constant 16 : i32
    %add3A_2605 = vector.broadcast %add3A_2604 : i32 to vector<16xi32>
    %add3A_2606 = arith.addi %and3A_2584, %add3A_2605 : vector<16xi32>
    %select_n3A_2607 = arith.select %lt3A_2603, %add3A_2606, %and3A_2584 : vector<16xi1>, vector<16xi32>
    %broadcast_in_dim3A_2608 = vector.shape_cast %select_n3A_2607 : vector<16xi32> to vector<16x1xi32>
    %gather3A_2609 = vector.shape_cast %broadcast_in_dim3A_2608 : vector<16x1xi32> to vector<16xi32>
    %gather3A_2610 = tpu.dynamic_gather %get3A_2525[%gather3A_2609] in [0] : vector<16xf32>, vector<16xi32> -> vector<16xf32>
    %eq3A_2611 = arith.constant 1 : i32
    %eq3A_2612 = vector.broadcast %eq3A_2611 : i32 to vector<16xi32>
    %eq3A_2613 = arith.cmpi eq, %shift_right_arithmetic3A_2581, %eq3A_2612 : vector<16xi32>
    %select_n3A_2614 = arith.select %eq3A_2613, %gather3A_2610, %select_n3A_2600 : vector<16xi1>, vector<16xf32>
    %lt3A_2615 = arith.constant 0 : i32
    %lt3A_2616 = vector.broadcast %lt3A_2615 : i32 to vector<16xi32>
    %lt3A_2617 = arith.cmpi slt, %and3A_2584, %lt3A_2616 : vector<16xi32>
    %add3A_2618 = arith.constant 16 : i32
    %add3A_2619 = vector.broadcast %add3A_2618 : i32 to vector<16xi32>
    %add3A_2620 = arith.addi %and3A_2584, %add3A_2619 : vector<16xi32>
    %select_n3A_2621 = arith.select %lt3A_2617, %add3A_2620, %and3A_2584 : vector<16xi1>, vector<16xi32>
    %broadcast_in_dim3A_2622 = vector.shape_cast %select_n3A_2621 : vector<16xi32> to vector<16x1xi32>
    %gather3A_2623 = vector.shape_cast %broadcast_in_dim3A_2622 : vector<16x1xi32> to vector<16xi32>
    %gather3A_2624 = tpu.dynamic_gather %get3A_2528[%gather3A_2623] in [0] : vector<16xf32>, vector<16xi32> -> vector<16xf32>
    %eq3A_2625 = arith.constant 2 : i32
    %eq3A_2626 = vector.broadcast %eq3A_2625 : i32 to vector<16xi32>
    %eq3A_2627 = arith.cmpi eq, %shift_right_arithmetic3A_2581, %eq3A_2626 : vector<16xi32>
    %select_n3A_2628 = arith.select %eq3A_2627, %gather3A_2624, %select_n3A_2614 : vector<16xi1>, vector<16xf32>
    %lt3A_2629 = arith.constant 0 : i32
    %lt3A_2630 = vector.broadcast %lt3A_2629 : i32 to vector<16xi32>
    %lt3A_2631 = arith.cmpi slt, %and3A_2584, %lt3A_2630 : vector<16xi32>
    %add3A_2632 = arith.constant 16 : i32
    %add3A_2633 = vector.broadcast %add3A_2632 : i32 to vector<16xi32>
    %add3A_2634 = arith.addi %and3A_2584, %add3A_2633 : vector<16xi32>
    %select_n3A_2635 = arith.select %lt3A_2631, %add3A_2634, %and3A_2584 : vector<16xi1>, vector<16xi32>
    %broadcast_in_dim3A_2636 = vector.shape_cast %select_n3A_2635 : vector<16xi32> to vector<16x1xi32>
    %gather3A_2637 = vector.shape_cast %broadcast_in_dim3A_2636 : vector<16x1xi32> to vector<16xi32>
    %gather3A_2638 = tpu.dynamic_gather %get3A_2531[%gather3A_2637] in [0] : vector<16xf32>, vector<16xi32> -> vector<16xf32>
    %eq3A_2639 = arith.constant 3 : i32
    %eq3A_2640 = vector.broadcast %eq3A_2639 : i32 to vector<16xi32>
    %eq3A_2641 = arith.cmpi eq, %shift_right_arithmetic3A_2581, %eq3A_2640 : vector<16xi32>
    %select_n3A_2642 = arith.select %eq3A_2641, %gather3A_2638, %select_n3A_2628 : vector<16xi1>, vector<16xf32>
    %lt3A_2643 = arith.constant 0 : i32
    %lt3A_2644 = vector.broadcast %lt3A_2643 : i32 to vector<16xi32>
    %lt3A_2645 = arith.cmpi slt, %and3A_2584, %lt3A_2644 : vector<16xi32>
    %add3A_2646 = arith.constant 16 : i32
    %add3A_2647 = vector.broadcast %add3A_2646 : i32 to vector<16xi32>
    %add3A_2648 = arith.addi %and3A_2584, %add3A_2647 : vector<16xi32>
    %select_n3A_2649 = arith.select %lt3A_2645, %add3A_2648, %and3A_2584 : vector<16xi1>, vector<16xi32>
    %broadcast_in_dim3A_2650 = vector.shape_cast %select_n3A_2649 : vector<16xi32> to vector<16x1xi32>
    %gather3A_2651 = vector.shape_cast %broadcast_in_dim3A_2650 : vector<16x1xi32> to vector<16xi32>
    %gather3A_2652 = tpu.dynamic_gather %get3A_2534[%gather3A_2651] in [0] : vector<16xf32>, vector<16xi32> -> vector<16xf32>
    %eq3A_2653 = arith.constant 4 : i32
    %eq3A_2654 = vector.broadcast %eq3A_2653 : i32 to vector<16xi32>
    %eq3A_2655 = arith.cmpi eq, %shift_right_arithmetic3A_2581, %eq3A_2654 : vector<16xi32>
    %select_n3A_2656 = arith.select %eq3A_2655, %gather3A_2652, %select_n3A_2642 : vector<16xi1>, vector<16xf32>
    %lt3A_2657 = arith.constant 0 : i32
    %lt3A_2658 = vector.broadcast %lt3A_2657 : i32 to vector<16xi32>
    %lt3A_2659 = arith.cmpi slt, %and3A_2584, %lt3A_2658 : vector<16xi32>
    %add3A_2660 = arith.constant 16 : i32
    %add3A_2661 = vector.broadcast %add3A_2660 : i32 to vector<16xi32>
    %add3A_2662 = arith.addi %and3A_2584, %add3A_2661 : vector<16xi32>
    %select_n3A_2663 = arith.select %lt3A_2659, %add3A_2662, %and3A_2584 : vector<16xi1>, vector<16xi32>
    %broadcast_in_dim3A_2664 = vector.shape_cast %select_n3A_2663 : vector<16xi32> to vector<16x1xi32>
    %gather3A_2665 = vector.shape_cast %broadcast_in_dim3A_2664 : vector<16x1xi32> to vector<16xi32>
    %gather3A_2666 = tpu.dynamic_gather %get3A_2537[%gather3A_2665] in [0] : vector<16xf32>, vector<16xi32> -> vector<16xf32>
    %eq3A_2667 = arith.constant 5 : i32
    %eq3A_2668 = vector.broadcast %eq3A_2667 : i32 to vector<16xi32>
    %eq3A_2669 = arith.cmpi eq, %shift_right_arithmetic3A_2581, %eq3A_2668 : vector<16xi32>
    %select_n3A_2670 = arith.select %eq3A_2669, %gather3A_2666, %select_n3A_2656 : vector<16xi1>, vector<16xf32>
    %lt3A_2671 = arith.cmpi slt, %iota3A, %gather3A_2565 : vector<16xi32>
    %jit3A_2672 = arith.constant -3.000000e+38 : f32
    %broadcast_in_dim3A_2673 = vector.broadcast %jit3A_2672 : f32 to vector<16xf32>
    %select_n3A_2674 = arith.select %lt3A_2671, %select_n3A_2670, %broadcast_in_dim3A_2673 : vector<16xi1>, vector<16xf32>
    %xor3A_2675 = arith.constant 8 : i32
    %xor3A_2676 = vector.broadcast %xor3A_2675 : i32 to vector<16xi32>
    %xor3A_2677 = arith.xori %iota3A, %xor3A_2676 : vector<16xi32>
    %lt3A_2678 = arith.constant 0 : i32
    %lt3A_2679 = vector.broadcast %lt3A_2678 : i32 to vector<16xi32>
    %lt3A_2680 = arith.cmpi slt, %xor3A_2677, %lt3A_2679 : vector<16xi32>
    %add3A_2681 = arith.constant 16 : i32
    %add3A_2682 = vector.broadcast %add3A_2681 : i32 to vector<16xi32>
    %add3A_2683 = arith.addi %xor3A_2677, %add3A_2682 : vector<16xi32>
    %select_n3A_2684 = arith.select %lt3A_2680, %add3A_2683, %xor3A_2677 : vector<16xi1>, vector<16xi32>
    %broadcast_in_dim3A_2685 = vector.shape_cast %select_n3A_2684 : vector<16xi32> to vector<16x1xi32>
    %gather3A_2686 = vector.shape_cast %broadcast_in_dim3A_2685 : vector<16x1xi32> to vector<16xi32>
    %gather3A_2687 = tpu.dynamic_gather %select_n3A_2674[%gather3A_2686] in [0] : vector<16xf32>, vector<16xi32> -> vector<16xf32>
    %max3A_2688 = arith.maximumf %select_n3A_2674, %gather3A_2687 : vector<16xf32>
    %xor3A_2689 = arith.constant 4 : i32
    %xor3A_2690 = vector.broadcast %xor3A_2689 : i32 to vector<16xi32>
    %xor3A_2691 = arith.xori %iota3A, %xor3A_2690 : vector<16xi32>
    %lt3A_2692 = arith.constant 0 : i32
    %lt3A_2693 = vector.broadcast %lt3A_2692 : i32 to vector<16xi32>
    %lt3A_2694 = arith.cmpi slt, %xor3A_2691, %lt3A_2693 : vector<16xi32>
    %add3A_2695 = arith.constant 16 : i32
    %add3A_2696 = vector.broadcast %add3A_2695 : i32 to vector<16xi32>
    %add3A_2697 = arith.addi %xor3A_2691, %add3A_2696 : vector<16xi32>
    %select_n3A_2698 = arith.select %lt3A_2694, %add3A_2697, %xor3A_2691 : vector<16xi1>, vector<16xi32>
    %broadcast_in_dim3A_2699 = vector.shape_cast %select_n3A_2698 : vector<16xi32> to vector<16x1xi32>
    %gather3A_2700 = vector.shape_cast %broadcast_in_dim3A_2699 : vector<16x1xi32> to vector<16xi32>
    %gather3A_2701 = tpu.dynamic_gather %max3A_2688[%gather3A_2700] in [0] : vector<16xf32>, vector<16xi32> -> vector<16xf32>
    %max3A_2702 = arith.maximumf %max3A_2688, %gather3A_2701 : vector<16xf32>
    %xor3A_2703 = arith.constant 2 : i32
    %xor3A_2704 = vector.broadcast %xor3A_2703 : i32 to vector<16xi32>
    %xor3A_2705 = arith.xori %iota3A, %xor3A_2704 : vector<16xi32>
    %lt3A_2706 = arith.constant 0 : i32
    %lt3A_2707 = vector.broadcast %lt3A_2706 : i32 to vector<16xi32>
    %lt3A_2708 = arith.cmpi slt, %xor3A_2705, %lt3A_2707 : vector<16xi32>
    %add3A_2709 = arith.constant 16 : i32
    %add3A_2710 = vector.broadcast %add3A_2709 : i32 to vector<16xi32>
    %add3A_2711 = arith.addi %xor3A_2705, %add3A_2710 : vector<16xi32>
    %select_n3A_2712 = arith.select %lt3A_2708, %add3A_2711, %xor3A_2705 : vector<16xi1>, vector<16xi32>
    %broadcast_in_dim3A_2713 = vector.shape_cast %select_n3A_2712 : vector<16xi32> to vector<16x1xi32>
    %gather3A_2714 = vector.shape_cast %broadcast_in_dim3A_2713 : vector<16x1xi32> to vector<16xi32>
    %gather3A_2715 = tpu.dynamic_gather %max3A_2702[%gather3A_2714] in [0] : vector<16xf32>, vector<16xi32> -> vector<16xf32>
    %max3A_2716 = arith.maximumf %max3A_2702, %gather3A_2715 : vector<16xf32>
    %xor3A_2717 = arith.constant 1 : i32
    %xor3A_2718 = vector.broadcast %xor3A_2717 : i32 to vector<16xi32>
    %xor3A_2719 = arith.xori %iota3A, %xor3A_2718 : vector<16xi32>
    %lt3A_2720 = arith.constant 0 : i32
    %lt3A_2721 = vector.broadcast %lt3A_2720 : i32 to vector<16xi32>
    %lt3A_2722 = arith.cmpi slt, %xor3A_2719, %lt3A_2721 : vector<16xi32>
    %add3A_2723 = arith.constant 16 : i32
    %add3A_2724 = vector.broadcast %add3A_2723 : i32 to vector<16xi32>
    %add3A_2725 = arith.addi %xor3A_2719, %add3A_2724 : vector<16xi32>
    %select_n3A_2726 = arith.select %lt3A_2722, %add3A_2725, %xor3A_2719 : vector<16xi1>, vector<16xi32>
    %broadcast_in_dim3A_2727 = vector.shape_cast %select_n3A_2726 : vector<16xi32> to vector<16x1xi32>
    %gather3A_2728 = vector.shape_cast %broadcast_in_dim3A_2727 : vector<16x1xi32> to vector<16xi32>
    %gather3A_2729 = tpu.dynamic_gather %max3A_2716[%gather3A_2728] in [0] : vector<16xf32>, vector<16xi32> -> vector<16xf32>
    %max3A_2730 = arith.maximumf %max3A_2716, %gather3A_2729 : vector<16xf32>
    %sub3A_2731 = arith.subf %select_n3A_2670, %max3A_2730 : vector<16xf32>
    %exp3A_2732 = math.exp %sub3A_2731 : vector<16xf32>
    %jit3A_2733 = arith.constant 0.000000e+00 : f32
    %broadcast_in_dim3A_2734 = vector.broadcast %jit3A_2733 : f32 to vector<16xf32>
    %select_n3A_2735 = arith.select %lt3A_2671, %exp3A_2732, %broadcast_in_dim3A_2734 : vector<16xi1>, vector<16xf32>
    %xor3A_2736 = arith.constant 8 : i32
    %xor3A_2737 = vector.broadcast %xor3A_2736 : i32 to vector<16xi32>
    %xor3A_2738 = arith.xori %iota3A, %xor3A_2737 : vector<16xi32>
    %lt3A_2739 = arith.constant 0 : i32
    %lt3A_2740 = vector.broadcast %lt3A_2739 : i32 to vector<16xi32>
    %lt3A_2741 = arith.cmpi slt, %xor3A_2738, %lt3A_2740 : vector<16xi32>
    %add3A_2742 = arith.constant 16 : i32
    %add3A_2743 = vector.broadcast %add3A_2742 : i32 to vector<16xi32>
    %add3A_2744 = arith.addi %xor3A_2738, %add3A_2743 : vector<16xi32>
    %select_n3A_2745 = arith.select %lt3A_2741, %add3A_2744, %xor3A_2738 : vector<16xi1>, vector<16xi32>
    %broadcast_in_dim3A_2746 = vector.shape_cast %select_n3A_2745 : vector<16xi32> to vector<16x1xi32>
    %gather3A_2747 = vector.shape_cast %broadcast_in_dim3A_2746 : vector<16x1xi32> to vector<16xi32>
    %gather3A_2748 = tpu.dynamic_gather %select_n3A_2735[%gather3A_2747] in [0] : vector<16xf32>, vector<16xi32> -> vector<16xf32>
    %add3A_2749 = arith.addf %select_n3A_2735, %gather3A_2748 : vector<16xf32>
    %xor3A_2750 = arith.constant 4 : i32
    %xor3A_2751 = vector.broadcast %xor3A_2750 : i32 to vector<16xi32>
    %xor3A_2752 = arith.xori %iota3A, %xor3A_2751 : vector<16xi32>
    %lt3A_2753 = arith.constant 0 : i32
    %lt3A_2754 = vector.broadcast %lt3A_2753 : i32 to vector<16xi32>
    %lt3A_2755 = arith.cmpi slt, %xor3A_2752, %lt3A_2754 : vector<16xi32>
    %add3A_2756 = arith.constant 16 : i32
    %add3A_2757 = vector.broadcast %add3A_2756 : i32 to vector<16xi32>
    %add3A_2758 = arith.addi %xor3A_2752, %add3A_2757 : vector<16xi32>
    %select_n3A_2759 = arith.select %lt3A_2755, %add3A_2758, %xor3A_2752 : vector<16xi1>, vector<16xi32>
    %broadcast_in_dim3A_2760 = vector.shape_cast %select_n3A_2759 : vector<16xi32> to vector<16x1xi32>
    %gather3A_2761 = vector.shape_cast %broadcast_in_dim3A_2760 : vector<16x1xi32> to vector<16xi32>
    %gather3A_2762 = tpu.dynamic_gather %add3A_2749[%gather3A_2761] in [0] : vector<16xf32>, vector<16xi32> -> vector<16xf32>
    %add3A_2763 = arith.addf %add3A_2749, %gather3A_2762 : vector<16xf32>
    %xor3A_2764 = arith.constant 2 : i32
    %xor3A_2765 = vector.broadcast %xor3A_2764 : i32 to vector<16xi32>
    %xor3A_2766 = arith.xori %iota3A, %xor3A_2765 : vector<16xi32>
    %lt3A_2767 = arith.constant 0 : i32
    %lt3A_2768 = vector.broadcast %lt3A_2767 : i32 to vector<16xi32>
    %lt3A_2769 = arith.cmpi slt, %xor3A_2766, %lt3A_2768 : vector<16xi32>
    %add3A_2770 = arith.constant 16 : i32
    %add3A_2771 = vector.broadcast %add3A_2770 : i32 to vector<16xi32>
    %add3A_2772 = arith.addi %xor3A_2766, %add3A_2771 : vector<16xi32>
    %select_n3A_2773 = arith.select %lt3A_2769, %add3A_2772, %xor3A_2766 : vector<16xi1>, vector<16xi32>
    %broadcast_in_dim3A_2774 = vector.shape_cast %select_n3A_2773 : vector<16xi32> to vector<16x1xi32>
    %gather3A_2775 = vector.shape_cast %broadcast_in_dim3A_2774 : vector<16x1xi32> to vector<16xi32>
    %gather3A_2776 = tpu.dynamic_gather %add3A_2763[%gather3A_2775] in [0] : vector<16xf32>, vector<16xi32> -> vector<16xf32>
    %add3A_2777 = arith.addf %add3A_2763, %gather3A_2776 : vector<16xf32>
    %xor3A_2778 = arith.constant 1 : i32
    %xor3A_2779 = vector.broadcast %xor3A_2778 : i32 to vector<16xi32>
    %xor3A_2780 = arith.xori %iota3A, %xor3A_2779 : vector<16xi32>
    %lt3A_2781 = arith.constant 0 : i32
    %lt3A_2782 = vector.broadcast %lt3A_2781 : i32 to vector<16xi32>
    %lt3A_2783 = arith.cmpi slt, %xor3A_2780, %lt3A_2782 : vector<16xi32>
    %add3A_2784 = arith.constant 16 : i32
    %add3A_2785 = vector.broadcast %add3A_2784 : i32 to vector<16xi32>
    %add3A_2786 = arith.addi %xor3A_2780, %add3A_2785 : vector<16xi32>
    %select_n3A_2787 = arith.select %lt3A_2783, %add3A_2786, %xor3A_2780 : vector<16xi1>, vector<16xi32>
    %broadcast_in_dim3A_2788 = vector.shape_cast %select_n3A_2787 : vector<16xi32> to vector<16x1xi32>
    %gather3A_2789 = vector.shape_cast %broadcast_in_dim3A_2788 : vector<16x1xi32> to vector<16xi32>
    %gather3A_2790 = tpu.dynamic_gather %add3A_2777[%gather3A_2789] in [0] : vector<16xf32>, vector<16xi32> -> vector<16xf32>
    %add3A_2791 = arith.addf %add3A_2777, %gather3A_2790 : vector<16xf32>
    %lt3A_2792 = arith.constant 0 : i32
    %lt3A_2793 = vector.broadcast %lt3A_2792 : i32 to vector<16xi32>
    %lt3A_2794 = arith.cmpi slt, %gather3A_2577, %lt3A_2793 : vector<16xi32>
    %add3A_2795 = arith.constant 16 : i32
    %add3A_2796 = vector.broadcast %add3A_2795 : i32 to vector<16xi32>
    %add3A_2797 = arith.addi %gather3A_2577, %add3A_2796 : vector<16xi32>
    %select_n3A_2798 = arith.select %lt3A_2794, %add3A_2797, %gather3A_2577 : vector<16xi1>, vector<16xi32>
    %broadcast_in_dim3A_2799 = vector.shape_cast %select_n3A_2798 : vector<16xi32> to vector<16x1xi32>
    %gather3A_2800 = vector.shape_cast %broadcast_in_dim3A_2799 : vector<16x1xi32> to vector<16xi32>
    %gather3A_2801 = tpu.dynamic_gather %select_n3A_2670[%gather3A_2800] in [0] : vector<16xf32>, vector<16xi32> -> vector<16xf32>
    %sub3A_2802 = arith.subf %max3A_2730, %gather3A_2801 : vector<16xf32>
    %add3A_2803 = arith.addf %broadcast_in_dim3A_2539, %sub3A_2802 : vector<16xf32>
    %mul3A_2804 = arith.mulf %broadcast_in_dim3A_2541, %add3A_2791 : vector<16xf32>
    %broadcast_in_dim3A_2805 = arith.constant 3 : i32
    %broadcast_in_dim3A_2806 = vector.broadcast %broadcast_in_dim3A_2805 : i32 to vector<16xi32>
    %lt3A_2807 = arith.constant 0 : i32
    %lt3A_2808 = vector.broadcast %lt3A_2807 : i32 to vector<16xi32>
    %lt3A_2809 = arith.cmpi slt, %broadcast_in_dim3A_2806, %lt3A_2808 : vector<16xi32>
    %add3A_2810 = arith.constant 16 : i32
    %add3A_2811 = vector.broadcast %add3A_2810 : i32 to vector<16xi32>
    %add3A_2812 = arith.addi %broadcast_in_dim3A_2806, %add3A_2811 : vector<16xi32>
    %select_n3A_2813 = arith.select %lt3A_2809, %add3A_2812, %broadcast_in_dim3A_2806 : vector<16xi1>, vector<16xi32>
    %broadcast_in_dim3A_2814 = vector.shape_cast %select_n3A_2813 : vector<16xi32> to vector<16x1xi32>
    %gather3A_2815 = vector.shape_cast %broadcast_in_dim3A_2814 : vector<16x1xi32> to vector<16xi32>
    %gather3A_2816 = tpu.dynamic_gather %get3A_2519[%gather3A_2815] in [0] : vector<16xi32>, vector<16xi32> -> vector<16xi32>
    %broadcast_in_dim3A_2817 = arith.constant 4 : i32
    %broadcast_in_dim3A_2818 = vector.broadcast %broadcast_in_dim3A_2817 : i32 to vector<16xi32>
    %lt3A_2819 = arith.constant 0 : i32
    %lt3A_2820 = vector.broadcast %lt3A_2819 : i32 to vector<16xi32>
    %lt3A_2821 = arith.cmpi slt, %broadcast_in_dim3A_2818, %lt3A_2820 : vector<16xi32>
    %add3A_2822 = arith.constant 16 : i32
    %add3A_2823 = vector.broadcast %add3A_2822 : i32 to vector<16xi32>
    %add3A_2824 = arith.addi %broadcast_in_dim3A_2818, %add3A_2823 : vector<16xi32>
    %select_n3A_2825 = arith.select %lt3A_2821, %add3A_2824, %broadcast_in_dim3A_2818 : vector<16xi1>, vector<16xi32>
    %broadcast_in_dim3A_2826 = vector.shape_cast %select_n3A_2825 : vector<16xi32> to vector<16x1xi32>
    %gather3A_2827 = vector.shape_cast %broadcast_in_dim3A_2826 : vector<16x1xi32> to vector<16xi32>
    %gather3A_2828 = tpu.dynamic_gather %get3A_2519[%gather3A_2827] in [0] : vector<16xi32>, vector<16xi32> -> vector<16xi32>
    %broadcast_in_dim3A_2829 = arith.constant 5 : i32
    %broadcast_in_dim3A_2830 = vector.broadcast %broadcast_in_dim3A_2829 : i32 to vector<16xi32>
    %lt3A_2831 = arith.constant 0 : i32
    %lt3A_2832 = vector.broadcast %lt3A_2831 : i32 to vector<16xi32>
    %lt3A_2833 = arith.cmpi slt, %broadcast_in_dim3A_2830, %lt3A_2832 : vector<16xi32>
    %add3A_2834 = arith.constant 16 : i32
    %add3A_2835 = vector.broadcast %add3A_2834 : i32 to vector<16xi32>
    %add3A_2836 = arith.addi %broadcast_in_dim3A_2830, %add3A_2835 : vector<16xi32>
    %select_n3A_2837 = arith.select %lt3A_2833, %add3A_2836, %broadcast_in_dim3A_2830 : vector<16xi1>, vector<16xi32>
    %broadcast_in_dim3A_2838 = vector.shape_cast %select_n3A_2837 : vector<16xi32> to vector<16x1xi32>
    %gather3A_2839 = vector.shape_cast %broadcast_in_dim3A_2838 : vector<16x1xi32> to vector<16xi32>
    %gather3A_2840 = tpu.dynamic_gather %get3A_2519[%gather3A_2839] in [0] : vector<16xi32>, vector<16xi32> -> vector<16xi32>
    %add3A_2841 = arith.addi %gather3A_2816, %iota3A : vector<16xi32>
    %shift_right_arithmetic3A_2842 = arith.constant 4 : i32
    %shift_right_arithmetic3A_2843 = vector.broadcast %shift_right_arithmetic3A_2842 : i32 to vector<16xi32>
    %shift_right_arithmetic3A_2844 = arith.shrsi %add3A_2841, %shift_right_arithmetic3A_2843 : vector<16xi32>
    %and3A_2845 = arith.constant 15 : i32
    %and3A_2846 = vector.broadcast %and3A_2845 : i32 to vector<16xi32>
    %and3A_2847 = arith.andi %add3A_2841, %and3A_2846 : vector<16xi32>
    %broadcast_in_dim3A_2848 = arith.constant 0.000000e+00 : f32
    %broadcast_in_dim3A_2849 = vector.broadcast %broadcast_in_dim3A_2848 : f32 to vector<16xf32>
    %lt3A_2850 = arith.constant 0 : i32
    %lt3A_2851 = vector.broadcast %lt3A_2850 : i32 to vector<16xi32>
    %lt3A_2852 = arith.cmpi slt, %and3A_2847, %lt3A_2851 : vector<16xi32>
    %add3A_2853 = arith.constant 16 : i32
    %add3A_2854 = vector.broadcast %add3A_2853 : i32 to vector<16xi32>
    %add3A_2855 = arith.addi %and3A_2847, %add3A_2854 : vector<16xi32>
    %select_n3A_2856 = arith.select %lt3A_2852, %add3A_2855, %and3A_2847 : vector<16xi1>, vector<16xi32>
    %broadcast_in_dim3A_2857 = vector.shape_cast %select_n3A_2856 : vector<16xi32> to vector<16x1xi32>
    %gather3A_2858 = vector.shape_cast %broadcast_in_dim3A_2857 : vector<16x1xi32> to vector<16xi32>
    %gather3A_2859 = tpu.dynamic_gather %get3A_2522[%gather3A_2858] in [0] : vector<16xf32>, vector<16xi32> -> vector<16xf32>
    %eq3A_2860 = arith.constant 0 : i32
    %eq3A_2861 = vector.broadcast %eq3A_2860 : i32 to vector<16xi32>
    %eq3A_2862 = arith.cmpi eq, %shift_right_arithmetic3A_2844, %eq3A_2861 : vector<16xi32>
    %select_n3A_2863 = arith.select %eq3A_2862, %gather3A_2859, %broadcast_in_dim3A_2849 : vector<16xi1>, vector<16xf32>
    %lt3A_2864 = arith.constant 0 : i32
    %lt3A_2865 = vector.broadcast %lt3A_2864 : i32 to vector<16xi32>
    %lt3A_2866 = arith.cmpi slt, %and3A_2847, %lt3A_2865 : vector<16xi32>
    %add3A_2867 = arith.constant 16 : i32
    %add3A_2868 = vector.broadcast %add3A_2867 : i32 to vector<16xi32>
    %add3A_2869 = arith.addi %and3A_2847, %add3A_2868 : vector<16xi32>
    %select_n3A_2870 = arith.select %lt3A_2866, %add3A_2869, %and3A_2847 : vector<16xi1>, vector<16xi32>
    %broadcast_in_dim3A_2871 = vector.shape_cast %select_n3A_2870 : vector<16xi32> to vector<16x1xi32>
    %gather3A_2872 = vector.shape_cast %broadcast_in_dim3A_2871 : vector<16x1xi32> to vector<16xi32>
    %gather3A_2873 = tpu.dynamic_gather %get3A_2525[%gather3A_2872] in [0] : vector<16xf32>, vector<16xi32> -> vector<16xf32>
    %eq3A_2874 = arith.constant 1 : i32
    %eq3A_2875 = vector.broadcast %eq3A_2874 : i32 to vector<16xi32>
    %eq3A_2876 = arith.cmpi eq, %shift_right_arithmetic3A_2844, %eq3A_2875 : vector<16xi32>
    %select_n3A_2877 = arith.select %eq3A_2876, %gather3A_2873, %select_n3A_2863 : vector<16xi1>, vector<16xf32>
    %lt3A_2878 = arith.constant 0 : i32
    %lt3A_2879 = vector.broadcast %lt3A_2878 : i32 to vector<16xi32>
    %lt3A_2880 = arith.cmpi slt, %and3A_2847, %lt3A_2879 : vector<16xi32>
    %add3A_2881 = arith.constant 16 : i32
    %add3A_2882 = vector.broadcast %add3A_2881 : i32 to vector<16xi32>
    %add3A_2883 = arith.addi %and3A_2847, %add3A_2882 : vector<16xi32>
    %select_n3A_2884 = arith.select %lt3A_2880, %add3A_2883, %and3A_2847 : vector<16xi1>, vector<16xi32>
    %broadcast_in_dim3A_2885 = vector.shape_cast %select_n3A_2884 : vector<16xi32> to vector<16x1xi32>
    %gather3A_2886 = vector.shape_cast %broadcast_in_dim3A_2885 : vector<16x1xi32> to vector<16xi32>
    %gather3A_2887 = tpu.dynamic_gather %get3A_2528[%gather3A_2886] in [0] : vector<16xf32>, vector<16xi32> -> vector<16xf32>
    %eq3A_2888 = arith.constant 2 : i32
    %eq3A_2889 = vector.broadcast %eq3A_2888 : i32 to vector<16xi32>
    %eq3A_2890 = arith.cmpi eq, %shift_right_arithmetic3A_2844, %eq3A_2889 : vector<16xi32>
    %select_n3A_2891 = arith.select %eq3A_2890, %gather3A_2887, %select_n3A_2877 : vector<16xi1>, vector<16xf32>
    %lt3A_2892 = arith.constant 0 : i32
    %lt3A_2893 = vector.broadcast %lt3A_2892 : i32 to vector<16xi32>
    %lt3A_2894 = arith.cmpi slt, %and3A_2847, %lt3A_2893 : vector<16xi32>
    %add3A_2895 = arith.constant 16 : i32
    %add3A_2896 = vector.broadcast %add3A_2895 : i32 to vector<16xi32>
    %add3A_2897 = arith.addi %and3A_2847, %add3A_2896 : vector<16xi32>
    %select_n3A_2898 = arith.select %lt3A_2894, %add3A_2897, %and3A_2847 : vector<16xi1>, vector<16xi32>
    %broadcast_in_dim3A_2899 = vector.shape_cast %select_n3A_2898 : vector<16xi32> to vector<16x1xi32>
    %gather3A_2900 = vector.shape_cast %broadcast_in_dim3A_2899 : vector<16x1xi32> to vector<16xi32>
    %gather3A_2901 = tpu.dynamic_gather %get3A_2531[%gather3A_2900] in [0] : vector<16xf32>, vector<16xi32> -> vector<16xf32>
    %eq3A_2902 = arith.constant 3 : i32
    %eq3A_2903 = vector.broadcast %eq3A_2902 : i32 to vector<16xi32>
    %eq3A_2904 = arith.cmpi eq, %shift_right_arithmetic3A_2844, %eq3A_2903 : vector<16xi32>
    %select_n3A_2905 = arith.select %eq3A_2904, %gather3A_2901, %select_n3A_2891 : vector<16xi1>, vector<16xf32>
    %lt3A_2906 = arith.constant 0 : i32
    %lt3A_2907 = vector.broadcast %lt3A_2906 : i32 to vector<16xi32>
    %lt3A_2908 = arith.cmpi slt, %and3A_2847, %lt3A_2907 : vector<16xi32>
    %add3A_2909 = arith.constant 16 : i32
    %add3A_2910 = vector.broadcast %add3A_2909 : i32 to vector<16xi32>
    %add3A_2911 = arith.addi %and3A_2847, %add3A_2910 : vector<16xi32>
    %select_n3A_2912 = arith.select %lt3A_2908, %add3A_2911, %and3A_2847 : vector<16xi1>, vector<16xi32>
    %broadcast_in_dim3A_2913 = vector.shape_cast %select_n3A_2912 : vector<16xi32> to vector<16x1xi32>
    %gather3A_2914 = vector.shape_cast %broadcast_in_dim3A_2913 : vector<16x1xi32> to vector<16xi32>
    %gather3A_2915 = tpu.dynamic_gather %get3A_2534[%gather3A_2914] in [0] : vector<16xf32>, vector<16xi32> -> vector<16xf32>
    %eq3A_2916 = arith.constant 4 : i32
    %eq3A_2917 = vector.broadcast %eq3A_2916 : i32 to vector<16xi32>
    %eq3A_2918 = arith.cmpi eq, %shift_right_arithmetic3A_2844, %eq3A_2917 : vector<16xi32>
    %select_n3A_2919 = arith.select %eq3A_2918, %gather3A_2915, %select_n3A_2905 : vector<16xi1>, vector<16xf32>
    %lt3A_2920 = arith.constant 0 : i32
    %lt3A_2921 = vector.broadcast %lt3A_2920 : i32 to vector<16xi32>
    %lt3A_2922 = arith.cmpi slt, %and3A_2847, %lt3A_2921 : vector<16xi32>
    %add3A_2923 = arith.constant 16 : i32
    %add3A_2924 = vector.broadcast %add3A_2923 : i32 to vector<16xi32>
    %add3A_2925 = arith.addi %and3A_2847, %add3A_2924 : vector<16xi32>
    %select_n3A_2926 = arith.select %lt3A_2922, %add3A_2925, %and3A_2847 : vector<16xi1>, vector<16xi32>
    %broadcast_in_dim3A_2927 = vector.shape_cast %select_n3A_2926 : vector<16xi32> to vector<16x1xi32>
    %gather3A_2928 = vector.shape_cast %broadcast_in_dim3A_2927 : vector<16x1xi32> to vector<16xi32>
    %gather3A_2929 = tpu.dynamic_gather %get3A_2537[%gather3A_2928] in [0] : vector<16xf32>, vector<16xi32> -> vector<16xf32>
    %eq3A_2930 = arith.constant 5 : i32
    %eq3A_2931 = vector.broadcast %eq3A_2930 : i32 to vector<16xi32>
    %eq3A_2932 = arith.cmpi eq, %shift_right_arithmetic3A_2844, %eq3A_2931 : vector<16xi32>
    %select_n3A_2933 = arith.select %eq3A_2932, %gather3A_2929, %select_n3A_2919 : vector<16xi1>, vector<16xf32>
    %lt3A_2934 = arith.cmpi slt, %iota3A, %gather3A_2828 : vector<16xi32>
    %jit3A_2935 = arith.constant -3.000000e+38 : f32
    %broadcast_in_dim3A_2936 = vector.broadcast %jit3A_2935 : f32 to vector<16xf32>
    %select_n3A_2937 = arith.select %lt3A_2934, %select_n3A_2933, %broadcast_in_dim3A_2936 : vector<16xi1>, vector<16xf32>
    %xor3A_2938 = arith.constant 8 : i32
    %xor3A_2939 = vector.broadcast %xor3A_2938 : i32 to vector<16xi32>
    %xor3A_2940 = arith.xori %iota3A, %xor3A_2939 : vector<16xi32>
    %lt3A_2941 = arith.constant 0 : i32
    %lt3A_2942 = vector.broadcast %lt3A_2941 : i32 to vector<16xi32>
    %lt3A_2943 = arith.cmpi slt, %xor3A_2940, %lt3A_2942 : vector<16xi32>
    %add3A_2944 = arith.constant 16 : i32
    %add3A_2945 = vector.broadcast %add3A_2944 : i32 to vector<16xi32>
    %add3A_2946 = arith.addi %xor3A_2940, %add3A_2945 : vector<16xi32>
    %select_n3A_2947 = arith.select %lt3A_2943, %add3A_2946, %xor3A_2940 : vector<16xi1>, vector<16xi32>
    %broadcast_in_dim3A_2948 = vector.shape_cast %select_n3A_2947 : vector<16xi32> to vector<16x1xi32>
    %gather3A_2949 = vector.shape_cast %broadcast_in_dim3A_2948 : vector<16x1xi32> to vector<16xi32>
    %gather3A_2950 = tpu.dynamic_gather %select_n3A_2937[%gather3A_2949] in [0] : vector<16xf32>, vector<16xi32> -> vector<16xf32>
    %max3A_2951 = arith.maximumf %select_n3A_2937, %gather3A_2950 : vector<16xf32>
    %xor3A_2952 = arith.constant 4 : i32
    %xor3A_2953 = vector.broadcast %xor3A_2952 : i32 to vector<16xi32>
    %xor3A_2954 = arith.xori %iota3A, %xor3A_2953 : vector<16xi32>
    %lt3A_2955 = arith.constant 0 : i32
    %lt3A_2956 = vector.broadcast %lt3A_2955 : i32 to vector<16xi32>
    %lt3A_2957 = arith.cmpi slt, %xor3A_2954, %lt3A_2956 : vector<16xi32>
    %add3A_2958 = arith.constant 16 : i32
    %add3A_2959 = vector.broadcast %add3A_2958 : i32 to vector<16xi32>
    %add3A_2960 = arith.addi %xor3A_2954, %add3A_2959 : vector<16xi32>
    %select_n3A_2961 = arith.select %lt3A_2957, %add3A_2960, %xor3A_2954 : vector<16xi1>, vector<16xi32>
    %broadcast_in_dim3A_2962 = vector.shape_cast %select_n3A_2961 : vector<16xi32> to vector<16x1xi32>
    %gather3A_2963 = vector.shape_cast %broadcast_in_dim3A_2962 : vector<16x1xi32> to vector<16xi32>
    %gather3A_2964 = tpu.dynamic_gather %max3A_2951[%gather3A_2963] in [0] : vector<16xf32>, vector<16xi32> -> vector<16xf32>
    %max3A_2965 = arith.maximumf %max3A_2951, %gather3A_2964 : vector<16xf32>
    %xor3A_2966 = arith.constant 2 : i32
    %xor3A_2967 = vector.broadcast %xor3A_2966 : i32 to vector<16xi32>
    %xor3A_2968 = arith.xori %iota3A, %xor3A_2967 : vector<16xi32>
    %lt3A_2969 = arith.constant 0 : i32
    %lt3A_2970 = vector.broadcast %lt3A_2969 : i32 to vector<16xi32>
    %lt3A_2971 = arith.cmpi slt, %xor3A_2968, %lt3A_2970 : vector<16xi32>
    %add3A_2972 = arith.constant 16 : i32
    %add3A_2973 = vector.broadcast %add3A_2972 : i32 to vector<16xi32>
    %add3A_2974 = arith.addi %xor3A_2968, %add3A_2973 : vector<16xi32>
    %select_n3A_2975 = arith.select %lt3A_2971, %add3A_2974, %xor3A_2968 : vector<16xi1>, vector<16xi32>
    %broadcast_in_dim3A_2976 = vector.shape_cast %select_n3A_2975 : vector<16xi32> to vector<16x1xi32>
    %gather3A_2977 = vector.shape_cast %broadcast_in_dim3A_2976 : vector<16x1xi32> to vector<16xi32>
    %gather3A_2978 = tpu.dynamic_gather %max3A_2965[%gather3A_2977] in [0] : vector<16xf32>, vector<16xi32> -> vector<16xf32>
    %max3A_2979 = arith.maximumf %max3A_2965, %gather3A_2978 : vector<16xf32>
    %xor3A_2980 = arith.constant 1 : i32
    %xor3A_2981 = vector.broadcast %xor3A_2980 : i32 to vector<16xi32>
    %xor3A_2982 = arith.xori %iota3A, %xor3A_2981 : vector<16xi32>
    %lt3A_2983 = arith.constant 0 : i32
    %lt3A_2984 = vector.broadcast %lt3A_2983 : i32 to vector<16xi32>
    %lt3A_2985 = arith.cmpi slt, %xor3A_2982, %lt3A_2984 : vector<16xi32>
    %add3A_2986 = arith.constant 16 : i32
    %add3A_2987 = vector.broadcast %add3A_2986 : i32 to vector<16xi32>
    %add3A_2988 = arith.addi %xor3A_2982, %add3A_2987 : vector<16xi32>
    %select_n3A_2989 = arith.select %lt3A_2985, %add3A_2988, %xor3A_2982 : vector<16xi1>, vector<16xi32>
    %broadcast_in_dim3A_2990 = vector.shape_cast %select_n3A_2989 : vector<16xi32> to vector<16x1xi32>
    %gather3A_2991 = vector.shape_cast %broadcast_in_dim3A_2990 : vector<16x1xi32> to vector<16xi32>
    %gather3A_2992 = tpu.dynamic_gather %max3A_2979[%gather3A_2991] in [0] : vector<16xf32>, vector<16xi32> -> vector<16xf32>
    %max3A_2993 = arith.maximumf %max3A_2979, %gather3A_2992 : vector<16xf32>
    %sub3A_2994 = arith.subf %select_n3A_2933, %max3A_2993 : vector<16xf32>
    %exp3A_2995 = math.exp %sub3A_2994 : vector<16xf32>
    %jit3A_2996 = arith.constant 0.000000e+00 : f32
    %broadcast_in_dim3A_2997 = vector.broadcast %jit3A_2996 : f32 to vector<16xf32>
    %select_n3A_2998 = arith.select %lt3A_2934, %exp3A_2995, %broadcast_in_dim3A_2997 : vector<16xi1>, vector<16xf32>
    %xor3A_2999 = arith.constant 8 : i32
    %xor3A_3000 = vector.broadcast %xor3A_2999 : i32 to vector<16xi32>
    %xor3A_3001 = arith.xori %iota3A, %xor3A_3000 : vector<16xi32>
    %lt3A_3002 = arith.constant 0 : i32
    %lt3A_3003 = vector.broadcast %lt3A_3002 : i32 to vector<16xi32>
    %lt3A_3004 = arith.cmpi slt, %xor3A_3001, %lt3A_3003 : vector<16xi32>
    %add3A_3005 = arith.constant 16 : i32
    %add3A_3006 = vector.broadcast %add3A_3005 : i32 to vector<16xi32>
    %add3A_3007 = arith.addi %xor3A_3001, %add3A_3006 : vector<16xi32>
    %select_n3A_3008 = arith.select %lt3A_3004, %add3A_3007, %xor3A_3001 : vector<16xi1>, vector<16xi32>
    %broadcast_in_dim3A_3009 = vector.shape_cast %select_n3A_3008 : vector<16xi32> to vector<16x1xi32>
    %gather3A_3010 = vector.shape_cast %broadcast_in_dim3A_3009 : vector<16x1xi32> to vector<16xi32>
    %gather3A_3011 = tpu.dynamic_gather %select_n3A_2998[%gather3A_3010] in [0] : vector<16xf32>, vector<16xi32> -> vector<16xf32>
    %add3A_3012 = arith.addf %select_n3A_2998, %gather3A_3011 : vector<16xf32>
    %xor3A_3013 = arith.constant 4 : i32
    %xor3A_3014 = vector.broadcast %xor3A_3013 : i32 to vector<16xi32>
    %xor3A_3015 = arith.xori %iota3A, %xor3A_3014 : vector<16xi32>
    %lt3A_3016 = arith.constant 0 : i32
    %lt3A_3017 = vector.broadcast %lt3A_3016 : i32 to vector<16xi32>
    %lt3A_3018 = arith.cmpi slt, %xor3A_3015, %lt3A_3017 : vector<16xi32>
    %add3A_3019 = arith.constant 16 : i32
    %add3A_3020 = vector.broadcast %add3A_3019 : i32 to vector<16xi32>
    %add3A_3021 = arith.addi %xor3A_3015, %add3A_3020 : vector<16xi32>
    %select_n3A_3022 = arith.select %lt3A_3018, %add3A_3021, %xor3A_3015 : vector<16xi1>, vector<16xi32>
    %broadcast_in_dim3A_3023 = vector.shape_cast %select_n3A_3022 : vector<16xi32> to vector<16x1xi32>
    %gather3A_3024 = vector.shape_cast %broadcast_in_dim3A_3023 : vector<16x1xi32> to vector<16xi32>
    %gather3A_3025 = tpu.dynamic_gather %add3A_3012[%gather3A_3024] in [0] : vector<16xf32>, vector<16xi32> -> vector<16xf32>
    %add3A_3026 = arith.addf %add3A_3012, %gather3A_3025 : vector<16xf32>
    %xor3A_3027 = arith.constant 2 : i32
    %xor3A_3028 = vector.broadcast %xor3A_3027 : i32 to vector<16xi32>
    %xor3A_3029 = arith.xori %iota3A, %xor3A_3028 : vector<16xi32>
    %lt3A_3030 = arith.constant 0 : i32
    %lt3A_3031 = vector.broadcast %lt3A_3030 : i32 to vector<16xi32>
    %lt3A_3032 = arith.cmpi slt, %xor3A_3029, %lt3A_3031 : vector<16xi32>
    %add3A_3033 = arith.constant 16 : i32
    %add3A_3034 = vector.broadcast %add3A_3033 : i32 to vector<16xi32>
    %add3A_3035 = arith.addi %xor3A_3029, %add3A_3034 : vector<16xi32>
    %select_n3A_3036 = arith.select %lt3A_3032, %add3A_3035, %xor3A_3029 : vector<16xi1>, vector<16xi32>
    %broadcast_in_dim3A_3037 = vector.shape_cast %select_n3A_3036 : vector<16xi32> to vector<16x1xi32>
    %gather3A_3038 = vector.shape_cast %broadcast_in_dim3A_3037 : vector<16x1xi32> to vector<16xi32>
    %gather3A_3039 = tpu.dynamic_gather %add3A_3026[%gather3A_3038] in [0] : vector<16xf32>, vector<16xi32> -> vector<16xf32>
    %add3A_3040 = arith.addf %add3A_3026, %gather3A_3039 : vector<16xf32>
    %xor3A_3041 = arith.constant 1 : i32
    %xor3A_3042 = vector.broadcast %xor3A_3041 : i32 to vector<16xi32>
    %xor3A_3043 = arith.xori %iota3A, %xor3A_3042 : vector<16xi32>
    %lt3A_3044 = arith.constant 0 : i32
    %lt3A_3045 = vector.broadcast %lt3A_3044 : i32 to vector<16xi32>
    %lt3A_3046 = arith.cmpi slt, %xor3A_3043, %lt3A_3045 : vector<16xi32>
    %add3A_3047 = arith.constant 16 : i32
    %add3A_3048 = vector.broadcast %add3A_3047 : i32 to vector<16xi32>
    %add3A_3049 = arith.addi %xor3A_3043, %add3A_3048 : vector<16xi32>
    %select_n3A_3050 = arith.select %lt3A_3046, %add3A_3049, %xor3A_3043 : vector<16xi1>, vector<16xi32>
    %broadcast_in_dim3A_3051 = vector.shape_cast %select_n3A_3050 : vector<16xi32> to vector<16x1xi32>
    %gather3A_3052 = vector.shape_cast %broadcast_in_dim3A_3051 : vector<16x1xi32> to vector<16xi32>
    %gather3A_3053 = tpu.dynamic_gather %add3A_3040[%gather3A_3052] in [0] : vector<16xf32>, vector<16xi32> -> vector<16xf32>
    %add3A_3054 = arith.addf %add3A_3040, %gather3A_3053 : vector<16xf32>
    %lt3A_3055 = arith.constant 0 : i32
    %lt3A_3056 = vector.broadcast %lt3A_3055 : i32 to vector<16xi32>
    %lt3A_3057 = arith.cmpi slt, %gather3A_2840, %lt3A_3056 : vector<16xi32>
    %add3A_3058 = arith.constant 16 : i32
    %add3A_3059 = vector.broadcast %add3A_3058 : i32 to vector<16xi32>
    %add3A_3060 = arith.addi %gather3A_2840, %add3A_3059 : vector<16xi32>
    %select_n3A_3061 = arith.select %lt3A_3057, %add3A_3060, %gather3A_2840 : vector<16xi1>, vector<16xi32>
    %broadcast_in_dim3A_3062 = vector.shape_cast %select_n3A_3061 : vector<16xi32> to vector<16x1xi32>
    %gather3A_3063 = vector.shape_cast %broadcast_in_dim3A_3062 : vector<16x1xi32> to vector<16xi32>
    %gather3A_3064 = tpu.dynamic_gather %select_n3A_2933[%gather3A_3063] in [0] : vector<16xf32>, vector<16xi32> -> vector<16xf32>
    %sub3A_3065 = arith.subf %max3A_2993, %gather3A_3064 : vector<16xf32>
    %add3A_3066 = arith.addf %add3A_2803, %sub3A_3065 : vector<16xf32>
    %mul3A_3067 = arith.mulf %mul3A_2804, %add3A_3054 : vector<16xf32>
    %broadcast_in_dim3A_3068 = arith.constant 6 : i32
    %broadcast_in_dim3A_3069 = vector.broadcast %broadcast_in_dim3A_3068 : i32 to vector<16xi32>
    %lt3A_3070 = arith.constant 0 : i32
    %lt3A_3071 = vector.broadcast %lt3A_3070 : i32 to vector<16xi32>
    %lt3A_3072 = arith.cmpi slt, %broadcast_in_dim3A_3069, %lt3A_3071 : vector<16xi32>
    %add3A_3073 = arith.constant 16 : i32
    %add3A_3074 = vector.broadcast %add3A_3073 : i32 to vector<16xi32>
    %add3A_3075 = arith.addi %broadcast_in_dim3A_3069, %add3A_3074 : vector<16xi32>
    %select_n3A_3076 = arith.select %lt3A_3072, %add3A_3075, %broadcast_in_dim3A_3069 : vector<16xi1>, vector<16xi32>
    %broadcast_in_dim3A_3077 = vector.shape_cast %select_n3A_3076 : vector<16xi32> to vector<16x1xi32>
    %gather3A_3078 = vector.shape_cast %broadcast_in_dim3A_3077 : vector<16x1xi32> to vector<16xi32>
    %gather3A_3079 = tpu.dynamic_gather %get3A_2519[%gather3A_3078] in [0] : vector<16xi32>, vector<16xi32> -> vector<16xi32>
    %broadcast_in_dim3A_3080 = arith.constant 7 : i32
    %broadcast_in_dim3A_3081 = vector.broadcast %broadcast_in_dim3A_3080 : i32 to vector<16xi32>
    %lt3A_3082 = arith.constant 0 : i32
    %lt3A_3083 = vector.broadcast %lt3A_3082 : i32 to vector<16xi32>
    %lt3A_3084 = arith.cmpi slt, %broadcast_in_dim3A_3081, %lt3A_3083 : vector<16xi32>
    %add3A_3085 = arith.constant 16 : i32
    %add3A_3086 = vector.broadcast %add3A_3085 : i32 to vector<16xi32>
    %add3A_3087 = arith.addi %broadcast_in_dim3A_3081, %add3A_3086 : vector<16xi32>
    %select_n3A_3088 = arith.select %lt3A_3084, %add3A_3087, %broadcast_in_dim3A_3081 : vector<16xi1>, vector<16xi32>
    %broadcast_in_dim3A_3089 = vector.shape_cast %select_n3A_3088 : vector<16xi32> to vector<16x1xi32>
    %gather3A_3090 = vector.shape_cast %broadcast_in_dim3A_3089 : vector<16x1xi32> to vector<16xi32>
    %gather3A_3091 = tpu.dynamic_gather %get3A_2519[%gather3A_3090] in [0] : vector<16xi32>, vector<16xi32> -> vector<16xi32>
    %broadcast_in_dim3A_3092 = arith.constant 8 : i32
    %broadcast_in_dim3A_3093 = vector.broadcast %broadcast_in_dim3A_3092 : i32 to vector<16xi32>
    %lt3A_3094 = arith.constant 0 : i32
    %lt3A_3095 = vector.broadcast %lt3A_3094 : i32 to vector<16xi32>
    %lt3A_3096 = arith.cmpi slt, %broadcast_in_dim3A_3093, %lt3A_3095 : vector<16xi32>
    %add3A_3097 = arith.constant 16 : i32
    %add3A_3098 = vector.broadcast %add3A_3097 : i32 to vector<16xi32>
    %add3A_3099 = arith.addi %broadcast_in_dim3A_3093, %add3A_3098 : vector<16xi32>
    %select_n3A_3100 = arith.select %lt3A_3096, %add3A_3099, %broadcast_in_dim3A_3093 : vector<16xi1>, vector<16xi32>
    %broadcast_in_dim3A_3101 = vector.shape_cast %select_n3A_3100 : vector<16xi32> to vector<16x1xi32>
    %gather3A_3102 = vector.shape_cast %broadcast_in_dim3A_3101 : vector<16x1xi32> to vector<16xi32>
    %gather3A_3103 = tpu.dynamic_gather %get3A_2519[%gather3A_3102] in [0] : vector<16xi32>, vector<16xi32> -> vector<16xi32>
    %add3A_3104 = arith.addi %gather3A_3079, %iota3A : vector<16xi32>
    %shift_right_arithmetic3A_3105 = arith.constant 4 : i32
    %shift_right_arithmetic3A_3106 = vector.broadcast %shift_right_arithmetic3A_3105 : i32 to vector<16xi32>
    %shift_right_arithmetic3A_3107 = arith.shrsi %add3A_3104, %shift_right_arithmetic3A_3106 : vector<16xi32>
    %and3A_3108 = arith.constant 15 : i32
    %and3A_3109 = vector.broadcast %and3A_3108 : i32 to vector<16xi32>
    %and3A_3110 = arith.andi %add3A_3104, %and3A_3109 : vector<16xi32>
    %broadcast_in_dim3A_3111 = arith.constant 0.000000e+00 : f32
    %broadcast_in_dim3A_3112 = vector.broadcast %broadcast_in_dim3A_3111 : f32 to vector<16xf32>
    %lt3A_3113 = arith.constant 0 : i32
    %lt3A_3114 = vector.broadcast %lt3A_3113 : i32 to vector<16xi32>
    %lt3A_3115 = arith.cmpi slt, %and3A_3110, %lt3A_3114 : vector<16xi32>
    %add3A_3116 = arith.constant 16 : i32
    %add3A_3117 = vector.broadcast %add3A_3116 : i32 to vector<16xi32>
    %add3A_3118 = arith.addi %and3A_3110, %add3A_3117 : vector<16xi32>
    %select_n3A_3119 = arith.select %lt3A_3115, %add3A_3118, %and3A_3110 : vector<16xi1>, vector<16xi32>
    %broadcast_in_dim3A_3120 = vector.shape_cast %select_n3A_3119 : vector<16xi32> to vector<16x1xi32>
    %gather3A_3121 = vector.shape_cast %broadcast_in_dim3A_3120 : vector<16x1xi32> to vector<16xi32>
    %gather3A_3122 = tpu.dynamic_gather %get3A_2522[%gather3A_3121] in [0] : vector<16xf32>, vector<16xi32> -> vector<16xf32>
    %eq3A_3123 = arith.constant 0 : i32
    %eq3A_3124 = vector.broadcast %eq3A_3123 : i32 to vector<16xi32>
    %eq3A_3125 = arith.cmpi eq, %shift_right_arithmetic3A_3107, %eq3A_3124 : vector<16xi32>
    %select_n3A_3126 = arith.select %eq3A_3125, %gather3A_3122, %broadcast_in_dim3A_3112 : vector<16xi1>, vector<16xf32>
    %lt3A_3127 = arith.constant 0 : i32
    %lt3A_3128 = vector.broadcast %lt3A_3127 : i32 to vector<16xi32>
    %lt3A_3129 = arith.cmpi slt, %and3A_3110, %lt3A_3128 : vector<16xi32>
    %add3A_3130 = arith.constant 16 : i32
    %add3A_3131 = vector.broadcast %add3A_3130 : i32 to vector<16xi32>
    %add3A_3132 = arith.addi %and3A_3110, %add3A_3131 : vector<16xi32>
    %select_n3A_3133 = arith.select %lt3A_3129, %add3A_3132, %and3A_3110 : vector<16xi1>, vector<16xi32>
    %broadcast_in_dim3A_3134 = vector.shape_cast %select_n3A_3133 : vector<16xi32> to vector<16x1xi32>
    %gather3A_3135 = vector.shape_cast %broadcast_in_dim3A_3134 : vector<16x1xi32> to vector<16xi32>
    %gather3A_3136 = tpu.dynamic_gather %get3A_2525[%gather3A_3135] in [0] : vector<16xf32>, vector<16xi32> -> vector<16xf32>
    %eq3A_3137 = arith.constant 1 : i32
    %eq3A_3138 = vector.broadcast %eq3A_3137 : i32 to vector<16xi32>
    %eq3A_3139 = arith.cmpi eq, %shift_right_arithmetic3A_3107, %eq3A_3138 : vector<16xi32>
    %select_n3A_3140 = arith.select %eq3A_3139, %gather3A_3136, %select_n3A_3126 : vector<16xi1>, vector<16xf32>
    %lt3A_3141 = arith.constant 0 : i32
    %lt3A_3142 = vector.broadcast %lt3A_3141 : i32 to vector<16xi32>
    %lt3A_3143 = arith.cmpi slt, %and3A_3110, %lt3A_3142 : vector<16xi32>
    %add3A_3144 = arith.constant 16 : i32
    %add3A_3145 = vector.broadcast %add3A_3144 : i32 to vector<16xi32>
    %add3A_3146 = arith.addi %and3A_3110, %add3A_3145 : vector<16xi32>
    %select_n3A_3147 = arith.select %lt3A_3143, %add3A_3146, %and3A_3110 : vector<16xi1>, vector<16xi32>
    %broadcast_in_dim3A_3148 = vector.shape_cast %select_n3A_3147 : vector<16xi32> to vector<16x1xi32>
    %gather3A_3149 = vector.shape_cast %broadcast_in_dim3A_3148 : vector<16x1xi32> to vector<16xi32>
    %gather3A_3150 = tpu.dynamic_gather %get3A_2528[%gather3A_3149] in [0] : vector<16xf32>, vector<16xi32> -> vector<16xf32>
    %eq3A_3151 = arith.constant 2 : i32
    %eq3A_3152 = vector.broadcast %eq3A_3151 : i32 to vector<16xi32>
    %eq3A_3153 = arith.cmpi eq, %shift_right_arithmetic3A_3107, %eq3A_3152 : vector<16xi32>
    %select_n3A_3154 = arith.select %eq3A_3153, %gather3A_3150, %select_n3A_3140 : vector<16xi1>, vector<16xf32>
    %lt3A_3155 = arith.constant 0 : i32
    %lt3A_3156 = vector.broadcast %lt3A_3155 : i32 to vector<16xi32>
    %lt3A_3157 = arith.cmpi slt, %and3A_3110, %lt3A_3156 : vector<16xi32>
    %add3A_3158 = arith.constant 16 : i32
    %add3A_3159 = vector.broadcast %add3A_3158 : i32 to vector<16xi32>
    %add3A_3160 = arith.addi %and3A_3110, %add3A_3159 : vector<16xi32>
    %select_n3A_3161 = arith.select %lt3A_3157, %add3A_3160, %and3A_3110 : vector<16xi1>, vector<16xi32>
    %broadcast_in_dim3A_3162 = vector.shape_cast %select_n3A_3161 : vector<16xi32> to vector<16x1xi32>
    %gather3A_3163 = vector.shape_cast %broadcast_in_dim3A_3162 : vector<16x1xi32> to vector<16xi32>
    %gather3A_3164 = tpu.dynamic_gather %get3A_2531[%gather3A_3163] in [0] : vector<16xf32>, vector<16xi32> -> vector<16xf32>
    %eq3A_3165 = arith.constant 3 : i32
    %eq3A_3166 = vector.broadcast %eq3A_3165 : i32 to vector<16xi32>
    %eq3A_3167 = arith.cmpi eq, %shift_right_arithmetic3A_3107, %eq3A_3166 : vector<16xi32>
    %select_n3A_3168 = arith.select %eq3A_3167, %gather3A_3164, %select_n3A_3154 : vector<16xi1>, vector<16xf32>
    %lt3A_3169 = arith.constant 0 : i32
    %lt3A_3170 = vector.broadcast %lt3A_3169 : i32 to vector<16xi32>
    %lt3A_3171 = arith.cmpi slt, %and3A_3110, %lt3A_3170 : vector<16xi32>
    %add3A_3172 = arith.constant 16 : i32
    %add3A_3173 = vector.broadcast %add3A_3172 : i32 to vector<16xi32>
    %add3A_3174 = arith.addi %and3A_3110, %add3A_3173 : vector<16xi32>
    %select_n3A_3175 = arith.select %lt3A_3171, %add3A_3174, %and3A_3110 : vector<16xi1>, vector<16xi32>
    %broadcast_in_dim3A_3176 = vector.shape_cast %select_n3A_3175 : vector<16xi32> to vector<16x1xi32>
    %gather3A_3177 = vector.shape_cast %broadcast_in_dim3A_3176 : vector<16x1xi32> to vector<16xi32>
    %gather3A_3178 = tpu.dynamic_gather %get3A_2534[%gather3A_3177] in [0] : vector<16xf32>, vector<16xi32> -> vector<16xf32>
    %eq3A_3179 = arith.constant 4 : i32
    %eq3A_3180 = vector.broadcast %eq3A_3179 : i32 to vector<16xi32>
    %eq3A_3181 = arith.cmpi eq, %shift_right_arithmetic3A_3107, %eq3A_3180 : vector<16xi32>
    %select_n3A_3182 = arith.select %eq3A_3181, %gather3A_3178, %select_n3A_3168 : vector<16xi1>, vector<16xf32>
    %lt3A_3183 = arith.constant 0 : i32
    %lt3A_3184 = vector.broadcast %lt3A_3183 : i32 to vector<16xi32>
    %lt3A_3185 = arith.cmpi slt, %and3A_3110, %lt3A_3184 : vector<16xi32>
    %add3A_3186 = arith.constant 16 : i32
    %add3A_3187 = vector.broadcast %add3A_3186 : i32 to vector<16xi32>
    %add3A_3188 = arith.addi %and3A_3110, %add3A_3187 : vector<16xi32>
    %select_n3A_3189 = arith.select %lt3A_3185, %add3A_3188, %and3A_3110 : vector<16xi1>, vector<16xi32>
    %broadcast_in_dim3A_3190 = vector.shape_cast %select_n3A_3189 : vector<16xi32> to vector<16x1xi32>
    %gather3A_3191 = vector.shape_cast %broadcast_in_dim3A_3190 : vector<16x1xi32> to vector<16xi32>
    %gather3A_3192 = tpu.dynamic_gather %get3A_2537[%gather3A_3191] in [0] : vector<16xf32>, vector<16xi32> -> vector<16xf32>
    %eq3A_3193 = arith.constant 5 : i32
    %eq3A_3194 = vector.broadcast %eq3A_3193 : i32 to vector<16xi32>
    %eq3A_3195 = arith.cmpi eq, %shift_right_arithmetic3A_3107, %eq3A_3194 : vector<16xi32>
    %select_n3A_3196 = arith.select %eq3A_3195, %gather3A_3192, %select_n3A_3182 : vector<16xi1>, vector<16xf32>
    %lt3A_3197 = arith.cmpi slt, %iota3A, %gather3A_3091 : vector<16xi32>
    %jit3A_3198 = arith.constant -3.000000e+38 : f32
    %broadcast_in_dim3A_3199 = vector.broadcast %jit3A_3198 : f32 to vector<16xf32>
    %select_n3A_3200 = arith.select %lt3A_3197, %select_n3A_3196, %broadcast_in_dim3A_3199 : vector<16xi1>, vector<16xf32>
    %xor3A_3201 = arith.constant 8 : i32
    %xor3A_3202 = vector.broadcast %xor3A_3201 : i32 to vector<16xi32>
    %xor3A_3203 = arith.xori %iota3A, %xor3A_3202 : vector<16xi32>
    %lt3A_3204 = arith.constant 0 : i32
    %lt3A_3205 = vector.broadcast %lt3A_3204 : i32 to vector<16xi32>
    %lt3A_3206 = arith.cmpi slt, %xor3A_3203, %lt3A_3205 : vector<16xi32>
    %add3A_3207 = arith.constant 16 : i32
    %add3A_3208 = vector.broadcast %add3A_3207 : i32 to vector<16xi32>
    %add3A_3209 = arith.addi %xor3A_3203, %add3A_3208 : vector<16xi32>
    %select_n3A_3210 = arith.select %lt3A_3206, %add3A_3209, %xor3A_3203 : vector<16xi1>, vector<16xi32>
    %broadcast_in_dim3A_3211 = vector.shape_cast %select_n3A_3210 : vector<16xi32> to vector<16x1xi32>
    %gather3A_3212 = vector.shape_cast %broadcast_in_dim3A_3211 : vector<16x1xi32> to vector<16xi32>
    %gather3A_3213 = tpu.dynamic_gather %select_n3A_3200[%gather3A_3212] in [0] : vector<16xf32>, vector<16xi32> -> vector<16xf32>
    %max3A_3214 = arith.maximumf %select_n3A_3200, %gather3A_3213 : vector<16xf32>
    %xor3A_3215 = arith.constant 4 : i32
    %xor3A_3216 = vector.broadcast %xor3A_3215 : i32 to vector<16xi32>
    %xor3A_3217 = arith.xori %iota3A, %xor3A_3216 : vector<16xi32>
    %lt3A_3218 = arith.constant 0 : i32
    %lt3A_3219 = vector.broadcast %lt3A_3218 : i32 to vector<16xi32>
    %lt3A_3220 = arith.cmpi slt, %xor3A_3217, %lt3A_3219 : vector<16xi32>
    %add3A_3221 = arith.constant 16 : i32
    %add3A_3222 = vector.broadcast %add3A_3221 : i32 to vector<16xi32>
    %add3A_3223 = arith.addi %xor3A_3217, %add3A_3222 : vector<16xi32>
    %select_n3A_3224 = arith.select %lt3A_3220, %add3A_3223, %xor3A_3217 : vector<16xi1>, vector<16xi32>
    %broadcast_in_dim3A_3225 = vector.shape_cast %select_n3A_3224 : vector<16xi32> to vector<16x1xi32>
    %gather3A_3226 = vector.shape_cast %broadcast_in_dim3A_3225 : vector<16x1xi32> to vector<16xi32>
    %gather3A_3227 = tpu.dynamic_gather %max3A_3214[%gather3A_3226] in [0] : vector<16xf32>, vector<16xi32> -> vector<16xf32>
    %max3A_3228 = arith.maximumf %max3A_3214, %gather3A_3227 : vector<16xf32>
    %xor3A_3229 = arith.constant 2 : i32
    %xor3A_3230 = vector.broadcast %xor3A_3229 : i32 to vector<16xi32>
    %xor3A_3231 = arith.xori %iota3A, %xor3A_3230 : vector<16xi32>
    %lt3A_3232 = arith.constant 0 : i32
    %lt3A_3233 = vector.broadcast %lt3A_3232 : i32 to vector<16xi32>
    %lt3A_3234 = arith.cmpi slt, %xor3A_3231, %lt3A_3233 : vector<16xi32>
    %add3A_3235 = arith.constant 16 : i32
    %add3A_3236 = vector.broadcast %add3A_3235 : i32 to vector<16xi32>
    %add3A_3237 = arith.addi %xor3A_3231, %add3A_3236 : vector<16xi32>
    %select_n3A_3238 = arith.select %lt3A_3234, %add3A_3237, %xor3A_3231 : vector<16xi1>, vector<16xi32>
    %broadcast_in_dim3A_3239 = vector.shape_cast %select_n3A_3238 : vector<16xi32> to vector<16x1xi32>
    %gather3A_3240 = vector.shape_cast %broadcast_in_dim3A_3239 : vector<16x1xi32> to vector<16xi32>
    %gather3A_3241 = tpu.dynamic_gather %max3A_3228[%gather3A_3240] in [0] : vector<16xf32>, vector<16xi32> -> vector<16xf32>
    %max3A_3242 = arith.maximumf %max3A_3228, %gather3A_3241 : vector<16xf32>
    %xor3A_3243 = arith.constant 1 : i32
    %xor3A_3244 = vector.broadcast %xor3A_3243 : i32 to vector<16xi32>
    %xor3A_3245 = arith.xori %iota3A, %xor3A_3244 : vector<16xi32>
    %lt3A_3246 = arith.constant 0 : i32
    %lt3A_3247 = vector.broadcast %lt3A_3246 : i32 to vector<16xi32>
    %lt3A_3248 = arith.cmpi slt, %xor3A_3245, %lt3A_3247 : vector<16xi32>
    %add3A_3249 = arith.constant 16 : i32
    %add3A_3250 = vector.broadcast %add3A_3249 : i32 to vector<16xi32>
    %add3A_3251 = arith.addi %xor3A_3245, %add3A_3250 : vector<16xi32>
    %select_n3A_3252 = arith.select %lt3A_3248, %add3A_3251, %xor3A_3245 : vector<16xi1>, vector<16xi32>
    %broadcast_in_dim3A_3253 = vector.shape_cast %select_n3A_3252 : vector<16xi32> to vector<16x1xi32>
    %gather3A_3254 = vector.shape_cast %broadcast_in_dim3A_3253 : vector<16x1xi32> to vector<16xi32>
    %gather3A_3255 = tpu.dynamic_gather %max3A_3242[%gather3A_3254] in [0] : vector<16xf32>, vector<16xi32> -> vector<16xf32>
    %max3A_3256 = arith.maximumf %max3A_3242, %gather3A_3255 : vector<16xf32>
    %sub3A_3257 = arith.subf %select_n3A_3196, %max3A_3256 : vector<16xf32>
    %exp3A_3258 = math.exp %sub3A_3257 : vector<16xf32>
    %jit3A_3259 = arith.constant 0.000000e+00 : f32
    %broadcast_in_dim3A_3260 = vector.broadcast %jit3A_3259 : f32 to vector<16xf32>
    %select_n3A_3261 = arith.select %lt3A_3197, %exp3A_3258, %broadcast_in_dim3A_3260 : vector<16xi1>, vector<16xf32>
    %xor3A_3262 = arith.constant 8 : i32
    %xor3A_3263 = vector.broadcast %xor3A_3262 : i32 to vector<16xi32>
    %xor3A_3264 = arith.xori %iota3A, %xor3A_3263 : vector<16xi32>
    %lt3A_3265 = arith.constant 0 : i32
    %lt3A_3266 = vector.broadcast %lt3A_3265 : i32 to vector<16xi32>
    %lt3A_3267 = arith.cmpi slt, %xor3A_3264, %lt3A_3266 : vector<16xi32>
    %add3A_3268 = arith.constant 16 : i32
    %add3A_3269 = vector.broadcast %add3A_3268 : i32 to vector<16xi32>
    %add3A_3270 = arith.addi %xor3A_3264, %add3A_3269 : vector<16xi32>
    %select_n3A_3271 = arith.select %lt3A_3267, %add3A_3270, %xor3A_3264 : vector<16xi1>, vector<16xi32>
    %broadcast_in_dim3A_3272 = vector.shape_cast %select_n3A_3271 : vector<16xi32> to vector<16x1xi32>
    %gather3A_3273 = vector.shape_cast %broadcast_in_dim3A_3272 : vector<16x1xi32> to vector<16xi32>
    %gather3A_3274 = tpu.dynamic_gather %select_n3A_3261[%gather3A_3273] in [0] : vector<16xf32>, vector<16xi32> -> vector<16xf32>
    %add3A_3275 = arith.addf %select_n3A_3261, %gather3A_3274 : vector<16xf32>
    %xor3A_3276 = arith.constant 4 : i32
    %xor3A_3277 = vector.broadcast %xor3A_3276 : i32 to vector<16xi32>
    %xor3A_3278 = arith.xori %iota3A, %xor3A_3277 : vector<16xi32>
    %lt3A_3279 = arith.constant 0 : i32
    %lt3A_3280 = vector.broadcast %lt3A_3279 : i32 to vector<16xi32>
    %lt3A_3281 = arith.cmpi slt, %xor3A_3278, %lt3A_3280 : vector<16xi32>
    %add3A_3282 = arith.constant 16 : i32
    %add3A_3283 = vector.broadcast %add3A_3282 : i32 to vector<16xi32>
    %add3A_3284 = arith.addi %xor3A_3278, %add3A_3283 : vector<16xi32>
    %select_n3A_3285 = arith.select %lt3A_3281, %add3A_3284, %xor3A_3278 : vector<16xi1>, vector<16xi32>
    %broadcast_in_dim3A_3286 = vector.shape_cast %select_n3A_3285 : vector<16xi32> to vector<16x1xi32>
    %gather3A_3287 = vector.shape_cast %broadcast_in_dim3A_3286 : vector<16x1xi32> to vector<16xi32>
    %gather3A_3288 = tpu.dynamic_gather %add3A_3275[%gather3A_3287] in [0] : vector<16xf32>, vector<16xi32> -> vector<16xf32>
    %add3A_3289 = arith.addf %add3A_3275, %gather3A_3288 : vector<16xf32>
    %xor3A_3290 = arith.constant 2 : i32
    %xor3A_3291 = vector.broadcast %xor3A_3290 : i32 to vector<16xi32>
    %xor3A_3292 = arith.xori %iota3A, %xor3A_3291 : vector<16xi32>
    %lt3A_3293 = arith.constant 0 : i32
    %lt3A_3294 = vector.broadcast %lt3A_3293 : i32 to vector<16xi32>
    %lt3A_3295 = arith.cmpi slt, %xor3A_3292, %lt3A_3294 : vector<16xi32>
    %add3A_3296 = arith.constant 16 : i32
    %add3A_3297 = vector.broadcast %add3A_3296 : i32 to vector<16xi32>
    %add3A_3298 = arith.addi %xor3A_3292, %add3A_3297 : vector<16xi32>
    %select_n3A_3299 = arith.select %lt3A_3295, %add3A_3298, %xor3A_3292 : vector<16xi1>, vector<16xi32>
    %broadcast_in_dim3A_3300 = vector.shape_cast %select_n3A_3299 : vector<16xi32> to vector<16x1xi32>
    %gather3A_3301 = vector.shape_cast %broadcast_in_dim3A_3300 : vector<16x1xi32> to vector<16xi32>
    %gather3A_3302 = tpu.dynamic_gather %add3A_3289[%gather3A_3301] in [0] : vector<16xf32>, vector<16xi32> -> vector<16xf32>
    %add3A_3303 = arith.addf %add3A_3289, %gather3A_3302 : vector<16xf32>
    %xor3A_3304 = arith.constant 1 : i32
    %xor3A_3305 = vector.broadcast %xor3A_3304 : i32 to vector<16xi32>
    %xor3A_3306 = arith.xori %iota3A, %xor3A_3305 : vector<16xi32>
    %lt3A_3307 = arith.constant 0 : i32
    %lt3A_3308 = vector.broadcast %lt3A_3307 : i32 to vector<16xi32>
    %lt3A_3309 = arith.cmpi slt, %xor3A_3306, %lt3A_3308 : vector<16xi32>
    %add3A_3310 = arith.constant 16 : i32
    %add3A_3311 = vector.broadcast %add3A_3310 : i32 to vector<16xi32>
    %add3A_3312 = arith.addi %xor3A_3306, %add3A_3311 : vector<16xi32>
    %select_n3A_3313 = arith.select %lt3A_3309, %add3A_3312, %xor3A_3306 : vector<16xi1>, vector<16xi32>
    %broadcast_in_dim3A_3314 = vector.shape_cast %select_n3A_3313 : vector<16xi32> to vector<16x1xi32>
    %gather3A_3315 = vector.shape_cast %broadcast_in_dim3A_3314 : vector<16x1xi32> to vector<16xi32>
    %gather3A_3316 = tpu.dynamic_gather %add3A_3303[%gather3A_3315] in [0] : vector<16xf32>, vector<16xi32> -> vector<16xf32>
    %add3A_3317 = arith.addf %add3A_3303, %gather3A_3316 : vector<16xf32>
    %lt3A_3318 = arith.constant 0 : i32
    %lt3A_3319 = vector.broadcast %lt3A_3318 : i32 to vector<16xi32>
    %lt3A_3320 = arith.cmpi slt, %gather3A_3103, %lt3A_3319 : vector<16xi32>
    %add3A_3321 = arith.constant 16 : i32
    %add3A_3322 = vector.broadcast %add3A_3321 : i32 to vector<16xi32>
    %add3A_3323 = arith.addi %gather3A_3103, %add3A_3322 : vector<16xi32>
    %select_n3A_3324 = arith.select %lt3A_3320, %add3A_3323, %gather3A_3103 : vector<16xi1>, vector<16xi32>
    %broadcast_in_dim3A_3325 = vector.shape_cast %select_n3A_3324 : vector<16xi32> to vector<16x1xi32>
    %gather3A_3326 = vector.shape_cast %broadcast_in_dim3A_3325 : vector<16x1xi32> to vector<16xi32>
    %gather3A_3327 = tpu.dynamic_gather %select_n3A_3196[%gather3A_3326] in [0] : vector<16xf32>, vector<16xi32> -> vector<16xf32>
    %sub3A_3328 = arith.subf %max3A_3256, %gather3A_3327 : vector<16xf32>
    %add3A_3329 = arith.addf %add3A_3066, %sub3A_3328 : vector<16xf32>
    %mul3A_3330 = arith.mulf %mul3A_3067, %add3A_3317 : vector<16xf32>
    %broadcast_in_dim3A_3331 = arith.constant 9 : i32
    %broadcast_in_dim3A_3332 = vector.broadcast %broadcast_in_dim3A_3331 : i32 to vector<16xi32>
    %lt3A_3333 = arith.constant 0 : i32
    %lt3A_3334 = vector.broadcast %lt3A_3333 : i32 to vector<16xi32>
    %lt3A_3335 = arith.cmpi slt, %broadcast_in_dim3A_3332, %lt3A_3334 : vector<16xi32>
    %add3A_3336 = arith.constant 16 : i32
    %add3A_3337 = vector.broadcast %add3A_3336 : i32 to vector<16xi32>
    %add3A_3338 = arith.addi %broadcast_in_dim3A_3332, %add3A_3337 : vector<16xi32>
    %select_n3A_3339 = arith.select %lt3A_3335, %add3A_3338, %broadcast_in_dim3A_3332 : vector<16xi1>, vector<16xi32>
    %broadcast_in_dim3A_3340 = vector.shape_cast %select_n3A_3339 : vector<16xi32> to vector<16x1xi32>
    %gather3A_3341 = vector.shape_cast %broadcast_in_dim3A_3340 : vector<16x1xi32> to vector<16xi32>
    %gather3A_3342 = tpu.dynamic_gather %get3A_2519[%gather3A_3341] in [0] : vector<16xi32>, vector<16xi32> -> vector<16xi32>
    %convert_element_type3A_3343 = arith.sitofp %gather3A_3342 : vector<16xi32> to vector<16xf32>
    %div3A_3344 = arith.constant 1.000000e+00 : f32
    %div3A_3345 = vector.broadcast %div3A_3344 : f32 to vector<16xf32>
    %div3A_3346 = arith.divf %div3A_3345, %convert_element_type3A_3343 : vector<16xf32>
    %eq3A_3347 = arith.constant 3 : i32
    %eq3A_3348 = vector.broadcast %eq3A_3347 : i32 to vector<16xi32>
    %eq3A_3349 = arith.cmpi eq, %iota3A, %eq3A_3348 : vector<16xi32>
    %select_n3A_3350 = arith.select %eq3A_3349, %add3A_3329, %select_n3A_2512 : vector<16xi1>, vector<16xf32>
    %select_n3A_3351 = arith.select %eq3A_3349, %mul3A_3330, %select_n3A_2513 : vector<16xi1>, vector<16xf32>
    %select_n3A_3352 = arith.select %eq3A_3349, %div3A_3346, %select_n3A_2514 : vector<16xi1>, vector<16xf32>
    %broadcast_in_dim3A_3353 = arith.constant 0.000000e+00 : f32
    %broadcast_in_dim3A_3354 = vector.broadcast %broadcast_in_dim3A_3353 : f32 to vector<16xf32>
    %swap3A = arith.constant 16 : index
    %swap3A_3355 = tpu.vector_load %arg9[%swap3A] {strides = array<i32>} : memref<128xf32, #tpu.memory_space<vmem>>, vector<16xf32>,
    %swap3A_3356 = vector.shape_cast %swap3A_3355 : vector<16xf32> to vector<16xf32>
    %swap3A_3357 = vector.shape_cast %broadcast_in_dim3A_3354 : vector<16xf32> to vector<16xf32>
    tpu.vector_store %arg9[%swap3A], %swap3A_3357 {strides = array<i32>} : memref<128xf32, #tpu.memory_space<vmem>>, vector<16xf32>,
    %broadcast_in_dim3A_3358 = arith.constant 0.000000e+00 : f32
    %broadcast_in_dim3A_3359 = vector.broadcast %broadcast_in_dim3A_3358 : f32 to vector<16xf32>
    %swap3A_3360 = arith.constant 32 : index
    %swap3A_3361 = tpu.vector_load %arg9[%swap3A_3360] {strides = array<i32>} : memref<128xf32, #tpu.memory_space<vmem>>, vector<16xf32>,
    %swap3A_3362 = vector.shape_cast %swap3A_3361 : vector<16xf32> to vector<16xf32>
    %swap3A_3363 = vector.shape_cast %broadcast_in_dim3A_3359 : vector<16xf32> to vector<16xf32>
    tpu.vector_store %arg9[%swap3A_3360], %swap3A_3363 {strides = array<i32>} : memref<128xf32, #tpu.memory_space<vmem>>, vector<16xf32>,
    %broadcast_in_dim3A_3364 = arith.constant 0.000000e+00 : f32
    %broadcast_in_dim3A_3365 = vector.broadcast %broadcast_in_dim3A_3364 : f32 to vector<16xf32>
    %swap3A_3366 = arith.constant 48 : index
    %swap3A_3367 = tpu.vector_load %arg9[%swap3A_3366] {strides = array<i32>} : memref<128xf32, #tpu.memory_space<vmem>>, vector<16xf32>,
    %swap3A_3368 = vector.shape_cast %swap3A_3367 : vector<16xf32> to vector<16xf32>
    %swap3A_3369 = vector.shape_cast %broadcast_in_dim3A_3365 : vector<16xf32> to vector<16xf32>
    tpu.vector_store %arg9[%swap3A_3366], %swap3A_3369 {strides = array<i32>} : memref<128xf32, #tpu.memory_space<vmem>>, vector<16xf32>,
    %broadcast_in_dim3A_3370 = arith.constant 0.000000e+00 : f32
    %broadcast_in_dim3A_3371 = vector.broadcast %broadcast_in_dim3A_3370 : f32 to vector<16xf32>
    %swap3A_3372 = arith.constant 64 : index
    %swap3A_3373 = tpu.vector_load %arg9[%swap3A_3372] {strides = array<i32>} : memref<128xf32, #tpu.memory_space<vmem>>, vector<16xf32>,
    %swap3A_3374 = vector.shape_cast %swap3A_3373 : vector<16xf32> to vector<16xf32>
    %swap3A_3375 = vector.shape_cast %broadcast_in_dim3A_3371 : vector<16xf32> to vector<16xf32>
    tpu.vector_store %arg9[%swap3A_3372], %swap3A_3375 {strides = array<i32>} : memref<128xf32, #tpu.memory_space<vmem>>, vector<16xf32>,
    %broadcast_in_dim3A_3376 = arith.constant 0.000000e+00 : f32
    %broadcast_in_dim3A_3377 = vector.broadcast %broadcast_in_dim3A_3376 : f32 to vector<16xf32>
    %swap3A_3378 = arith.constant 80 : index
    %swap3A_3379 = tpu.vector_load %arg9[%swap3A_3378] {strides = array<i32>} : memref<128xf32, #tpu.memory_space<vmem>>, vector<16xf32>,
    %swap3A_3380 = vector.shape_cast %swap3A_3379 : vector<16xf32> to vector<16xf32>
    %swap3A_3381 = vector.shape_cast %broadcast_in_dim3A_3377 : vector<16xf32> to vector<16xf32>
    tpu.vector_store %arg9[%swap3A_3378], %swap3A_3381 {strides = array<i32>} : memref<128xf32, #tpu.memory_space<vmem>>, vector<16xf32>,
    %broadcast_in_dim3A_3382 = arith.constant 0.000000e+00 : f32
    %broadcast_in_dim3A_3383 = vector.broadcast %broadcast_in_dim3A_3382 : f32 to vector<16xf32>
    %swap3A_3384 = arith.constant 96 : index
    %swap3A_3385 = tpu.vector_load %arg9[%swap3A_3384] {strides = array<i32>} : memref<128xf32, #tpu.memory_space<vmem>>, vector<16xf32>,
    %swap3A_3386 = vector.shape_cast %swap3A_3385 : vector<16xf32> to vector<16xf32>
    %swap3A_3387 = vector.shape_cast %broadcast_in_dim3A_3383 : vector<16xf32> to vector<16xf32>
    tpu.vector_store %arg9[%swap3A_3384], %swap3A_3387 {strides = array<i32>} : memref<128xf32, #tpu.memory_space<vmem>>, vector<16xf32>,
    %broadcast_in_dim3A_3388 = arith.constant 0.000000e+00 : f32
    %broadcast_in_dim3A_3389 = vector.broadcast %broadcast_in_dim3A_3388 : f32 to vector<16xf32>
    %swap3A_3390 = arith.constant 112 : index
    %swap3A_3391 = tpu.vector_load %arg9[%swap3A_3390] {strides = array<i32>} : memref<128xf32, #tpu.memory_space<vmem>>, vector<16xf32>,
    %swap3A_3392 = vector.shape_cast %swap3A_3391 : vector<16xf32> to vector<16xf32>
    %swap3A_3393 = vector.shape_cast %broadcast_in_dim3A_3389 : vector<16xf32> to vector<16xf32>
    tpu.vector_store %arg9[%swap3A_3390], %swap3A_3393 {strides = array<i32>} : memref<128xf32, #tpu.memory_space<vmem>>, vector<16xf32>,
    %broadcast_in_dim3A_3394 = arith.constant 0.000000e+00 : f32
    %broadcast_in_dim3A_3395 = vector.broadcast %broadcast_in_dim3A_3394 : f32 to vector<16xf32>
    %broadcast_in_dim3A_3396 = arith.constant 1.000000e+00 : f32
    %broadcast_in_dim3A_3397 = vector.broadcast %broadcast_in_dim3A_3396 : f32 to vector<16xf32>
    %ge3A = arith.constant 2.000000e+00 : f32
    %ge3A_3398 = vector.broadcast %ge3A : f32 to vector<16xf32>
    %ge3A_3399 = arith.cmpf oge, %select_n3A_3351, %ge3A_3398 : vector<16xf32>
    %jit3A_3400 = arith.constant 1.000000e+00 : f32
    %jit3A_3401 = arith.constant 0.000000e+00 : f32
    %broadcast_in_dim3A_3402 = vector.broadcast %jit3A_3400 : f32 to vector<16xf32>
    %broadcast_in_dim3A_3403 = vector.broadcast %jit3A_3401 : f32 to vector<16xf32>
    %select_n3A_3404 = arith.select %ge3A_3399, %broadcast_in_dim3A_3402, %broadcast_in_dim3A_3403 : vector<16xi1>, vector<16xf32>
    %add3A_3405 = arith.addf %broadcast_in_dim3A_3395, %select_n3A_3404 : vector<16xf32>
    %jit3A_3406 = arith.constant 5.000000e-01 : f32
    %jit3A_3407 = arith.constant 1.000000e+00 : f32
    %broadcast_in_dim3A_3408 = vector.broadcast %jit3A_3406 : f32 to vector<16xf32>
    %broadcast_in_dim3A_3409 = vector.broadcast %jit3A_3407 : f32 to vector<16xf32>
    %select_n3A_3410 = arith.select %ge3A_3399, %broadcast_in_dim3A_3408, %broadcast_in_dim3A_3409 : vector<16xi1>, vector<16xf32>
    %mul3A_3411 = arith.mulf %broadcast_in_dim3A_3397, %select_n3A_3410 : vector<16xf32>
    %ge3A_3412 = arith.constant 4.000000e+00 : f32
    %ge3A_3413 = vector.broadcast %ge3A_3412 : f32 to vector<16xf32>
    %ge3A_3414 = arith.cmpf oge, %select_n3A_3351, %ge3A_3413 : vector<16xf32>
    %jit3A_3415 = arith.constant 1.000000e+00 : f32
    %jit3A_3416 = arith.constant 0.000000e+00 : f32
    %broadcast_in_dim3A_3417 = vector.broadcast %jit3A_3415 : f32 to vector<16xf32>
    %broadcast_in_dim3A_3418 = vector.broadcast %jit3A_3416 : f32 to vector<16xf32>
    %select_n3A_3419 = arith.select %ge3A_3414, %broadcast_in_dim3A_3417, %broadcast_in_dim3A_3418 : vector<16xi1>, vector<16xf32>
    %add3A_3420 = arith.addf %add3A_3405, %select_n3A_3419 : vector<16xf32>
    %jit3A_3421 = arith.constant 5.000000e-01 : f32
    %jit3A_3422 = arith.constant 1.000000e+00 : f32
    %broadcast_in_dim3A_3423 = vector.broadcast %jit3A_3421 : f32 to vector<16xf32>
    %broadcast_in_dim3A_3424 = vector.broadcast %jit3A_3422 : f32 to vector<16xf32>
    %select_n3A_3425 = arith.select %ge3A_3414, %broadcast_in_dim3A_3423, %broadcast_in_dim3A_3424 : vector<16xi1>, vector<16xf32>
    %mul3A_3426 = arith.mulf %mul3A_3411, %select_n3A_3425 : vector<16xf32>
    %ge3A_3427 = arith.constant 8.000000e+00 : f32
    %ge3A_3428 = vector.broadcast %ge3A_3427 : f32 to vector<16xf32>
    %ge3A_3429 = arith.cmpf oge, %select_n3A_3351, %ge3A_3428 : vector<16xf32>
    %jit3A_3430 = arith.constant 1.000000e+00 : f32
    %jit3A_3431 = arith.constant 0.000000e+00 : f32
    %broadcast_in_dim3A_3432 = vector.broadcast %jit3A_3430 : f32 to vector<16xf32>
    %broadcast_in_dim3A_3433 = vector.broadcast %jit3A_3431 : f32 to vector<16xf32>
    %select_n3A_3434 = arith.select %ge3A_3429, %broadcast_in_dim3A_3432, %broadcast_in_dim3A_3433 : vector<16xi1>, vector<16xf32>
    %add3A_3435 = arith.addf %add3A_3420, %select_n3A_3434 : vector<16xf32>
    %jit3A_3436 = arith.constant 5.000000e-01 : f32
    %jit3A_3437 = arith.constant 1.000000e+00 : f32
    %broadcast_in_dim3A_3438 = vector.broadcast %jit3A_3436 : f32 to vector<16xf32>
    %broadcast_in_dim3A_3439 = vector.broadcast %jit3A_3437 : f32 to vector<16xf32>
    %select_n3A_3440 = arith.select %ge3A_3429, %broadcast_in_dim3A_3438, %broadcast_in_dim3A_3439 : vector<16xi1>, vector<16xf32>
    %mul3A_3441 = arith.mulf %mul3A_3426, %select_n3A_3440 : vector<16xf32>
    %ge3A_3442 = arith.constant 1.600000e+01 : f32
    %ge3A_3443 = vector.broadcast %ge3A_3442 : f32 to vector<16xf32>
    %ge3A_3444 = arith.cmpf oge, %select_n3A_3351, %ge3A_3443 : vector<16xf32>
    %jit3A_3445 = arith.constant 1.000000e+00 : f32
    %jit3A_3446 = arith.constant 0.000000e+00 : f32
    %broadcast_in_dim3A_3447 = vector.broadcast %jit3A_3445 : f32 to vector<16xf32>
    %broadcast_in_dim3A_3448 = vector.broadcast %jit3A_3446 : f32 to vector<16xf32>
    %select_n3A_3449 = arith.select %ge3A_3444, %broadcast_in_dim3A_3447, %broadcast_in_dim3A_3448 : vector<16xi1>, vector<16xf32>
    %add3A_3450 = arith.addf %add3A_3435, %select_n3A_3449 : vector<16xf32>
    %jit3A_3451 = arith.constant 5.000000e-01 : f32
    %jit3A_3452 = arith.constant 1.000000e+00 : f32
    %broadcast_in_dim3A_3453 = vector.broadcast %jit3A_3451 : f32 to vector<16xf32>
    %broadcast_in_dim3A_3454 = vector.broadcast %jit3A_3452 : f32 to vector<16xf32>
    %select_n3A_3455 = arith.select %ge3A_3444, %broadcast_in_dim3A_3453, %broadcast_in_dim3A_3454 : vector<16xi1>, vector<16xf32>
    %mul3A_3456 = arith.mulf %mul3A_3441, %select_n3A_3455 : vector<16xf32>
    %ge3A_3457 = arith.constant 3.200000e+01 : f32
    %ge3A_3458 = vector.broadcast %ge3A_3457 : f32 to vector<16xf32>
    %ge3A_3459 = arith.cmpf oge, %select_n3A_3351, %ge3A_3458 : vector<16xf32>
    %jit3A_3460 = arith.constant 1.000000e+00 : f32
    %jit3A_3461 = arith.constant 0.000000e+00 : f32
    %broadcast_in_dim3A_3462 = vector.broadcast %jit3A_3460 : f32 to vector<16xf32>
    %broadcast_in_dim3A_3463 = vector.broadcast %jit3A_3461 : f32 to vector<16xf32>
    %select_n3A_3464 = arith.select %ge3A_3459, %broadcast_in_dim3A_3462, %broadcast_in_dim3A_3463 : vector<16xi1>, vector<16xf32>
    %add3A_3465 = arith.addf %add3A_3450, %select_n3A_3464 : vector<16xf32>
    %jit3A_3466 = arith.constant 5.000000e-01 : f32
    %jit3A_3467 = arith.constant 1.000000e+00 : f32
    %broadcast_in_dim3A_3468 = vector.broadcast %jit3A_3466 : f32 to vector<16xf32>
    %broadcast_in_dim3A_3469 = vector.broadcast %jit3A_3467 : f32 to vector<16xf32>
    %select_n3A_3470 = arith.select %ge3A_3459, %broadcast_in_dim3A_3468, %broadcast_in_dim3A_3469 : vector<16xi1>, vector<16xf32>
    %mul3A_3471 = arith.mulf %mul3A_3456, %select_n3A_3470 : vector<16xf32>
    %ge3A_3472 = arith.constant 6.400000e+01 : f32
    %ge3A_3473 = vector.broadcast %ge3A_3472 : f32 to vector<16xf32>
    %ge3A_3474 = arith.cmpf oge, %select_n3A_3351, %ge3A_3473 : vector<16xf32>
    %jit3A_3475 = arith.constant 1.000000e+00 : f32
    %jit3A_3476 = arith.constant 0.000000e+00 : f32
    %broadcast_in_dim3A_3477 = vector.broadcast %jit3A_3475 : f32 to vector<16xf32>
    %broadcast_in_dim3A_3478 = vector.broadcast %jit3A_3476 : f32 to vector<16xf32>
    %select_n3A_3479 = arith.select %ge3A_3474, %broadcast_in_dim3A_3477, %broadcast_in_dim3A_3478 : vector<16xi1>, vector<16xf32>
    %add3A_3480 = arith.addf %add3A_3465, %select_n3A_3479 : vector<16xf32>
    %jit3A_3481 = arith.constant 5.000000e-01 : f32
    %jit3A_3482 = arith.constant 1.000000e+00 : f32
    %broadcast_in_dim3A_3483 = vector.broadcast %jit3A_3481 : f32 to vector<16xf32>
    %broadcast_in_dim3A_3484 = vector.broadcast %jit3A_3482 : f32 to vector<16xf32>
    %select_n3A_3485 = arith.select %ge3A_3474, %broadcast_in_dim3A_3483, %broadcast_in_dim3A_3484 : vector<16xi1>, vector<16xf32>
    %mul3A_3486 = arith.mulf %mul3A_3471, %select_n3A_3485 : vector<16xf32>
    %ge3A_3487 = arith.constant 1.280000e+02 : f32
    %ge3A_3488 = vector.broadcast %ge3A_3487 : f32 to vector<16xf32>
    %ge3A_3489 = arith.cmpf oge, %select_n3A_3351, %ge3A_3488 : vector<16xf32>
    %jit3A_3490 = arith.constant 1.000000e+00 : f32
    %jit3A_3491 = arith.constant 0.000000e+00 : f32
    %broadcast_in_dim3A_3492 = vector.broadcast %jit3A_3490 : f32 to vector<16xf32>
    %broadcast_in_dim3A_3493 = vector.broadcast %jit3A_3491 : f32 to vector<16xf32>
    %select_n3A_3494 = arith.select %ge3A_3489, %broadcast_in_dim3A_3492, %broadcast_in_dim3A_3493 : vector<16xi1>, vector<16xf32>
    %add3A_3495 = arith.addf %add3A_3480, %select_n3A_3494 : vector<16xf32>
    %jit3A_3496 = arith.constant 5.000000e-01 : f32
    %jit3A_3497 = arith.constant 1.000000e+00 : f32
    %broadcast_in_dim3A_3498 = vector.broadcast %jit3A_3496 : f32 to vector<16xf32>
    %broadcast_in_dim3A_3499 = vector.broadcast %jit3A_3497 : f32 to vector<16xf32>
    %select_n3A_3500 = arith.select %ge3A_3489, %broadcast_in_dim3A_3498, %broadcast_in_dim3A_3499 : vector<16xi1>, vector<16xf32>
    %mul3A_3501 = arith.mulf %mul3A_3486, %select_n3A_3500 : vector<16xf32>
    %ge3A_3502 = arith.constant 2.560000e+02 : f32
    %ge3A_3503 = vector.broadcast %ge3A_3502 : f32 to vector<16xf32>
    %ge3A_3504 = arith.cmpf oge, %select_n3A_3351, %ge3A_3503 : vector<16xf32>
    %jit3A_3505 = arith.constant 1.000000e+00 : f32
    %jit3A_3506 = arith.constant 0.000000e+00 : f32
    %broadcast_in_dim3A_3507 = vector.broadcast %jit3A_3505 : f32 to vector<16xf32>
    %broadcast_in_dim3A_3508 = vector.broadcast %jit3A_3506 : f32 to vector<16xf32>
    %select_n3A_3509 = arith.select %ge3A_3504, %broadcast_in_dim3A_3507, %broadcast_in_dim3A_3508 : vector<16xi1>, vector<16xf32>
    %add3A_3510 = arith.addf %add3A_3495, %select_n3A_3509 : vector<16xf32>
    %jit3A_3511 = arith.constant 5.000000e-01 : f32
    %jit3A_3512 = arith.constant 1.000000e+00 : f32
    %broadcast_in_dim3A_3513 = vector.broadcast %jit3A_3511 : f32 to vector<16xf32>
    %broadcast_in_dim3A_3514 = vector.broadcast %jit3A_3512 : f32 to vector<16xf32>
    %select_n3A_3515 = arith.select %ge3A_3504, %broadcast_in_dim3A_3513, %broadcast_in_dim3A_3514 : vector<16xi1>, vector<16xf32>
    %mul3A_3516 = arith.mulf %mul3A_3501, %select_n3A_3515 : vector<16xf32>
    %ge3A_3517 = arith.constant 5.120000e+02 : f32
    %ge3A_3518 = vector.broadcast %ge3A_3517 : f32 to vector<16xf32>
    %ge3A_3519 = arith.cmpf oge, %select_n3A_3351, %ge3A_3518 : vector<16xf32>
    %jit3A_3520 = arith.constant 1.000000e+00 : f32
    %jit3A_3521 = arith.constant 0.000000e+00 : f32
    %broadcast_in_dim3A_3522 = vector.broadcast %jit3A_3520 : f32 to vector<16xf32>
    %broadcast_in_dim3A_3523 = vector.broadcast %jit3A_3521 : f32 to vector<16xf32>
    %select_n3A_3524 = arith.select %ge3A_3519, %broadcast_in_dim3A_3522, %broadcast_in_dim3A_3523 : vector<16xi1>, vector<16xf32>
    %add3A_3525 = arith.addf %add3A_3510, %select_n3A_3524 : vector<16xf32>
    %jit3A_3526 = arith.constant 5.000000e-01 : f32
    %jit3A_3527 = arith.constant 1.000000e+00 : f32
    %broadcast_in_dim3A_3528 = vector.broadcast %jit3A_3526 : f32 to vector<16xf32>
    %broadcast_in_dim3A_3529 = vector.broadcast %jit3A_3527 : f32 to vector<16xf32>
    %select_n3A_3530 = arith.select %ge3A_3519, %broadcast_in_dim3A_3528, %broadcast_in_dim3A_3529 : vector<16xi1>, vector<16xf32>
    %mul3A_3531 = arith.mulf %mul3A_3516, %select_n3A_3530 : vector<16xf32>
    %ge3A_3532 = arith.constant 1.024000e+03 : f32
    %ge3A_3533 = vector.broadcast %ge3A_3532 : f32 to vector<16xf32>
    %ge3A_3534 = arith.cmpf oge, %select_n3A_3351, %ge3A_3533 : vector<16xf32>
    %jit3A_3535 = arith.constant 1.000000e+00 : f32
    %jit3A_3536 = arith.constant 0.000000e+00 : f32
    %broadcast_in_dim3A_3537 = vector.broadcast %jit3A_3535 : f32 to vector<16xf32>
    %broadcast_in_dim3A_3538 = vector.broadcast %jit3A_3536 : f32 to vector<16xf32>
    %select_n3A_3539 = arith.select %ge3A_3534, %broadcast_in_dim3A_3537, %broadcast_in_dim3A_3538 : vector<16xi1>, vector<16xf32>
    %add3A_3540 = arith.addf %add3A_3525, %select_n3A_3539 : vector<16xf32>
    %jit3A_3541 = arith.constant 5.000000e-01 : f32
    %jit3A_3542 = arith.constant 1.000000e+00 : f32
    %broadcast_in_dim3A_3543 = vector.broadcast %jit3A_3541 : f32 to vector<16xf32>
    %broadcast_in_dim3A_3544 = vector.broadcast %jit3A_3542 : f32 to vector<16xf32>
    %select_n3A_3545 = arith.select %ge3A_3534, %broadcast_in_dim3A_3543, %broadcast_in_dim3A_3544 : vector<16xi1>, vector<16xf32>
    %mul3A_3546 = arith.mulf %mul3A_3531, %select_n3A_3545 : vector<16xf32>
    %ge3A_3547 = arith.constant 2.048000e+03 : f32
    %ge3A_3548 = vector.broadcast %ge3A_3547 : f32 to vector<16xf32>
    %ge3A_3549 = arith.cmpf oge, %select_n3A_3351, %ge3A_3548 : vector<16xf32>
    %jit3A_3550 = arith.constant 1.000000e+00 : f32
    %jit3A_3551 = arith.constant 0.000000e+00 : f32
    %broadcast_in_dim3A_3552 = vector.broadcast %jit3A_3550 : f32 to vector<16xf32>
    %broadcast_in_dim3A_3553 = vector.broadcast %jit3A_3551 : f32 to vector<16xf32>
    %select_n3A_3554 = arith.select %ge3A_3549, %broadcast_in_dim3A_3552, %broadcast_in_dim3A_3553 : vector<16xi1>, vector<16xf32>
    %add3A_3555 = arith.addf %add3A_3540, %select_n3A_3554 : vector<16xf32>
    %jit3A_3556 = arith.constant 5.000000e-01 : f32
    %jit3A_3557 = arith.constant 1.000000e+00 : f32
    %broadcast_in_dim3A_3558 = vector.broadcast %jit3A_3556 : f32 to vector<16xf32>
    %broadcast_in_dim3A_3559 = vector.broadcast %jit3A_3557 : f32 to vector<16xf32>
    %select_n3A_3560 = arith.select %ge3A_3549, %broadcast_in_dim3A_3558, %broadcast_in_dim3A_3559 : vector<16xi1>, vector<16xf32>
    %mul3A_3561 = arith.mulf %mul3A_3546, %select_n3A_3560 : vector<16xf32>
    %ge3A_3562 = arith.constant 4.096000e+03 : f32
    %ge3A_3563 = vector.broadcast %ge3A_3562 : f32 to vector<16xf32>
    %ge3A_3564 = arith.cmpf oge, %select_n3A_3351, %ge3A_3563 : vector<16xf32>
    %jit3A_3565 = arith.constant 1.000000e+00 : f32
    %jit3A_3566 = arith.constant 0.000000e+00 : f32
    %broadcast_in_dim3A_3567 = vector.broadcast %jit3A_3565 : f32 to vector<16xf32>
    %broadcast_in_dim3A_3568 = vector.broadcast %jit3A_3566 : f32 to vector<16xf32>
    %select_n3A_3569 = arith.select %ge3A_3564, %broadcast_in_dim3A_3567, %broadcast_in_dim3A_3568 : vector<16xi1>, vector<16xf32>
    %add3A_3570 = arith.addf %add3A_3555, %select_n3A_3569 : vector<16xf32>
    %jit3A_3571 = arith.constant 5.000000e-01 : f32
    %jit3A_3572 = arith.constant 1.000000e+00 : f32
    %broadcast_in_dim3A_3573 = vector.broadcast %jit3A_3571 : f32 to vector<16xf32>
    %broadcast_in_dim3A_3574 = vector.broadcast %jit3A_3572 : f32 to vector<16xf32>
    %select_n3A_3575 = arith.select %ge3A_3564, %broadcast_in_dim3A_3573, %broadcast_in_dim3A_3574 : vector<16xi1>, vector<16xf32>
    %mul3A_3576 = arith.mulf %mul3A_3561, %select_n3A_3575 : vector<16xf32>
    %ge3A_3577 = arith.constant 8.192000e+03 : f32
    %ge3A_3578 = vector.broadcast %ge3A_3577 : f32 to vector<16xf32>
    %ge3A_3579 = arith.cmpf oge, %select_n3A_3351, %ge3A_3578 : vector<16xf32>
    %jit3A_3580 = arith.constant 1.000000e+00 : f32
    %jit3A_3581 = arith.constant 0.000000e+00 : f32
    %broadcast_in_dim3A_3582 = vector.broadcast %jit3A_3580 : f32 to vector<16xf32>
    %broadcast_in_dim3A_3583 = vector.broadcast %jit3A_3581 : f32 to vector<16xf32>
    %select_n3A_3584 = arith.select %ge3A_3579, %broadcast_in_dim3A_3582, %broadcast_in_dim3A_3583 : vector<16xi1>, vector<16xf32>
    %add3A_3585 = arith.addf %add3A_3570, %select_n3A_3584 : vector<16xf32>
    %jit3A_3586 = arith.constant 5.000000e-01 : f32
    %jit3A_3587 = arith.constant 1.000000e+00 : f32
    %broadcast_in_dim3A_3588 = vector.broadcast %jit3A_3586 : f32 to vector<16xf32>
    %broadcast_in_dim3A_3589 = vector.broadcast %jit3A_3587 : f32 to vector<16xf32>
    %select_n3A_3590 = arith.select %ge3A_3579, %broadcast_in_dim3A_3588, %broadcast_in_dim3A_3589 : vector<16xi1>, vector<16xf32>
    %mul3A_3591 = arith.mulf %mul3A_3576, %select_n3A_3590 : vector<16xf32>
    %mul3A_3592 = arith.mulf %select_n3A_3351, %mul3A_3591 : vector<16xf32>
    %sub3A_3593 = arith.constant 1.000000e+00 : f32
    %sub3A_3594 = vector.broadcast %sub3A_3593 : f32 to vector<16xf32>
    %sub3A_3595 = arith.subf %mul3A_3592, %sub3A_3594 : vector<16xf32>
    %add3A_3596 = arith.constant 1.000000e+00 : f32
    %add3A_3597 = vector.broadcast %add3A_3596 : f32 to vector<16xf32>
    %add3A_3598 = arith.addf %mul3A_3592, %add3A_3597 : vector<16xf32>
    %div3A_3599 = arith.divf %sub3A_3595, %add3A_3598 : vector<16xf32>
    %mul3A_3600 = arith.mulf %div3A_3599, %div3A_3599 : vector<16xf32>
    %mul3A_3601 = arith.constant 2.000000e+00 : f32
    %mul3A_3602 = vector.broadcast %mul3A_3601 : f32 to vector<16xf32>
    %mul3A_3603 = arith.mulf %mul3A_3602, %div3A_3599 : vector<16xf32>
    %mul3A_3604 = arith.constant 0.142857149 : f32
    %mul3A_3605 = vector.broadcast %mul3A_3604 : f32 to vector<16xf32>
    %mul3A_3606 = arith.mulf %mul3A_3600, %mul3A_3605 : vector<16xf32>
    %add3A_3607 = arith.constant 2.000000e-01 : f32
    %add3A_3608 = vector.broadcast %add3A_3607 : f32 to vector<16xf32>
    %add3A_3609 = arith.addf %add3A_3608, %mul3A_3606 : vector<16xf32>
    %mul3A_3610 = arith.mulf %mul3A_3600, %add3A_3609 : vector<16xf32>
    %add3A_3611 = arith.constant 0.333333343 : f32
    %add3A_3612 = vector.broadcast %add3A_3611 : f32 to vector<16xf32>
    %add3A_3613 = arith.addf %add3A_3612, %mul3A_3610 : vector<16xf32>
    %mul3A_3614 = arith.mulf %mul3A_3600, %add3A_3613 : vector<16xf32>
    %add3A_3615 = arith.constant 1.000000e+00 : f32
    %add3A_3616 = vector.broadcast %add3A_3615 : f32 to vector<16xf32>
    %add3A_3617 = arith.addf %add3A_3616, %mul3A_3614 : vector<16xf32>
    %mul3A_3618 = arith.mulf %mul3A_3603, %add3A_3617 : vector<16xf32>
    %mul3A_3619 = arith.constant 0.693147182 : f32
    %mul3A_3620 = vector.broadcast %mul3A_3619 : f32 to vector<16xf32>
    %mul3A_3621 = arith.mulf %add3A_3585, %mul3A_3620 : vector<16xf32>
    %add3A_3622 = arith.addf %mul3A_3621, %mul3A_3618 : vector<16xf32>
    %add3A_3623 = arith.addf %select_n3A_3350, %add3A_3622 : vector<16xf32>
    %mul3A_3624 = arith.mulf %select_n3A_3352, %add3A_3623 : vector<16xf32>
    %mul3A_3625 = arith.constant 1.562500e-02 : f32
    %mul3A_3626 = vector.broadcast %mul3A_3625 : f32 to vector<16xf32>
    %mul3A_3627 = arith.mulf %mul3A_3624, %mul3A_3626 : vector<16xf32>
    %swap3A_3628 = arith.constant 0 : index
    %swap3A_3629 = tpu.vector_load %arg9[%swap3A_3628] {strides = array<i32>} : memref<128xf32, #tpu.memory_space<vmem>>, vector<16xf32>,
    %swap3A_3630 = vector.shape_cast %swap3A_3629 : vector<16xf32> to vector<16xf32>
    %swap3A_3631 = vector.shape_cast %mul3A_3627 : vector<16xf32> to vector<16xf32>
    tpu.vector_store %arg9[%swap3A_3628], %swap3A_3631 {strides = array<i32>} : memref<128xf32, #tpu.memory_space<vmem>>, vector<16xf32>,
    "tpu.region"() ({
      %run_scoped3A = tpu.sem_alloc : memref<!tpu.dma_semaphore, #tpu.memory_space<semaphore_mem>>
      %dma_start3A_3636 = arith.constant 0 : i32
      %dma_start3A_3637 = tpu.memref_slice %arg10[%arg1, %dma_start3A_3636] : memref<16x128xf32, #tpu.memory_space<vmem_shared>> -> memref<1x128xf32, #tpu.memory_space<vmem_shared>>
      %dma_start3A_3638 = tpu.memref_squeeze %dma_start3A_3637 : memref<1x128xf32, #tpu.memory_space<vmem_shared>> -> memref<128xf32, #tpu.memory_space<vmem_shared>>
      %dma_start3A_3639 = arith.constant 0 : i32
      %dma_start3A_3640 = tpu.memref_slice %arg10[%arg1, %dma_start3A_3639] : memref<16x128xf32, #tpu.memory_space<vmem_shared>> -> memref<1x128xf32, #tpu.memory_space<vmem_shared>>
      %dma_start3A_3641 = tpu.memref_squeeze %dma_start3A_3640 : memref<1x128xf32, #tpu.memory_space<vmem_shared>> -> memref<128xf32, #tpu.memory_space<vmem_shared>>
      tpu.enqueue_dma source(%arg9 : memref<128xf32, #tpu.memory_space<vmem>>) target(%dma_start3A_3641 : memref<128xf32, #tpu.memory_space<vmem_shared>>) target_semaphore(%run_scoped3A : memref<!tpu.dma_semaphore, #tpu.memory_space<semaphore_mem>>)
      %dma_wait3A_3642 = arith.constant 0 : i32
      %dma_wait3A_3643 = tpu.memref_slice %arg10[%arg1, %dma_wait3A_3642] : memref<16x128xf32, #tpu.memory_space<vmem_shared>> -> memref<1x128xf32, #tpu.memory_space<vmem_shared>>
      %dma_wait3A_3644 = tpu.memref_squeeze %dma_wait3A_3643 : memref<1x128xf32, #tpu.memory_space<vmem_shared>> -> memref<128xf32, #tpu.memory_space<vmem_shared>>
      %dma_wait3A_3645 = arith.constant 0 : i32
      %dma_wait3A_3646 = tpu.memref_slice %arg10[%arg1, %dma_wait3A_3645] : memref<16x128xf32, #tpu.memory_space<vmem_shared>> -> memref<1x128xf32, #tpu.memory_space<vmem_shared>>
      %dma_wait3A_3647 = tpu.memref_squeeze %dma_wait3A_3646 : memref<1x128xf32, #tpu.memory_space<vmem_shared>> -> memref<128xf32, #tpu.memory_space<vmem_shared>>
      tpu.wait_dma2 semaphore(%run_scoped3A : memref<!tpu.dma_semaphore, #tpu.memory_space<semaphore_mem>>) src(%arg9 : memref<128xf32, #tpu.memory_space<vmem>>) dst(%dma_wait3A_3647 : memref<128xf32, #tpu.memory_space<vmem_shared>>)
      tpu.yield
    }) : () -> ()
    %barrier3A = arith.constant 0 : index
    tpu.barrier barrier_id(%barrier3A)
    %eq3A_3632 = arith.constant 0 : i32
    %eq3A_3633 = arith.cmpi eq, %arg1, %eq3A_3632 : i32
    %convert_element_type3A_3634 = arith.extui %eq3A_3633 : i1 to i32
    %cond3A = arith.constant 0 : i32
    %cond3A_3635 = arith.cmpi ne, %convert_element_type3A_3634, %cond3A : i32
    scf.if %cond3A_3635 {
      "tpu.region"() ({
        %run_scoped3A = tpu.sem_alloc : memref<!tpu.dma_semaphore, #tpu.memory_space<semaphore_mem>>
        tpu.enqueue_dma source(%arg10 : memref<16x128xf32, #tpu.memory_space<vmem_shared>>) target(%arg11 : memref<16x128xf32, #tpu.memory_space<vmem>>) target_semaphore(%run_scoped3A : memref<!tpu.dma_semaphore, #tpu.memory_space<semaphore_mem>>)
        tpu.wait_dma2 semaphore(%run_scoped3A : memref<!tpu.dma_semaphore, #tpu.memory_space<semaphore_mem>>) src(%arg10 : memref<16x128xf32, #tpu.memory_space<vmem_shared>>) dst(%arg11 : memref<16x128xf32, #tpu.memory_space<vmem>>)
        tpu.yield
      }) : () -> ()
      %broadcast_in_dim3A_3636 = arith.constant 0.000000e+00 : f32
      %broadcast_in_dim3A_3637 = vector.broadcast %broadcast_in_dim3A_3636 : f32 to vector<16xf32>
      %get3A_3638 = arith.constant 0 : i32
      %get3A_3639 = arith.index_cast %get3A_3638 : i32 to index
      %get3A_3640 = arith.constant 0 : index
      %get3A_3641 = tpu.vector_load %arg11[%get3A_3639, %get3A_3640] {strides = array<i32>} : memref<16x128xf32, #tpu.memory_space<vmem>>, vector<1x16xf32>,
      %get3A_3642 = vector.shape_cast %get3A_3641 : vector<1x16xf32> to vector<16xf32>
      %add3A_3643 = arith.addf %broadcast_in_dim3A_3637, %get3A_3642 : vector<16xf32>
      %get3A_3644 = arith.constant 1 : i32
      %get3A_3645 = arith.index_cast %get3A_3644 : i32 to index
      %get3A_3646 = arith.constant 0 : index
      %get3A_3647 = tpu.vector_load %arg11[%get3A_3645, %get3A_3646] {strides = array<i32>} : memref<16x128xf32, #tpu.memory_space<vmem>>, vector<1x16xf32>,
      %get3A_3648 = vector.shape_cast %get3A_3647 : vector<1x16xf32> to vector<16xf32>
      %add3A_3649 = arith.addf %add3A_3643, %get3A_3648 : vector<16xf32>
      %get3A_3650 = arith.constant 2 : i32
      %get3A_3651 = arith.index_cast %get3A_3650 : i32 to index
      %get3A_3652 = arith.constant 0 : index
      %get3A_3653 = tpu.vector_load %arg11[%get3A_3651, %get3A_3652] {strides = array<i32>} : memref<16x128xf32, #tpu.memory_space<vmem>>, vector<1x16xf32>,
      %get3A_3654 = vector.shape_cast %get3A_3653 : vector<1x16xf32> to vector<16xf32>
      %add3A_3655 = arith.addf %add3A_3649, %get3A_3654 : vector<16xf32>
      %get3A_3656 = arith.constant 3 : i32
      %get3A_3657 = arith.index_cast %get3A_3656 : i32 to index
      %get3A_3658 = arith.constant 0 : index
      %get3A_3659 = tpu.vector_load %arg11[%get3A_3657, %get3A_3658] {strides = array<i32>} : memref<16x128xf32, #tpu.memory_space<vmem>>, vector<1x16xf32>,
      %get3A_3660 = vector.shape_cast %get3A_3659 : vector<1x16xf32> to vector<16xf32>
      %add3A_3661 = arith.addf %add3A_3655, %get3A_3660 : vector<16xf32>
      %get3A_3662 = arith.constant 4 : i32
      %get3A_3663 = arith.index_cast %get3A_3662 : i32 to index
      %get3A_3664 = arith.constant 0 : index
      %get3A_3665 = tpu.vector_load %arg11[%get3A_3663, %get3A_3664] {strides = array<i32>} : memref<16x128xf32, #tpu.memory_space<vmem>>, vector<1x16xf32>,
      %get3A_3666 = vector.shape_cast %get3A_3665 : vector<1x16xf32> to vector<16xf32>
      %add3A_3667 = arith.addf %add3A_3661, %get3A_3666 : vector<16xf32>
      %get3A_3668 = arith.constant 5 : i32
      %get3A_3669 = arith.index_cast %get3A_3668 : i32 to index
      %get3A_3670 = arith.constant 0 : index
      %get3A_3671 = tpu.vector_load %arg11[%get3A_3669, %get3A_3670] {strides = array<i32>} : memref<16x128xf32, #tpu.memory_space<vmem>>, vector<1x16xf32>,
      %get3A_3672 = vector.shape_cast %get3A_3671 : vector<1x16xf32> to vector<16xf32>
      %add3A_3673 = arith.addf %add3A_3667, %get3A_3672 : vector<16xf32>
      %get3A_3674 = arith.constant 6 : i32
      %get3A_3675 = arith.index_cast %get3A_3674 : i32 to index
      %get3A_3676 = arith.constant 0 : index
      %get3A_3677 = tpu.vector_load %arg11[%get3A_3675, %get3A_3676] {strides = array<i32>} : memref<16x128xf32, #tpu.memory_space<vmem>>, vector<1x16xf32>,
      %get3A_3678 = vector.shape_cast %get3A_3677 : vector<1x16xf32> to vector<16xf32>
      %add3A_3679 = arith.addf %add3A_3673, %get3A_3678 : vector<16xf32>
      %get3A_3680 = arith.constant 7 : i32
      %get3A_3681 = arith.index_cast %get3A_3680 : i32 to index
      %get3A_3682 = arith.constant 0 : index
      %get3A_3683 = tpu.vector_load %arg11[%get3A_3681, %get3A_3682] {strides = array<i32>} : memref<16x128xf32, #tpu.memory_space<vmem>>, vector<1x16xf32>,
      %get3A_3684 = vector.shape_cast %get3A_3683 : vector<1x16xf32> to vector<16xf32>
      %add3A_3685 = arith.addf %add3A_3679, %get3A_3684 : vector<16xf32>
      %get3A_3686 = arith.constant 8 : i32
      %get3A_3687 = arith.index_cast %get3A_3686 : i32 to index
      %get3A_3688 = arith.constant 0 : index
      %get3A_3689 = tpu.vector_load %arg11[%get3A_3687, %get3A_3688] {strides = array<i32>} : memref<16x128xf32, #tpu.memory_space<vmem>>, vector<1x16xf32>,
      %get3A_3690 = vector.shape_cast %get3A_3689 : vector<1x16xf32> to vector<16xf32>
      %add3A_3691 = arith.addf %add3A_3685, %get3A_3690 : vector<16xf32>
      %get3A_3692 = arith.constant 9 : i32
      %get3A_3693 = arith.index_cast %get3A_3692 : i32 to index
      %get3A_3694 = arith.constant 0 : index
      %get3A_3695 = tpu.vector_load %arg11[%get3A_3693, %get3A_3694] {strides = array<i32>} : memref<16x128xf32, #tpu.memory_space<vmem>>, vector<1x16xf32>,
      %get3A_3696 = vector.shape_cast %get3A_3695 : vector<1x16xf32> to vector<16xf32>
      %add3A_3697 = arith.addf %add3A_3691, %get3A_3696 : vector<16xf32>
      %get3A_3698 = arith.constant 10 : i32
      %get3A_3699 = arith.index_cast %get3A_3698 : i32 to index
      %get3A_3700 = arith.constant 0 : index
      %get3A_3701 = tpu.vector_load %arg11[%get3A_3699, %get3A_3700] {strides = array<i32>} : memref<16x128xf32, #tpu.memory_space<vmem>>, vector<1x16xf32>,
      %get3A_3702 = vector.shape_cast %get3A_3701 : vector<1x16xf32> to vector<16xf32>
      %add3A_3703 = arith.addf %add3A_3697, %get3A_3702 : vector<16xf32>
      %get3A_3704 = arith.constant 11 : i32
      %get3A_3705 = arith.index_cast %get3A_3704 : i32 to index
      %get3A_3706 = arith.constant 0 : index
      %get3A_3707 = tpu.vector_load %arg11[%get3A_3705, %get3A_3706] {strides = array<i32>} : memref<16x128xf32, #tpu.memory_space<vmem>>, vector<1x16xf32>,
      %get3A_3708 = vector.shape_cast %get3A_3707 : vector<1x16xf32> to vector<16xf32>
      %add3A_3709 = arith.addf %add3A_3703, %get3A_3708 : vector<16xf32>
      %get3A_3710 = arith.constant 12 : i32
      %get3A_3711 = arith.index_cast %get3A_3710 : i32 to index
      %get3A_3712 = arith.constant 0 : index
      %get3A_3713 = tpu.vector_load %arg11[%get3A_3711, %get3A_3712] {strides = array<i32>} : memref<16x128xf32, #tpu.memory_space<vmem>>, vector<1x16xf32>,
      %get3A_3714 = vector.shape_cast %get3A_3713 : vector<1x16xf32> to vector<16xf32>
      %add3A_3715 = arith.addf %add3A_3709, %get3A_3714 : vector<16xf32>
      %get3A_3716 = arith.constant 13 : i32
      %get3A_3717 = arith.index_cast %get3A_3716 : i32 to index
      %get3A_3718 = arith.constant 0 : index
      %get3A_3719 = tpu.vector_load %arg11[%get3A_3717, %get3A_3718] {strides = array<i32>} : memref<16x128xf32, #tpu.memory_space<vmem>>, vector<1x16xf32>,
      %get3A_3720 = vector.shape_cast %get3A_3719 : vector<1x16xf32> to vector<16xf32>
      %add3A_3721 = arith.addf %add3A_3715, %get3A_3720 : vector<16xf32>
      %get3A_3722 = arith.constant 14 : i32
      %get3A_3723 = arith.index_cast %get3A_3722 : i32 to index
      %get3A_3724 = arith.constant 0 : index
      %get3A_3725 = tpu.vector_load %arg11[%get3A_3723, %get3A_3724] {strides = array<i32>} : memref<16x128xf32, #tpu.memory_space<vmem>>, vector<1x16xf32>,
      %get3A_3726 = vector.shape_cast %get3A_3725 : vector<1x16xf32> to vector<16xf32>
      %add3A_3727 = arith.addf %add3A_3721, %get3A_3726 : vector<16xf32>
      %get3A_3728 = arith.constant 15 : i32
      %get3A_3729 = arith.index_cast %get3A_3728 : i32 to index
      %get3A_3730 = arith.constant 0 : index
      %get3A_3731 = tpu.vector_load %arg11[%get3A_3729, %get3A_3730] {strides = array<i32>} : memref<16x128xf32, #tpu.memory_space<vmem>>, vector<1x16xf32>,
      %get3A_3732 = vector.shape_cast %get3A_3731 : vector<1x16xf32> to vector<16xf32>
      %add3A_3733 = arith.addf %add3A_3727, %get3A_3732 : vector<16xf32>
      %xor3A_3734 = arith.constant 8 : i32
      %xor3A_3735 = vector.broadcast %xor3A_3734 : i32 to vector<16xi32>
      %xor3A_3736 = arith.xori %iota3A, %xor3A_3735 : vector<16xi32>
      %lt3A_3737 = arith.constant 0 : i32
      %lt3A_3738 = vector.broadcast %lt3A_3737 : i32 to vector<16xi32>
      %lt3A_3739 = arith.cmpi slt, %xor3A_3736, %lt3A_3738 : vector<16xi32>
      %add3A_3740 = arith.constant 16 : i32
      %add3A_3741 = vector.broadcast %add3A_3740 : i32 to vector<16xi32>
      %add3A_3742 = arith.addi %xor3A_3736, %add3A_3741 : vector<16xi32>
      %select_n3A_3743 = arith.select %lt3A_3739, %add3A_3742, %xor3A_3736 : vector<16xi1>, vector<16xi32>
      %broadcast_in_dim3A_3744 = vector.shape_cast %select_n3A_3743 : vector<16xi32> to vector<16x1xi32>
      %gather3A_3745 = vector.shape_cast %broadcast_in_dim3A_3744 : vector<16x1xi32> to vector<16xi32>
      %gather3A_3746 = tpu.dynamic_gather %add3A_3733[%gather3A_3745] in [0] : vector<16xf32>, vector<16xi32> -> vector<16xf32>
      %add3A_3747 = arith.addf %add3A_3733, %gather3A_3746 : vector<16xf32>
      %xor3A_3748 = arith.constant 4 : i32
      %xor3A_3749 = vector.broadcast %xor3A_3748 : i32 to vector<16xi32>
      %xor3A_3750 = arith.xori %iota3A, %xor3A_3749 : vector<16xi32>
      %lt3A_3751 = arith.constant 0 : i32
      %lt3A_3752 = vector.broadcast %lt3A_3751 : i32 to vector<16xi32>
      %lt3A_3753 = arith.cmpi slt, %xor3A_3750, %lt3A_3752 : vector<16xi32>
      %add3A_3754 = arith.constant 16 : i32
      %add3A_3755 = vector.broadcast %add3A_3754 : i32 to vector<16xi32>
      %add3A_3756 = arith.addi %xor3A_3750, %add3A_3755 : vector<16xi32>
      %select_n3A_3757 = arith.select %lt3A_3753, %add3A_3756, %xor3A_3750 : vector<16xi1>, vector<16xi32>
      %broadcast_in_dim3A_3758 = vector.shape_cast %select_n3A_3757 : vector<16xi32> to vector<16x1xi32>
      %gather3A_3759 = vector.shape_cast %broadcast_in_dim3A_3758 : vector<16x1xi32> to vector<16xi32>
      %gather3A_3760 = tpu.dynamic_gather %add3A_3747[%gather3A_3759] in [0] : vector<16xf32>, vector<16xi32> -> vector<16xf32>
      %add3A_3761 = arith.addf %add3A_3747, %gather3A_3760 : vector<16xf32>
      %xor3A_3762 = arith.constant 2 : i32
      %xor3A_3763 = vector.broadcast %xor3A_3762 : i32 to vector<16xi32>
      %xor3A_3764 = arith.xori %iota3A, %xor3A_3763 : vector<16xi32>
      %lt3A_3765 = arith.constant 0 : i32
      %lt3A_3766 = vector.broadcast %lt3A_3765 : i32 to vector<16xi32>
      %lt3A_3767 = arith.cmpi slt, %xor3A_3764, %lt3A_3766 : vector<16xi32>
      %add3A_3768 = arith.constant 16 : i32
      %add3A_3769 = vector.broadcast %add3A_3768 : i32 to vector<16xi32>
      %add3A_3770 = arith.addi %xor3A_3764, %add3A_3769 : vector<16xi32>
      %select_n3A_3771 = arith.select %lt3A_3767, %add3A_3770, %xor3A_3764 : vector<16xi1>, vector<16xi32>
      %broadcast_in_dim3A_3772 = vector.shape_cast %select_n3A_3771 : vector<16xi32> to vector<16x1xi32>
      %gather3A_3773 = vector.shape_cast %broadcast_in_dim3A_3772 : vector<16x1xi32> to vector<16xi32>
      %gather3A_3774 = tpu.dynamic_gather %add3A_3761[%gather3A_3773] in [0] : vector<16xf32>, vector<16xi32> -> vector<16xf32>
      %add3A_3775 = arith.addf %add3A_3761, %gather3A_3774 : vector<16xf32>
      %xor3A_3776 = arith.constant 1 : i32
      %xor3A_3777 = vector.broadcast %xor3A_3776 : i32 to vector<16xi32>
      %xor3A_3778 = arith.xori %iota3A, %xor3A_3777 : vector<16xi32>
      %lt3A_3779 = arith.constant 0 : i32
      %lt3A_3780 = vector.broadcast %lt3A_3779 : i32 to vector<16xi32>
      %lt3A_3781 = arith.cmpi slt, %xor3A_3778, %lt3A_3780 : vector<16xi32>
      %add3A_3782 = arith.constant 16 : i32
      %add3A_3783 = vector.broadcast %add3A_3782 : i32 to vector<16xi32>
      %add3A_3784 = arith.addi %xor3A_3778, %add3A_3783 : vector<16xi32>
      %select_n3A_3785 = arith.select %lt3A_3781, %add3A_3784, %xor3A_3778 : vector<16xi1>, vector<16xi32>
      %broadcast_in_dim3A_3786 = vector.shape_cast %select_n3A_3785 : vector<16xi32> to vector<16x1xi32>
      %gather3A_3787 = vector.shape_cast %broadcast_in_dim3A_3786 : vector<16x1xi32> to vector<16xi32>
      %gather3A_3788 = tpu.dynamic_gather %add3A_3775[%gather3A_3787] in [0] : vector<16xf32>, vector<16xi32> -> vector<16xf32>
      %add3A_3789 = arith.addf %add3A_3775, %gather3A_3788 : vector<16xf32>
      %swap3A_3790 = arith.constant 0 : index
      %swap3A_3791 = tpu.vector_load %arg12[%swap3A_3790] {strides = array<i32>} : memref<16xf32, #tpu.memory_space<vmem>>, vector<16xf32>,
      %swap3A_3792 = vector.shape_cast %swap3A_3791 : vector<16xf32> to vector<16xf32>
      %swap3A_3793 = vector.shape_cast %add3A_3789 : vector<16xf32> to vector<16xf32>
      tpu.vector_store %arg12[%swap3A_3790], %swap3A_3793 {strides = array<i32>} : memref<16xf32, #tpu.memory_space<vmem>>, vector<16xf32>,
      "tpu.region"() ({
        %run_scoped3A = tpu.sem_alloc : memref<!tpu.dma_semaphore, #tpu.memory_space<semaphore_mem>>
        tpu.enqueue_dma source(%arg12 : memref<16xf32, #tpu.memory_space<vmem>>) target(%arg5 : memref<16xf32, #tpu.memory_space<hbm>>) target_semaphore(%run_scoped3A : memref<!tpu.dma_semaphore, #tpu.memory_space<semaphore_mem>>)
        tpu.wait_dma2 semaphore(%run_scoped3A : memref<!tpu.dma_semaphore, #tpu.memory_space<semaphore_mem>>) src(%arg12 : memref<16xf32, #tpu.memory_space<vmem>>) dst(%arg5 : memref<16xf32, #tpu.memory_space<hbm>>)
        tpu.yield
      }) : () -> ()
    } else {
    }
    return
  }
}

module attributes {stable_mosaic.version = 14 : i64} {
  func.func @_mm_body(%arg0: memref<64x1024xf32, #tpu.memory_space<vmem>>, %arg1: memref<69x1024xf32, #tpu.memory_space<vmem>>, %arg2: memref<64x128xf32, #tpu.memory_space<vmem>>) attributes {dimension_semantics = [], scalar_prefetch = 0 : i64, scratch_operands = 0 : i64, tpu.core_type = #tpu.core_type<tc>} {
    %get3A = arith.constant 0 : index
    %get3A_0 = arith.constant 0 : index
    %get3A_1 = vector.load %arg0[%get3A, %get3A_0] : memref<64x1024xf32, #tpu.memory_space<vmem>>, vector<64x1024xf32>
    %get3A_2 = arith.constant 0 : index
    %get3A_3 = arith.constant 0 : index
    %get3A_4 = vector.load %arg1[%get3A_2, %get3A_3] : memref<69x1024xf32, #tpu.memory_space<vmem>>, vector<69x1024xf32>
    %dot_general3A = arith.constant dense<0.000000e+00> : vector<64x69xf32>
    %dot_general3A_5 = tpu.matmul %get3A_1, %get3A_4, %dot_general3A {dimension_numbers = #tpu.dot_dimension_numbers<[1], [1], [0], [0], [0, 0, 1, 0], [], []>, transpose_lhs_hint = false} : vector<64x1024xf32>, vector<69x1024xf32>, vector<64x69xf32> -> vector<64x69xf32>
    %broadcast_in_dim3A = arith.constant 0.000000e+00 : f32
    %broadcast_in_dim3A_6 = vector.broadcast %broadcast_in_dim3A : f32 to vector<64x59xf32>
    %concatenate3A = tpu.concatenate %dot_general3A_5, %broadcast_in_dim3A_6 in 1 : vector<64x69xf32>, vector<64x59xf32> -> vector<64x128xf32>
    %swap3A = arith.constant 0 : index
    %swap3A_7 = arith.constant 0 : index
    %swap3A_8 = vector.load %arg2[%swap3A, %swap3A_7] : memref<64x128xf32, #tpu.memory_space<vmem>>, vector<64x128xf32>
    tpu.vector_store %arg2[%swap3A, %swap3A_7], %concatenate3A {strides = array<i32>} : memref<64x128xf32, #tpu.memory_space<vmem>>, vector<64x128xf32>,
    return
  }
}

</mosaic_0001>

<sc_bundles>
// kernel: kernel.4.cloned.1.call-start
scs
__scs_entry_jumppad:
0x0: {  	(pc) =	sbr.rel $0x88, $3  }
0x1: {  	(tag) =	ssettag $0x0;
	lr =	simm.s32 $0x1  }
0x2: {  	[smem:$0x3F9E] =	sst lr;
	_ =	strace $0xD0000000  }
0x3: {  	_ = 	snop  }
0x4: {  	_ = 	snop  }
0x5: {  	_ = 	snop  }
0x6: {  	_ = 	snop  }
0x7: {  	_ = 	snop  }
__scs_overlays_trampoline_lowered:
0x8: {  	[smem:$0x3FAD] =	sst s0  }
0x9: {  	[smem:$0x3FAE] =	sst s1  }
0xa: {  	[smem:$0x3FAF] =	sst s2  }
0xb: {  	[smem:$0x3FB0] =	sst s3  }
0xc: {  	[smem:$0x3FB1] =	sst s4  }
0xd: {  	[smem:$0x3FB2] =	sst s5  }
0xe: {  	[smem:$0x3FB3] =	sst s6  }
0xf: {  	[smem:$0x3FB4] =	sst s7  }
0x10: {  	[smem:$0x3FB5] =	sst s8  }
0x11: {  	[smem:$0x3FB6] =	sst s9;
	s0 =	simm.s32 @!p0 $0x0  }
0x12: {  	s1 =	sld [smem:$0x3F9C];
	s0 =	simm.s32 @p0 $0x1  }
0x13: {  	[smem:$0x3FB7] =	sst s0;
	s0 =	simm.s32 @!p1 $0x0  }
0x14: {  	s2 =	sld [smem:$0x3F9B];
	s0 =	simm.s32 @p1 $0x1  }
0x15: {  	[smem:$0x3FB8] =	sst s0;
	s0 =	simm.s32 @!p2 $0x0  }
0x16: {  	s3 =	sld [smem:$0x3FDB];
	s0 =	simm.s32 @p2 $0x1  }
0x17: {  	s4 =	simm.s32 $0x1BF5;
	[smem:$0x3FBA] =	sst s0  }
0x18: {  	s0 =	sld [smem:$0x3F9D];
	_ =	swait.ge [sflag:s4], $0x0  }
0x19: {  	s7 =	sld [smem:$0x3F9E]  }
0x1a: {  	s8 =	sadd.s32 $0xFFFFE003, lr  }
0x1b: {  	s9 =	sadd.s32 $0xFFFFFEF7, lr;
	s5 =	simm.s32 $0xFFFFFFFF;
	p2 =	slt.u32 s8, $0xFFFFF086  }
0x1c: {  	p1 =	slt.u32 s9, $0xF7A;
	s5 =	simm.s32 @!p2 $0x0  }
0x1d: {  	s5 =	simm.s32 @p1 $0x1;
	p0 =	seq.s32 s7, s2  }
0x1e: {  	s7 =	smul.u32 @!p0 $0xF7A, s2;
	p2 =	seq.s32 @!p0 s5, $0x0  }
0x1f: {  	s9 =	smul.u32 $0xF7A, s1;
	s8 =	simm.s32 @!p0 $0x1BF5;
	p2 =	por !p2, p0  }
0x20: {  	[sflag:s8] =	ssyncset.s32 @!p0 $0xFFFFF086;
	s6 =	sadd.s32 @!p0 s3, s7;
	s7 =	simm.s32 @!p0 $0x108  }
0x21: {  	s3 =	sadd.s32 s3, s9;
	s6 =	sadd.s32 @!p0 $0x88, s6;
	s7 =	simm.s32 @p2 $0x1082  }
0x22: {  	[simem:s7], [sflag:s8] =	dma.local @!p0 [hbm:s6], $0xF7A  }
0x23: {  	s9 =	sor.u32 $0xD0000000, s2;
	s6 =	simm.s32 $0x108;
	_ =	swait.ge @!p0 [sflag:s8], $0x0  }
0x24: {  	s3 =	sadd.s32 $0x88, s3;
	s6 =	simm.s32 @!p1 $0x1082;
	[sflag:s4] =	ssyncset.s32 $0xFFFFF086  }
0x25: {  	[simem:s6], [sflag:s4] =	dma.local [hbm:s3], $0xF7A  }
0x26: {  	[smem:$0x3F9E] =	sst s1;
	(tag) =	ssettag s2;
	_ =	strace s9  }
0x27: {  	s1 =	sld [smem:$0x3FAE]  }
0x28: {  	s2 =	sld [smem:$0x3FAF]  }
0x29: {  	s4 =	sld [smem:$0x3FB1]  }
0x2a: {  	p0 =	seq.s32 s5, $0x0;
	s5 =	sld [smem:$0x3FB2]  }
0x2b: {  	s6 =	sld [smem:$0x3FB3]  }
0x2c: {  	s7 =	sld [smem:$0x3FB4]  }
0x2d: {  	s3 =	simm.s32 $0x108;
	s8 =	sld [smem:$0x3FB5]  }
0x2e: {  	s3 =	simm.s32 @!p0 $0x1082;
	s9 =	sld [smem:$0x3FB6]  }
0x2f: {  	lr =	sadd.s32 s0, s3;
	s0 =	sld [smem:$0x3FAD]  }
0x30: {  	s3 =	sld [smem:$0x3FB0]  }
0x31: {  	[smem:$0x3FB9] =	sst s10  }
0x32: {  	s10 =	sld [smem:$0x3FB7];
	_ =	sdelay $0x3  }
0x33: {  	p0 =	seq.s32 s10, $0x1;
	s10 =	sld [smem:$0x3FB9];
	_ =	sdelay $0x3  }
0x34: {  	[smem:$0x3FB9] =	sst s10  }
0x35: {  	s10 =	sld [smem:$0x3FB8];
	_ =	sdelay $0x3  }
0x36: {  	p1 =	seq.s32 s10, $0x1;
	s10 =	sld [smem:$0x3FB9];
	_ =	sdelay $0x3  }
0x37: {  	[smem:$0x3FB9] =	sst s10  }
0x38: {  	s10 =	sld [smem:$0x3FBA]  }
0x39: {  	_ = 	snop;
	(pc) =	sbr.ind lr, $3  }
0x3a: {  	_ = 	snop  }
0x3b: {  	_ = 	snop  }
0x3c: {  	p2 =	seq.s32 s10, $0x1;
	s10 =	sld [smem:$0x3FB9]  }
0x3d: {  	_ =	shalt  }
0x3e: {  	_ =	shalt  }
0x3f: {  	_ =	shalt  }
0x40: {  	_ =	shalt  }
0x41: {  	_ =	shalt  }
0x42: {  	_ =	shalt  }
0x43: {  	_ =	shalt  }
0x44: {  	_ =	shalt  }
0x45: {  	_ =	shalt  }
0x46: {  	_ =	shalt  }
0x47: {  	_ =	shalt  }
0x48: {  	_ =	shalt  }
0x49: {  	_ =	shalt  }
0x4a: {  	_ =	shalt  }
0x4b: {  	_ =	shalt  }
0x4c: {  	_ =	shalt  }
0x4d: {  	_ =	shalt  }
0x4e: {  	_ =	shalt  }
0x4f: {  	_ =	shalt  }
0x50: {  	_ =	shalt  }
0x51: {  	_ =	shalt  }
0x52: {  	_ =	shalt  }
0x53: {  	_ =	shalt  }
0x54: {  	_ =	shalt  }
0x55: {  	_ =	shalt  }
0x56: {  	_ =	shalt  }
0x57: {  	_ =	shalt  }
0x58: {  	_ =	shalt  }
0x59: {  	_ =	shalt  }
0x5a: {  	_ =	shalt  }
0x5b: {  	_ =	shalt  }
0x5c: {  	_ =	shalt  }
0x5d: {  	_ =	shalt  }
0x5e: {  	_ =	shalt  }
0x5f: {  	_ =	shalt  }
0x60: {  	_ =	shalt  }
0x61: {  	_ =	shalt  }
0x62: {  	_ =	shalt  }
0x63: {  	_ =	shalt  }
0x64: {  	_ =	shalt  }
0x65: {  	_ =	shalt  }
0x66: {  	_ =	shalt  }
0x67: {  	_ =	shalt  }
0x68: {  	_ =	shalt  }
0x69: {  	_ =	shalt  }
0x6a: {  	_ =	shalt  }
0x6b: {  	_ =	shalt  }
0x6c: {  	_ =	shalt  }
0x6d: {  	_ =	shalt  }
0x6e: {  	_ =	shalt  }
0x6f: {  	_ =	shalt  }
0x70: {  	_ =	shalt  }
0x71: {  	_ =	shalt  }
0x72: {  	_ =	shalt  }
0x73: {  	_ =	shalt  }
0x74: {  	_ =	shalt  }
0x75: {  	_ =	shalt  }
0x76: {  	_ =	shalt  }
0x77: {  	_ =	shalt  }
0x78: {  	_ =	shalt  }
0x79: {  	_ =	shalt  }
0x7a: {  	_ =	shalt  }
0x7b: {  	_ =	shalt  }
0x7c: {  	_ =	shalt  }
0x7d: {  	_ =	shalt  }
0x7e: {  	_ =	shalt  }
0x7f: {  	_ =	shalt  }
0x80: {  	_ =	shalt  }
0x81: {  	_ =	shalt  }
0x82: {  	_ =	shalt  }
0x83: {  	_ =	shalt  }
0x84: {  	_ =	shalt  }
0x85: {  	_ =	shalt  }
0x86: {  	_ =	shalt  }
0x87: {  	_ =	shalt  }
.Lfunc_end0:
.L_simem_size_0:
called_computation_lowered:
.L_overlay_start_0:
0x88: {  	s0 =	sld [smem:$0x3FD9]  }
0x89: {  	s1 =	sld [smem:$0x3FFE];
	_ =	sdelay $0x3  }
0x8a: {  	s0 =	sadd.s32 s1, s0  }
0x8b: {  	[smem:$0x3FC5] =	sst s0  }
0x8c: {  	_ = 	snop  }
0x8d: {  	s0 =	sld [smem:$0x3FD0];
	(tm) =	ssettm $0x1  }
0x8e: {  	s16 =	sld [smem:$0x3FFB];
	_ =	sdelay $0x3  }
0x8f: {  	_ =	strace s16  }
0x90: {  	s1 =	sld [smem:$0x3FFC];
	_ =	sdelay $0x3  }
0x91: {  	_ =	strace s1  }
0x92: {  	s1 =	sld [smem:$0x3FFD];
	_ =	sdelay $0x3  }
0x93: {  	_ =	strace s1  }
0x94: {  	_ =	strace $0x8FFFFFFF  }
0x95: {  	s17 =	sld [smem:$0x3FDB];
	_ =	sdelay $0x1  }
0x96: {  	s2 =	simm.s32 $_scs_section_size  }
0x97: {  	s3 =	simm.s32 $_size__tile_overlayer_lowered;
	s4 =	simm.s32 $_tile_overlayer_lowered  }
0x98: {  	s20 =	simm.s32 $0x1BFF;
	s19 =	sshll.u32 s4, $0x1;
	s1 =	sadd.s32 s2, s17  }
0x99: {  	s5 =	simm.s32 $0x0;
	s18 =	sshll.u32 s3, $0x1;
	s3 =	sadd.s32 s19, s1  }
0x9a: {  	[timem:s5], [sflag:s20] =	dma.local [hbm:s3], s18  }
0x9b: {  	_ =	swait.ge [sflag:s20], s18  }
0x9c: {  	s2 =	ssub.s32 $0x0, s18;
	[sflag:s20] =	ssyncset.done $0x0  }
0x9d: {  	[sflag:s20] =	ssyncadd.s32 s2;
	_ =	sdelay $0x1  }
0x9e: {  	s21 =	simm.s32 $0x1B8B  }
0x9f: {  	_ =	swait.ge [sflag:s21], $0x1  }
0xa0: {  	[sflag:s21] =	ssyncset.done $0x0  }
0xa1: {  	s23 =	simm.s32 $0x1B8E;
	s22 =	sld [smem:$0x3FFE];
	[sflag:s21] =	ssyncadd.s32 $0xFFFFFFFF  }
0xa2: {  	s24 =	simm.s32 $execute0_lowered;
	[smem:$0x3FD2] =	sst s23  }
0xa3: {  	s3 =	sshll.u32 s24, $0x1;
	_ =	strace $0x80000046;
	[dreg:$0x1] =	wrdreg $0xFFFFFFFF  }
0xa4: {  	s25 =	simm.s32 $_size_execute0_lowered;
	s1 =	sadd.s32 s1, s3;
	[dreg:$0x0] =	wrdreg $0x0  }
0xa5: {  	s3 =	sshll.u32 s25, $0x1;
	[dreg:$0x2] =	wrdreg s1  }
0xa6: {  	[dreg:$0x3] =	wrdreg s3  }
0xa7: {  	[dreg:$0x4] =	wrdreg $0xC0  }
0xa8: {  	_ =	task [dreg:s5], $0x5FFFF  }
0xa9: {  	[dreg:$0x1] =	wrdreg $0xFFFFFFFF  }
0xaa: {  	[dreg:$0x0] =	wrdreg $0x60  }
0xab: {  	[dreg:$0x2] =	wrdreg s22  }
0xac: {  	[dreg:$0x3] =	wrdreg s0  }
0xad: {  	[dreg:$0x4] =	wrdreg $0x5000  }
0xae: {  	[dreg:$0x5] =	wrdreg $0x9  }
0xaf: {  	_ =	task.clear_ibuf [dreg:s5], $0x6FFFF;
	_ =	strace $0x90000046  }
0xb0: {  	s26 =	simm.s32 $0x9;
	_ =	strace $0x80000048  }
0xb1: {  	_ =	swait.ge [sflag:s26], $0x1  }
0xb2: {  	[sflag:s26] =	ssyncadd.s32 $0xFFFFFFFF  }
0xb3: {  	_ =	strace $0x90000048  }
0xb4: {  	_ =	sfence  }
0xb5: {  	s28 =	sld [smem:$0x0];
	_ =	sdelay $0x1  }
0xb6: {  	s29 =	srdreg.scid  }
0xb7: {  	s30 =	sshll.u32 s29, $0xD;
	s31 =	sshrl.u32 s29, $0x2  }
0xb8: {  	s2 =	sand.u32 $0x4000, s30;
	s1 =	sand.u32 $0x1, s29;
	s0 =	sadd.s32 s31, s28  }
0xb9: {  	s1 =	sor.u32 s2, s1;
	s0 =	sshll.u32 s0, $0x11  }
0xba: {  	s0 =	sor.u32 s0, s1  }
0xbb: {  	s0 =	sadd.s32 $0x8F2B, s0  }
0xbc: {  	[sflag:s0] =	ssyncadd.remote.s32 $0x1  }
0xbd: {  	_ =	sfence.sel $0xFFFF  }
0xbe: {  	[dreg:$0x0] =	wrdreg $0xFFFFFFFF;
	(pc) =	sbr.abs _section_cstart, $3  }
0xbf: {  	[dreg:$0x1] =	wrdreg $0xFFFFFFFF  }
0xc0: {  	_ =	task.clear_ibuf [dreg:s5], $0x2FFFF;
	_ =	strace $0x9FFFFFFF  }
0xc1: {  	(tm) =	ssettm $0x7FFFFFFF  }
tec
execute0_lowered:
.L_overlay_start_1:
0x0: {  	(tag) =	ssettag $0x1  }
0x1: {  	s6 =	rddreg [dreg:$0x0]  }
0x2: {  	s1 =	rddreg [dreg:$0x1]  }
0x3: {  	s4 =	rddreg [dreg:$0x2]  }
0x4: {  	s0 =	rddreg [dreg:$0x3];
	s5 =	stileid.u32  }
0x5: {  	s2 =	simm.s32 $0x0;
	s8 =	simm.s32 $0x280;
	s3 =	sshll.u32 s5, $0x6  }
0x6: {  	[smem:$0x7FF] =	sst s2;
	s7 =	sshll.u32 s5, $0x4;
	s3 =	sadd.s32 s3, s6  }
0x7: {  	_ =	strace $0x80000047;
	s7 =	sadd.s32 s7, s6;
	s3 =	sadd.s32 $0xA00, s3  }
0x8: {  	[tilespmem:s8], [sflag:$0x2] =	stream.linear.gather [hbm4b:s3+s2], $0x200, $0x38;
	[tilespmem:$0xE00] =	vst v63  }
0x9: {  	s24 =	sadd.s32 $0x800, s7;
	s3 =	simm.s32 $0x3  }
0xa: {  	[tilespmem:s2], [sflag:$0x3] =	stream.linear.gather [hbm4b:s24+s2], $0x80, $0x38;
	[tilespmem:$0xE00] =	vst v63  }
0xb: {  	_ =	swait.ge [sflag:s3], $0x80  }
0xc: {  	s25 =	simm.s32 $0x4;
	s26 =	simm.s32 $0x80;
	[sflag:s3] =	ssyncset.done $0x0  }
0xd: {  	s28 =	simm.s32 $0x1;
	s6 =	sadd.s32 $0xE00, s6;
	[sflag:s3] =	ssyncadd.s32 $0xFFFFFF80  }
0xe: {  	[tilespmem:s26], [sflag:$0x1] =	stream.indirect.gather [hbm4b:s6+s25], $0x80, s2, s25, $0xb8;
	[tilespmem:$0xE00] =	vst v63  }
0xf: {  	_ =	swait.ge [sflag:s28], $0x200  }
0x10: {  	[sflag:s28] =	ssyncset.done $0x0  }
0x11: {  	s29 =	simm.s32 $0x2;
	[sflag:s28] =	ssyncadd.s32 $0xFFFFFE00  }
0x12: {  	_ =	swait.ge [sflag:s29], $0x200  }
0x13: {  	[sflag:s29] =	ssyncset.done $0x0  }
0x14: {  	[sflag:s29] =	ssyncadd.s32 $0xFFFFFE00  }
0x15: {  	v4 =	vld [tilespmem:$0x80];
	_ =	sdelay $0x3  }
0x16: {  	v28 =	vimm.s32 $0x0;
	v7 =	vld [tilespmem:$0x280]  }
0x17: {  	v9 =	vld [tilespmem:$0x290];
	v0 =	vperm.xlane v4, v28  }
0x18: {  	v19 =	vlaneseq.u32;
	v13 =	vld [tilespmem:$0x2A0]  }
0x19: {  	v14 =	vld [tilespmem:$0x2B0];
	v0 =	vadd.s32 v19, v0  }
0x1a: {  	v1 =	vand.u32 $0xF, v0  }
0x1b: {  	v0 =	vshra.s32 v0, $0x4;
	v2 =	vperm.xlane v7, v1  }
0x1c: {  	v15 =	vld [tilespmem:$0x2C0];
	vm0 =	veq.s32 v0, $0x0;
	v3 =	vperm.xlane v9, v1  }
0x1d: {  	v16 =	vld [tilespmem:$0x2D0];
	vm15 =	veq.s32 v0, $0x1;
	v5 =	vperm.xlane v13, v1;
	v2 =	vnsel vm0, $0x0, v2  }
0x1e: {  	vm4 =	veq.s32 v0, $0x2;
	v2 =	vsel vm15, v3, v2;
	v3 =	vperm.xlane v14, v1  }
0x1f: {  	vm5 =	veq.s32 v0, $0x3;
	v2 =	vsel vm4, v5, v2  }
0x20: {  	v2 =	vsel vm5, v3, v2;
	v3 =	vimm.s32 $0xFEDCBA98  }
0x21: {  	v8 =	vimm.s32 $0x76543210;
	v5 =	vperm.xlane v15, v1;
	v3 =	vunpack.c.l.s4.s8 v3  }
0x22: {  	v8 =	vunpack.c.l.s4.s8 v8;
	vm6 =	veq.s32 v0, $0x4;
	v1 =	vperm.xlane v16, v1  }
0x23: {  	vm7 =	veq.s32 v0, $0x5;
	v2 =	vsel vm6, v5, v2;
	v0 =	vunpack.c.0.s8.s32 v3  }
0x24: {  	v5 =	vsel vm7, v1, v2;
	v1 =	vunpack.c.0.s8.s32 v8  }
0x25: {  	v24 =	vimm.s32 $0x1;
	v2 =	vimm.s32 $0xBA98FEDC;
	v0 =	vand.u32 $0xF, v0  }
0x26: {  	v0 =	vcombine.low v0, v1;
	v1 =	vunpack.c.l.s4.s8 v2;
	v2 =	vimm.s32 $0x32107654  }
0x27: {  	v21 =	vimm.s32 $0xDCFE98BA;
	v6 =	vperm.xlane v4, v24;
	v2 =	vunpack.c.l.s4.s8 v2  }
0x28: {  	v10 =	vimm.s32 $0x54761032;
	v23 =	vimm.s32 $0xEFCDAB89;
	v25 =	vimm.s32 $0x67452301  }
0x29: {  	vm8 =	vgt.s32 v6, v19;
	v1 =	vunpack.c.0.s8.s32 v1;
	v2 =	vunpack.c.0.s8.s32 v2  }
0x2a: {  	v10 =	vunpack.c.l.s4.s8 v10;
	v8 =	vunpack.c.l.s4.s8 v21;
	v3 =	vnsel vm8, $0xFF61B1E6, v5  }
0x2b: {  	v34 =	vimm.s32 $0x3;
	v20 =	vperm.xlane v3, v0;
	v1 =	vcombine.low v2, v1  }
0x2c: {  	v22 =	vunpack.c.0.s8.s32 v10;
	v10 =	vunpack.c.l.s4.s8 v25;
	v2 =	vunpack.c.0.s8.s32 v8  }
0x2d: {  	v3 =	vmax.f32 v3, v20;
	v8 =	vunpack.c.l.s4.s8 v23;
	v12 =	vand.u32 $0xF, v1  }
0x2e: {  	v32 =	vimm.s32 $0x7;
	v2 =	vcombine.low v22, v2;
	v11 =	vperm.xlane v3, v12  }
0x2f: {  	v27 =	vunpack.c.0.s8.s32 v10;
	v33 =	vperm.xlane v4, v34;
	v26 =	vunpack.c.0.s8.s32 v8  }
0x30: {  	v45 =	vperm.xlane v4, v32;
	v29 =	vmax.f32 v3, v11;
	v11 =	vand.u32 $0xF, v2  }
0x31: {  	v3 =	vcombine.low v27, v26;
	v27 =	vimm.s32 $0x4;
	v17 =	vperm.xlane v29, v11  }
0x32: {  	v20 =	vperm.xlane v4, v27  }
0x33: {  	vm0 =	vgt.s32 v45, v19;
	v30 =	vmax.f32 v29, v17;
	v17 =	vadd.s32 v19, v33  }
0x34: {  	v10 =	vand.u32 $0xF, v3;
	vm2 =	vgt.s32 v20, v19;
	v18 =	vand.u32 $0xF, v17  }
0x35: {  	v31 =	vperm.xlane v30, v10;
	v35 =	vshra.s32 v17, $0x4;
	v36 =	vperm.xlane v7, v18  }
0x36: {  	vm1 =	veq.s32 v35, $0x0;
	v21 =	vperm.xlane v9, v18;
	vm9 =	veq.s32 v35, $0x1  }
0x37: {  	v22 =	vperm.xlane v13, v18;
	vm10 =	veq.s32 v35, $0x2;
	vm11 =	veq.s32 v35, $0x3  }
0x38: {  	vm12 =	veq.s32 v35, $0x4;
	vm13 =	veq.s32 v35, $0x5;
	v35 =	vimm.s32 $0x6  }
0x39: {  	v37 =	vperm.xlane v14, v18;
	v6 =	vmax.f32 v30, v31;
	v40 =	vperm.xlane v4, v35  }
0x3a: {  	v38 =	vperm.xlane v15, v18;
	v8 =	vsub.f32 v5, v6;
	v17 =	vnsel vm1, $0x0, v36  }
0x3b: {  	v18 =	vperm.xlane v16, v18;
	v17 =	vsel vm9, v21, v17;
	v20 =	vadd.s32 v19, v40  }
0x3c: {  	v8 =	vmul.f32 $1.442695020e+00, v8;
	v17 =	vsel vm10, v22, v17;
	v43 =	vand.u32 $0xF, v20  }
0x3d: {  	v20 =	vshra.s32 v20, $0x4;
	v17 =	vsel vm11, v37, v17;
	v44 =	vperm.xlane v7, v43  }
0x3e: {  	vm14 =	veq.s32 v20, $0x0;
	v9 =	vperm.xlane v9, v43;
	vm15 =	veq.s32 v20, $0x1  }
0x3f: {  	v7 =	vld [tilespmem:$0x100];
	v13 =	vperm.xlane v13, v43;
	vm4 =	veq.s32 v20, $0x2;
	v14 =	vperm.xlane v14, v43  }
0x40: {  	vm5 =	veq.s32 v20, $0x3;
	v46 =	vperm.xlane v15, v43;
	v17 =	vsel vm12, v38, v17  }
0x41: {  	(erf) = vpow2.f32 v8;
	v8 =	vsel vm13, v18, v17;
	v21 =	vnsel vm14, $0x0, v44  }
0x42: {  	vm6 =	veq.s32 v20, $0x4;
	v17 =	vnsel vm2, $0xFF61B1E6, v8;
	v9 =	vsel vm15, v9, v21  }
0x43: {  	v25 =	vld [tilespmem:$0x310];
	v47 =	vperm.xlane v16, v43;
	v39 =	vperm.xlane v17, v0;
	v9 =	vsel vm4, v13, v9  }
0x44: {  	vm7 =	veq.s32 v20, $0x5;
	v21 =	vld [tilespmem:$0x300];
	v9 =	vsel vm5, v14, v9;
	v48 =	vperm.xlane v7, v28  }
0x45: {  	v20 =	vld [tilespmem:$0x320];
	v31 =	vperm.xlane v7, v24;
	v60 =	vperm.xlane v7, v34;
	v17 =	vmax.f32 v17, v39  }
0x46: {  	v44 =	vperm.xlane v7, v27;
	v9 =	vsel vm6, v46, v9;
	v42 =	vperm.xlane v17, v12  }
0x47: {  	v26 =	vld [tilespmem:$0x340];
	v9 =	vsel vm7, v47, v9;
	v49 =	vadd.s32 v19, v48;
	vm1 =	vgt.s32 v31, v19  }
0x48: {  	v15 =	vnsel vm0, $0xFF61B1E6, v9;
	v16 =	vand.u32 $0xF, v49;
	v13 =	vshra.s32 v49, $0x4  }
0x49: {  	v17 =	vmax.f32 v17, v42;
	v51 =	vperm.xlane v15, v0;
	v30 =	vperm.xlane v21, v16  }
0x4a: {  	v33 =	vperm.xlane v25, v16;
	vm9 =	veq.s32 v13, $0x1;
	v36 =	vperm.xlane v20, v16  }
0x4b: {  	vm10 =	veq.s32 v13, $0x2;
	vm11 =	veq.s32 v13, $0x3;
	v41 =	vpop (erf);
	v23 =	vperm.xlane v17, v11  }
0x4c: {  	v53 =	vperm.xlane v26, v16;
	vm12 =	veq.s32 v13, $0x4;
	v18 =	vnsel vm8, $0x0, v41  }
0x4d: {  	vm8 =	veq.s32 v13, $0x0;
	v15 =	vmax.f32 v15, v51;
	v17 =	vmax.f32 v17, v23;
	v23 =	vld [tilespmem:$0x330]  }
0x4e: {  	v29 =	vld [tilespmem:$0x350];
	v30 =	vnsel vm8, $0x0, v30;
	v56 =	vperm.xlane v15, v12;
	v50 =	vperm.xlane v17, v10  }
0x4f: {  	vm13 =	veq.s32 v13, $0x5;
	v58 =	vperm.xlane v18, v0;
	v30 =	vsel vm9, v33, v30  }
0x50: {  	v30 =	vsel vm10, v36, v30;
	v15 =	vmax.f32 v15, v56;
	v14 =	vmax.f32 v17, v50  }
0x51: {  	v61 =	vperm.xlane v15, v11;
	v17 =	vadd.s32 v19, v60;
	v60 =	vperm.xlane v7, v35  }
0x52: {  	v55 =	vsub.f32 v8, v14;
	v42 =	vand.u32 $0xF, v17;
	v52 =	vperm.xlane v23, v16  }
0x53: {  	v17 =	vshra.s32 v17, $0x4;
	v16 =	vperm.xlane v29, v16;
	v43 =	vperm.xlane v21, v42  }
0x54: {  	vm3 =	veq.s32 v17, $0x0;
	v45 =	vperm.xlane v25, v42;
	v30 =	vsel vm11, v52, v30  }
0x55: {  	vm14 =	veq.s32 v17, $0x1;
	v37 =	vperm.xlane v20, v42;
	v54 =	vsel vm12, v53, v30  }
0x56: {  	vm15 =	veq.s32 v17, $0x2;
	v46 =	vperm.xlane v23, v42;
	v13 =	vsel vm13, v16, v54  }
0x57: {  	vm6 =	veq.s32 v17, $0x3;
	v16 =	vmul.f32 $1.442695020e+00, v55;
	v57 =	vnsel vm1, $0xFF61B1E6, v13  }
0x58: {  	v47 =	vperm.xlane v26, v42;
	v30 =	vadd.f32 v18, v58;
	v59 =	vperm.xlane v57, v0  }
0x59: {  	vm7 =	veq.s32 v17, $0x4;
	v18 =	vmax.f32 v15, v61;
	(erf) = vpow2.f32 v16  }
0x5a: {  	v15 =	vperm.xlane v29, v42;
	v63 =	vperm.xlane v30, v12;
	v22 =	vmax.f32 v57, v59  }
0x5b: {  	vm8 =	veq.s32 v17, $0x5;
	v42 =	vperm.xlane v7, v32;
	v62 =	vperm.xlane v22, v12  }
0x5c: {  	v50 =	vperm.xlane v18, v10;
	v30 =	vadd.f32 v30, v63;
	v63 =	vadd.s32 v19, v60  }
0x5d: {  	v41 =	vshra.s32 v63, $0x4;
	v16 =	vmax.f32 v22, v62;
	v22 =	vnsel vm3, $0x0, v43  }
0x5e: {  	vm9 =	veq.s32 v41, $0x0;
	vm10 =	veq.s32 v41, $0x1;
	v22 =	vsel vm14, v45, v22  }
0x5f: {  	vm11 =	veq.s32 v41, $0x2;
	v48 =	vperm.xlane v16, v11;
	v22 =	vsel vm15, v37, v22  }
0x60: {  	vm12 =	veq.s32 v41, $0x3;
	vm3 =	vgt.s32 v44, v19;
	v22 =	vsel vm6, v46, v22  }
0x61: {  	v51 =	vmax.f32 v16, v48;
	v16 =	vmax.f32 v18, v50;
	v22 =	vsel vm7, v47, v22  }
0x62: {  	v49 =	vpop (erf);
	v53 =	vperm.xlane v51, v10;
	v39 =	vsub.f32 v9, v16;
	v15 =	vsel vm8, v15, v22  }
0x63: {  	v17 =	vnsel vm2, $0x0, v49;
	v22 =	vimm.s32 $0x9;
	v52 =	vnsel vm3, $0xFF61B1E6, v15  }
0x64: {  	v40 =	vperm.xlane v4, v22;
	v18 =	vmax.f32 v51, v53;
	v56 =	vmul.f32 $1.442695020e+00, v39  }
0x65: {  	v38 =	vperm.xlane v17, v0;
	v54 =	vperm.xlane v52, v0;
	v57 =	vsub.f32 v13, v18  }
0x66: {  	v59 =	vcvt.s32.f32 v40;
	(erf) = vpow2.f32 v56;
	v40 =	vand.u32 $0xF, v63  }
0x67: {  	vm13 =	veq.s32 v41, $0x4;
	v61 =	vmul.f32 $1.442695020e+00, v57;
	v21 =	vperm.xlane v21, v40  }
0x68: {  	v55 =	vmax.f32 v52, v54;
	v25 =	vperm.xlane v25, v40;
	v20 =	vperm.xlane v20, v40  }
0x69: {  	v23 =	vperm.xlane v23, v40;
	v58 =	vperm.xlane v55, v12;
	v21 =	vnsel vm9, $0x0, v21  }
0x6a: {  	v43 =	vperm.xlane v26, v40;
	(erf) = vrcp.f32 v59;
	v21 =	vsel vm10, v25, v21  }
0x6b: {  	(erf) = vpow2.f32 v61;
	v33 =	vmax.f32 v55, v58;
	v20 =	vsel vm11, v20, v21  }
0x6c: {  	v17 =	vadd.f32 v17, v38;
	v62 =	vperm.xlane v33, v11;
	v20 =	vsel vm12, v23, v20  }
0x6d: {  	vm14 =	veq.s32 v41, $0x5;
	v44 =	vperm.xlane v29, v40;
	v21 =	vsel vm13, v43, v20;
	v20 =	vld [tilespmem:$0x180]  }
0x6e: {  	v50 =	vperm.xlane v30, v11;
	v51 =	vperm.xlane v17, v12;
	v31 =	vmax.f32 v33, v62  }
0x6f: {  	vm2 =	vgt.s32 v42, v19;
	v46 =	vperm.xlane v31, v10;
	v21 =	vsel vm14, v44, v21  }
0x70: {  	v36 =	vadd.f32 v30, v50;
	v37 =	vadd.f32 v17, v51;
	v45 =	vpop (erf);
	v48 =	vnsel vm2, $0xFF61B1E6, v21  }
0x71: {  	v25 =	vnsel vm0, $0x0, v45;
	v23 =	vmax.f32 v31, v46;
	v49 =	vperm.xlane v48, v0  }
0x72: {  	v41 =	vld [tilespmem:$0x3A0];
	v47 =	vperm.xlane v25, v0;
	v31 =	vsub.f32 v15, v23;
	v53 =	vperm.xlane v20, v28  }
0x73: {  	v38 =	vld [tilespmem:$0x380];
	v17 =	vpop (erf);
	v26 =	vmax.f32 v48, v49;
	v46 =	vperm.xlane v20, v24;
	v50 =	vperm.xlane v20, v27  }
0x74: {  	v33 =	vld [tilespmem:$0x390];
	v56 =	vpop (erf);
	v29 =	vadd.f32 v25, v47;
	v52 =	vmul.f32 $1.442695020e+00, v31;
	v54 =	vperm.xlane v26, v12  }
0x75: {  	v42 =	vld [tilespmem:$0x3B0];
	v58 =	vnsel vm1, $0x0, v56;
	v56 =	vperm.xlane v20, v34;
	v57 =	vadd.s32 v19, v53  }
0x76: {  	v43 =	vld [tilespmem:$0x3C0];
	v63 =	vperm.xlane v58, v0;
	vm0 =	vgt.s32 v46, v19;
	vm1 =	vgt.s32 v50, v19  }
0x77: {  	v44 =	vld [tilespmem:$0x3D0];
	v55 =	vperm.xlane v29, v12;
	(erf) = vpow2.f32 v52;
	v26 =	vmax.f32 v26, v54  }
0x78: {  	v59 =	vand.u32 $0xF, v57;
	v25 =	vshra.s32 v57, $0x4;
	v60 =	vperm.xlane v26, v11  }
0x79: {  	v45 =	vperm.xlane v38, v59;
	vm15 =	veq.s32 v25, $0x0;
	v47 =	vperm.xlane v33, v59  }
0x7a: {  	vm4 =	veq.s32 v25, $0x1;
	v48 =	vperm.xlane v41, v59;
	vm5 =	veq.s32 v25, $0x2  }
0x7b: {  	v61 =	vperm.xlane v42, v59;
	vm6 =	veq.s32 v25, $0x3;
	v62 =	vperm.xlane v43, v59  }
0x7c: {  	vm7 =	veq.s32 v25, $0x4;
	v30 =	vperm.xlane v44, v59;
	v45 =	vnsel vm15, $0x0, v45  }
0x7d: {  	v31 =	vadd.f32 v58, v63;
	v26 =	vmax.f32 v26, v60;
	v45 =	vsel vm4, v47, v45  }
0x7e: {  	vm8 =	veq.s32 v25, $0x5;
	v40 =	vperm.xlane v26, v10;
	v45 =	vsel vm5, v48, v45  }
0x7f: {  	v39 =	vadd.f32 v29, v55;
	v59 =	vperm.xlane v31, v12;
	v45 =	vsel vm6, v61, v45  }
0x80: {  	v26 =	vmax.f32 v26, v40;
	v40 =	vadd.s32 v19, v56;
	v45 =	vsel vm7, v62, v45  }
0x81: {  	v57 =	vsub.f32 v21, v26;
	v60 =	vand.u32 $0xF, v40;
	v40 =	vshra.s32 v40, $0x4  }
0x82: {  	v25 =	vsel vm8, v30, v45;
	v61 =	vperm.xlane v38, v60;
	vm9 =	veq.s32 v40, $0x0  }
0x83: {  	v51 =	vperm.xlane v33, v60;
	vm10 =	veq.s32 v40, $0x1;
	vm11 =	veq.s32 v40, $0x2  }
0x84: {  	v62 =	vperm.xlane v42, v60;
	vm12 =	veq.s32 v40, $0x3;
	v52 =	vpop (erf);
	v45 =	vnsel vm0, $0xFF61B1E6, v25  }
0x85: {  	v63 =	vperm.xlane v43, v60;
	v53 =	vnsel vm3, $0x0, v52;
	v55 =	vperm.xlane v45, v0  }
0x86: {  	vm13 =	veq.s32 v40, $0x4;
	v29 =	vperm.xlane v44, v60;
	v54 =	vperm.xlane v53, v0  }
0x87: {  	vm14 =	veq.s32 v40, $0x5;
	v49 =	vmul.f32 $1.442695020e+00, v57;
	v58 =	vmax.f32 v45, v55  }
0x88: {  	v57 =	vperm.xlane v7, v22;
	v47 =	vadd.f32 v53, v54;
	v46 =	vperm.xlane v58, v12  }
0x89: {  	v40 =	vadd.f32 v31, v59;
	v52 =	vperm.xlane v41, v60;
	(erf) = vpow2.f32 v49  }
0x8a: {  	v53 =	vperm.xlane v20, v32;
	v48 =	vperm.xlane v47, v12;
	v30 =	vmax.f32 v58, v46  }
0x8b: {  	v46 =	vnsel vm9, $0x0, v61;
	v58 =	vperm.xlane v20, v35;
	v61 =	vcvt.s32.f32 v57  }
0x8c: {  	vm3 =	vgt.s32 v53, v19;
	v46 =	vsel vm10, v51, v46;
	v56 =	vperm.xlane v30, v11  }
0x8d: {  	v46 =	vsel vm11, v52, v46;
	v50 =	vadd.s32 v19, v58;
	(erf) = vrcp.f32 v61  }
0x8e: {  	v46 =	vsel vm12, v62, v46;
	v30 =	vmax.f32 v30, v56;
	v62 =	vand.u32 $0xF, v50  }
0x8f: {  	v50 =	vshra.s32 v50, $0x4;
	v46 =	vsel vm13, v63, v46;
	v59 =	vperm.xlane v30, v10  }
0x90: {  	v52 =	vperm.xlane v38, v62;
	vm15 =	veq.s32 v50, $0x0;
	v33 =	vperm.xlane v33, v62  }
0x91: {  	vm6 =	veq.s32 v50, $0x1;
	v41 =	vperm.xlane v41, v62;
	vm7 =	veq.s32 v50, $0x2  }
0x92: {  	v42 =	vperm.xlane v42, v62;
	vm8 =	veq.s32 v50, $0x3;
	v54 =	vperm.xlane v43, v62  }
0x93: {  	v29 =	vsel vm14, v29, v46;
	v31 =	vmax.f32 v30, v59;
	v30 =	vnsel vm15, $0x0, v52  }
0x94: {  	vm9 =	veq.s32 v50, $0x4;
	v46 =	vnsel vm1, $0xFF61B1E6, v29;
	v33 =	vsel vm6, v33, v30;
	v30 =	vld [tilespmem:$0x200]  }
0x95: {  	v55 =	vperm.xlane v44, v62;
	v60 =	vperm.xlane v46, v0;
	v56 =	vsub.f32 v25, v31  }
0x96: {  	vm10 =	veq.s32 v50, $0x5;
	v33 =	vsel vm7, v41, v33;
	v41 =	vadd.f32 v47, v48  }
0x97: {  	v45 =	vmax.f32 v46, v60;
	v33 =	vsel vm8, v42, v33;
	v43 =	vmul.f32 $1.442695020e+00, v56  }
0x98: {  	v48 =	vperm.xlane v36, v10;
	v63 =	vperm.xlane v45, v12;
	v33 =	vsel vm9, v54, v33  }
0x99: {  	v33 =	vsel vm10, v55, v33;
	(erf) = vpow2.f32 v43;
	v28 =	vperm.xlane v30, v28  }
0x9a: {  	v38 =	vld [tilespmem:$0x400];
	v57 =	vmax.f32 v45, v63;
	v34 =	vperm.xlane v30, v34;
	v35 =	vperm.xlane v30, v35  }
0x9b: {  	v44 =	vld [tilespmem:$0x420];
	v59 =	vnsel vm3, $0xFF61B1E6, v33;
	v27 =	vperm.xlane v30, v27;
	v32 =	vperm.xlane v30, v32  }
0x9c: {  	v47 =	vld [tilespmem:$0x410];
	v58 =	vperm.xlane v57, v11;
	v60 =	vperm.xlane v59, v0  }
0x9d: {  	v46 =	vld [tilespmem:$0x430];
	v28 =	vadd.s32 v19, v28;
	v34 =	vadd.s32 v19, v34;
	v35 =	vadd.s32 v19, v35  }
0x9e: {  	v42 =	vmax.f32 v57, v58;
	v45 =	vmax.f32 v59, v60;
	v49 =	vand.u32 $0xF, v28  }
0x9f: {  	v51 =	vshra.s32 v28, $0x4;
	v50 =	vand.u32 $0xF, v34;
	v61 =	vperm.xlane v42, v10  }
0xa0: {  	v53 =	vshra.s32 v34, $0x4;
	v62 =	vperm.xlane v45, v12;
	v63 =	vperm.xlane v38, v49  }
0xa1: {  	vm4 =	veq.s32 v51, $0x0;
	v57 =	vperm.xlane v47, v49;
	vm11 =	veq.s32 v51, $0x1  }
0xa2: {  	v52 =	vld [tilespmem:$0x450];
	v58 =	vperm.xlane v44, v49;
	vm12 =	veq.s32 v51, $0x2;
	v59 =	vperm.xlane v46, v49  }
0xa3: {  	vm13 =	veq.s32 v51, $0x3;
	vm14 =	veq.s32 v51, $0x4;
	vm15 =	veq.s32 v53, $0x0  }
0xa4: {  	vm8 =	veq.s32 v53, $0x1;
	v54 =	vperm.xlane v44, v50;
	vm9 =	veq.s32 v53, $0x2  }
0xa5: {  	vm5 =	veq.s32 v51, $0x5;
	vm10 =	veq.s32 v53, $0x3;
	v28 =	vmax.f32 v42, v61  }
0xa6: {  	v43 =	vmax.f32 v45, v62;
	v56 =	vnsel vm4, $0x0, v63;
	v61 =	vperm.xlane v38, v50  }
0xa7: {  	v62 =	vperm.xlane v47, v50;
	v63 =	vperm.xlane v52, v49;
	v45 =	vsel vm11, v57, v56  }
0xa8: {  	vm11 =	veq.s32 v53, $0x4;
	v51 =	vsub.f32 v29, v28;
	v45 =	vsel vm12, v58, v45  }
0xa9: {  	v42 =	vld [tilespmem:$0x440];
	v34 =	vnsel vm15, $0x0, v61;
	v58 =	vperm.xlane v46, v50;
	v61 =	vperm.xlane v52, v50  }
0xaa: {  	vm12 =	veq.s32 v53, $0x5;
	v45 =	vsel vm13, v59, v45;
	v34 =	vsel vm8, v62, v34  }
0xab: {  	v62 =	vand.u32 $0xF, v35;
	v35 =	vshra.s32 v35, $0x4;
	v51 =	vmul.f32 $1.442695020e+00, v51  }
0xac: {  	v57 =	vsel vm9, v54, v34;
	v38 =	vperm.xlane v38, v62;
	v44 =	vperm.xlane v44, v62  }
0xad: {  	vm13 =	veq.s32 v35, $0x0;
	v46 =	vperm.xlane v46, v62;
	v56 =	vperm.xlane v52, v62  }
0xae: {  	vm15 =	veq.s32 v35, $0x2;
	v60 =	vperm.xlane v42, v49;
	v59 =	vperm.xlane v42, v50  }
0xaf: {  	vm9 =	veq.s32 v35, $0x3;
	v49 =	vperm.xlane v47, v62;
	v47 =	vperm.xlane v37, v11  }
0xb0: {  	v42 =	vperm.xlane v42, v62;
	(erf) = vpow2.f32 v51;
	v38 =	vnsel vm13, $0x0, v38  }
0xb1: {  	vm13 =	vgt.s32 v32, v19;
	v45 =	vsel vm14, v60, v45;
	v60 =	vsel vm10, v58, v57  }
0xb2: {  	vm14 =	veq.s32 v35, $0x1;
	vm10 =	veq.s32 v35, $0x4;
	v37 =	vadd.f32 v37, v47  }
0xb3: {  	v53 =	vpop (erf);
	v34 =	vsel vm5, v63, v45;
	v45 =	vsel vm11, v59, v60;
	v63 =	vperm.xlane v30, v24  }
0xb4: {  	v38 =	vsel vm14, v49, v38;
	v49 =	vnsel vm2, $0x0, v53;
	vm11 =	vgt.s32 v27, v19  }
0xb5: {  	v24 =	vsel vm12, v61, v45;
	v38 =	vsel vm15, v44, v38;
	vm8 =	vgt.s32 v63, v19  }
0xb6: {  	vm12 =	veq.s32 v35, $0x5;
	v38 =	vsel vm9, v46, v38;
	v55 =	vnsel vm8, $0xFF61B1E6, v34  }
0xb7: {  	v58 =	vnsel vm11, $0xFF61B1E6, v24;
	v54 =	vsel vm10, v42, v38;
	v57 =	vperm.xlane v55, v0  }
0xb8: {  	v60 =	vperm.xlane v43, v11;
	v59 =	vperm.xlane v58, v0;
	v27 =	vsel vm12, v56, v54  }
0xb9: {  	v45 =	vperm.xlane v39, v11;
	v62 =	vnsel vm13, $0xFF61B1E6, v27;
	v61 =	vmax.f32 v55, v57  }
0xba: {  	v35 =	vmax.f32 v58, v59;
	v63 =	vperm.xlane v62, v0;
	v50 =	vperm.xlane v61, v12  }
0xbb: {  	v44 =	vperm.xlane v40, v11;
	v19 =	vmax.f32 v43, v60;
	v53 =	vperm.xlane v35, v12  }
0xbc: {  	v54 =	vperm.xlane v19, v10;
	v38 =	vmax.f32 v62, v63;
	v32 =	vmax.f32 v61, v50  }
0xbd: {  	v35 =	vmax.f32 v35, v53;
	v56 =	vperm.xlane v38, v12;
	v55 =	vperm.xlane v32, v11  }
0xbe: {  	v46 =	vperm.xlane v49, v0;
	v19 =	vmax.f32 v19, v54;
	v57 =	vperm.xlane v35, v11  }
0xbf: {  	v58 =	vsub.f32 v33, v19;
	v59 =	vmax.f32 v38, v56;
	v32 =	vmax.f32 v32, v55  }
0xc0: {  	v35 =	vmax.f32 v35, v57;
	v43 =	vperm.xlane v59, v11;
	v60 =	vperm.xlane v32, v10  }
0xc1: {  	v39 =	vadd.f32 v39, v45;
	v62 =	vperm.xlane v20, v22;
	v50 =	vperm.xlane v35, v10  }
0xc2: {  	v61 =	vmul.f32 $1.442695020e+00, v58;
	v42 =	vmax.f32 v59, v43;
	v38 =	vmax.f32 v32, v60  }
0xc3: {  	v32 =	vmax.f32 v35, v50;
	v54 =	vperm.xlane v42, v10;
	v63 =	vsub.f32 v34, v38  }
0xc4: {  	(erf) = vpow2.f32 v61;
	v55 =	vcvt.s32.f32 v62;
	v50 =	vsub.f32 v24, v32  }
0xc5: {  	v56 =	vperm.xlane v41, v11;
	v35 =	vmax.f32 v42, v54;
	v43 =	vmul.f32 $1.442695020e+00, v63  }
0xc6: {  	(erf) = vrcp.f32 v55;
	v57 =	vmul.f32 $1.442695020e+00, v50;
	v58 =	vsub.f32 v27, v35  }
0xc7: {  	v46 =	vadd.f32 v49, v46;
	v62 =	vperm.xlane v37, v10;
	(erf) = vpow2.f32 v43  }
0xc8: {  	v61 =	vmul.f32 $1.442695020e+00, v58;
	(erf) = vpow2.f32 v57  }
0xc9: {  	v40 =	vadd.f32 v40, v44;
	v52 =	vperm.xlane v39, v10;
	v59 =	vperm.xlane v46, v12  }
0xca: {  	v41 =	vadd.f32 v41, v56;
	v37 =	vadd.f32 v37, v62;
	(erf) = vpow2.f32 v61  }
0xcb: {  	v55 =	vperm.xlane v40, v10;
	v60 =	vadd.f32 v36, v48;
	v36 =	vpop (erf);
	v63 =	vadd.f32 v46, v59  }
0xcc: {  	v56 =	vperm.xlane v41, v10;
	v54 =	vpop (erf)  }
0xcd: {  	v39 =	vadd.f32 v39, v52;
	v40 =	vadd.f32 v40, v55;
	v53 =	vperm.xlane v63, v11;
	v57 =	vpop (erf)  }
0xce: {  	v41 =	vadd.f32 v41, v56;
	v43 =	vmul.f32 v37, v60;
	v60 =	vnsel vm0, $0x0, v54;
	v59 =	vpop (erf)  }
0xcf: {  	v62 =	vperm.xlane v60, v0;
	v58 =	vadd.f32 v63, v53;
	v37 =	vpop (erf)  }
0xd0: {  	v40 =	vmul.f32 v41, v40;
	v39 =	vmul.f32 v39, v43;
	v52 =	vnsel vm1, $0x0, v57;
	v63 =	vpop (erf)  }
0xd1: {  	v42 =	vadd.f32 v60, v62;
	v61 =	vperm.xlane v58, v10;
	v54 =	vperm.xlane v52, v0;
	v53 =	vpop (erf)  }
0xd2: {  	v44 =	vnsel vm3, $0x0, v59;
	v55 =	vnsel vm8, $0x0, v63;
	v45 =	vnsel vm11, $0x0, v53  }
0xd3: {  	v41 =	vadd.f32 v58, v61;
	v48 =	vperm.xlane v55, v0;
	v57 =	vpop (erf);
	v56 =	vperm.xlane v45, v0  }
0xd4: {  	v43 =	vadd.f32 v52, v54;
	v58 =	vperm.xlane v44, v0;
	v50 =	vnsel vm13, $0x0, v57  }
0xd5: {  	v47 =	vadd.f32 v55, v48;
	v59 =	vperm.xlane v50, v0;
	v45 =	vadd.f32 v45, v56  }
0xd6: {  	v60 =	vperm.xlane v42, v12;
	v61 =	vperm.xlane v43, v12;
	v44 =	vadd.f32 v44, v58  }
0xd7: {  	v62 =	vperm.xlane v47, v12;
	v48 =	vadd.f32 v50, v59;
	v63 =	vperm.xlane v45, v12  }
0xd8: {  	v42 =	vadd.f32 v42, v60;
	v43 =	vadd.f32 v43, v61;
	v52 =	vperm.xlane v44, v12  }
0xd9: {  	v46 =	vadd.f32 v47, v62;
	v12 =	vperm.xlane v48, v12;
	v45 =	vadd.f32 v45, v63  }
0xda: {  	v53 =	vperm.xlane v42, v11;
	v54 =	vperm.xlane v43, v11;
	v44 =	vadd.f32 v44, v52  }
0xdb: {  	v55 =	vperm.xlane v46, v11;
	v12 =	vadd.f32 v48, v12;
	v56 =	vperm.xlane v45, v11  }
0xdc: {  	v42 =	vadd.f32 v42, v53;
	v43 =	vadd.f32 v43, v54;
	v57 =	vperm.xlane v44, v11  }
0xdd: {  	v46 =	vadd.f32 v46, v55;
	v11 =	vperm.xlane v12, v11;
	v45 =	vadd.f32 v45, v56  }
0xde: {  	v58 =	vperm.xlane v42, v10;
	v59 =	vperm.xlane v43, v10;
	v44 =	vadd.f32 v44, v57  }
0xdf: {  	v60 =	vperm.xlane v46, v10;
	v11 =	vadd.f32 v12, v11;
	v61 =	vperm.xlane v45, v10  }
0xe0: {  	v42 =	vadd.f32 v42, v58;
	v43 =	vadd.f32 v43, v59;
	v62 =	vperm.xlane v44, v10  }
0xe1: {  	v46 =	vadd.f32 v46, v60;
	v10 =	vperm.xlane v11, v10;
	v12 =	vadd.f32 v45, v61  }
0xe2: {  	vm1 =	vmmov $0x1;
	v42 =	vmul.f32 v43, v42;
	v63 =	vadd.f32 v44, v62  }
0xe3: {  	v40 =	vmul.f32 v41, v40;
	v10 =	vadd.f32 v11, v10;
	v12 =	vmul.f32 v12, v46  }
0xe4: {  	vm14 =	vcmask $0x310;
	v45 =	vnsel vm1, $0x3F800000, v39;
	v46 =	vmul.f32 v63, v42  }
0xe5: {  	vm2 =	vcmask $0x710;
	v11 =	vsel vm14, v45, v40;
	v10 =	vmul.f32 v10, v12  }
0xe6: {  	vm3 =	vcmask $0xB10;
	v11 =	vsel vm2, v11, v46  }
0xe7: {  	v10 =	vsel vm3, v11, v10  }
0xe8: {  	v47 =	vimm.f32 $1.000000000e+00;
	vm5 =	vge.f32 v10, $2.000000000e+00;
	vm6 =	vge.f32 v10, $4.000000000e+00  }
0xe9: {  	v48 =	vsel vm5, $0x3F000000, v47;
	v49 =	vsel vm6, $0x3F000000, v47  }
0xea: {  	vm8 =	vge.f32 v10, $8.000000000e+00;
	v12 =	vmul.f32 v49, v48  }
0xeb: {  	v50 =	vsel vm8, $0x3F000000, v47  }
0xec: {  	vm9 =	vge.f32 v10, $1.600000000e+01;
	v12 =	vmul.f32 v12, v50  }
0xed: {  	v51 =	vsel vm9, $0x3F000000, v47  }
0xee: {  	vm13 =	vge.f32 v10, $3.200000000e+01;
	v12 =	vmul.f32 v12, v51  }
0xef: {  	v52 =	vsel vm13, $0x3F000000, v47  }
0xf0: {  	vm15 =	vge.f32 v10, $6.400000000e+01;
	v12 =	vmul.f32 v12, v52  }
0xf1: {  	v53 =	vsel vm15, $0x3F000000, v47  }
0xf2: {  	vm10 =	vge.f32 v10, $1.280000000e+02;
	v12 =	vmul.f32 v12, v53  }
0xf3: {  	v54 =	vsel vm10, $0x3F000000, v47  }
0xf4: {  	vm11 =	vge.f32 v10, $2.560000000e+02;
	v12 =	vmul.f32 v12, v54  }
0xf5: {  	v55 =	vsel vm11, $0x3F000000, v47  }
0xf6: {  	vm12 =	vge.f32 v10, $5.120000000e+02;
	v12 =	vmul.f32 v12, v55  }
0xf7: {  	v56 =	vsel vm12, $0x3F000000, v47  }
0xf8: {  	vm14 =	vge.f32 v10, $1.024000000e+03;
	v12 =	vmul.f32 v12, v56  }
0xf9: {  	v57 =	vsel vm14, $0x3F000000, v47  }
0xfa: {  	vm0 =	vge.f32 v10, $2.048000000e+03;
	v12 =	vmul.f32 v12, v57  }
0xfb: {  	v58 =	vsel vm0, $0x3F000000, v47  }
0xfc: {  	vm7 =	vge.f32 v10, $4.096000000e+03;
	v12 =	vmul.f32 v12, v58  }
0xfd: {  	v22 =	vperm.xlane v30, v22;
	v59 =	vsel vm7, $0x3F000000, v47  }
0xfe: {  	vm4 =	vge.f32 v10, $8.192000000e+03;
	v12 =	vmul.f32 v12, v59  }
0xff: {  	v22 =	vcvt.s32.f32 v22;
	v11 =	vsel vm4, $0x3F000000, v47  }
0x100: {  	v11 =	vmul.f32 v12, v11  }
0x101: {  	(erf) = vrcp.f32 v22  }
0x102: {  	v44 =	vimm.s32 $0x2;
	v39 =	vimm.f32 $0.0e+00;
	v10 =	vmul.f32 v11, v10  }
0x103: {  	v22 =	vimm.s32 $0x5;
	v60 =	vsel vm5, $0x3F800000, v39;
	v53 =	vperm.xlane v4, v44  }
0x104: {  	v61 =	vsel vm6, $0x3F800000, v39;
	v62 =	vsel vm8, $0x3F800000, v39;
	v52 =	vadd.f32 $1.000000000e+00, v10  }
0x105: {  	v63 =	vsel vm9, $0x3F800000, v39;
	v42 =	vsel vm13, $0x3F800000, v39;
	v5 =	vperm.xlane v5, v53  }
0x106: {  	v43 =	vsel vm15, $0x3F800000, v39;
	v51 =	vperm.xlane v20, v44;
	(erf) = vrcp.f32 v52  }
0x107: {  	v45 =	vsel vm0, $0x3F800000, v39;
	v55 =	vperm.xlane v4, v22;
	v5 =	vsub.f32 v6, v5  }
0x108: {  	v54 =	vsel vm10, $0x3F800000, v39;
	v53 =	vperm.xlane v25, v51;
	v12 =	vadd.f32 v61, v60  }
0x109: {  	v56 =	vsel vm11, $0x3F800000, v39;
	v8 =	vperm.xlane v8, v55;
	v5 =	vadd.f32 $0.0e+00, v5  }
0x10a: {  	v55 =	vsel vm4, $0x3F800000, v39;
	v60 =	vimm.s32 $0x8;
	v59 =	vadd.f32 v12, v62  }
0x10b: {  	v8 =	vsub.f32 v14, v8;
	v61 =	vperm.xlane v7, v44;
	v4 =	vperm.xlane v4, v60  }
0x10c: {  	v57 =	vsel vm12, $0x3F800000, v39;
	v58 =	vsel vm14, $0x3F800000, v39;
	v6 =	vadd.f32 v59, v63  }
0x10d: {  	v5 =	vadd.f32 v8, v5;
	v13 =	vperm.xlane v13, v61;
	v4 =	vperm.xlane v9, v4  }
0x10e: {  	v41 =	vpop (erf);
	v63 =	vperm.xlane v7, v22;
	v10 =	vadd.f32 $-1.000000000e+00, v10;
	v6 =	vadd.f32 v6, v42  }
0x10f: {  	v7 =	vperm.xlane v7, v60;
	v4 =	vsub.f32 v16, v4;
	v42 =	vsub.f32 v18, v13;
	v50 =	vpop (erf)  }
0x110: {  	v49 =	vperm.xlane v15, v63;
	v6 =	vadd.f32 v6, v43;
	v10 =	vmul.f32 v50, v10  }
0x111: {  	v7 =	vperm.xlane v21, v7;
	v4 =	vadd.f32 v4, v5;
	v5 =	vperm.xlane v20, v22  }
0x112: {  	v13 =	vsub.f32 v23, v49;
	v6 =	vadd.f32 v6, v54;
	v52 =	vmul.f32 v10, v10  }
0x113: {  	v20 =	vperm.xlane v20, v60;
	v9 =	vadd.f32 $0.0e+00, v42;
	v7 =	vsub.f32 v26, v7  }
0x114: {  	v5 =	vperm.xlane v29, v5;
	v6 =	vadd.f32 v6, v56;
	v54 =	vmul.f32 $1.428571490e-01, v52  }
0x115: {  	v9 =	vadd.f32 v13, v9;
	v13 =	vsub.f32 v31, v53;
	v56 =	vperm.xlane v30, v44  }
0x116: {  	v62 =	vsel vm7, $0x3F800000, v39;
	v6 =	vadd.f32 v6, v57;
	v14 =	vadd.f32 $2.000000030e-01, v54  }
0x117: {  	v59 =	vperm.xlane v33, v20;
	v5 =	vsub.f32 v28, v5;
	v57 =	vperm.xlane v34, v56  }
0x118: {  	v13 =	vadd.f32 $0.0e+00, v13;
	v6 =	vadd.f32 v6, v58;
	v14 =	vmul.f32 v14, v52  }
0x119: {  	v7 =	vadd.f32 v7, v9;
	v58 =	vperm.xlane v30, v22;
	v9 =	vsub.f32 v38, v57  }
0x11a: {  	v12 =	vperm.xlane v30, v60;
	v6 =	vadd.f32 v6, v45;
	v14 =	vadd.f32 $3.333333430e-01, v14  }
0x11b: {  	v60 =	vsub.f32 v19, v59;
	v5 =	vadd.f32 v5, v13;
	v13 =	vperm.xlane v24, v58  }
0x11c: {  	v9 =	vadd.f32 $0.0e+00, v9;
	v6 =	vadd.f32 v6, v62;
	v14 =	vmul.f32 v14, v52  }
0x11d: {  	v12 =	vperm.xlane v27, v12;
	v10 =	vadd.f32 v10, v10;
	v13 =	vsub.f32 v32, v13  }
0x11e: {  	vm15 =	vcmask $0x310;
	v6 =	vadd.f32 v6, v55;
	v14 =	vadd.f32 $1.000000000e+00, v14  }
0x11f: {  	v12 =	vsub.f32 v35, v12;
	v4 =	vnsel vm1, $0x0, v4;
	v9 =	vadd.f32 v13, v9  }
0x120: {  	v5 =	vadd.f32 v60, v5;
	v6 =	vmul.f32 $6.931471820e-01, v6;
	v10 =	vmul.f32 v14, v10  }
0x121: {  	v4 =	vsel vm15, v4, v7;
	v61 =	vadd.f32 v12, v9  }
0x122: {  	v4 =	vsel vm2, v4, v5;
	v62 =	vnsel vm1, $0x0, v17;
	v5 =	vadd.f32 v10, v6  }
0x123: {  	[tilespmem:$0x490] =	vst v39;
	v63 =	vsel vm15, v62, v36;
	v4 =	vsel vm3, v4, v61  }
0x124: {  	[tilespmem:$0x4A0] =	vst v39;
	v6 =	vsel vm2, v63, v37;
	v4 =	vadd.f32 v5, v4  }
0x125: {  	[tilespmem:$0x4B0] =	vst v39;
	v5 =	vsel vm3, v6, v41  }
0x126: {  	[tilespmem:$0x4C0] =	vst v39;
	v4 =	vmul.f32 v4, v5  }
0x127: {  	[tilespmem:$0x4D0] =	vst v39  }
0x128: {  	[tilespmem:$0x4E0] =	vst v39;
	v4 =	vmul.f32 $1.562500000e-02, v4  }
0x129: {  	s30 =	sshll.u32 s5, $0x7;
	[tilespmem:$0x4F0] =	vst v39  }
0x12a: {  	s31 =	simm.s32 $0x480;
	s6 =	sadd.s32 s30, s4;
	[tilespmem:$0x480] =	vst v4  }
0x12b: {  	[spmem:s6] =	stream.linear.scatter [tilespmem:s31], [sflag:$0x3], $0x80, $0x38;
	[tilespmem:$0xE00] =	vst v63  }
0x12c: {  	_ =	swait.ge [sflag:s3], $0x80  }
0x12d: {  	[sflag:s3] =	ssyncset.done $0x0  }
0x12e: {  	[sflag:s3] =	ssyncadd.s32 $0xFFFFFF80  }
0x12f: {  	p0 =	sne.s32 s5, $0x0;
	[bflag:$0x0] =	sbarrier.arrive $0xFFFF  }
0x130: {  	_ =	sfence.sel @p0 $0x180000  }
0x131: {  	[bflag:$0x0] =	sbarrier.arrive @p0 $0xFFFF  }
0x132: {  	_ =	strace @p0 $0x90000047  }
0x133: {  	[bflag:$0x2] =	sbarrier.arrive @p0 $0xFFFF  }
0x134: {  	_ =	shalt @p0  }
.LBB2_1:
0x135: {  	s5 =	simm.s32 $0x580  }
0x136: {  	[tilespmem:s5], [sflag:$0x3] =	stream.linear.gather [spmem:s4], $0x800, $0x38;
	[tilespmem:$0xE00] =	vst v63  }
0x137: {  	_ =	swait.ge [sflag:s3], $0x800  }
0x138: {  	[sflag:s3] =	ssyncset.done $0x0  }
0x139: {  	[sflag:s3] =	ssyncadd.s32 $0xFFFFF800  }
0x13a: {  	v4 =	vld [tilespmem:$0x580];
	_ =	sdelay $0x1  }
0x13b: {  	v5 =	vld [tilespmem:$0x600];
	_ =	sdelay $0x1  }
0x13c: {  	v6 =	vld [tilespmem:$0x680]  }
0x13d: {  	v4 =	vadd.f32 $0.0e+00, v4  }
0x13e: {  	v7 =	vld [tilespmem:$0x700]  }
0x13f: {  	v4 =	vadd.f32 v5, v4  }
0x140: {  	v52 =	vld [tilespmem:$0x780]  }
0x141: {  	v4 =	vadd.f32 v6, v4  }
0x142: {  	v53 =	vld [tilespmem:$0x800]  }
0x143: {  	v4 =	vadd.f32 v7, v4  }
0x144: {  	v54 =	vld [tilespmem:$0x880]  }
0x145: {  	v4 =	vadd.f32 v52, v4  }
0x146: {  	v55 =	vld [tilespmem:$0x900]  }
0x147: {  	v4 =	vadd.f32 v53, v4  }
0x148: {  	v56 =	vld [tilespmem:$0x980]  }
0x149: {  	v4 =	vadd.f32 v54, v4  }
0x14a: {  	v57 =	vld [tilespmem:$0xA00]  }
0x14b: {  	v4 =	vadd.f32 v55, v4  }
0x14c: {  	v58 =	vld [tilespmem:$0xA80]  }
0x14d: {  	v4 =	vadd.f32 v56, v4  }
0x14e: {  	v59 =	vld [tilespmem:$0xB00]  }
0x14f: {  	v4 =	vadd.f32 v57, v4  }
0x150: {  	v60 =	vld [tilespmem:$0xB80]  }
0x151: {  	v4 =	vadd.f32 v58, v4  }
0x152: {  	v61 =	vld [tilespmem:$0xC00]  }
0x153: {  	v4 =	vadd.f32 v59, v4  }
0x154: {  	v62 =	vld [tilespmem:$0xC80]  }
0x155: {  	v4 =	vadd.f32 v60, v4  }
0x156: {  	v63 =	vld [tilespmem:$0xD00]  }
0x157: {  	v4 =	vadd.f32 v61, v4;
	_ =	sdelay $0x1  }
0x158: {  	v4 =	vadd.f32 v62, v4;
	_ =	sdelay $0x1  }
0x159: {  	v4 =	vadd.f32 v63, v4;
	_ =	sdelay $0x1  }
0x15a: {  	v0 =	vperm.xlane v4, v0;
	_ =	sdelay $0x1  }
0x15b: {  	v0 =	vadd.f32 v0, v4;
	_ =	sdelay $0x1  }
0x15c: {  	v1 =	vperm.xlane v0, v1;
	_ =	sdelay $0x1  }
0x15d: {  	v0 =	vadd.f32 v1, v0;
	_ =	sdelay $0x1  }
0x15e: {  	v1 =	vperm.xlane v0, v2;
	_ =	sdelay $0x1  }
0x15f: {  	v0 =	vadd.f32 v1, v0;
	_ =	sdelay $0x1  }
0x160: {  	v1 =	vperm.xlane v0, v3;
	_ =	sdelay $0x1  }
0x161: {  	v0 =	vadd.f32 v1, v0;
	_ =	sdelay $0x1  }
0x162: {  	s31 =	simm.s32 $0xD80;
	[tilespmem:$0xD80] =	vst v0  }
0x163: {  	[hbm4b:s1+s2] =	stream.linear.scatter [tilespmem:s31], [sflag:$0x3], $0x80, $0x38;
	[tilespmem:$0xE00] =	vst v63  }
0x164: {  	_ =	swait.ge [sflag:s3], $0x80  }
0x165: {  	[sflag:s3] =	ssyncset.done $0x0  }
0x166: {  	[sflag:s3] =	ssyncadd.s32 $0xFFFFFF80  }
0x167: {  	_ =	sfence.sel $0x180000  }
0x168: {  	[bflag:$0x0] =	sbarrier.arrive $0xFFFF  }
0x169: {  	_ =	strace $0x90000047  }
0x16a: {  	s0 =	sadd.s32 $0x100000, s0;
	[bflag:$0x2] =	sbarrier.arrive $0xFFFF  }
0x16b: {  	[sflag:s0] =	ssyncadd.tile.s32 $0x1;
	_ =	shalt  }
.Lfunc_end2:
_tile_overlayer_lowered:
.L_overlay_start_2:
0x16c: {  	(tag) =	ssettag $0x2  }
0x16d: {  	s0 =	rddreg [dreg:$0x0];
	s2 =	stileid.u32  }
0x16e: {  	s1 =	rddreg [dreg:$0x1];
	p0 =	sne.s32 s2, $0x0  }
0x16f: {  	s3 =	rddreg [dreg:$0x2];
	[bflag:$0x3] =	sbarrier.arrive $0xFFFF;
	s2 =	simm.s32 @!p0 $0x1C03  }
0x170: {  	[timem:s3], [sflag:s2] =	dma.local @!p0 [hbm:s0], s1  }
0x171: {  	s0 =	simm.s32 @!p0 $0x3  }
0x172: {  	_ =	swait.ge @!p0 [sflag:s0], s1  }
0x173: {  	s1 =	ssub.s32 @!p0 $0x0, s1;
	[sflag:s0] =	ssyncset.done @!p0 $0x0  }
0x174: {  	[sflag:s0] =	ssyncadd.s32 @!p0 s1  }
0x175: {  	[bflag:$0x3] =	sbarrier.arrive $0xFFFF  }
0x176: {  	_ =	shalt  }

</sc_bundles>
